<compile_context>
chip_gen: v7x
topology: tpu7x:2x2x1
jax: 0.10.2.dev20260603
libtpu: 0.0.44.dev20260713+nightly
codegen_flags: <defaults>
</compile_context>

<pallas_src>
import functools

import jax
import jax.numpy as jnp
from jax import lax
from jax.experimental import pallas as pl
from jax.experimental.pallas import tpu as pltpu
from jax.experimental.pallas import tpu_sc as plsc

N = 10000
E = 160000
H = 256
NP = 10112
RPT = 632
CH = 128
NCH = 80
NBLK = 10
NCHD = 40
EP = 163840
ROWB = 1000
GRID = N // ROWB


_NFULL = RPT // CH
_TAIL = RPT % CH


def _zero_rows(acc, base, bounce):
    for k in range(_NFULL):
        pltpu.sync_copy(bounce, acc.at[pl.ds(base + k * CH, CH)])
    pltpu.sync_copy(bounce.at[pl.ds(0, _TAIL)],
                    acc.at[pl.ds(base + _NFULL * CH, _TAIL)])


def _dump_rows(acc, base, bounce, out, obase):
    for k in range(_NFULL):
        pltpu.sync_copy(acc.at[pl.ds(base + k * CH, CH)], bounce)
        pltpu.sync_copy(bounce, out.at[pl.ds(obase + k * CH, CH)])
    pltpu.sync_copy(acc.at[pl.ds(base + _NFULL * CH, _TAIL)],
                    bounce.at[pl.ds(0, _TAIL)])
    pltpu.sync_copy(bounce.at[pl.ds(0, _TAIL)],
                    out.at[pl.ds(obase + _NFULL * CH, _TAIL)])


@functools.cache
def _sc_degree_kernel():
    mesh = plsc.VectorSubcoreMesh(core_axis_name="c", subcore_axis_name="s")
    return functools.partial(
        pl.kernel,
        out_type=jax.ShapeDtypeStruct((2 * NP, 128), jnp.float32),
        mesh=mesh,
        scratch_types=[
            pltpu.VMEM((NCHD, CH), jnp.int32),
            pltpu.VMEM((CH, 128), jnp.float32),
            pltpu.VMEM((CH, 128), jnp.float32),
            pltpu.VMEM_SHARED((NP, 128), jnp.float32),
        ],
    )(_sc_degree_body)


def _sc_degree_body(dst3, ones_hbm, z_hbm, out, idxv, onesv, bounce, acc):
    cid = lax.axis_index("c")
    sid = lax.axis_index("s")
    wid = sid * 2 + cid
    base = sid * RPT

    pltpu.sync_copy(dst3.at[wid], idxv)
    pltpu.sync_copy(ones_hbm, onesv)
    pltpu.sync_copy(z_hbm, bounce)
    _zero_rows(acc, base, bounce)
    plsc.subcore_barrier()

    def body(j, carry):
        pltpu.sync_copy(onesv, acc.at[idxv.at[j]], add=True)
        return carry

    lax.fori_loop(0, NCHD, body, 0)
    plsc.subcore_barrier()
    _dump_rows(acc, base, bounce, out, cid * NP + base)


@functools.cache
def _sc_scatter_kernel():
    mesh = plsc.VectorSubcoreMesh(core_axis_name="c", subcore_axis_name="s")
    return functools.partial(
        pl.kernel,
        out_type=jax.ShapeDtypeStruct((2 * NP, 128), jnp.float32),
        mesh=mesh,
        scratch_types=[
            pltpu.VMEM((32, 128), jnp.int32),
            pltpu.VMEM((CH, 128), jnp.float32),
            pltpu.VMEM((CH, 128), jnp.float32),
            pltpu.VMEM_SHARED((NP, 128), jnp.float32),
            pltpu.SemaphoreType.DMA,
            pltpu.SemaphoreType.DMA,
            pltpu.SemaphoreType.DMA,
        ],
    )(_sc_scatter_body)


def _sc_scatter_body(ysL, ysR, sd, z_hbm, out,
                     ring, gA, gB, acc, semA, semB, semI):
    cid = lax.axis_index("c")
    sid = lax.axis_index("s")
    base = sid * RPT
    tbase = sid * (16 * NBLK)

    pltpu.sync_copy(z_hbm, gA)
    _zero_rows(acc, base, gA)
    pltpu.async_copy(sd.at[pl.ds(tbase, 16)], ring.at[pl.ds(0, 16)], semI)
    plsc.subcore_barrier()

    def run(tbl):
        def block(b, carry):
            hh = (b % 2) * 16
            pltpu.make_async_copy(sd.at[pl.ds(tbase, 16)],
                                  ring.at[pl.ds(0, 16)], semI).wait()

            @pl.when(b < NBLK - 1)
            def _():
                nh = 16 - hh
                pltpu.async_copy(sd.at[pl.ds(tbase + (b + 1) * 16, 16)],
                                 ring.at[pl.ds(nh, 16)], semI)

            pltpu.async_copy(tbl.at[ring.at[hh]], gA, semA)
            for r in range(4):
                c0 = 2 * r
                pltpu.make_async_copy(tbl.at[ring.at[hh + c0]], gA, semA).wait()
                pltpu.async_copy(tbl.at[ring.at[hh + c0 + 1]], gB, semB)
                pltpu.sync_copy(gA, acc.at[ring.at[hh + 8 + c0]], add=True)
                if r < 3:
                    pltpu.async_copy(tbl.at[ring.at[hh + c0 + 2]], gA, semA)
                pltpu.make_async_copy(tbl.at[ring.at[hh + c0 + 1]], gB, semB).wait()
                pltpu.sync_copy(gB, acc.at[ring.at[hh + 8 + c0 + 1]], add=True)
            return carry

        lax.fori_loop(0, NBLK, block, 0)

    @pl.when(cid == 0)
    def _():
        run(ysL)

    @pl.when(cid == 1)
    def _():
        run(ysR)

    plsc.subcore_barrier()
    _dump_rows(acc, base, gA, out, cid * NP + base)


def _dinv(dA, dB):
    return lax.rsqrt(dA[:, 0:1] + dB[:, 0:1] + 1.0)


def _scale_body(x_ref, w_ref, dA_ref, dB_ref, outL_ref, outR_ref):
    y = jnp.dot(x_ref[...], w_ref[...], preferred_element_type=jnp.float32,
                precision=lax.Precision.HIGHEST)
    ys = y * _dinv(dA_ref[...], dB_ref[...])
    outL_ref[...] = ys[:, :128]
    outR_ref[...] = ys[:, 128:]


def _mid_body(aggL_ref, aggR_ref, ysL_ref, ysR_ref, dA_ref, dB_ref, w_ref,
              b_ref, outL_ref, outR_ref):
    dinv = _dinv(dA_ref[...], dB_ref[...])
    h = jnp.concatenate([aggL_ref[...] + ysL_ref[...],
                         aggR_ref[...] + ysR_ref[...]], axis=1)
    h = jnp.maximum(dinv * h + b_ref[...], 0.0)
    y = jnp.dot(h, w_ref[...], preferred_element_type=jnp.float32,
                precision=lax.Precision.HIGHEST)
    ys = y * dinv
    outL_ref[...] = ys[:, :128]
    outR_ref[...] = ys[:, 128:]


def _final_body(aggL_ref, aggR_ref, ysL_ref, ysR_ref, dA_ref, dB_ref, b_ref,
                wh_ref, wq_ref, q_ref, bfc_ref, out_ref):
    dinv = _dinv(dA_ref[...], dB_ref[...])
    h = jnp.concatenate([aggL_ref[...] + ysL_ref[...],
                         aggR_ref[...] + ysR_ref[...]], axis=1)
    h = jnp.maximum(dinv * h + b_ref[...], 0.0)
    const = jnp.sum(q_ref[...] * wq_ref[...]) + bfc_ref[0, 0]
    out_ref[...] = jnp.sum(h * wh_ref[...], axis=1, keepdims=True) + const


def _row_spec(w):
    return pl.BlockSpec((ROWB, w), lambda i: (i, 0))


def _full_spec(h, w):
    return pl.BlockSpec((h, w), lambda i: (0, 0))


_tc_scale = pl.pallas_call(
    _scale_body,
    grid=(GRID,),
    in_specs=[_row_spec(H), _full_spec(H, H), _row_spec(128), _row_spec(128)],
    out_specs=[_row_spec(128), _row_spec(128)],
    out_shape=[jax.ShapeDtypeStruct((N, 128), jnp.float32)] * 2,
)

_tc_mid = pl.pallas_call(
    _mid_body,
    grid=(GRID,),
    in_specs=[_row_spec(128), _row_spec(128), _row_spec(128), _row_spec(128),
              _row_spec(128), _row_spec(128), _full_spec(H, H), _full_spec(1, H)],
    out_specs=[_row_spec(128), _row_spec(128)],
    out_shape=[jax.ShapeDtypeStruct((N, 128), jnp.float32)] * 2,
)

_tc_final = pl.pallas_call(
    _final_body,
    grid=(GRID,),
    in_specs=[_row_spec(128), _row_spec(128), _row_spec(128), _row_spec(128),
              _row_spec(128), _row_spec(128), _full_spec(1, H), _full_spec(1, H),
              _full_spec(1, H), _full_spec(1, H), _full_spec(1, 1)],
    out_specs=_row_spec(1),
    out_shape=jax.ShapeDtypeStruct((N, 1), jnp.float32),
)


def kernel(x, edge_index, query_embedding, W1, b1, W2, b2, Wfc, bfc):
    src = edge_index[0].astype(jnp.int32)
    dst = edge_index[1].astype(jnp.int32)
    pad = EP - E
    srcp = jnp.concatenate([src, jnp.zeros((pad,), jnp.int32)])
    dstp = jnp.concatenate([dst, jnp.full((pad,), N, jnp.int32)])
    dst_deg = dstp.reshape(32, NCHD, CH)
    s4 = srcp.reshape(16, NBLK, 8, CH)
    d4 = dstp.reshape(16, NBLK, 8, CH)
    sd = jnp.concatenate([s4, d4], axis=2).reshape(16 * NBLK * 16, CH)
    ones128 = jnp.ones((CH, 128), jnp.float32)
    zz = jnp.zeros((CH, 128), jnp.float32)

    degp = _sc_degree_kernel()(dst_deg, ones128, zz)
    dA, dB = degp[:NP], degp[NP:]

    ysL, ysR = _tc_scale(x, W1, dA[:N], dB[:N])
    agg1 = _sc_scatter_kernel()(ysL, ysR, sd, zz)
    y2L, y2R = _tc_mid(agg1[:N], agg1[NP:NP + N], ysL, ysR, dA[:N], dB[:N],
                       W2, b1.reshape(1, H))
    agg2 = _sc_scatter_kernel()(y2L, y2R, sd, zz)
    scores = _tc_final(agg2[:N], agg2[NP:NP + N], y2L, y2R, dA[:N], dB[:N],
                       b2.reshape(1, H), Wfc[:H].reshape(1, H),
                       Wfc[H:].reshape(1, H), query_embedding.reshape(1, H),
                       bfc.reshape(1, 1))
    return scores[:, 0]

# --- scband reference (transcript-rebuilt; emitter-appended) ---
"""Pipeline reference for scband-top-kpredictor-17360257810969 (READ-ONLY COPY).

The authoritative reference and input builder live on the scoring server;
editing this copy changes nothing except your own understanding.
"""

import jax, jax.numpy as jnp
import numpy as np

N_NODES = 10000
N_EDGES = 160000
HIDDEN = 256


def setup_inputs(seed: int = 0) -> dict:
    key = jax.random.key(seed)
    ks = jax.random.split(key, 10)
    x = jax.random.normal(ks[0], (N_NODES, HIDDEN), dtype=jnp.float32)
    edge_index = jax.random.randint(ks[1], (2, N_EDGES), 0, N_NODES, dtype=jnp.int64 if jax.config.jax_enable_x64 else jnp.int32).astype(jnp.int32)
    query_embedding = jax.random.normal(ks[2], (HIDDEN,), dtype=jnp.float32)
    # GCNConv params (PyG-style: lin weight [in, out], bias [out])
    s1 = 1.0 / np.sqrt(HIDDEN)
    W1 = jax.random.uniform(ks[3], (HIDDEN, HIDDEN), jnp.float32, -s1, s1)
    b1 = jnp.zeros((HIDDEN,), dtype=jnp.float32)
    W2 = jax.random.uniform(ks[4], (HIDDEN, HIDDEN), jnp.float32, -s1, s1)
    b2 = jnp.zeros((HIDDEN,), dtype=jnp.float32)
    s2 = 1.0 / np.sqrt(2 * HIDDEN)
    Wfc = jax.random.uniform(ks[5], (2 * HIDDEN, 1), jnp.float32, -s2, s2)
    bfc = jax.random.uniform(ks[6], (1,), jnp.float32, -s2, s2)
    return {"x": x, "edge_index": edge_index, "query_embedding": query_embedding,
            "W1": W1, "b1": b1, "W2": W2, "b2": b2, "Wfc": Wfc, "bfc": bfc}


def gcn_conv(x, edge_index, W, b):
    # PyG GCNConv: linear transform, add self loops, symmetric normalization, scatter-add
    n = x.shape[0]
    xw = x @ W
    src = edge_index[0]
    dst = edge_index[1]
    loop = jnp.arange(n, dtype=src.dtype)
    src = jnp.concatenate([src, loop])
    dst = jnp.concatenate([dst, loop])
    deg = jnp.zeros((n,), dtype=xw.dtype).at[dst].add(1.0)
    deg_inv_sqrt = jnp.where(deg > 0, jax.lax.rsqrt(jnp.maximum(deg, 1e-12)), 0.0)
    norm = deg_inv_sqrt[src] * deg_inv_sqrt[dst]
    msg = xw[src] * norm[:, None]
    out = jnp.zeros_like(xw).at[dst].add(msg)
    return out + b


def reference(x, edge_index, query_embedding, W1, b1, W2, b2, Wfc, bfc):
    h = jax.nn.relu(gcn_conv(x, edge_index, W1, b1))
    h = jax.nn.relu(gcn_conv(h, edge_index, W2, b2))
    q = jnp.tile(query_embedding.reshape(1, -1), (h.shape[0], 1))
    combined = jnp.concatenate([h, q], axis=1)
    node_scores = (combined @ Wfc + bfc).squeeze()
    return node_scores

if __name__ == "__main__":
    import jax
    _d = setup_inputs()
    print(jax.jit(kernel)(*tuple(_d.values())))

</pallas_src>

<mosaic_0001>
#map = affine_map<(d0, d1) -> (0, 0, 0)>
#map1 = affine_map<(d0, d1) -> (0, 0)>
module attributes {stable_mosaic.version = 14 : i64} {
  func.func @_sc_degree_body(%arg0: i32, %arg1: i32, %arg2: memref<32x40x128xi32, #tpu.memory_space<hbm>>, %arg3: memref<128x128xf32, #tpu.memory_space<hbm>>, %arg4: memref<128x128xf32, #tpu.memory_space<hbm>>, %arg5: memref<20224x128xf32, #tpu.memory_space<hbm>>, %arg6: memref<40x128xi32, #tpu.memory_space<vmem>>, %arg7: memref<128x128xf32, #tpu.memory_space<vmem>>, %arg8: memref<128x128xf32, #tpu.memory_space<vmem>>, %arg9: memref<10112x128xf32, #tpu.memory_space<vmem_shared>>) attributes {dimension_semantics = [#tpu.dimension_semantics<core_parallel>, #tpu.dimension_semantics<subcore_parallel>], iteration_bounds = array<i64: 2, 16>, scalar_prefetch = 0 : i64, scratch_operands = 4 : i64, tpu.core_type = #tpu.core_type<sc_vector_subcore>, window_params = [{transform_indices = #map}, {transform_indices = #map1}, {transform_indices = #map1}, {transform_indices = #map1}]} {
    %mul3A = arith.constant 2 : i32
    %mul3A_0 = arith.muli %arg1, %mul3A : i32
    %add3A = arith.addi %mul3A_0, %arg0 : i32
    %mul3A_1 = arith.constant 632 : i32
    %mul3A_2 = arith.muli %arg1, %mul3A_1 : i32
    "tpu.region"() ({
      %run_scoped3A = tpu.sem_alloc : memref<!tpu.dma_semaphore, #tpu.memory_space<semaphore_mem>>
      %dma_start3A = arith.constant 0 : i32
      %dma_start3A_42 = arith.constant 0 : i32
      %dma_start3A_43 = tpu.memref_slice %arg2[%add3A, %dma_start3A, %dma_start3A_42] : memref<32x40x128xi32, #tpu.memory_space<hbm>> -> memref<1x40x128xi32, #tpu.memory_space<hbm>>
      %dma_start3A_44 = tpu.memref_squeeze %dma_start3A_43 : memref<1x40x128xi32, #tpu.memory_space<hbm>> -> memref<40x128xi32, #tpu.memory_space<hbm>>
      %dma_start3A_45 = arith.constant 0 : i32
      %dma_start3A_46 = arith.constant 0 : i32
      %dma_start3A_47 = tpu.memref_slice %arg2[%add3A, %dma_start3A_45, %dma_start3A_46] : memref<32x40x128xi32, #tpu.memory_space<hbm>> -> memref<1x40x128xi32, #tpu.memory_space<hbm>>
      %dma_start3A_48 = tpu.memref_squeeze %dma_start3A_47 : memref<1x40x128xi32, #tpu.memory_space<hbm>> -> memref<40x128xi32, #tpu.memory_space<hbm>>
      tpu.enqueue_dma source(%dma_start3A_48 : memref<40x128xi32, #tpu.memory_space<hbm>>) target(%arg6 : memref<40x128xi32, #tpu.memory_space<vmem>>) target_semaphore(%run_scoped3A : memref<!tpu.dma_semaphore, #tpu.memory_space<semaphore_mem>>)
      %dma_wait3A = arith.constant 0 : i32
      %dma_wait3A_49 = arith.constant 0 : i32
      %dma_wait3A_50 = tpu.memref_slice %arg2[%add3A, %dma_wait3A, %dma_wait3A_49] : memref<32x40x128xi32, #tpu.memory_space<hbm>> -> memref<1x40x128xi32, #tpu.memory_space<hbm>>
      %dma_wait3A_51 = tpu.memref_squeeze %dma_wait3A_50 : memref<1x40x128xi32, #tpu.memory_space<hbm>> -> memref<40x128xi32, #tpu.memory_space<hbm>>
      %dma_wait3A_52 = arith.constant 0 : i32
      %dma_wait3A_53 = arith.constant 0 : i32
      %dma_wait3A_54 = tpu.memref_slice %arg2[%add3A, %dma_wait3A_52, %dma_wait3A_53] : memref<32x40x128xi32, #tpu.memory_space<hbm>> -> memref<1x40x128xi32, #tpu.memory_space<hbm>>
      %dma_wait3A_55 = tpu.memref_squeeze %dma_wait3A_54 : memref<1x40x128xi32, #tpu.memory_space<hbm>> -> memref<40x128xi32, #tpu.memory_space<hbm>>
      tpu.wait_dma2 semaphore(%run_scoped3A : memref<!tpu.dma_semaphore, #tpu.memory_space<semaphore_mem>>) src(%dma_wait3A_55 : memref<40x128xi32, #tpu.memory_space<hbm>>) dst(%arg6 : memref<40x128xi32, #tpu.memory_space<vmem>>)
      tpu.yield
    }) : () -> ()
    "tpu.region"() ({
      %run_scoped3A = tpu.sem_alloc : memref<!tpu.dma_semaphore, #tpu.memory_space<semaphore_mem>>
      tpu.enqueue_dma source(%arg3 : memref<128x128xf32, #tpu.memory_space<hbm>>) target(%arg7 : memref<128x128xf32, #tpu.memory_space<vmem>>) target_semaphore(%run_scoped3A : memref<!tpu.dma_semaphore, #tpu.memory_space<semaphore_mem>>)
      tpu.wait_dma2 semaphore(%run_scoped3A : memref<!tpu.dma_semaphore, #tpu.memory_space<semaphore_mem>>) src(%arg3 : memref<128x128xf32, #tpu.memory_space<hbm>>) dst(%arg7 : memref<128x128xf32, #tpu.memory_space<vmem>>)
      tpu.yield
    }) : () -> ()
    "tpu.region"() ({
      %run_scoped3A = tpu.sem_alloc : memref<!tpu.dma_semaphore, #tpu.memory_space<semaphore_mem>>
      tpu.enqueue_dma source(%arg4 : memref<128x128xf32, #tpu.memory_space<hbm>>) target(%arg8 : memref<128x128xf32, #tpu.memory_space<vmem>>) target_semaphore(%run_scoped3A : memref<!tpu.dma_semaphore, #tpu.memory_space<semaphore_mem>>)
      tpu.wait_dma2 semaphore(%run_scoped3A : memref<!tpu.dma_semaphore, #tpu.memory_space<semaphore_mem>>) src(%arg4 : memref<128x128xf32, #tpu.memory_space<hbm>>) dst(%arg8 : memref<128x128xf32, #tpu.memory_space<vmem>>)
      tpu.yield
    }) : () -> ()
    %add3A_3 = arith.constant 0 : i32
    %add3A_4 = arith.addi %mul3A_2, %add3A_3 : i32
    "tpu.region"() ({
      %run_scoped3A = tpu.sem_alloc : memref<!tpu.dma_semaphore, #tpu.memory_space<semaphore_mem>>
      %dma_start3A = arith.constant 0 : i32
      %dma_start3A_42 = tpu.memref_slice %arg9[%add3A_4, %dma_start3A] : memref<10112x128xf32, #tpu.memory_space<vmem_shared>> -> memref<128x128xf32, #tpu.memory_space<vmem_shared>>
      %dma_start3A_43 = arith.constant 0 : i32
      %dma_start3A_44 = tpu.memref_slice %arg9[%add3A_4, %dma_start3A_43] : memref<10112x128xf32, #tpu.memory_space<vmem_shared>> -> memref<128x128xf32, #tpu.memory_space<vmem_shared>>
      tpu.enqueue_dma source(%arg8 : memref<128x128xf32, #tpu.memory_space<vmem>>) target(%dma_start3A_44 : memref<128x128xf32, #tpu.memory_space<vmem_shared>>) target_semaphore(%run_scoped3A : memref<!tpu.dma_semaphore, #tpu.memory_space<semaphore_mem>>)
      %dma_wait3A = arith.constant 0 : i32
      %dma_wait3A_45 = tpu.memref_slice %arg9[%add3A_4, %dma_wait3A] : memref<10112x128xf32, #tpu.memory_space<vmem_shared>> -> memref<128x128xf32, #tpu.memory_space<vmem_shared>>
      %dma_wait3A_46 = arith.constant 0 : i32
      %dma_wait3A_47 = tpu.memref_slice %arg9[%add3A_4, %dma_wait3A_46] : memref<10112x128xf32, #tpu.memory_space<vmem_shared>> -> memref<128x128xf32, #tpu.memory_space<vmem_shared>>
      tpu.wait_dma2 semaphore(%run_scoped3A : memref<!tpu.dma_semaphore, #tpu.memory_space<semaphore_mem>>) src(%arg8 : memref<128x128xf32, #tpu.memory_space<vmem>>) dst(%dma_wait3A_47 : memref<128x128xf32, #tpu.memory_space<vmem_shared>>)
      tpu.yield
    }) : () -> ()
    %add3A_5 = arith.constant 128 : i32
    %add3A_6 = arith.addi %mul3A_2, %add3A_5 : i32
    "tpu.region"() ({
      %run_scoped3A = tpu.sem_alloc : memref<!tpu.dma_semaphore, #tpu.memory_space<semaphore_mem>>
      %dma_start3A = arith.constant 0 : i32
      %dma_start3A_42 = tpu.memref_slice %arg9[%add3A_6, %dma_start3A] : memref<10112x128xf32, #tpu.memory_space<vmem_shared>> -> memref<128x128xf32, #tpu.memory_space<vmem_shared>>
      %dma_start3A_43 = arith.constant 0 : i32
      %dma_start3A_44 = tpu.memref_slice %arg9[%add3A_6, %dma_start3A_43] : memref<10112x128xf32, #tpu.memory_space<vmem_shared>> -> memref<128x128xf32, #tpu.memory_space<vmem_shared>>
      tpu.enqueue_dma source(%arg8 : memref<128x128xf32, #tpu.memory_space<vmem>>) target(%dma_start3A_44 : memref<128x128xf32, #tpu.memory_space<vmem_shared>>) target_semaphore(%run_scoped3A : memref<!tpu.dma_semaphore, #tpu.memory_space<semaphore_mem>>)
      %dma_wait3A = arith.constant 0 : i32
      %dma_wait3A_45 = tpu.memref_slice %arg9[%add3A_6, %dma_wait3A] : memref<10112x128xf32, #tpu.memory_space<vmem_shared>> -> memref<128x128xf32, #tpu.memory_space<vmem_shared>>
      %dma_wait3A_46 = arith.constant 0 : i32
      %dma_wait3A_47 = tpu.memref_slice %arg9[%add3A_6, %dma_wait3A_46] : memref<10112x128xf32, #tpu.memory_space<vmem_shared>> -> memref<128x128xf32, #tpu.memory_space<vmem_shared>>
      tpu.wait_dma2 semaphore(%run_scoped3A : memref<!tpu.dma_semaphore, #tpu.memory_space<semaphore_mem>>) src(%arg8 : memref<128x128xf32, #tpu.memory_space<vmem>>) dst(%dma_wait3A_47 : memref<128x128xf32, #tpu.memory_space<vmem_shared>>)
      tpu.yield
    }) : () -> ()
    %add3A_7 = arith.constant 256 : i32
    %add3A_8 = arith.addi %mul3A_2, %add3A_7 : i32
    "tpu.region"() ({
      %run_scoped3A = tpu.sem_alloc : memref<!tpu.dma_semaphore, #tpu.memory_space<semaphore_mem>>
      %dma_start3A = arith.constant 0 : i32
      %dma_start3A_42 = tpu.memref_slice %arg9[%add3A_8, %dma_start3A] : memref<10112x128xf32, #tpu.memory_space<vmem_shared>> -> memref<128x128xf32, #tpu.memory_space<vmem_shared>>
      %dma_start3A_43 = arith.constant 0 : i32
      %dma_start3A_44 = tpu.memref_slice %arg9[%add3A_8, %dma_start3A_43] : memref<10112x128xf32, #tpu.memory_space<vmem_shared>> -> memref<128x128xf32, #tpu.memory_space<vmem_shared>>
      tpu.enqueue_dma source(%arg8 : memref<128x128xf32, #tpu.memory_space<vmem>>) target(%dma_start3A_44 : memref<128x128xf32, #tpu.memory_space<vmem_shared>>) target_semaphore(%run_scoped3A : memref<!tpu.dma_semaphore, #tpu.memory_space<semaphore_mem>>)
      %dma_wait3A = arith.constant 0 : i32
      %dma_wait3A_45 = tpu.memref_slice %arg9[%add3A_8, %dma_wait3A] : memref<10112x128xf32, #tpu.memory_space<vmem_shared>> -> memref<128x128xf32, #tpu.memory_space<vmem_shared>>
      %dma_wait3A_46 = arith.constant 0 : i32
      %dma_wait3A_47 = tpu.memref_slice %arg9[%add3A_8, %dma_wait3A_46] : memref<10112x128xf32, #tpu.memory_space<vmem_shared>> -> memref<128x128xf32, #tpu.memory_space<vmem_shared>>
      tpu.wait_dma2 semaphore(%run_scoped3A : memref<!tpu.dma_semaphore, #tpu.memory_space<semaphore_mem>>) src(%arg8 : memref<128x128xf32, #tpu.memory_space<vmem>>) dst(%dma_wait3A_47 : memref<128x128xf32, #tpu.memory_space<vmem_shared>>)
      tpu.yield
    }) : () -> ()
    %add3A_9 = arith.constant 384 : i32
    %add3A_10 = arith.addi %mul3A_2, %add3A_9 : i32
    "tpu.region"() ({
      %run_scoped3A = tpu.sem_alloc : memref<!tpu.dma_semaphore, #tpu.memory_space<semaphore_mem>>
      %dma_start3A = arith.constant 0 : i32
      %dma_start3A_42 = tpu.memref_slice %arg9[%add3A_10, %dma_start3A] : memref<10112x128xf32, #tpu.memory_space<vmem_shared>> -> memref<128x128xf32, #tpu.memory_space<vmem_shared>>
      %dma_start3A_43 = arith.constant 0 : i32
      %dma_start3A_44 = tpu.memref_slice %arg9[%add3A_10, %dma_start3A_43] : memref<10112x128xf32, #tpu.memory_space<vmem_shared>> -> memref<128x128xf32, #tpu.memory_space<vmem_shared>>
      tpu.enqueue_dma source(%arg8 : memref<128x128xf32, #tpu.memory_space<vmem>>) target(%dma_start3A_44 : memref<128x128xf32, #tpu.memory_space<vmem_shared>>) target_semaphore(%run_scoped3A : memref<!tpu.dma_semaphore, #tpu.memory_space<semaphore_mem>>)
      %dma_wait3A = arith.constant 0 : i32
      %dma_wait3A_45 = tpu.memref_slice %arg9[%add3A_10, %dma_wait3A] : memref<10112x128xf32, #tpu.memory_space<vmem_shared>> -> memref<128x128xf32, #tpu.memory_space<vmem_shared>>
      %dma_wait3A_46 = arith.constant 0 : i32
      %dma_wait3A_47 = tpu.memref_slice %arg9[%add3A_10, %dma_wait3A_46] : memref<10112x128xf32, #tpu.memory_space<vmem_shared>> -> memref<128x128xf32, #tpu.memory_space<vmem_shared>>
      tpu.wait_dma2 semaphore(%run_scoped3A : memref<!tpu.dma_semaphore, #tpu.memory_space<semaphore_mem>>) src(%arg8 : memref<128x128xf32, #tpu.memory_space<vmem>>) dst(%dma_wait3A_47 : memref<128x128xf32, #tpu.memory_space<vmem_shared>>)
      tpu.yield
    }) : () -> ()
    %add3A_11 = arith.constant 512 : i32
    %add3A_12 = arith.addi %mul3A_2, %add3A_11 : i32
    "tpu.region"() ({
      %run_scoped3A = tpu.sem_alloc : memref<!tpu.dma_semaphore, #tpu.memory_space<semaphore_mem>>
      %dma_start3A = arith.constant 0 : i32
      %dma_start3A_42 = arith.constant 0 : i32
      %dma_start3A_43 = tpu.memref_slice %arg8[%dma_start3A, %dma_start3A_42] : memref<128x128xf32, #tpu.memory_space<vmem>> -> memref<120x128xf32, #tpu.memory_space<vmem>>
      %dma_start3A_44 = arith.constant 0 : i32
      %dma_start3A_45 = tpu.memref_slice %arg9[%add3A_12, %dma_start3A_44] : memref<10112x128xf32, #tpu.memory_space<vmem_shared>> -> memref<120x128xf32, #tpu.memory_space<vmem_shared>>
      %dma_start3A_46 = arith.constant 0 : i32
      %dma_start3A_47 = tpu.memref_slice %arg9[%add3A_12, %dma_start3A_46] : memref<10112x128xf32, #tpu.memory_space<vmem_shared>> -> memref<120x128xf32, #tpu.memory_space<vmem_shared>>
      %dma_start3A_48 = arith.constant 0 : i32
      %dma_start3A_49 = arith.constant 0 : i32
      %dma_start3A_50 = tpu.memref_slice %arg8[%dma_start3A_48, %dma_start3A_49] : memref<128x128xf32, #tpu.memory_space<vmem>> -> memref<120x128xf32, #tpu.memory_space<vmem>>
      tpu.enqueue_dma source(%dma_start3A_50 : memref<120x128xf32, #tpu.memory_space<vmem>>) target(%dma_start3A_47 : memref<120x128xf32, #tpu.memory_space<vmem_shared>>) target_semaphore(%run_scoped3A : memref<!tpu.dma_semaphore, #tpu.memory_space<semaphore_mem>>)
      %dma_wait3A = arith.constant 0 : i32
      %dma_wait3A_51 = arith.constant 0 : i32
      %dma_wait3A_52 = tpu.memref_slice %arg8[%dma_wait3A, %dma_wait3A_51] : memref<128x128xf32, #tpu.memory_space<vmem>> -> memref<120x128xf32, #tpu.memory_space<vmem>>
      %dma_wait3A_53 = arith.constant 0 : i32
      %dma_wait3A_54 = tpu.memref_slice %arg9[%add3A_12, %dma_wait3A_53] : memref<10112x128xf32, #tpu.memory_space<vmem_shared>> -> memref<120x128xf32, #tpu.memory_space<vmem_shared>>
      %dma_wait3A_55 = arith.constant 0 : i32
      %dma_wait3A_56 = tpu.memref_slice %arg9[%add3A_12, %dma_wait3A_55] : memref<10112x128xf32, #tpu.memory_space<vmem_shared>> -> memref<120x128xf32, #tpu.memory_space<vmem_shared>>
      %dma_wait3A_57 = arith.constant 0 : i32
      %dma_wait3A_58 = arith.constant 0 : i32
      %dma_wait3A_59 = tpu.memref_slice %arg8[%dma_wait3A_57, %dma_wait3A_58] : memref<128x128xf32, #tpu.memory_space<vmem>> -> memref<120x128xf32, #tpu.memory_space<vmem>>
      tpu.wait_dma2 semaphore(%run_scoped3A : memref<!tpu.dma_semaphore, #tpu.memory_space<semaphore_mem>>) src(%dma_wait3A_59 : memref<120x128xf32, #tpu.memory_space<vmem>>) dst(%dma_wait3A_56 : memref<120x128xf32, #tpu.memory_space<vmem_shared>>)
      tpu.yield
    }) : () -> ()
    %barrier3A = arith.constant 0 : index
    tpu.barrier barrier_id(%barrier3A)
    %scan3A = arith.constant 0 : i32
    %scan3A_13 = arith.constant 0 : i32
    %scan3A_14 = arith.constant 40 : i32
    %scan3A_15 = arith.addi %scan3A_13, %scan3A_14 : i32
    %scan3A_16 = arith.constant 1 : i32
    scf.for %scan3A_42 = %scan3A_13 to %scan3A_15 step %scan3A_16  : i32 {
      "tpu.region"() ({
        %run_scoped3A = tpu.sem_alloc : memref<!tpu.dma_semaphore, #tpu.memory_space<semaphore_mem>>
        %dma_start3A = arith.constant 0 : i32
        %dma_start3A_43 = tpu.memref_slice %arg6[%scan3A_42, %dma_start3A] : memref<40x128xi32, #tpu.memory_space<vmem>> -> memref<1x128xi32, #tpu.memory_space<vmem>>
        %dma_start3A_44 = tpu.memref_squeeze %dma_start3A_43 : memref<1x128xi32, #tpu.memory_space<vmem>> -> memref<128xi32, #tpu.memory_space<vmem>>
        %dma_start3A_45 = arith.constant 0 : i32
        %dma_start3A_46 = arith.constant 0 : i32
        %dma_start3A_47 = tpu.memref_slice %arg9[%dma_start3A_45, %dma_start3A_46] : memref<10112x128xf32, #tpu.memory_space<vmem_shared>> -> memref<10112x128xf32, #tpu.memory_space<vmem_shared>>
        tpu.enqueue_indirect_dma source(%arg7 : memref<128x128xf32, #tpu.memory_space<vmem>>) target(%dma_start3A_47 : memref<10112x128xf32, #tpu.memory_space<vmem_shared>>) offsets(%dma_start3A_44 : memref<128xi32, #tpu.memory_space<vmem>>) semaphore(%run_scoped3A : memref<!tpu.dma_semaphore, #tpu.memory_space<semaphore_mem>>) {add = true}
        %dma_wait3A = arith.constant 0 : i32
        %dma_wait3A_48 = tpu.memref_slice %arg6[%scan3A_42, %dma_wait3A] : memref<40x128xi32, #tpu.memory_space<vmem>> -> memref<1x128xi32, #tpu.memory_space<vmem>>
        %dma_wait3A_49 = tpu.memref_squeeze %dma_wait3A_48 : memref<1x128xi32, #tpu.memory_space<vmem>> -> memref<128xi32, #tpu.memory_space<vmem>>
        %dma_wait3A_50 = arith.constant 0 : i32
        %dma_wait3A_51 = arith.constant 0 : i32
        %dma_wait3A_52 = tpu.memref_slice %arg9[%dma_wait3A_50, %dma_wait3A_51] : memref<10112x128xf32, #tpu.memory_space<vmem_shared>> -> memref<10112x128xf32, #tpu.memory_space<vmem_shared>>
        tpu.wait_indirect_dma semaphore(%run_scoped3A : memref<!tpu.dma_semaphore, #tpu.memory_space<semaphore_mem>>) src(%arg7 : memref<128x128xf32, #tpu.memory_space<vmem>>) dst(%dma_wait3A_52 : memref<10112x128xf32, #tpu.memory_space<vmem_shared>>)
        tpu.yield
      }) : () -> ()
    }
    %scan3A_17 = arith.constant 40 : i32
    %barrier3A_18 = arith.constant 0 : index
    tpu.barrier barrier_id(%barrier3A_18)
    %mul3A_19 = arith.constant 10112 : i32
    %mul3A_20 = arith.muli %arg0, %mul3A_19 : i32
    %add3A_21 = arith.addi %mul3A_20, %mul3A_2 : i32
    %add3A_22 = arith.constant 0 : i32
    %add3A_23 = arith.addi %mul3A_2, %add3A_22 : i32
    "tpu.region"() ({
      %run_scoped3A = tpu.sem_alloc : memref<!tpu.dma_semaphore, #tpu.memory_space<semaphore_mem>>
      %dma_start3A = arith.constant 0 : i32
      %dma_start3A_42 = tpu.memref_slice %arg9[%add3A_23, %dma_start3A] : memref<10112x128xf32, #tpu.memory_space<vmem_shared>> -> memref<128x128xf32, #tpu.memory_space<vmem_shared>>
      %dma_start3A_43 = arith.constant 0 : i32
      %dma_start3A_44 = tpu.memref_slice %arg9[%add3A_23, %dma_start3A_43] : memref<10112x128xf32, #tpu.memory_space<vmem_shared>> -> memref<128x128xf32, #tpu.memory_space<vmem_shared>>
      tpu.enqueue_dma source(%dma_start3A_44 : memref<128x128xf32, #tpu.memory_space<vmem_shared>>) target(%arg8 : memref<128x128xf32, #tpu.memory_space<vmem>>) target_semaphore(%run_scoped3A : memref<!tpu.dma_semaphore, #tpu.memory_space<semaphore_mem>>)
      %dma_wait3A = arith.constant 0 : i32
      %dma_wait3A_45 = tpu.memref_slice %arg9[%add3A_23, %dma_wait3A] : memref<10112x128xf32, #tpu.memory_space<vmem_shared>> -> memref<128x128xf32, #tpu.memory_space<vmem_shared>>
      %dma_wait3A_46 = arith.constant 0 : i32
      %dma_wait3A_47 = tpu.memref_slice %arg9[%add3A_23, %dma_wait3A_46] : memref<10112x128xf32, #tpu.memory_space<vmem_shared>> -> memref<128x128xf32, #tpu.memory_space<vmem_shared>>
      tpu.wait_dma2 semaphore(%run_scoped3A : memref<!tpu.dma_semaphore, #tpu.memory_space<semaphore_mem>>) src(%dma_wait3A_47 : memref<128x128xf32, #tpu.memory_space<vmem_shared>>) dst(%arg8 : memref<128x128xf32, #tpu.memory_space<vmem>>)
      tpu.yield
    }) : () -> ()
    %add3A_24 = arith.constant 0 : i32
    %add3A_25 = arith.addi %add3A_21, %add3A_24 : i32
    "tpu.region"() ({
      %run_scoped3A = tpu.sem_alloc : memref<!tpu.dma_semaphore, #tpu.memory_space<semaphore_mem>>
      %dma_start3A = arith.constant 0 : i32
      %dma_start3A_42 = tpu.memref_slice %arg5[%add3A_25, %dma_start3A] : memref<20224x128xf32, #tpu.memory_space<hbm>> -> memref<128x128xf32, #tpu.memory_space<hbm>>
      %dma_start3A_43 = arith.constant 0 : i32
      %dma_start3A_44 = tpu.memref_slice %arg5[%add3A_25, %dma_start3A_43] : memref<20224x128xf32, #tpu.memory_space<hbm>> -> memref<128x128xf32, #tpu.memory_space<hbm>>
      tpu.enqueue_dma source(%arg8 : memref<128x128xf32, #tpu.memory_space<vmem>>) target(%dma_start3A_44 : memref<128x128xf32, #tpu.memory_space<hbm>>) target_semaphore(%run_scoped3A : memref<!tpu.dma_semaphore, #tpu.memory_space<semaphore_mem>>)
      %dma_wait3A = arith.constant 0 : i32
      %dma_wait3A_45 = tpu.memref_slice %arg5[%add3A_25, %dma_wait3A] : memref<20224x128xf32, #tpu.memory_space<hbm>> -> memref<128x128xf32, #tpu.memory_space<hbm>>
      %dma_wait3A_46 = arith.constant 0 : i32
      %dma_wait3A_47 = tpu.memref_slice %arg5[%add3A_25, %dma_wait3A_46] : memref<20224x128xf32, #tpu.memory_space<hbm>> -> memref<128x128xf32, #tpu.memory_space<hbm>>
      tpu.wait_dma2 semaphore(%run_scoped3A : memref<!tpu.dma_semaphore, #tpu.memory_space<semaphore_mem>>) src(%arg8 : memref<128x128xf32, #tpu.memory_space<vmem>>) dst(%dma_wait3A_47 : memref<128x128xf32, #tpu.memory_space<hbm>>)
      tpu.yield
    }) : () -> ()
    %add3A_26 = arith.constant 128 : i32
    %add3A_27 = arith.addi %mul3A_2, %add3A_26 : i32
    "tpu.region"() ({
      %run_scoped3A = tpu.sem_alloc : memref<!tpu.dma_semaphore, #tpu.memory_space<semaphore_mem>>
      %dma_start3A = arith.constant 0 : i32
      %dma_start3A_42 = tpu.memref_slice %arg9[%add3A_27, %dma_start3A] : memref<10112x128xf32, #tpu.memory_space<vmem_shared>> -> memref<128x128xf32, #tpu.memory_space<vmem_shared>>
      %dma_start3A_43 = arith.constant 0 : i32
      %dma_start3A_44 = tpu.memref_slice %arg9[%add3A_27, %dma_start3A_43] : memref<10112x128xf32, #tpu.memory_space<vmem_shared>> -> memref<128x128xf32, #tpu.memory_space<vmem_shared>>
      tpu.enqueue_dma source(%dma_start3A_44 : memref<128x128xf32, #tpu.memory_space<vmem_shared>>) target(%arg8 : memref<128x128xf32, #tpu.memory_space<vmem>>) target_semaphore(%run_scoped3A : memref<!tpu.dma_semaphore, #tpu.memory_space<semaphore_mem>>)
      %dma_wait3A = arith.constant 0 : i32
      %dma_wait3A_45 = tpu.memref_slice %arg9[%add3A_27, %dma_wait3A] : memref<10112x128xf32, #tpu.memory_space<vmem_shared>> -> memref<128x128xf32, #tpu.memory_space<vmem_shared>>
      %dma_wait3A_46 = arith.constant 0 : i32
      %dma_wait3A_47 = tpu.memref_slice %arg9[%add3A_27, %dma_wait3A_46] : memref<10112x128xf32, #tpu.memory_space<vmem_shared>> -> memref<128x128xf32, #tpu.memory_space<vmem_shared>>
      tpu.wait_dma2 semaphore(%run_scoped3A : memref<!tpu.dma_semaphore, #tpu.memory_space<semaphore_mem>>) src(%dma_wait3A_47 : memref<128x128xf32, #tpu.memory_space<vmem_shared>>) dst(%arg8 : memref<128x128xf32, #tpu.memory_space<vmem>>)
      tpu.yield
    }) : () -> ()
    %add3A_28 = arith.constant 128 : i32
    %add3A_29 = arith.addi %add3A_21, %add3A_28 : i32
    "tpu.region"() ({
      %run_scoped3A = tpu.sem_alloc : memref<!tpu.dma_semaphore, #tpu.memory_space<semaphore_mem>>
      %dma_start3A = arith.constant 0 : i32
      %dma_start3A_42 = tpu.memref_slice %arg5[%add3A_29, %dma_start3A] : memref<20224x128xf32, #tpu.memory_space<hbm>> -> memref<128x128xf32, #tpu.memory_space<hbm>>
      %dma_start3A_43 = arith.constant 0 : i32
      %dma_start3A_44 = tpu.memref_slice %arg5[%add3A_29, %dma_start3A_43] : memref<20224x128xf32, #tpu.memory_space<hbm>> -> memref<128x128xf32, #tpu.memory_space<hbm>>
      tpu.enqueue_dma source(%arg8 : memref<128x128xf32, #tpu.memory_space<vmem>>) target(%dma_start3A_44 : memref<128x128xf32, #tpu.memory_space<hbm>>) target_semaphore(%run_scoped3A : memref<!tpu.dma_semaphore, #tpu.memory_space<semaphore_mem>>)
      %dma_wait3A = arith.constant 0 : i32
      %dma_wait3A_45 = tpu.memref_slice %arg5[%add3A_29, %dma_wait3A] : memref<20224x128xf32, #tpu.memory_space<hbm>> -> memref<128x128xf32, #tpu.memory_space<hbm>>
      %dma_wait3A_46 = arith.constant 0 : i32
      %dma_wait3A_47 = tpu.memref_slice %arg5[%add3A_29, %dma_wait3A_46] : memref<20224x128xf32, #tpu.memory_space<hbm>> -> memref<128x128xf32, #tpu.memory_space<hbm>>
      tpu.wait_dma2 semaphore(%run_scoped3A : memref<!tpu.dma_semaphore, #tpu.memory_space<semaphore_mem>>) src(%arg8 : memref<128x128xf32, #tpu.memory_space<vmem>>) dst(%dma_wait3A_47 : memref<128x128xf32, #tpu.memory_space<hbm>>)
      tpu.yield
    }) : () -> ()
    %add3A_30 = arith.constant 256 : i32
    %add3A_31 = arith.addi %mul3A_2, %add3A_30 : i32
    "tpu.region"() ({
      %run_scoped3A = tpu.sem_alloc : memref<!tpu.dma_semaphore, #tpu.memory_space<semaphore_mem>>
      %dma_start3A = arith.constant 0 : i32
      %dma_start3A_42 = tpu.memref_slice %arg9[%add3A_31, %dma_start3A] : memref<10112x128xf32, #tpu.memory_space<vmem_shared>> -> memref<128x128xf32, #tpu.memory_space<vmem_shared>>
      %dma_start3A_43 = arith.constant 0 : i32
      %dma_start3A_44 = tpu.memref_slice %arg9[%add3A_31, %dma_start3A_43] : memref<10112x128xf32, #tpu.memory_space<vmem_shared>> -> memref<128x128xf32, #tpu.memory_space<vmem_shared>>
      tpu.enqueue_dma source(%dma_start3A_44 : memref<128x128xf32, #tpu.memory_space<vmem_shared>>) target(%arg8 : memref<128x128xf32, #tpu.memory_space<vmem>>) target_semaphore(%run_scoped3A : memref<!tpu.dma_semaphore, #tpu.memory_space<semaphore_mem>>)
      %dma_wait3A = arith.constant 0 : i32
      %dma_wait3A_45 = tpu.memref_slice %arg9[%add3A_31, %dma_wait3A] : memref<10112x128xf32, #tpu.memory_space<vmem_shared>> -> memref<128x128xf32, #tpu.memory_space<vmem_shared>>
      %dma_wait3A_46 = arith.constant 0 : i32
      %dma_wait3A_47 = tpu.memref_slice %arg9[%add3A_31, %dma_wait3A_46] : memref<10112x128xf32, #tpu.memory_space<vmem_shared>> -> memref<128x128xf32, #tpu.memory_space<vmem_shared>>
      tpu.wait_dma2 semaphore(%run_scoped3A : memref<!tpu.dma_semaphore, #tpu.memory_space<semaphore_mem>>) src(%dma_wait3A_47 : memref<128x128xf32, #tpu.memory_space<vmem_shared>>) dst(%arg8 : memref<128x128xf32, #tpu.memory_space<vmem>>)
      tpu.yield
    }) : () -> ()
    %add3A_32 = arith.constant 256 : i32
    %add3A_33 = arith.addi %add3A_21, %add3A_32 : i32
    "tpu.region"() ({
      %run_scoped3A = tpu.sem_alloc : memref<!tpu.dma_semaphore, #tpu.memory_space<semaphore_mem>>
      %dma_start3A = arith.constant 0 : i32
      %dma_start3A_42 = tpu.memref_slice %arg5[%add3A_33, %dma_start3A] : memref<20224x128xf32, #tpu.memory_space<hbm>> -> memref<128x128xf32, #tpu.memory_space<hbm>>
      %dma_start3A_43 = arith.constant 0 : i32
      %dma_start3A_44 = tpu.memref_slice %arg5[%add3A_33, %dma_start3A_43] : memref<20224x128xf32, #tpu.memory_space<hbm>> -> memref<128x128xf32, #tpu.memory_space<hbm>>
      tpu.enqueue_dma source(%arg8 : memref<128x128xf32, #tpu.memory_space<vmem>>) target(%dma_start3A_44 : memref<128x128xf32, #tpu.memory_space<hbm>>) target_semaphore(%run_scoped3A : memref<!tpu.dma_semaphore, #tpu.memory_space<semaphore_mem>>)
      %dma_wait3A = arith.constant 0 : i32
      %dma_wait3A_45 = tpu.memref_slice %arg5[%add3A_33, %dma_wait3A] : memref<20224x128xf32, #tpu.memory_space<hbm>> -> memref<128x128xf32, #tpu.memory_space<hbm>>
      %dma_wait3A_46 = arith.constant 0 : i32
      %dma_wait3A_47 = tpu.memref_slice %arg5[%add3A_33, %dma_wait3A_46] : memref<20224x128xf32, #tpu.memory_space<hbm>> -> memref<128x128xf32, #tpu.memory_space<hbm>>
      tpu.wait_dma2 semaphore(%run_scoped3A : memref<!tpu.dma_semaphore, #tpu.memory_space<semaphore_mem>>) src(%arg8 : memref<128x128xf32, #tpu.memory_space<vmem>>) dst(%dma_wait3A_47 : memref<128x128xf32, #tpu.memory_space<hbm>>)
      tpu.yield
    }) : () -> ()
    %add3A_34 = arith.constant 384 : i32
    %add3A_35 = arith.addi %mul3A_2, %add3A_34 : i32
    "tpu.region"() ({
      %run_scoped3A = tpu.sem_alloc : memref<!tpu.dma_semaphore, #tpu.memory_space<semaphore_mem>>
      %dma_start3A = arith.constant 0 : i32
      %dma_start3A_42 = tpu.memref_slice %arg9[%add3A_35, %dma_start3A] : memref<10112x128xf32, #tpu.memory_space<vmem_shared>> -> memref<128x128xf32, #tpu.memory_space<vmem_shared>>
      %dma_start3A_43 = arith.constant 0 : i32
      %dma_start3A_44 = tpu.memref_slice %arg9[%add3A_35, %dma_start3A_43] : memref<10112x128xf32, #tpu.memory_space<vmem_shared>> -> memref<128x128xf32, #tpu.memory_space<vmem_shared>>
      tpu.enqueue_dma source(%dma_start3A_44 : memref<128x128xf32, #tpu.memory_space<vmem_shared>>) target(%arg8 : memref<128x128xf32, #tpu.memory_space<vmem>>) target_semaphore(%run_scoped3A : memref<!tpu.dma_semaphore, #tpu.memory_space<semaphore_mem>>)
      %dma_wait3A = arith.constant 0 : i32
      %dma_wait3A_45 = tpu.memref_slice %arg9[%add3A_35, %dma_wait3A] : memref<10112x128xf32, #tpu.memory_space<vmem_shared>> -> memref<128x128xf32, #tpu.memory_space<vmem_shared>>
      %dma_wait3A_46 = arith.constant 0 : i32
      %dma_wait3A_47 = tpu.memref_slice %arg9[%add3A_35, %dma_wait3A_46] : memref<10112x128xf32, #tpu.memory_space<vmem_shared>> -> memref<128x128xf32, #tpu.memory_space<vmem_shared>>
      tpu.wait_dma2 semaphore(%run_scoped3A : memref<!tpu.dma_semaphore, #tpu.memory_space<semaphore_mem>>) src(%dma_wait3A_47 : memref<128x128xf32, #tpu.memory_space<vmem_shared>>) dst(%arg8 : memref<128x128xf32, #tpu.memory_space<vmem>>)
      tpu.yield
    }) : () -> ()
    %add3A_36 = arith.constant 384 : i32
    %add3A_37 = arith.addi %add3A_21, %add3A_36 : i32
    "tpu.region"() ({
      %run_scoped3A = tpu.sem_alloc : memref<!tpu.dma_semaphore, #tpu.memory_space<semaphore_mem>>
      %dma_start3A = arith.constant 0 : i32
      %dma_start3A_42 = tpu.memref_slice %arg5[%add3A_37, %dma_start3A] : memref<20224x128xf32, #tpu.memory_space<hbm>> -> memref<128x128xf32, #tpu.memory_space<hbm>>
      %dma_start3A_43 = arith.constant 0 : i32
      %dma_start3A_44 = tpu.memref_slice %arg5[%add3A_37, %dma_start3A_43] : memref<20224x128xf32, #tpu.memory_space<hbm>> -> memref<128x128xf32, #tpu.memory_space<hbm>>
      tpu.enqueue_dma source(%arg8 : memref<128x128xf32, #tpu.memory_space<vmem>>) target(%dma_start3A_44 : memref<128x128xf32, #tpu.memory_space<hbm>>) target_semaphore(%run_scoped3A : memref<!tpu.dma_semaphore, #tpu.memory_space<semaphore_mem>>)
      %dma_wait3A = arith.constant 0 : i32
      %dma_wait3A_45 = tpu.memref_slice %arg5[%add3A_37, %dma_wait3A] : memref<20224x128xf32, #tpu.memory_space<hbm>> -> memref<128x128xf32, #tpu.memory_space<hbm>>
      %dma_wait3A_46 = arith.constant 0 : i32
      %dma_wait3A_47 = tpu.memref_slice %arg5[%add3A_37, %dma_wait3A_46] : memref<20224x128xf32, #tpu.memory_space<hbm>> -> memref<128x128xf32, #tpu.memory_space<hbm>>
      tpu.wait_dma2 semaphore(%run_scoped3A : memref<!tpu.dma_semaphore, #tpu.memory_space<semaphore_mem>>) src(%arg8 : memref<128x128xf32, #tpu.memory_space<vmem>>) dst(%dma_wait3A_47 : memref<128x128xf32, #tpu.memory_space<hbm>>)
      tpu.yield
    }) : () -> ()
    %add3A_38 = arith.constant 512 : i32
    %add3A_39 = arith.addi %mul3A_2, %add3A_38 : i32
    "tpu.region"() ({
      %run_scoped3A = tpu.sem_alloc : memref<!tpu.dma_semaphore, #tpu.memory_space<semaphore_mem>>
      %dma_start3A = arith.constant 0 : i32
      %dma_start3A_42 = arith.constant 0 : i32
      %dma_start3A_43 = tpu.memref_slice %arg8[%dma_start3A, %dma_start3A_42] : memref<128x128xf32, #tpu.memory_space<vmem>> -> memref<120x128xf32, #tpu.memory_space<vmem>>
      %dma_start3A_44 = arith.constant 0 : i32
      %dma_start3A_45 = tpu.memref_slice %arg9[%add3A_39, %dma_start3A_44] : memref<10112x128xf32, #tpu.memory_space<vmem_shared>> -> memref<120x128xf32, #tpu.memory_space<vmem_shared>>
      %dma_start3A_46 = arith.constant 0 : i32
      %dma_start3A_47 = arith.constant 0 : i32
      %dma_start3A_48 = tpu.memref_slice %arg8[%dma_start3A_46, %dma_start3A_47] : memref<128x128xf32, #tpu.memory_space<vmem>> -> memref<120x128xf32, #tpu.memory_space<vmem>>
      %dma_start3A_49 = arith.constant 0 : i32
      %dma_start3A_50 = tpu.memref_slice %arg9[%add3A_39, %dma_start3A_49] : memref<10112x128xf32, #tpu.memory_space<vmem_shared>> -> memref<120x128xf32, #tpu.memory_space<vmem_shared>>
      tpu.enqueue_dma source(%dma_start3A_50 : memref<120x128xf32, #tpu.memory_space<vmem_shared>>) target(%dma_start3A_48 : memref<120x128xf32, #tpu.memory_space<vmem>>) target_semaphore(%run_scoped3A : memref<!tpu.dma_semaphore, #tpu.memory_space<semaphore_mem>>)
      %dma_wait3A = arith.constant 0 : i32
      %dma_wait3A_51 = arith.constant 0 : i32
      %dma_wait3A_52 = tpu.memref_slice %arg8[%dma_wait3A, %dma_wait3A_51] : memref<128x128xf32, #tpu.memory_space<vmem>> -> memref<120x128xf32, #tpu.memory_space<vmem>>
      %dma_wait3A_53 = arith.constant 0 : i32
      %dma_wait3A_54 = tpu.memref_slice %arg9[%add3A_39, %dma_wait3A_53] : memref<10112x128xf32, #tpu.memory_space<vmem_shared>> -> memref<120x128xf32, #tpu.memory_space<vmem_shared>>
      %dma_wait3A_55 = arith.constant 0 : i32
      %dma_wait3A_56 = arith.constant 0 : i32
      %dma_wait3A_57 = tpu.memref_slice %arg8[%dma_wait3A_55, %dma_wait3A_56] : memref<128x128xf32, #tpu.memory_space<vmem>> -> memref<120x128xf32, #tpu.memory_space<vmem>>
      %dma_wait3A_58 = arith.constant 0 : i32
      %dma_wait3A_59 = tpu.memref_slice %arg9[%add3A_39, %dma_wait3A_58] : memref<10112x128xf32, #tpu.memory_space<vmem_shared>> -> memref<120x128xf32, #tpu.memory_space<vmem_shared>>
      tpu.wait_dma2 semaphore(%run_scoped3A : memref<!tpu.dma_semaphore, #tpu.memory_space<semaphore_mem>>) src(%dma_wait3A_59 : memref<120x128xf32, #tpu.memory_space<vmem_shared>>) dst(%dma_wait3A_57 : memref<120x128xf32, #tpu.memory_space<vmem>>)
      tpu.yield
    }) : () -> ()
    %add3A_40 = arith.constant 512 : i32
    %add3A_41 = arith.addi %add3A_21, %add3A_40 : i32
    "tpu.region"() ({
      %run_scoped3A = tpu.sem_alloc : memref<!tpu.dma_semaphore, #tpu.memory_space<semaphore_mem>>
      %dma_start3A = arith.constant 0 : i32
      %dma_start3A_42 = arith.constant 0 : i32
      %dma_start3A_43 = tpu.memref_slice %arg8[%dma_start3A, %dma_start3A_42] : memref<128x128xf32, #tpu.memory_space<vmem>> -> memref<120x128xf32, #tpu.memory_space<vmem>>
      %dma_start3A_44 = arith.constant 0 : i32
      %dma_start3A_45 = tpu.memref_slice %arg5[%add3A_41, %dma_start3A_44] : memref<20224x128xf32, #tpu.memory_space<hbm>> -> memref<120x128xf32, #tpu.memory_space<hbm>>
      %dma_start3A_46 = arith.constant 0 : i32
      %dma_start3A_47 = tpu.memref_slice %arg5[%add3A_41, %dma_start3A_46] : memref<20224x128xf32, #tpu.memory_space<hbm>> -> memref<120x128xf32, #tpu.memory_space<hbm>>
      %dma_start3A_48 = arith.constant 0 : i32
      %dma_start3A_49 = arith.constant 0 : i32
      %dma_start3A_50 = tpu.memref_slice %arg8[%dma_start3A_48, %dma_start3A_49] : memref<128x128xf32, #tpu.memory_space<vmem>> -> memref<120x128xf32, #tpu.memory_space<vmem>>
      tpu.enqueue_dma source(%dma_start3A_50 : memref<120x128xf32, #tpu.memory_space<vmem>>) target(%dma_start3A_47 : memref<120x128xf32, #tpu.memory_space<hbm>>) target_semaphore(%run_scoped3A : memref<!tpu.dma_semaphore, #tpu.memory_space<semaphore_mem>>)
      %dma_wait3A = arith.constant 0 : i32
      %dma_wait3A_51 = arith.constant 0 : i32
      %dma_wait3A_52 = tpu.memref_slice %arg8[%dma_wait3A, %dma_wait3A_51] : memref<128x128xf32, #tpu.memory_space<vmem>> -> memref<120x128xf32, #tpu.memory_space<vmem>>
      %dma_wait3A_53 = arith.constant 0 : i32
      %dma_wait3A_54 = tpu.memref_slice %arg5[%add3A_41, %dma_wait3A_53] : memref<20224x128xf32, #tpu.memory_space<hbm>> -> memref<120x128xf32, #tpu.memory_space<hbm>>
      %dma_wait3A_55 = arith.constant 0 : i32
      %dma_wait3A_56 = tpu.memref_slice %arg5[%add3A_41, %dma_wait3A_55] : memref<20224x128xf32, #tpu.memory_space<hbm>> -> memref<120x128xf32, #tpu.memory_space<hbm>>
      %dma_wait3A_57 = arith.constant 0 : i32
      %dma_wait3A_58 = arith.constant 0 : i32
      %dma_wait3A_59 = tpu.memref_slice %arg8[%dma_wait3A_57, %dma_wait3A_58] : memref<128x128xf32, #tpu.memory_space<vmem>> -> memref<120x128xf32, #tpu.memory_space<vmem>>
      tpu.wait_dma2 semaphore(%run_scoped3A : memref<!tpu.dma_semaphore, #tpu.memory_space<semaphore_mem>>) src(%dma_wait3A_59 : memref<120x128xf32, #tpu.memory_space<vmem>>) dst(%dma_wait3A_56 : memref<120x128xf32, #tpu.memory_space<hbm>>)
      tpu.yield
    }) : () -> ()
    return
  }
}

#map = affine_map<(d0, d1) -> (0, 0)>
module attributes {stable_mosaic.version = 14 : i64} {
  func.func @_sc_scatter_body(%arg0: i32, %arg1: i32, %arg2: memref<10000x128xf32, #tpu.memory_space<hbm>>, %arg3: memref<10000x128xf32, #tpu.memory_space<hbm>>, %arg4: memref<2560x128xi32, #tpu.memory_space<hbm>>, %arg5: memref<128x128xf32, #tpu.memory_space<hbm>>, %arg6: memref<20224x128xf32, #tpu.memory_space<hbm>>, %arg7: memref<32x128xi32, #tpu.memory_space<vmem>>, %arg8: memref<128x128xf32, #tpu.memory_space<vmem>>, %arg9: memref<128x128xf32, #tpu.memory_space<vmem>>, %arg10: memref<10112x128xf32, #tpu.memory_space<vmem_shared>>, %arg11: memref<!tpu.dma_semaphore, #tpu.memory_space<semaphore_mem>>, %arg12: memref<!tpu.dma_semaphore, #tpu.memory_space<semaphore_mem>>, %arg13: memref<!tpu.dma_semaphore, #tpu.memory_space<semaphore_mem>>) attributes {dimension_semantics = [#tpu.dimension_semantics<core_parallel>, #tpu.dimension_semantics<subcore_parallel>], iteration_bounds = array<i64: 2, 16>, scalar_prefetch = 0 : i64, scratch_operands = 7 : i64, tpu.core_type = #tpu.core_type<sc_vector_subcore>, window_params = [{transform_indices = #map}, {transform_indices = #map}, {transform_indices = #map}, {transform_indices = #map}, {transform_indices = #map}]} {
    %mul3A = arith.constant 632 : i32
    %mul3A_0 = arith.muli %arg1, %mul3A : i32
    %mul3A_1 = arith.constant 160 : i32
    %mul3A_2 = arith.muli %arg1, %mul3A_1 : i32
    "tpu.region"() ({
      %run_scoped3A = tpu.sem_alloc : memref<!tpu.dma_semaphore, #tpu.memory_space<semaphore_mem>>
      tpu.enqueue_dma source(%arg5 : memref<128x128xf32, #tpu.memory_space<hbm>>) target(%arg8 : memref<128x128xf32, #tpu.memory_space<vmem>>) target_semaphore(%run_scoped3A : memref<!tpu.dma_semaphore, #tpu.memory_space<semaphore_mem>>)
      tpu.wait_dma2 semaphore(%run_scoped3A : memref<!tpu.dma_semaphore, #tpu.memory_space<semaphore_mem>>) src(%arg5 : memref<128x128xf32, #tpu.memory_space<hbm>>) dst(%arg8 : memref<128x128xf32, #tpu.memory_space<vmem>>)
      tpu.yield
    }) : () -> ()
    %add3A = arith.constant 0 : i32
    %add3A_3 = arith.addi %mul3A_0, %add3A : i32
    "tpu.region"() ({
      %run_scoped3A = tpu.sem_alloc : memref<!tpu.dma_semaphore, #tpu.memory_space<semaphore_mem>>
      %dma_start3A_52 = arith.constant 0 : i32
      %dma_start3A_53 = tpu.memref_slice %arg10[%add3A_3, %dma_start3A_52] : memref<10112x128xf32, #tpu.memory_space<vmem_shared>> -> memref<128x128xf32, #tpu.memory_space<vmem_shared>>
      %dma_start3A_54 = arith.constant 0 : i32
      %dma_start3A_55 = tpu.memref_slice %arg10[%add3A_3, %dma_start3A_54] : memref<10112x128xf32, #tpu.memory_space<vmem_shared>> -> memref<128x128xf32, #tpu.memory_space<vmem_shared>>
      tpu.enqueue_dma source(%arg8 : memref<128x128xf32, #tpu.memory_space<vmem>>) target(%dma_start3A_55 : memref<128x128xf32, #tpu.memory_space<vmem_shared>>) target_semaphore(%run_scoped3A : memref<!tpu.dma_semaphore, #tpu.memory_space<semaphore_mem>>)
      %dma_wait3A = arith.constant 0 : i32
      %dma_wait3A_56 = tpu.memref_slice %arg10[%add3A_3, %dma_wait3A] : memref<10112x128xf32, #tpu.memory_space<vmem_shared>> -> memref<128x128xf32, #tpu.memory_space<vmem_shared>>
      %dma_wait3A_57 = arith.constant 0 : i32
      %dma_wait3A_58 = tpu.memref_slice %arg10[%add3A_3, %dma_wait3A_57] : memref<10112x128xf32, #tpu.memory_space<vmem_shared>> -> memref<128x128xf32, #tpu.memory_space<vmem_shared>>
      tpu.wait_dma2 semaphore(%run_scoped3A : memref<!tpu.dma_semaphore, #tpu.memory_space<semaphore_mem>>) src(%arg8 : memref<128x128xf32, #tpu.memory_space<vmem>>) dst(%dma_wait3A_58 : memref<128x128xf32, #tpu.memory_space<vmem_shared>>)
      tpu.yield
    }) : () -> ()
    %add3A_4 = arith.constant 128 : i32
    %add3A_5 = arith.addi %mul3A_0, %add3A_4 : i32
    "tpu.region"() ({
      %run_scoped3A = tpu.sem_alloc : memref<!tpu.dma_semaphore, #tpu.memory_space<semaphore_mem>>
      %dma_start3A_52 = arith.constant 0 : i32
      %dma_start3A_53 = tpu.memref_slice %arg10[%add3A_5, %dma_start3A_52] : memref<10112x128xf32, #tpu.memory_space<vmem_shared>> -> memref<128x128xf32, #tpu.memory_space<vmem_shared>>
      %dma_start3A_54 = arith.constant 0 : i32
      %dma_start3A_55 = tpu.memref_slice %arg10[%add3A_5, %dma_start3A_54] : memref<10112x128xf32, #tpu.memory_space<vmem_shared>> -> memref<128x128xf32, #tpu.memory_space<vmem_shared>>
      tpu.enqueue_dma source(%arg8 : memref<128x128xf32, #tpu.memory_space<vmem>>) target(%dma_start3A_55 : memref<128x128xf32, #tpu.memory_space<vmem_shared>>) target_semaphore(%run_scoped3A : memref<!tpu.dma_semaphore, #tpu.memory_space<semaphore_mem>>)
      %dma_wait3A = arith.constant 0 : i32
      %dma_wait3A_56 = tpu.memref_slice %arg10[%add3A_5, %dma_wait3A] : memref<10112x128xf32, #tpu.memory_space<vmem_shared>> -> memref<128x128xf32, #tpu.memory_space<vmem_shared>>
      %dma_wait3A_57 = arith.constant 0 : i32
      %dma_wait3A_58 = tpu.memref_slice %arg10[%add3A_5, %dma_wait3A_57] : memref<10112x128xf32, #tpu.memory_space<vmem_shared>> -> memref<128x128xf32, #tpu.memory_space<vmem_shared>>
      tpu.wait_dma2 semaphore(%run_scoped3A : memref<!tpu.dma_semaphore, #tpu.memory_space<semaphore_mem>>) src(%arg8 : memref<128x128xf32, #tpu.memory_space<vmem>>) dst(%dma_wait3A_58 : memref<128x128xf32, #tpu.memory_space<vmem_shared>>)
      tpu.yield
    }) : () -> ()
    %add3A_6 = arith.constant 256 : i32
    %add3A_7 = arith.addi %mul3A_0, %add3A_6 : i32
    "tpu.region"() ({
      %run_scoped3A = tpu.sem_alloc : memref<!tpu.dma_semaphore, #tpu.memory_space<semaphore_mem>>
      %dma_start3A_52 = arith.constant 0 : i32
      %dma_start3A_53 = tpu.memref_slice %arg10[%add3A_7, %dma_start3A_52] : memref<10112x128xf32, #tpu.memory_space<vmem_shared>> -> memref<128x128xf32, #tpu.memory_space<vmem_shared>>
      %dma_start3A_54 = arith.constant 0 : i32
      %dma_start3A_55 = tpu.memref_slice %arg10[%add3A_7, %dma_start3A_54] : memref<10112x128xf32, #tpu.memory_space<vmem_shared>> -> memref<128x128xf32, #tpu.memory_space<vmem_shared>>
      tpu.enqueue_dma source(%arg8 : memref<128x128xf32, #tpu.memory_space<vmem>>) target(%dma_start3A_55 : memref<128x128xf32, #tpu.memory_space<vmem_shared>>) target_semaphore(%run_scoped3A : memref<!tpu.dma_semaphore, #tpu.memory_space<semaphore_mem>>)
      %dma_wait3A = arith.constant 0 : i32
      %dma_wait3A_56 = tpu.memref_slice %arg10[%add3A_7, %dma_wait3A] : memref<10112x128xf32, #tpu.memory_space<vmem_shared>> -> memref<128x128xf32, #tpu.memory_space<vmem_shared>>
      %dma_wait3A_57 = arith.constant 0 : i32
      %dma_wait3A_58 = tpu.memref_slice %arg10[%add3A_7, %dma_wait3A_57] : memref<10112x128xf32, #tpu.memory_space<vmem_shared>> -> memref<128x128xf32, #tpu.memory_space<vmem_shared>>
      tpu.wait_dma2 semaphore(%run_scoped3A : memref<!tpu.dma_semaphore, #tpu.memory_space<semaphore_mem>>) src(%arg8 : memref<128x128xf32, #tpu.memory_space<vmem>>) dst(%dma_wait3A_58 : memref<128x128xf32, #tpu.memory_space<vmem_shared>>)
      tpu.yield
    }) : () -> ()
    %add3A_8 = arith.constant 384 : i32
    %add3A_9 = arith.addi %mul3A_0, %add3A_8 : i32
    "tpu.region"() ({
      %run_scoped3A = tpu.sem_alloc : memref<!tpu.dma_semaphore, #tpu.memory_space<semaphore_mem>>
      %dma_start3A_52 = arith.constant 0 : i32
      %dma_start3A_53 = tpu.memref_slice %arg10[%add3A_9, %dma_start3A_52] : memref<10112x128xf32, #tpu.memory_space<vmem_shared>> -> memref<128x128xf32, #tpu.memory_space<vmem_shared>>
      %dma_start3A_54 = arith.constant 0 : i32
      %dma_start3A_55 = tpu.memref_slice %arg10[%add3A_9, %dma_start3A_54] : memref<10112x128xf32, #tpu.memory_space<vmem_shared>> -> memref<128x128xf32, #tpu.memory_space<vmem_shared>>
      tpu.enqueue_dma source(%arg8 : memref<128x128xf32, #tpu.memory_space<vmem>>) target(%dma_start3A_55 : memref<128x128xf32, #tpu.memory_space<vmem_shared>>) target_semaphore(%run_scoped3A : memref<!tpu.dma_semaphore, #tpu.memory_space<semaphore_mem>>)
      %dma_wait3A = arith.constant 0 : i32
      %dma_wait3A_56 = tpu.memref_slice %arg10[%add3A_9, %dma_wait3A] : memref<10112x128xf32, #tpu.memory_space<vmem_shared>> -> memref<128x128xf32, #tpu.memory_space<vmem_shared>>
      %dma_wait3A_57 = arith.constant 0 : i32
      %dma_wait3A_58 = tpu.memref_slice %arg10[%add3A_9, %dma_wait3A_57] : memref<10112x128xf32, #tpu.memory_space<vmem_shared>> -> memref<128x128xf32, #tpu.memory_space<vmem_shared>>
      tpu.wait_dma2 semaphore(%run_scoped3A : memref<!tpu.dma_semaphore, #tpu.memory_space<semaphore_mem>>) src(%arg8 : memref<128x128xf32, #tpu.memory_space<vmem>>) dst(%dma_wait3A_58 : memref<128x128xf32, #tpu.memory_space<vmem_shared>>)
      tpu.yield
    }) : () -> ()
    %add3A_10 = arith.constant 512 : i32
    %add3A_11 = arith.addi %mul3A_0, %add3A_10 : i32
    "tpu.region"() ({
      %run_scoped3A = tpu.sem_alloc : memref<!tpu.dma_semaphore, #tpu.memory_space<semaphore_mem>>
      %dma_start3A_52 = arith.constant 0 : i32
      %dma_start3A_53 = arith.constant 0 : i32
      %dma_start3A_54 = tpu.memref_slice %arg8[%dma_start3A_52, %dma_start3A_53] : memref<128x128xf32, #tpu.memory_space<vmem>> -> memref<120x128xf32, #tpu.memory_space<vmem>>
      %dma_start3A_55 = arith.constant 0 : i32
      %dma_start3A_56 = tpu.memref_slice %arg10[%add3A_11, %dma_start3A_55] : memref<10112x128xf32, #tpu.memory_space<vmem_shared>> -> memref<120x128xf32, #tpu.memory_space<vmem_shared>>
      %dma_start3A_57 = arith.constant 0 : i32
      %dma_start3A_58 = tpu.memref_slice %arg10[%add3A_11, %dma_start3A_57] : memref<10112x128xf32, #tpu.memory_space<vmem_shared>> -> memref<120x128xf32, #tpu.memory_space<vmem_shared>>
      %dma_start3A_59 = arith.constant 0 : i32
      %dma_start3A_60 = arith.constant 0 : i32
      %dma_start3A_61 = tpu.memref_slice %arg8[%dma_start3A_59, %dma_start3A_60] : memref<128x128xf32, #tpu.memory_space<vmem>> -> memref<120x128xf32, #tpu.memory_space<vmem>>
      tpu.enqueue_dma source(%dma_start3A_61 : memref<120x128xf32, #tpu.memory_space<vmem>>) target(%dma_start3A_58 : memref<120x128xf32, #tpu.memory_space<vmem_shared>>) target_semaphore(%run_scoped3A : memref<!tpu.dma_semaphore, #tpu.memory_space<semaphore_mem>>)
      %dma_wait3A = arith.constant 0 : i32
      %dma_wait3A_62 = arith.constant 0 : i32
      %dma_wait3A_63 = tpu.memref_slice %arg8[%dma_wait3A, %dma_wait3A_62] : memref<128x128xf32, #tpu.memory_space<vmem>> -> memref<120x128xf32, #tpu.memory_space<vmem>>
      %dma_wait3A_64 = arith.constant 0 : i32
      %dma_wait3A_65 = tpu.memref_slice %arg10[%add3A_11, %dma_wait3A_64] : memref<10112x128xf32, #tpu.memory_space<vmem_shared>> -> memref<120x128xf32, #tpu.memory_space<vmem_shared>>
      %dma_wait3A_66 = arith.constant 0 : i32
      %dma_wait3A_67 = tpu.memref_slice %arg10[%add3A_11, %dma_wait3A_66] : memref<10112x128xf32, #tpu.memory_space<vmem_shared>> -> memref<120x128xf32, #tpu.memory_space<vmem_shared>>
      %dma_wait3A_68 = arith.constant 0 : i32
      %dma_wait3A_69 = arith.constant 0 : i32
      %dma_wait3A_70 = tpu.memref_slice %arg8[%dma_wait3A_68, %dma_wait3A_69] : memref<128x128xf32, #tpu.memory_space<vmem>> -> memref<120x128xf32, #tpu.memory_space<vmem>>
      tpu.wait_dma2 semaphore(%run_scoped3A : memref<!tpu.dma_semaphore, #tpu.memory_space<semaphore_mem>>) src(%dma_wait3A_70 : memref<120x128xf32, #tpu.memory_space<vmem>>) dst(%dma_wait3A_67 : memref<120x128xf32, #tpu.memory_space<vmem_shared>>)
      tpu.yield
    }) : () -> ()
    %dma_start3A = arith.constant 0 : i32
    %dma_start3A_12 = arith.constant 0 : i32
    %dma_start3A_13 = tpu.memref_slice %arg7[%dma_start3A, %dma_start3A_12] : memref<32x128xi32, #tpu.memory_space<vmem>> -> memref<16x128xi32, #tpu.memory_space<vmem>>
    %dma_start3A_14 = arith.constant 0 : i32
    %dma_start3A_15 = tpu.memref_slice %arg4[%mul3A_2, %dma_start3A_14] : memref<2560x128xi32, #tpu.memory_space<hbm>> -> memref<16x128xi32, #tpu.memory_space<hbm>>
    %dma_start3A_16 = arith.constant 0 : i32
    %dma_start3A_17 = arith.constant 0 : i32
    %dma_start3A_18 = tpu.memref_slice %arg7[%dma_start3A_16, %dma_start3A_17] : memref<32x128xi32, #tpu.memory_space<vmem>> -> memref<16x128xi32, #tpu.memory_space<vmem>>
    %dma_start3A_19 = arith.constant 0 : i32
    %dma_start3A_20 = tpu.memref_slice %arg4[%mul3A_2, %dma_start3A_19] : memref<2560x128xi32, #tpu.memory_space<hbm>> -> memref<16x128xi32, #tpu.memory_space<hbm>>
    tpu.enqueue_dma source(%dma_start3A_20 : memref<16x128xi32, #tpu.memory_space<hbm>>) target(%dma_start3A_18 : memref<16x128xi32, #tpu.memory_space<vmem>>) target_semaphore(%arg13 : memref<!tpu.dma_semaphore, #tpu.memory_space<semaphore_mem>>)
    %barrier3A = arith.constant 0 : index
    tpu.barrier barrier_id(%barrier3A)
    %eq3A = arith.constant 0 : i32
    %eq3A_21 = arith.cmpi eq, %arg0, %eq3A : i32
    %convert_element_type3A = arith.extui %eq3A_21 : i1 to i32
    %cond3A = arith.constant 0 : i32
    %cond3A_22 = arith.cmpi ne, %convert_element_type3A, %cond3A : i32
    scf.if %cond3A_22 {
      %scan3A = arith.constant 0 : i32
      %scan3A_52 = arith.constant 0 : i32
      %scan3A_53 = arith.constant 10 : i32
      %scan3A_54 = arith.addi %scan3A_52, %scan3A_53 : i32
      %scan3A_55 = arith.constant 1 : i32
      scf.for %scan3A_57 = %scan3A_52 to %scan3A_54 step %scan3A_55  : i32 {
        %jit3A = arith.constant 2 : i32
        %eq3A_58 = arith.constant 0 : i32
        %eq3A_59 = arith.cmpi eq, %jit3A, %eq3A_58 : i32
        %jit3A_60 = arith.constant 1 : i32
        %select_n3A = arith.select %eq3A_59, %jit3A_60, %jit3A : i32
        %rem3A = arith.remsi %scan3A_57, %select_n3A : i32
        %ne3A = arith.constant 0 : i32
        %ne3A_61 = arith.cmpi ne, %rem3A, %ne3A : i32
        %lt3A = arith.constant 0 : i32
        %lt3A_62 = arith.cmpi slt, %rem3A, %lt3A : i32
        %lt3A_63 = arith.constant 0 : i32
        %lt3A_64 = arith.cmpi slt, %select_n3A, %lt3A_63 : i32
        %ne3A_65 = arith.xori %lt3A_62, %lt3A_64 : i1
        %and3A = arith.andi %ne3A_65, %ne3A_61 : i1
        %add3A_66 = arith.addi %rem3A, %select_n3A : i32
        %select_n3A_67 = arith.select %and3A, %add3A_66, %rem3A : i32
        %mul3A_68 = arith.constant 16 : i32
        %mul3A_69 = arith.muli %select_n3A_67, %mul3A_68 : i32
        %dma_wait3A = arith.constant 0 : i32
        %dma_wait3A_70 = arith.constant 0 : i32
        %dma_wait3A_71 = tpu.memref_slice %arg7[%dma_wait3A, %dma_wait3A_70] : memref<32x128xi32, #tpu.memory_space<vmem>> -> memref<16x128xi32, #tpu.memory_space<vmem>>
        %dma_wait3A_72 = arith.constant 0 : i32
        %dma_wait3A_73 = tpu.memref_slice %arg4[%mul3A_2, %dma_wait3A_72] : memref<2560x128xi32, #tpu.memory_space<hbm>> -> memref<16x128xi32, #tpu.memory_space<hbm>>
        %dma_wait3A_74 = arith.constant 0 : i32
        %dma_wait3A_75 = arith.constant 0 : i32
        %dma_wait3A_76 = tpu.memref_slice %arg7[%dma_wait3A_74, %dma_wait3A_75] : memref<32x128xi32, #tpu.memory_space<vmem>> -> memref<16x128xi32, #tpu.memory_space<vmem>>
        %dma_wait3A_77 = arith.constant 0 : i32
        %dma_wait3A_78 = tpu.memref_slice %arg4[%mul3A_2, %dma_wait3A_77] : memref<2560x128xi32, #tpu.memory_space<hbm>> -> memref<16x128xi32, #tpu.memory_space<hbm>>
        tpu.wait_dma2 semaphore(%arg13 : memref<!tpu.dma_semaphore, #tpu.memory_space<semaphore_mem>>) src(%dma_wait3A_78 : memref<16x128xi32, #tpu.memory_space<hbm>>) dst(%dma_wait3A_76 : memref<16x128xi32, #tpu.memory_space<vmem>>)
        %lt3A_79 = arith.constant 9 : i32
        %lt3A_80 = arith.cmpi slt, %scan3A_57, %lt3A_79 : i32
        %convert_element_type3A_81 = arith.extui %lt3A_80 : i1 to i32
        %cond3A_82 = arith.constant 0 : i32
        %cond3A_83 = arith.cmpi ne, %convert_element_type3A_81, %cond3A_82 : i32
        scf.if %cond3A_83 {
          %sub3A = arith.constant 16 : i32
          %sub3A_272 = arith.subi %sub3A, %mul3A_69 : i32
          %add3A_273 = arith.constant 1 : i32
          %add3A_274 = arith.addi %scan3A_57, %add3A_273 : i32
          %mul3A_275 = arith.constant 16 : i32
          %mul3A_276 = arith.muli %add3A_274, %mul3A_275 : i32
          %add3A_277 = arith.addi %mul3A_2, %mul3A_276 : i32
          %dma_start3A_278 = arith.constant 0 : i32
          %dma_start3A_279 = tpu.memref_slice %arg7[%sub3A_272, %dma_start3A_278] : memref<32x128xi32, #tpu.memory_space<vmem>> -> memref<16x128xi32, #tpu.memory_space<vmem>>
          %dma_start3A_280 = arith.constant 0 : i32
          %dma_start3A_281 = tpu.memref_slice %arg4[%add3A_277, %dma_start3A_280] : memref<2560x128xi32, #tpu.memory_space<hbm>> -> memref<16x128xi32, #tpu.memory_space<hbm>>
          %dma_start3A_282 = arith.constant 0 : i32
          %dma_start3A_283 = tpu.memref_slice %arg7[%sub3A_272, %dma_start3A_282] : memref<32x128xi32, #tpu.memory_space<vmem>> -> memref<16x128xi32, #tpu.memory_space<vmem>>
          %dma_start3A_284 = arith.constant 0 : i32
          %dma_start3A_285 = tpu.memref_slice %arg4[%add3A_277, %dma_start3A_284] : memref<2560x128xi32, #tpu.memory_space<hbm>> -> memref<16x128xi32, #tpu.memory_space<hbm>>
          tpu.enqueue_dma source(%dma_start3A_285 : memref<16x128xi32, #tpu.memory_space<hbm>>) target(%dma_start3A_283 : memref<16x128xi32, #tpu.memory_space<vmem>>) target_semaphore(%arg13 : memref<!tpu.dma_semaphore, #tpu.memory_space<semaphore_mem>>)
        } else {
        }
        %dma_start3A_84 = arith.constant 0 : i32
        %dma_start3A_85 = tpu.memref_slice %arg7[%mul3A_69, %dma_start3A_84] : memref<32x128xi32, #tpu.memory_space<vmem>> -> memref<1x128xi32, #tpu.memory_space<vmem>>
        %dma_start3A_86 = tpu.memref_squeeze %dma_start3A_85 : memref<1x128xi32, #tpu.memory_space<vmem>> -> memref<128xi32, #tpu.memory_space<vmem>>
        %dma_start3A_87 = arith.constant 0 : i32
        %dma_start3A_88 = arith.constant 0 : i32
        %dma_start3A_89 = tpu.memref_slice %arg2[%dma_start3A_87, %dma_start3A_88] : memref<10000x128xf32, #tpu.memory_space<hbm>> -> memref<10000x128xf32, #tpu.memory_space<hbm>>
        tpu.enqueue_indirect_dma source(%dma_start3A_89 : memref<10000x128xf32, #tpu.memory_space<hbm>>) target(%arg8 : memref<128x128xf32, #tpu.memory_space<vmem>>) offsets(%dma_start3A_86 : memref<128xi32, #tpu.memory_space<vmem>>) semaphore(%arg11 : memref<!tpu.dma_semaphore, #tpu.memory_space<semaphore_mem>>)
        %add3A_90 = arith.constant 0 : i32
        %add3A_91 = arith.addi %mul3A_69, %add3A_90 : i32
        %dma_wait3A_92 = arith.constant 0 : i32
        %dma_wait3A_93 = tpu.memref_slice %arg7[%add3A_91, %dma_wait3A_92] : memref<32x128xi32, #tpu.memory_space<vmem>> -> memref<1x128xi32, #tpu.memory_space<vmem>>
        %dma_wait3A_94 = tpu.memref_squeeze %dma_wait3A_93 : memref<1x128xi32, #tpu.memory_space<vmem>> -> memref<128xi32, #tpu.memory_space<vmem>>
        %dma_wait3A_95 = arith.constant 0 : i32
        %dma_wait3A_96 = arith.constant 0 : i32
        %dma_wait3A_97 = tpu.memref_slice %arg2[%dma_wait3A_95, %dma_wait3A_96] : memref<10000x128xf32, #tpu.memory_space<hbm>> -> memref<10000x128xf32, #tpu.memory_space<hbm>>
        tpu.wait_indirect_dma semaphore(%arg11 : memref<!tpu.dma_semaphore, #tpu.memory_space<semaphore_mem>>) src(%dma_wait3A_97 : memref<10000x128xf32, #tpu.memory_space<hbm>>) dst(%arg8 : memref<128x128xf32, #tpu.memory_space<vmem>>)
        %add3A_98 = arith.constant 0 : i32
        %add3A_99 = arith.addi %mul3A_69, %add3A_98 : i32
        %add3A_100 = arith.constant 1 : i32
        %add3A_101 = arith.addi %add3A_99, %add3A_100 : i32
        %dma_start3A_102 = arith.constant 0 : i32
        %dma_start3A_103 = tpu.memref_slice %arg7[%add3A_101, %dma_start3A_102] : memref<32x128xi32, #tpu.memory_space<vmem>> -> memref<1x128xi32, #tpu.memory_space<vmem>>
        %dma_start3A_104 = tpu.memref_squeeze %dma_start3A_103 : memref<1x128xi32, #tpu.memory_space<vmem>> -> memref<128xi32, #tpu.memory_space<vmem>>
        %dma_start3A_105 = arith.constant 0 : i32
        %dma_start3A_106 = arith.constant 0 : i32
        %dma_start3A_107 = tpu.memref_slice %arg2[%dma_start3A_105, %dma_start3A_106] : memref<10000x128xf32, #tpu.memory_space<hbm>> -> memref<10000x128xf32, #tpu.memory_space<hbm>>
        tpu.enqueue_indirect_dma source(%dma_start3A_107 : memref<10000x128xf32, #tpu.memory_space<hbm>>) target(%arg9 : memref<128x128xf32, #tpu.memory_space<vmem>>) offsets(%dma_start3A_104 : memref<128xi32, #tpu.memory_space<vmem>>) semaphore(%arg12 : memref<!tpu.dma_semaphore, #tpu.memory_space<semaphore_mem>>)
        %add3A_108 = arith.constant 8 : i32
        %add3A_109 = arith.addi %mul3A_69, %add3A_108 : i32
        %add3A_110 = arith.constant 0 : i32
        %add3A_111 = arith.addi %add3A_109, %add3A_110 : i32
        "tpu.region"() ({
          %run_scoped3A = tpu.sem_alloc : memref<!tpu.dma_semaphore, #tpu.memory_space<semaphore_mem>>
          %dma_start3A_272 = arith.constant 0 : i32
          %dma_start3A_273 = tpu.memref_slice %arg7[%add3A_111, %dma_start3A_272] : memref<32x128xi32, #tpu.memory_space<vmem>> -> memref<1x128xi32, #tpu.memory_space<vmem>>
          %dma_start3A_274 = tpu.memref_squeeze %dma_start3A_273 : memref<1x128xi32, #tpu.memory_space<vmem>> -> memref<128xi32, #tpu.memory_space<vmem>>
          %dma_start3A_275 = arith.constant 0 : i32
          %dma_start3A_276 = arith.constant 0 : i32
          %dma_start3A_277 = tpu.memref_slice %arg10[%dma_start3A_275, %dma_start3A_276] : memref<10112x128xf32, #tpu.memory_space<vmem_shared>> -> memref<10112x128xf32, #tpu.memory_space<vmem_shared>>
          tpu.enqueue_indirect_dma source(%arg8 : memref<128x128xf32, #tpu.memory_space<vmem>>) target(%dma_start3A_277 : memref<10112x128xf32, #tpu.memory_space<vmem_shared>>) offsets(%dma_start3A_274 : memref<128xi32, #tpu.memory_space<vmem>>) semaphore(%run_scoped3A : memref<!tpu.dma_semaphore, #tpu.memory_space<semaphore_mem>>) {add = true}
          %dma_wait3A_278 = arith.constant 0 : i32
          %dma_wait3A_279 = tpu.memref_slice %arg7[%add3A_111, %dma_wait3A_278] : memref<32x128xi32, #tpu.memory_space<vmem>> -> memref<1x128xi32, #tpu.memory_space<vmem>>
          %dma_wait3A_280 = tpu.memref_squeeze %dma_wait3A_279 : memref<1x128xi32, #tpu.memory_space<vmem>> -> memref<128xi32, #tpu.memory_space<vmem>>
          %dma_wait3A_281 = arith.constant 0 : i32
          %dma_wait3A_282 = arith.constant 0 : i32
          %dma_wait3A_283 = tpu.memref_slice %arg10[%dma_wait3A_281, %dma_wait3A_282] : memref<10112x128xf32, #tpu.memory_space<vmem_shared>> -> memref<10112x128xf32, #tpu.memory_space<vmem_shared>>
          tpu.wait_indirect_dma semaphore(%run_scoped3A : memref<!tpu.dma_semaphore, #tpu.memory_space<semaphore_mem>>) src(%arg8 : memref<128x128xf32, #tpu.memory_space<vmem>>) dst(%dma_wait3A_283 : memref<10112x128xf32, #tpu.memory_space<vmem_shared>>)
          tpu.yield
        }) : () -> ()
        %add3A_112 = arith.constant 0 : i32
        %add3A_113 = arith.addi %mul3A_69, %add3A_112 : i32
        %add3A_114 = arith.constant 2 : i32
        %add3A_115 = arith.addi %add3A_113, %add3A_114 : i32
        %dma_start3A_116 = arith.constant 0 : i32
        %dma_start3A_117 = tpu.memref_slice %arg7[%add3A_115, %dma_start3A_116] : memref<32x128xi32, #tpu.memory_space<vmem>> -> memref<1x128xi32, #tpu.memory_space<vmem>>
        %dma_start3A_118 = tpu.memref_squeeze %dma_start3A_117 : memref<1x128xi32, #tpu.memory_space<vmem>> -> memref<128xi32, #tpu.memory_space<vmem>>
        %dma_start3A_119 = arith.constant 0 : i32
        %dma_start3A_120 = arith.constant 0 : i32
        %dma_start3A_121 = tpu.memref_slice %arg2[%dma_start3A_119, %dma_start3A_120] : memref<10000x128xf32, #tpu.memory_space<hbm>> -> memref<10000x128xf32, #tpu.memory_space<hbm>>
        tpu.enqueue_indirect_dma source(%dma_start3A_121 : memref<10000x128xf32, #tpu.memory_space<hbm>>) target(%arg8 : memref<128x128xf32, #tpu.memory_space<vmem>>) offsets(%dma_start3A_118 : memref<128xi32, #tpu.memory_space<vmem>>) semaphore(%arg11 : memref<!tpu.dma_semaphore, #tpu.memory_space<semaphore_mem>>)
        %add3A_122 = arith.constant 0 : i32
        %add3A_123 = arith.addi %mul3A_69, %add3A_122 : i32
        %add3A_124 = arith.constant 1 : i32
        %add3A_125 = arith.addi %add3A_123, %add3A_124 : i32
        %dma_wait3A_126 = arith.constant 0 : i32
        %dma_wait3A_127 = tpu.memref_slice %arg7[%add3A_125, %dma_wait3A_126] : memref<32x128xi32, #tpu.memory_space<vmem>> -> memref<1x128xi32, #tpu.memory_space<vmem>>
        %dma_wait3A_128 = tpu.memref_squeeze %dma_wait3A_127 : memref<1x128xi32, #tpu.memory_space<vmem>> -> memref<128xi32, #tpu.memory_space<vmem>>
        %dma_wait3A_129 = arith.constant 0 : i32
        %dma_wait3A_130 = arith.constant 0 : i32
        %dma_wait3A_131 = tpu.memref_slice %arg2[%dma_wait3A_129, %dma_wait3A_130] : memref<10000x128xf32, #tpu.memory_space<hbm>> -> memref<10000x128xf32, #tpu.memory_space<hbm>>
        tpu.wait_indirect_dma semaphore(%arg12 : memref<!tpu.dma_semaphore, #tpu.memory_space<semaphore_mem>>) src(%dma_wait3A_131 : memref<10000x128xf32, #tpu.memory_space<hbm>>) dst(%arg9 : memref<128x128xf32, #tpu.memory_space<vmem>>)
        %add3A_132 = arith.constant 8 : i32
        %add3A_133 = arith.addi %mul3A_69, %add3A_132 : i32
        %add3A_134 = arith.constant 0 : i32
        %add3A_135 = arith.addi %add3A_133, %add3A_134 : i32
        %add3A_136 = arith.constant 1 : i32
        %add3A_137 = arith.addi %add3A_135, %add3A_136 : i32
        "tpu.region"() ({
          %run_scoped3A = tpu.sem_alloc : memref<!tpu.dma_semaphore, #tpu.memory_space<semaphore_mem>>
          %dma_start3A_272 = arith.constant 0 : i32
          %dma_start3A_273 = tpu.memref_slice %arg7[%add3A_137, %dma_start3A_272] : memref<32x128xi32, #tpu.memory_space<vmem>> -> memref<1x128xi32, #tpu.memory_space<vmem>>
          %dma_start3A_274 = tpu.memref_squeeze %dma_start3A_273 : memref<1x128xi32, #tpu.memory_space<vmem>> -> memref<128xi32, #tpu.memory_space<vmem>>
          %dma_start3A_275 = arith.constant 0 : i32
          %dma_start3A_276 = arith.constant 0 : i32
          %dma_start3A_277 = tpu.memref_slice %arg10[%dma_start3A_275, %dma_start3A_276] : memref<10112x128xf32, #tpu.memory_space<vmem_shared>> -> memref<10112x128xf32, #tpu.memory_space<vmem_shared>>
          tpu.enqueue_indirect_dma source(%arg9 : memref<128x128xf32, #tpu.memory_space<vmem>>) target(%dma_start3A_277 : memref<10112x128xf32, #tpu.memory_space<vmem_shared>>) offsets(%dma_start3A_274 : memref<128xi32, #tpu.memory_space<vmem>>) semaphore(%run_scoped3A : memref<!tpu.dma_semaphore, #tpu.memory_space<semaphore_mem>>) {add = true}
          %dma_wait3A_278 = arith.constant 0 : i32
          %dma_wait3A_279 = tpu.memref_slice %arg7[%add3A_137, %dma_wait3A_278] : memref<32x128xi32, #tpu.memory_space<vmem>> -> memref<1x128xi32, #tpu.memory_space<vmem>>
          %dma_wait3A_280 = tpu.memref_squeeze %dma_wait3A_279 : memref<1x128xi32, #tpu.memory_space<vmem>> -> memref<128xi32, #tpu.memory_space<vmem>>
          %dma_wait3A_281 = arith.constant 0 : i32
          %dma_wait3A_282 = arith.constant 0 : i32
          %dma_wait3A_283 = tpu.memref_slice %arg10[%dma_wait3A_281, %dma_wait3A_282] : memref<10112x128xf32, #tpu.memory_space<vmem_shared>> -> memref<10112x128xf32, #tpu.memory_space<vmem_shared>>
          tpu.wait_indirect_dma semaphore(%run_scoped3A : memref<!tpu.dma_semaphore, #tpu.memory_space<semaphore_mem>>) src(%arg9 : memref<128x128xf32, #tpu.memory_space<vmem>>) dst(%dma_wait3A_283 : memref<10112x128xf32, #tpu.memory_space<vmem_shared>>)
          tpu.yield
        }) : () -> ()
        %add3A_138 = arith.constant 2 : i32
        %add3A_139 = arith.addi %mul3A_69, %add3A_138 : i32
        %dma_wait3A_140 = arith.constant 0 : i32
        %dma_wait3A_141 = tpu.memref_slice %arg7[%add3A_139, %dma_wait3A_140] : memref<32x128xi32, #tpu.memory_space<vmem>> -> memref<1x128xi32, #tpu.memory_space<vmem>>
        %dma_wait3A_142 = tpu.memref_squeeze %dma_wait3A_141 : memref<1x128xi32, #tpu.memory_space<vmem>> -> memref<128xi32, #tpu.memory_space<vmem>>
        %dma_wait3A_143 = arith.constant 0 : i32
        %dma_wait3A_144 = arith.constant 0 : i32
        %dma_wait3A_145 = tpu.memref_slice %arg2[%dma_wait3A_143, %dma_wait3A_144] : memref<10000x128xf32, #tpu.memory_space<hbm>> -> memref<10000x128xf32, #tpu.memory_space<hbm>>
        tpu.wait_indirect_dma semaphore(%arg11 : memref<!tpu.dma_semaphore, #tpu.memory_space<semaphore_mem>>) src(%dma_wait3A_145 : memref<10000x128xf32, #tpu.memory_space<hbm>>) dst(%arg8 : memref<128x128xf32, #tpu.memory_space<vmem>>)
        %add3A_146 = arith.constant 2 : i32
        %add3A_147 = arith.addi %mul3A_69, %add3A_146 : i32
        %add3A_148 = arith.constant 1 : i32
        %add3A_149 = arith.addi %add3A_147, %add3A_148 : i32
        %dma_start3A_150 = arith.constant 0 : i32
        %dma_start3A_151 = tpu.memref_slice %arg7[%add3A_149, %dma_start3A_150] : memref<32x128xi32, #tpu.memory_space<vmem>> -> memref<1x128xi32, #tpu.memory_space<vmem>>
        %dma_start3A_152 = tpu.memref_squeeze %dma_start3A_151 : memref<1x128xi32, #tpu.memory_space<vmem>> -> memref<128xi32, #tpu.memory_space<vmem>>
        %dma_start3A_153 = arith.constant 0 : i32
        %dma_start3A_154 = arith.constant 0 : i32
        %dma_start3A_155 = tpu.memref_slice %arg2[%dma_start3A_153, %dma_start3A_154] : memref<10000x128xf32, #tpu.memory_space<hbm>> -> memref<10000x128xf32, #tpu.memory_space<hbm>>
        tpu.enqueue_indirect_dma source(%dma_start3A_155 : memref<10000x128xf32, #tpu.memory_space<hbm>>) target(%arg9 : memref<128x128xf32, #tpu.memory_space<vmem>>) offsets(%dma_start3A_152 : memref<128xi32, #tpu.memory_space<vmem>>) semaphore(%arg12 : memref<!tpu.dma_semaphore, #tpu.memory_space<semaphore_mem>>)
        %add3A_156 = arith.constant 8 : i32
        %add3A_157 = arith.addi %mul3A_69, %add3A_156 : i32
        %add3A_158 = arith.constant 2 : i32
        %add3A_159 = arith.addi %add3A_157, %add3A_158 : i32
        "tpu.region"() ({
          %run_scoped3A = tpu.sem_alloc : memref<!tpu.dma_semaphore, #tpu.memory_space<semaphore_mem>>
          %dma_start3A_272 = arith.constant 0 : i32
          %dma_start3A_273 = tpu.memref_slice %arg7[%add3A_159, %dma_start3A_272] : memref<32x128xi32, #tpu.memory_space<vmem>> -> memref<1x128xi32, #tpu.memory_space<vmem>>
          %dma_start3A_274 = tpu.memref_squeeze %dma_start3A_273 : memref<1x128xi32, #tpu.memory_space<vmem>> -> memref<128xi32, #tpu.memory_space<vmem>>
          %dma_start3A_275 = arith.constant 0 : i32
          %dma_start3A_276 = arith.constant 0 : i32
          %dma_start3A_277 = tpu.memref_slice %arg10[%dma_start3A_275, %dma_start3A_276] : memref<10112x128xf32, #tpu.memory_space<vmem_shared>> -> memref<10112x128xf32, #tpu.memory_space<vmem_shared>>
          tpu.enqueue_indirect_dma source(%arg8 : memref<128x128xf32, #tpu.memory_space<vmem>>) target(%dma_start3A_277 : memref<10112x128xf32, #tpu.memory_space<vmem_shared>>) offsets(%dma_start3A_274 : memref<128xi32, #tpu.memory_space<vmem>>) semaphore(%run_scoped3A : memref<!tpu.dma_semaphore, #tpu.memory_space<semaphore_mem>>) {add = true}
          %dma_wait3A_278 = arith.constant 0 : i32
          %dma_wait3A_279 = tpu.memref_slice %arg7[%add3A_159, %dma_wait3A_278] : memref<32x128xi32, #tpu.memory_space<vmem>> -> memref<1x128xi32, #tpu.memory_space<vmem>>
          %dma_wait3A_280 = tpu.memref_squeeze %dma_wait3A_279 : memref<1x128xi32, #tpu.memory_space<vmem>> -> memref<128xi32, #tpu.memory_space<vmem>>
          %dma_wait3A_281 = arith.constant 0 : i32
          %dma_wait3A_282 = arith.constant 0 : i32
          %dma_wait3A_283 = tpu.memref_slice %arg10[%dma_wait3A_281, %dma_wait3A_282] : memref<10112x128xf32, #tpu.memory_space<vmem_shared>> -> memref<10112x128xf32, #tpu.memory_space<vmem_shared>>
          tpu.wait_indirect_dma semaphore(%run_scoped3A : memref<!tpu.dma_semaphore, #tpu.memory_space<semaphore_mem>>) src(%arg8 : memref<128x128xf32, #tpu.memory_space<vmem>>) dst(%dma_wait3A_283 : memref<10112x128xf32, #tpu.memory_space<vmem_shared>>)
          tpu.yield
        }) : () -> ()
        %add3A_160 = arith.constant 2 : i32
        %add3A_161 = arith.addi %mul3A_69, %add3A_160 : i32
        %add3A_162 = arith.constant 2 : i32
        %add3A_163 = arith.addi %add3A_161, %add3A_162 : i32
        %dma_start3A_164 = arith.constant 0 : i32
        %dma_start3A_165 = tpu.memref_slice %arg7[%add3A_163, %dma_start3A_164] : memref<32x128xi32, #tpu.memory_space<vmem>> -> memref<1x128xi32, #tpu.memory_space<vmem>>
        %dma_start3A_166 = tpu.memref_squeeze %dma_start3A_165 : memref<1x128xi32, #tpu.memory_space<vmem>> -> memref<128xi32, #tpu.memory_space<vmem>>
        %dma_start3A_167 = arith.constant 0 : i32
        %dma_start3A_168 = arith.constant 0 : i32
        %dma_start3A_169 = tpu.memref_slice %arg2[%dma_start3A_167, %dma_start3A_168] : memref<10000x128xf32, #tpu.memory_space<hbm>> -> memref<10000x128xf32, #tpu.memory_space<hbm>>
        tpu.enqueue_indirect_dma source(%dma_start3A_169 : memref<10000x128xf32, #tpu.memory_space<hbm>>) target(%arg8 : memref<128x128xf32, #tpu.memory_space<vmem>>) offsets(%dma_start3A_166 : memref<128xi32, #tpu.memory_space<vmem>>) semaphore(%arg11 : memref<!tpu.dma_semaphore, #tpu.memory_space<semaphore_mem>>)
        %add3A_170 = arith.constant 2 : i32
        %add3A_171 = arith.addi %mul3A_69, %add3A_170 : i32
        %add3A_172 = arith.constant 1 : i32
        %add3A_173 = arith.addi %add3A_171, %add3A_172 : i32
        %dma_wait3A_174 = arith.constant 0 : i32
        %dma_wait3A_175 = tpu.memref_slice %arg7[%add3A_173, %dma_wait3A_174] : memref<32x128xi32, #tpu.memory_space<vmem>> -> memref<1x128xi32, #tpu.memory_space<vmem>>
        %dma_wait3A_176 = tpu.memref_squeeze %dma_wait3A_175 : memref<1x128xi32, #tpu.memory_space<vmem>> -> memref<128xi32, #tpu.memory_space<vmem>>
        %dma_wait3A_177 = arith.constant 0 : i32
        %dma_wait3A_178 = arith.constant 0 : i32
        %dma_wait3A_179 = tpu.memref_slice %arg2[%dma_wait3A_177, %dma_wait3A_178] : memref<10000x128xf32, #tpu.memory_space<hbm>> -> memref<10000x128xf32, #tpu.memory_space<hbm>>
        tpu.wait_indirect_dma semaphore(%arg12 : memref<!tpu.dma_semaphore, #tpu.memory_space<semaphore_mem>>) src(%dma_wait3A_179 : memref<10000x128xf32, #tpu.memory_space<hbm>>) dst(%arg9 : memref<128x128xf32, #tpu.memory_space<vmem>>)
        %add3A_180 = arith.constant 8 : i32
        %add3A_181 = arith.addi %mul3A_69, %add3A_180 : i32
        %add3A_182 = arith.constant 2 : i32
        %add3A_183 = arith.addi %add3A_181, %add3A_182 : i32
        %add3A_184 = arith.constant 1 : i32
        %add3A_185 = arith.addi %add3A_183, %add3A_184 : i32
        "tpu.region"() ({
          %run_scoped3A = tpu.sem_alloc : memref<!tpu.dma_semaphore, #tpu.memory_space<semaphore_mem>>
          %dma_start3A_272 = arith.constant 0 : i32
          %dma_start3A_273 = tpu.memref_slice %arg7[%add3A_185, %dma_start3A_272] : memref<32x128xi32, #tpu.memory_space<vmem>> -> memref<1x128xi32, #tpu.memory_space<vmem>>
          %dma_start3A_274 = tpu.memref_squeeze %dma_start3A_273 : memref<1x128xi32, #tpu.memory_space<vmem>> -> memref<128xi32, #tpu.memory_space<vmem>>
          %dma_start3A_275 = arith.constant 0 : i32
          %dma_start3A_276 = arith.constant 0 : i32
          %dma_start3A_277 = tpu.memref_slice %arg10[%dma_start3A_275, %dma_start3A_276] : memref<10112x128xf32, #tpu.memory_space<vmem_shared>> -> memref<10112x128xf32, #tpu.memory_space<vmem_shared>>
          tpu.enqueue_indirect_dma source(%arg9 : memref<128x128xf32, #tpu.memory_space<vmem>>) target(%dma_start3A_277 : memref<10112x128xf32, #tpu.memory_space<vmem_shared>>) offsets(%dma_start3A_274 : memref<128xi32, #tpu.memory_space<vmem>>) semaphore(%run_scoped3A : memref<!tpu.dma_semaphore, #tpu.memory_space<semaphore_mem>>) {add = true}
          %dma_wait3A_278 = arith.constant 0 : i32
          %dma_wait3A_279 = tpu.memref_slice %arg7[%add3A_185, %dma_wait3A_278] : memref<32x128xi32, #tpu.memory_space<vmem>> -> memref<1x128xi32, #tpu.memory_space<vmem>>
          %dma_wait3A_280 = tpu.memref_squeeze %dma_wait3A_279 : memref<1x128xi32, #tpu.memory_space<vmem>> -> memref<128xi32, #tpu.memory_space<vmem>>
          %dma_wait3A_281 = arith.constant 0 : i32
          %dma_wait3A_282 = arith.constant 0 : i32
          %dma_wait3A_283 = tpu.memref_slice %arg10[%dma_wait3A_281, %dma_wait3A_282] : memref<10112x128xf32, #tpu.memory_space<vmem_shared>> -> memref<10112x128xf32, #tpu.memory_space<vmem_shared>>
          tpu.wait_indirect_dma semaphore(%run_scoped3A : memref<!tpu.dma_semaphore, #tpu.memory_space<semaphore_mem>>) src(%arg9 : memref<128x128xf32, #tpu.memory_space<vmem>>) dst(%dma_wait3A_283 : memref<10112x128xf32, #tpu.memory_space<vmem_shared>>)
          tpu.yield
        }) : () -> ()
        %add3A_186 = arith.constant 4 : i32
        %add3A_187 = arith.addi %mul3A_69, %add3A_186 : i32
        %dma_wait3A_188 = arith.constant 0 : i32
        %dma_wait3A_189 = tpu.memref_slice %arg7[%add3A_187, %dma_wait3A_188] : memref<32x128xi32, #tpu.memory_space<vmem>> -> memref<1x128xi32, #tpu.memory_space<vmem>>
        %dma_wait3A_190 = tpu.memref_squeeze %dma_wait3A_189 : memref<1x128xi32, #tpu.memory_space<vmem>> -> memref<128xi32, #tpu.memory_space<vmem>>
        %dma_wait3A_191 = arith.constant 0 : i32
        %dma_wait3A_192 = arith.constant 0 : i32
        %dma_wait3A_193 = tpu.memref_slice %arg2[%dma_wait3A_191, %dma_wait3A_192] : memref<10000x128xf32, #tpu.memory_space<hbm>> -> memref<10000x128xf32, #tpu.memory_space<hbm>>
        tpu.wait_indirect_dma semaphore(%arg11 : memref<!tpu.dma_semaphore, #tpu.memory_space<semaphore_mem>>) src(%dma_wait3A_193 : memref<10000x128xf32, #tpu.memory_space<hbm>>) dst(%arg8 : memref<128x128xf32, #tpu.memory_space<vmem>>)
        %add3A_194 = arith.constant 4 : i32
        %add3A_195 = arith.addi %mul3A_69, %add3A_194 : i32
        %add3A_196 = arith.constant 1 : i32
        %add3A_197 = arith.addi %add3A_195, %add3A_196 : i32
        %dma_start3A_198 = arith.constant 0 : i32
        %dma_start3A_199 = tpu.memref_slice %arg7[%add3A_197, %dma_start3A_198] : memref<32x128xi32, #tpu.memory_space<vmem>> -> memref<1x128xi32, #tpu.memory_space<vmem>>
        %dma_start3A_200 = tpu.memref_squeeze %dma_start3A_199 : memref<1x128xi32, #tpu.memory_space<vmem>> -> memref<128xi32, #tpu.memory_space<vmem>>
        %dma_start3A_201 = arith.constant 0 : i32
        %dma_start3A_202 = arith.constant 0 : i32
        %dma_start3A_203 = tpu.memref_slice %arg2[%dma_start3A_201, %dma_start3A_202] : memref<10000x128xf32, #tpu.memory_space<hbm>> -> memref<10000x128xf32, #tpu.memory_space<hbm>>
        tpu.enqueue_indirect_dma source(%dma_start3A_203 : memref<10000x128xf32, #tpu.memory_space<hbm>>) target(%arg9 : memref<128x128xf32, #tpu.memory_space<vmem>>) offsets(%dma_start3A_200 : memref<128xi32, #tpu.memory_space<vmem>>) semaphore(%arg12 : memref<!tpu.dma_semaphore, #tpu.memory_space<semaphore_mem>>)
        %add3A_204 = arith.constant 8 : i32
        %add3A_205 = arith.addi %mul3A_69, %add3A_204 : i32
        %add3A_206 = arith.constant 4 : i32
        %add3A_207 = arith.addi %add3A_205, %add3A_206 : i32
        "tpu.region"() ({
          %run_scoped3A = tpu.sem_alloc : memref<!tpu.dma_semaphore, #tpu.memory_space<semaphore_mem>>
          %dma_start3A_272 = arith.constant 0 : i32
          %dma_start3A_273 = tpu.memref_slice %arg7[%add3A_207, %dma_start3A_272] : memref<32x128xi32, #tpu.memory_space<vmem>> -> memref<1x128xi32, #tpu.memory_space<vmem>>
          %dma_start3A_274 = tpu.memref_squeeze %dma_start3A_273 : memref<1x128xi32, #tpu.memory_space<vmem>> -> memref<128xi32, #tpu.memory_space<vmem>>
          %dma_start3A_275 = arith.constant 0 : i32
          %dma_start3A_276 = arith.constant 0 : i32
          %dma_start3A_277 = tpu.memref_slice %arg10[%dma_start3A_275, %dma_start3A_276] : memref<10112x128xf32, #tpu.memory_space<vmem_shared>> -> memref<10112x128xf32, #tpu.memory_space<vmem_shared>>
          tpu.enqueue_indirect_dma source(%arg8 : memref<128x128xf32, #tpu.memory_space<vmem>>) target(%dma_start3A_277 : memref<10112x128xf32, #tpu.memory_space<vmem_shared>>) offsets(%dma_start3A_274 : memref<128xi32, #tpu.memory_space<vmem>>) semaphore(%run_scoped3A : memref<!tpu.dma_semaphore, #tpu.memory_space<semaphore_mem>>) {add = true}
          %dma_wait3A_278 = arith.constant 0 : i32
          %dma_wait3A_279 = tpu.memref_slice %arg7[%add3A_207, %dma_wait3A_278] : memref<32x128xi32, #tpu.memory_space<vmem>> -> memref<1x128xi32, #tpu.memory_space<vmem>>
          %dma_wait3A_280 = tpu.memref_squeeze %dma_wait3A_279 : memref<1x128xi32, #tpu.memory_space<vmem>> -> memref<128xi32, #tpu.memory_space<vmem>>
          %dma_wait3A_281 = arith.constant 0 : i32
          %dma_wait3A_282 = arith.constant 0 : i32
          %dma_wait3A_283 = tpu.memref_slice %arg10[%dma_wait3A_281, %dma_wait3A_282] : memref<10112x128xf32, #tpu.memory_space<vmem_shared>> -> memref<10112x128xf32, #tpu.memory_space<vmem_shared>>
          tpu.wait_indirect_dma semaphore(%run_scoped3A : memref<!tpu.dma_semaphore, #tpu.memory_space<semaphore_mem>>) src(%arg8 : memref<128x128xf32, #tpu.memory_space<vmem>>) dst(%dma_wait3A_283 : memref<10112x128xf32, #tpu.memory_space<vmem_shared>>)
          tpu.yield
        }) : () -> ()
        %add3A_208 = arith.constant 4 : i32
        %add3A_209 = arith.addi %mul3A_69, %add3A_208 : i32
        %add3A_210 = arith.constant 2 : i32
        %add3A_211 = arith.addi %add3A_209, %add3A_210 : i32
        %dma_start3A_212 = arith.constant 0 : i32
        %dma_start3A_213 = tpu.memref_slice %arg7[%add3A_211, %dma_start3A_212] : memref<32x128xi32, #tpu.memory_space<vmem>> -> memref<1x128xi32, #tpu.memory_space<vmem>>
        %dma_start3A_214 = tpu.memref_squeeze %dma_start3A_213 : memref<1x128xi32, #tpu.memory_space<vmem>> -> memref<128xi32, #tpu.memory_space<vmem>>
        %dma_start3A_215 = arith.constant 0 : i32
        %dma_start3A_216 = arith.constant 0 : i32
        %dma_start3A_217 = tpu.memref_slice %arg2[%dma_start3A_215, %dma_start3A_216] : memref<10000x128xf32, #tpu.memory_space<hbm>> -> memref<10000x128xf32, #tpu.memory_space<hbm>>
        tpu.enqueue_indirect_dma source(%dma_start3A_217 : memref<10000x128xf32, #tpu.memory_space<hbm>>) target(%arg8 : memref<128x128xf32, #tpu.memory_space<vmem>>) offsets(%dma_start3A_214 : memref<128xi32, #tpu.memory_space<vmem>>) semaphore(%arg11 : memref<!tpu.dma_semaphore, #tpu.memory_space<semaphore_mem>>)
        %add3A_218 = arith.constant 4 : i32
        %add3A_219 = arith.addi %mul3A_69, %add3A_218 : i32
        %add3A_220 = arith.constant 1 : i32
        %add3A_221 = arith.addi %add3A_219, %add3A_220 : i32
        %dma_wait3A_222 = arith.constant 0 : i32
        %dma_wait3A_223 = tpu.memref_slice %arg7[%add3A_221, %dma_wait3A_222] : memref<32x128xi32, #tpu.memory_space<vmem>> -> memref<1x128xi32, #tpu.memory_space<vmem>>
        %dma_wait3A_224 = tpu.memref_squeeze %dma_wait3A_223 : memref<1x128xi32, #tpu.memory_space<vmem>> -> memref<128xi32, #tpu.memory_space<vmem>>
        %dma_wait3A_225 = arith.constant 0 : i32
        %dma_wait3A_226 = arith.constant 0 : i32
        %dma_wait3A_227 = tpu.memref_slice %arg2[%dma_wait3A_225, %dma_wait3A_226] : memref<10000x128xf32, #tpu.memory_space<hbm>> -> memref<10000x128xf32, #tpu.memory_space<hbm>>
        tpu.wait_indirect_dma semaphore(%arg12 : memref<!tpu.dma_semaphore, #tpu.memory_space<semaphore_mem>>) src(%dma_wait3A_227 : memref<10000x128xf32, #tpu.memory_space<hbm>>) dst(%arg9 : memref<128x128xf32, #tpu.memory_space<vmem>>)
        %add3A_228 = arith.constant 8 : i32
        %add3A_229 = arith.addi %mul3A_69, %add3A_228 : i32
        %add3A_230 = arith.constant 4 : i32
        %add3A_231 = arith.addi %add3A_229, %add3A_230 : i32
        %add3A_232 = arith.constant 1 : i32
        %add3A_233 = arith.addi %add3A_231, %add3A_232 : i32
        "tpu.region"() ({
          %run_scoped3A = tpu.sem_alloc : memref<!tpu.dma_semaphore, #tpu.memory_space<semaphore_mem>>
          %dma_start3A_272 = arith.constant 0 : i32
          %dma_start3A_273 = tpu.memref_slice %arg7[%add3A_233, %dma_start3A_272] : memref<32x128xi32, #tpu.memory_space<vmem>> -> memref<1x128xi32, #tpu.memory_space<vmem>>
          %dma_start3A_274 = tpu.memref_squeeze %dma_start3A_273 : memref<1x128xi32, #tpu.memory_space<vmem>> -> memref<128xi32, #tpu.memory_space<vmem>>
          %dma_start3A_275 = arith.constant 0 : i32
          %dma_start3A_276 = arith.constant 0 : i32
          %dma_start3A_277 = tpu.memref_slice %arg10[%dma_start3A_275, %dma_start3A_276] : memref<10112x128xf32, #tpu.memory_space<vmem_shared>> -> memref<10112x128xf32, #tpu.memory_space<vmem_shared>>
          tpu.enqueue_indirect_dma source(%arg9 : memref<128x128xf32, #tpu.memory_space<vmem>>) target(%dma_start3A_277 : memref<10112x128xf32, #tpu.memory_space<vmem_shared>>) offsets(%dma_start3A_274 : memref<128xi32, #tpu.memory_space<vmem>>) semaphore(%run_scoped3A : memref<!tpu.dma_semaphore, #tpu.memory_space<semaphore_mem>>) {add = true}
          %dma_wait3A_278 = arith.constant 0 : i32
          %dma_wait3A_279 = tpu.memref_slice %arg7[%add3A_233, %dma_wait3A_278] : memref<32x128xi32, #tpu.memory_space<vmem>> -> memref<1x128xi32, #tpu.memory_space<vmem>>
          %dma_wait3A_280 = tpu.memref_squeeze %dma_wait3A_279 : memref<1x128xi32, #tpu.memory_space<vmem>> -> memref<128xi32, #tpu.memory_space<vmem>>
          %dma_wait3A_281 = arith.constant 0 : i32
          %dma_wait3A_282 = arith.constant 0 : i32
          %dma_wait3A_283 = tpu.memref_slice %arg10[%dma_wait3A_281, %dma_wait3A_282] : memref<10112x128xf32, #tpu.memory_space<vmem_shared>> -> memref<10112x128xf32, #tpu.memory_space<vmem_shared>>
          tpu.wait_indirect_dma semaphore(%run_scoped3A : memref<!tpu.dma_semaphore, #tpu.memory_space<semaphore_mem>>) src(%arg9 : memref<128x128xf32, #tpu.memory_space<vmem>>) dst(%dma_wait3A_283 : memref<10112x128xf32, #tpu.memory_space<vmem_shared>>)
          tpu.yield
        }) : () -> ()
        %add3A_234 = arith.constant 6 : i32
        %add3A_235 = arith.addi %mul3A_69, %add3A_234 : i32
        %dma_wait3A_236 = arith.constant 0 : i32
        %dma_wait3A_237 = tpu.memref_slice %arg7[%add3A_235, %dma_wait3A_236] : memref<32x128xi32, #tpu.memory_space<vmem>> -> memref<1x128xi32, #tpu.memory_space<vmem>>
        %dma_wait3A_238 = tpu.memref_squeeze %dma_wait3A_237 : memref<1x128xi32, #tpu.memory_space<vmem>> -> memref<128xi32, #tpu.memory_space<vmem>>
        %dma_wait3A_239 = arith.constant 0 : i32
        %dma_wait3A_240 = arith.constant 0 : i32
        %dma_wait3A_241 = tpu.memref_slice %arg2[%dma_wait3A_239, %dma_wait3A_240] : memref<10000x128xf32, #tpu.memory_space<hbm>> -> memref<10000x128xf32, #tpu.memory_space<hbm>>
        tpu.wait_indirect_dma semaphore(%arg11 : memref<!tpu.dma_semaphore, #tpu.memory_space<semaphore_mem>>) src(%dma_wait3A_241 : memref<10000x128xf32, #tpu.memory_space<hbm>>) dst(%arg8 : memref<128x128xf32, #tpu.memory_space<vmem>>)
        %add3A_242 = arith.constant 6 : i32
        %add3A_243 = arith.addi %mul3A_69, %add3A_242 : i32
        %add3A_244 = arith.constant 1 : i32
        %add3A_245 = arith.addi %add3A_243, %add3A_244 : i32
        %dma_start3A_246 = arith.constant 0 : i32
        %dma_start3A_247 = tpu.memref_slice %arg7[%add3A_245, %dma_start3A_246] : memref<32x128xi32, #tpu.memory_space<vmem>> -> memref<1x128xi32, #tpu.memory_space<vmem>>
        %dma_start3A_248 = tpu.memref_squeeze %dma_start3A_247 : memref<1x128xi32, #tpu.memory_space<vmem>> -> memref<128xi32, #tpu.memory_space<vmem>>
        %dma_start3A_249 = arith.constant 0 : i32
        %dma_start3A_250 = arith.constant 0 : i32
        %dma_start3A_251 = tpu.memref_slice %arg2[%dma_start3A_249, %dma_start3A_250] : memref<10000x128xf32, #tpu.memory_space<hbm>> -> memref<10000x128xf32, #tpu.memory_space<hbm>>
        tpu.enqueue_indirect_dma source(%dma_start3A_251 : memref<10000x128xf32, #tpu.memory_space<hbm>>) target(%arg9 : memref<128x128xf32, #tpu.memory_space<vmem>>) offsets(%dma_start3A_248 : memref<128xi32, #tpu.memory_space<vmem>>) semaphore(%arg12 : memref<!tpu.dma_semaphore, #tpu.memory_space<semaphore_mem>>)
        %add3A_252 = arith.constant 8 : i32
        %add3A_253 = arith.addi %mul3A_69, %add3A_252 : i32
        %add3A_254 = arith.constant 6 : i32
        %add3A_255 = arith.addi %add3A_253, %add3A_254 : i32
        "tpu.region"() ({
          %run_scoped3A = tpu.sem_alloc : memref<!tpu.dma_semaphore, #tpu.memory_space<semaphore_mem>>
          %dma_start3A_272 = arith.constant 0 : i32
          %dma_start3A_273 = tpu.memref_slice %arg7[%add3A_255, %dma_start3A_272] : memref<32x128xi32, #tpu.memory_space<vmem>> -> memref<1x128xi32, #tpu.memory_space<vmem>>
          %dma_start3A_274 = tpu.memref_squeeze %dma_start3A_273 : memref<1x128xi32, #tpu.memory_space<vmem>> -> memref<128xi32, #tpu.memory_space<vmem>>
          %dma_start3A_275 = arith.constant 0 : i32
          %dma_start3A_276 = arith.constant 0 : i32
          %dma_start3A_277 = tpu.memref_slice %arg10[%dma_start3A_275, %dma_start3A_276] : memref<10112x128xf32, #tpu.memory_space<vmem_shared>> -> memref<10112x128xf32, #tpu.memory_space<vmem_shared>>
          tpu.enqueue_indirect_dma source(%arg8 : memref<128x128xf32, #tpu.memory_space<vmem>>) target(%dma_start3A_277 : memref<10112x128xf32, #tpu.memory_space<vmem_shared>>) offsets(%dma_start3A_274 : memref<128xi32, #tpu.memory_space<vmem>>) semaphore(%run_scoped3A : memref<!tpu.dma_semaphore, #tpu.memory_space<semaphore_mem>>) {add = true}
          %dma_wait3A_278 = arith.constant 0 : i32
          %dma_wait3A_279 = tpu.memref_slice %arg7[%add3A_255, %dma_wait3A_278] : memref<32x128xi32, #tpu.memory_space<vmem>> -> memref<1x128xi32, #tpu.memory_space<vmem>>
          %dma_wait3A_280 = tpu.memref_squeeze %dma_wait3A_279 : memref<1x128xi32, #tpu.memory_space<vmem>> -> memref<128xi32, #tpu.memory_space<vmem>>
          %dma_wait3A_281 = arith.constant 0 : i32
          %dma_wait3A_282 = arith.constant 0 : i32
          %dma_wait3A_283 = tpu.memref_slice %arg10[%dma_wait3A_281, %dma_wait3A_282] : memref<10112x128xf32, #tpu.memory_space<vmem_shared>> -> memref<10112x128xf32, #tpu.memory_space<vmem_shared>>
          tpu.wait_indirect_dma semaphore(%run_scoped3A : memref<!tpu.dma_semaphore, #tpu.memory_space<semaphore_mem>>) src(%arg8 : memref<128x128xf32, #tpu.memory_space<vmem>>) dst(%dma_wait3A_283 : memref<10112x128xf32, #tpu.memory_space<vmem_shared>>)
          tpu.yield
        }) : () -> ()
        %add3A_256 = arith.constant 6 : i32
        %add3A_257 = arith.addi %mul3A_69, %add3A_256 : i32
        %add3A_258 = arith.constant 1 : i32
        %add3A_259 = arith.addi %add3A_257, %add3A_258 : i32
        %dma_wait3A_260 = arith.constant 0 : i32
        %dma_wait3A_261 = tpu.memref_slice %arg7[%add3A_259, %dma_wait3A_260] : memref<32x128xi32, #tpu.memory_space<vmem>> -> memref<1x128xi32, #tpu.memory_space<vmem>>
        %dma_wait3A_262 = tpu.memref_squeeze %dma_wait3A_261 : memref<1x128xi32, #tpu.memory_space<vmem>> -> memref<128xi32, #tpu.memory_space<vmem>>
        %dma_wait3A_263 = arith.constant 0 : i32
        %dma_wait3A_264 = arith.constant 0 : i32
        %dma_wait3A_265 = tpu.memref_slice %arg2[%dma_wait3A_263, %dma_wait3A_264] : memref<10000x128xf32, #tpu.memory_space<hbm>> -> memref<10000x128xf32, #tpu.memory_space<hbm>>
        tpu.wait_indirect_dma semaphore(%arg12 : memref<!tpu.dma_semaphore, #tpu.memory_space<semaphore_mem>>) src(%dma_wait3A_265 : memref<10000x128xf32, #tpu.memory_space<hbm>>) dst(%arg9 : memref<128x128xf32, #tpu.memory_space<vmem>>)
        %add3A_266 = arith.constant 8 : i32
        %add3A_267 = arith.addi %mul3A_69, %add3A_266 : i32
        %add3A_268 = arith.constant 6 : i32
        %add3A_269 = arith.addi %add3A_267, %add3A_268 : i32
        %add3A_270 = arith.constant 1 : i32
        %add3A_271 = arith.addi %add3A_269, %add3A_270 : i32
        "tpu.region"() ({
          %run_scoped3A = tpu.sem_alloc : memref<!tpu.dma_semaphore, #tpu.memory_space<semaphore_mem>>
          %dma_start3A_272 = arith.constant 0 : i32
          %dma_start3A_273 = tpu.memref_slice %arg7[%add3A_271, %dma_start3A_272] : memref<32x128xi32, #tpu.memory_space<vmem>> -> memref<1x128xi32, #tpu.memory_space<vmem>>
          %dma_start3A_274 = tpu.memref_squeeze %dma_start3A_273 : memref<1x128xi32, #tpu.memory_space<vmem>> -> memref<128xi32, #tpu.memory_space<vmem>>
          %dma_start3A_275 = arith.constant 0 : i32
          %dma_start3A_276 = arith.constant 0 : i32
          %dma_start3A_277 = tpu.memref_slice %arg10[%dma_start3A_275, %dma_start3A_276] : memref<10112x128xf32, #tpu.memory_space<vmem_shared>> -> memref<10112x128xf32, #tpu.memory_space<vmem_shared>>
          tpu.enqueue_indirect_dma source(%arg9 : memref<128x128xf32, #tpu.memory_space<vmem>>) target(%dma_start3A_277 : memref<10112x128xf32, #tpu.memory_space<vmem_shared>>) offsets(%dma_start3A_274 : memref<128xi32, #tpu.memory_space<vmem>>) semaphore(%run_scoped3A : memref<!tpu.dma_semaphore, #tpu.memory_space<semaphore_mem>>) {add = true}
          %dma_wait3A_278 = arith.constant 0 : i32
          %dma_wait3A_279 = tpu.memref_slice %arg7[%add3A_271, %dma_wait3A_278] : memref<32x128xi32, #tpu.memory_space<vmem>> -> memref<1x128xi32, #tpu.memory_space<vmem>>
          %dma_wait3A_280 = tpu.memref_squeeze %dma_wait3A_279 : memref<1x128xi32, #tpu.memory_space<vmem>> -> memref<128xi32, #tpu.memory_space<vmem>>
          %dma_wait3A_281 = arith.constant 0 : i32
          %dma_wait3A_282 = arith.constant 0 : i32
          %dma_wait3A_283 = tpu.memref_slice %arg10[%dma_wait3A_281, %dma_wait3A_282] : memref<10112x128xf32, #tpu.memory_space<vmem_shared>> -> memref<10112x128xf32, #tpu.memory_space<vmem_shared>>
          tpu.wait_indirect_dma semaphore(%run_scoped3A : memref<!tpu.dma_semaphore, #tpu.memory_space<semaphore_mem>>) src(%arg9 : memref<128x128xf32, #tpu.memory_space<vmem>>) dst(%dma_wait3A_283 : memref<10112x128xf32, #tpu.memory_space<vmem_shared>>)
          tpu.yield
        }) : () -> ()
      }
      %scan3A_56 = arith.constant 10 : i32
    } else {
    }
    %eq3A_23 = arith.constant 1 : i32
    %eq3A_24 = arith.cmpi eq, %arg0, %eq3A_23 : i32
    %convert_element_type3A_25 = arith.extui %eq3A_24 : i1 to i32
    %cond3A_26 = arith.constant 0 : i32
    %cond3A_27 = arith.cmpi ne, %convert_element_type3A_25, %cond3A_26 : i32
    scf.if %cond3A_27 {
      %scan3A = arith.constant 0 : i32
      %scan3A_52 = arith.constant 0 : i32
      %scan3A_53 = arith.constant 10 : i32
      %scan3A_54 = arith.addi %scan3A_52, %scan3A_53 : i32
      %scan3A_55 = arith.constant 1 : i32
      scf.for %scan3A_57 = %scan3A_52 to %scan3A_54 step %scan3A_55  : i32 {
        %jit3A = arith.constant 2 : i32
        %eq3A_58 = arith.constant 0 : i32
        %eq3A_59 = arith.cmpi eq, %jit3A, %eq3A_58 : i32
        %jit3A_60 = arith.constant 1 : i32
        %select_n3A = arith.select %eq3A_59, %jit3A_60, %jit3A : i32
        %rem3A = arith.remsi %scan3A_57, %select_n3A : i32
        %ne3A = arith.constant 0 : i32
        %ne3A_61 = arith.cmpi ne, %rem3A, %ne3A : i32
        %lt3A = arith.constant 0 : i32
        %lt3A_62 = arith.cmpi slt, %rem3A, %lt3A : i32
        %lt3A_63 = arith.constant 0 : i32
        %lt3A_64 = arith.cmpi slt, %select_n3A, %lt3A_63 : i32
        %ne3A_65 = arith.xori %lt3A_62, %lt3A_64 : i1
        %and3A = arith.andi %ne3A_65, %ne3A_61 : i1
        %add3A_66 = arith.addi %rem3A, %select_n3A : i32
        %select_n3A_67 = arith.select %and3A, %add3A_66, %rem3A : i32
        %mul3A_68 = arith.constant 16 : i32
        %mul3A_69 = arith.muli %select_n3A_67, %mul3A_68 : i32
        %dma_wait3A = arith.constant 0 : i32
        %dma_wait3A_70 = arith.constant 0 : i32
        %dma_wait3A_71 = tpu.memref_slice %arg7[%dma_wait3A, %dma_wait3A_70] : memref<32x128xi32, #tpu.memory_space<vmem>> -> memref<16x128xi32, #tpu.memory_space<vmem>>
        %dma_wait3A_72 = arith.constant 0 : i32
        %dma_wait3A_73 = tpu.memref_slice %arg4[%mul3A_2, %dma_wait3A_72] : memref<2560x128xi32, #tpu.memory_space<hbm>> -> memref<16x128xi32, #tpu.memory_space<hbm>>
        %dma_wait3A_74 = arith.constant 0 : i32
        %dma_wait3A_75 = arith.constant 0 : i32
        %dma_wait3A_76 = tpu.memref_slice %arg7[%dma_wait3A_74, %dma_wait3A_75] : memref<32x128xi32, #tpu.memory_space<vmem>> -> memref<16x128xi32, #tpu.memory_space<vmem>>
        %dma_wait3A_77 = arith.constant 0 : i32
        %dma_wait3A_78 = tpu.memref_slice %arg4[%mul3A_2, %dma_wait3A_77] : memref<2560x128xi32, #tpu.memory_space<hbm>> -> memref<16x128xi32, #tpu.memory_space<hbm>>
        tpu.wait_dma2 semaphore(%arg13 : memref<!tpu.dma_semaphore, #tpu.memory_space<semaphore_mem>>) src(%dma_wait3A_78 : memref<16x128xi32, #tpu.memory_space<hbm>>) dst(%dma_wait3A_76 : memref<16x128xi32, #tpu.memory_space<vmem>>)
        %lt3A_79 = arith.constant 9 : i32
        %lt3A_80 = arith.cmpi slt, %scan3A_57, %lt3A_79 : i32
        %convert_element_type3A_81 = arith.extui %lt3A_80 : i1 to i32
        %cond3A_82 = arith.constant 0 : i32
        %cond3A_83 = arith.cmpi ne, %convert_element_type3A_81, %cond3A_82 : i32
        scf.if %cond3A_83 {
          %sub3A = arith.constant 16 : i32
          %sub3A_272 = arith.subi %sub3A, %mul3A_69 : i32
          %add3A_273 = arith.constant 1 : i32
          %add3A_274 = arith.addi %scan3A_57, %add3A_273 : i32
          %mul3A_275 = arith.constant 16 : i32
          %mul3A_276 = arith.muli %add3A_274, %mul3A_275 : i32
          %add3A_277 = arith.addi %mul3A_2, %mul3A_276 : i32
          %dma_start3A_278 = arith.constant 0 : i32
          %dma_start3A_279 = tpu.memref_slice %arg7[%sub3A_272, %dma_start3A_278] : memref<32x128xi32, #tpu.memory_space<vmem>> -> memref<16x128xi32, #tpu.memory_space<vmem>>
          %dma_start3A_280 = arith.constant 0 : i32
          %dma_start3A_281 = tpu.memref_slice %arg4[%add3A_277, %dma_start3A_280] : memref<2560x128xi32, #tpu.memory_space<hbm>> -> memref<16x128xi32, #tpu.memory_space<hbm>>
          %dma_start3A_282 = arith.constant 0 : i32
          %dma_start3A_283 = tpu.memref_slice %arg7[%sub3A_272, %dma_start3A_282] : memref<32x128xi32, #tpu.memory_space<vmem>> -> memref<16x128xi32, #tpu.memory_space<vmem>>
          %dma_start3A_284 = arith.constant 0 : i32
          %dma_start3A_285 = tpu.memref_slice %arg4[%add3A_277, %dma_start3A_284] : memref<2560x128xi32, #tpu.memory_space<hbm>> -> memref<16x128xi32, #tpu.memory_space<hbm>>
          tpu.enqueue_dma source(%dma_start3A_285 : memref<16x128xi32, #tpu.memory_space<hbm>>) target(%dma_start3A_283 : memref<16x128xi32, #tpu.memory_space<vmem>>) target_semaphore(%arg13 : memref<!tpu.dma_semaphore, #tpu.memory_space<semaphore_mem>>)
        } else {
        }
        %dma_start3A_84 = arith.constant 0 : i32
        %dma_start3A_85 = tpu.memref_slice %arg7[%mul3A_69, %dma_start3A_84] : memref<32x128xi32, #tpu.memory_space<vmem>> -> memref<1x128xi32, #tpu.memory_space<vmem>>
        %dma_start3A_86 = tpu.memref_squeeze %dma_start3A_85 : memref<1x128xi32, #tpu.memory_space<vmem>> -> memref<128xi32, #tpu.memory_space<vmem>>
        %dma_start3A_87 = arith.constant 0 : i32
        %dma_start3A_88 = arith.constant 0 : i32
        %dma_start3A_89 = tpu.memref_slice %arg3[%dma_start3A_87, %dma_start3A_88] : memref<10000x128xf32, #tpu.memory_space<hbm>> -> memref<10000x128xf32, #tpu.memory_space<hbm>>
        tpu.enqueue_indirect_dma source(%dma_start3A_89 : memref<10000x128xf32, #tpu.memory_space<hbm>>) target(%arg8 : memref<128x128xf32, #tpu.memory_space<vmem>>) offsets(%dma_start3A_86 : memref<128xi32, #tpu.memory_space<vmem>>) semaphore(%arg11 : memref<!tpu.dma_semaphore, #tpu.memory_space<semaphore_mem>>)
        %add3A_90 = arith.constant 0 : i32
        %add3A_91 = arith.addi %mul3A_69, %add3A_90 : i32
        %dma_wait3A_92 = arith.constant 0 : i32
        %dma_wait3A_93 = tpu.memref_slice %arg7[%add3A_91, %dma_wait3A_92] : memref<32x128xi32, #tpu.memory_space<vmem>> -> memref<1x128xi32, #tpu.memory_space<vmem>>
        %dma_wait3A_94 = tpu.memref_squeeze %dma_wait3A_93 : memref<1x128xi32, #tpu.memory_space<vmem>> -> memref<128xi32, #tpu.memory_space<vmem>>
        %dma_wait3A_95 = arith.constant 0 : i32
        %dma_wait3A_96 = arith.constant 0 : i32
        %dma_wait3A_97 = tpu.memref_slice %arg3[%dma_wait3A_95, %dma_wait3A_96] : memref<10000x128xf32, #tpu.memory_space<hbm>> -> memref<10000x128xf32, #tpu.memory_space<hbm>>
        tpu.wait_indirect_dma semaphore(%arg11 : memref<!tpu.dma_semaphore, #tpu.memory_space<semaphore_mem>>) src(%dma_wait3A_97 : memref<10000x128xf32, #tpu.memory_space<hbm>>) dst(%arg8 : memref<128x128xf32, #tpu.memory_space<vmem>>)
        %add3A_98 = arith.constant 0 : i32
        %add3A_99 = arith.addi %mul3A_69, %add3A_98 : i32
        %add3A_100 = arith.constant 1 : i32
        %add3A_101 = arith.addi %add3A_99, %add3A_100 : i32
        %dma_start3A_102 = arith.constant 0 : i32
        %dma_start3A_103 = tpu.memref_slice %arg7[%add3A_101, %dma_start3A_102] : memref<32x128xi32, #tpu.memory_space<vmem>> -> memref<1x128xi32, #tpu.memory_space<vmem>>
        %dma_start3A_104 = tpu.memref_squeeze %dma_start3A_103 : memref<1x128xi32, #tpu.memory_space<vmem>> -> memref<128xi32, #tpu.memory_space<vmem>>
        %dma_start3A_105 = arith.constant 0 : i32
        %dma_start3A_106 = arith.constant 0 : i32
        %dma_start3A_107 = tpu.memref_slice %arg3[%dma_start3A_105, %dma_start3A_106] : memref<10000x128xf32, #tpu.memory_space<hbm>> -> memref<10000x128xf32, #tpu.memory_space<hbm>>
        tpu.enqueue_indirect_dma source(%dma_start3A_107 : memref<10000x128xf32, #tpu.memory_space<hbm>>) target(%arg9 : memref<128x128xf32, #tpu.memory_space<vmem>>) offsets(%dma_start3A_104 : memref<128xi32, #tpu.memory_space<vmem>>) semaphore(%arg12 : memref<!tpu.dma_semaphore, #tpu.memory_space<semaphore_mem>>)
        %add3A_108 = arith.constant 8 : i32
        %add3A_109 = arith.addi %mul3A_69, %add3A_108 : i32
        %add3A_110 = arith.constant 0 : i32
        %add3A_111 = arith.addi %add3A_109, %add3A_110 : i32
        "tpu.region"() ({
          %run_scoped3A = tpu.sem_alloc : memref<!tpu.dma_semaphore, #tpu.memory_space<semaphore_mem>>
          %dma_start3A_272 = arith.constant 0 : i32
          %dma_start3A_273 = tpu.memref_slice %arg7[%add3A_111, %dma_start3A_272] : memref<32x128xi32, #tpu.memory_space<vmem>> -> memref<1x128xi32, #tpu.memory_space<vmem>>
          %dma_start3A_274 = tpu.memref_squeeze %dma_start3A_273 : memref<1x128xi32, #tpu.memory_space<vmem>> -> memref<128xi32, #tpu.memory_space<vmem>>
          %dma_start3A_275 = arith.constant 0 : i32
          %dma_start3A_276 = arith.constant 0 : i32
          %dma_start3A_277 = tpu.memref_slice %arg10[%dma_start3A_275, %dma_start3A_276] : memref<10112x128xf32, #tpu.memory_space<vmem_shared>> -> memref<10112x128xf32, #tpu.memory_space<vmem_shared>>
          tpu.enqueue_indirect_dma source(%arg8 : memref<128x128xf32, #tpu.memory_space<vmem>>) target(%dma_start3A_277 : memref<10112x128xf32, #tpu.memory_space<vmem_shared>>) offsets(%dma_start3A_274 : memref<128xi32, #tpu.memory_space<vmem>>) semaphore(%run_scoped3A : memref<!tpu.dma_semaphore, #tpu.memory_space<semaphore_mem>>) {add = true}
          %dma_wait3A_278 = arith.constant 0 : i32
          %dma_wait3A_279 = tpu.memref_slice %arg7[%add3A_111, %dma_wait3A_278] : memref<32x128xi32, #tpu.memory_space<vmem>> -> memref<1x128xi32, #tpu.memory_space<vmem>>
          %dma_wait3A_280 = tpu.memref_squeeze %dma_wait3A_279 : memref<1x128xi32, #tpu.memory_space<vmem>> -> memref<128xi32, #tpu.memory_space<vmem>>
          %dma_wait3A_281 = arith.constant 0 : i32
          %dma_wait3A_282 = arith.constant 0 : i32
          %dma_wait3A_283 = tpu.memref_slice %arg10[%dma_wait3A_281, %dma_wait3A_282] : memref<10112x128xf32, #tpu.memory_space<vmem_shared>> -> memref<10112x128xf32, #tpu.memory_space<vmem_shared>>
          tpu.wait_indirect_dma semaphore(%run_scoped3A : memref<!tpu.dma_semaphore, #tpu.memory_space<semaphore_mem>>) src(%arg8 : memref<128x128xf32, #tpu.memory_space<vmem>>) dst(%dma_wait3A_283 : memref<10112x128xf32, #tpu.memory_space<vmem_shared>>)
          tpu.yield
        }) : () -> ()
        %add3A_112 = arith.constant 0 : i32
        %add3A_113 = arith.addi %mul3A_69, %add3A_112 : i32
        %add3A_114 = arith.constant 2 : i32
        %add3A_115 = arith.addi %add3A_113, %add3A_114 : i32
        %dma_start3A_116 = arith.constant 0 : i32
        %dma_start3A_117 = tpu.memref_slice %arg7[%add3A_115, %dma_start3A_116] : memref<32x128xi32, #tpu.memory_space<vmem>> -> memref<1x128xi32, #tpu.memory_space<vmem>>
        %dma_start3A_118 = tpu.memref_squeeze %dma_start3A_117 : memref<1x128xi32, #tpu.memory_space<vmem>> -> memref<128xi32, #tpu.memory_space<vmem>>
        %dma_start3A_119 = arith.constant 0 : i32
        %dma_start3A_120 = arith.constant 0 : i32
        %dma_start3A_121 = tpu.memref_slice %arg3[%dma_start3A_119, %dma_start3A_120] : memref<10000x128xf32, #tpu.memory_space<hbm>> -> memref<10000x128xf32, #tpu.memory_space<hbm>>
        tpu.enqueue_indirect_dma source(%dma_start3A_121 : memref<10000x128xf32, #tpu.memory_space<hbm>>) target(%arg8 : memref<128x128xf32, #tpu.memory_space<vmem>>) offsets(%dma_start3A_118 : memref<128xi32, #tpu.memory_space<vmem>>) semaphore(%arg11 : memref<!tpu.dma_semaphore, #tpu.memory_space<semaphore_mem>>)
        %add3A_122 = arith.constant 0 : i32
        %add3A_123 = arith.addi %mul3A_69, %add3A_122 : i32
        %add3A_124 = arith.constant 1 : i32
        %add3A_125 = arith.addi %add3A_123, %add3A_124 : i32
        %dma_wait3A_126 = arith.constant 0 : i32
        %dma_wait3A_127 = tpu.memref_slice %arg7[%add3A_125, %dma_wait3A_126] : memref<32x128xi32, #tpu.memory_space<vmem>> -> memref<1x128xi32, #tpu.memory_space<vmem>>
        %dma_wait3A_128 = tpu.memref_squeeze %dma_wait3A_127 : memref<1x128xi32, #tpu.memory_space<vmem>> -> memref<128xi32, #tpu.memory_space<vmem>>
        %dma_wait3A_129 = arith.constant 0 : i32
        %dma_wait3A_130 = arith.constant 0 : i32
        %dma_wait3A_131 = tpu.memref_slice %arg3[%dma_wait3A_129, %dma_wait3A_130] : memref<10000x128xf32, #tpu.memory_space<hbm>> -> memref<10000x128xf32, #tpu.memory_space<hbm>>
        tpu.wait_indirect_dma semaphore(%arg12 : memref<!tpu.dma_semaphore, #tpu.memory_space<semaphore_mem>>) src(%dma_wait3A_131 : memref<10000x128xf32, #tpu.memory_space<hbm>>) dst(%arg9 : memref<128x128xf32, #tpu.memory_space<vmem>>)
        %add3A_132 = arith.constant 8 : i32
        %add3A_133 = arith.addi %mul3A_69, %add3A_132 : i32
        %add3A_134 = arith.constant 0 : i32
        %add3A_135 = arith.addi %add3A_133, %add3A_134 : i32
        %add3A_136 = arith.constant 1 : i32
        %add3A_137 = arith.addi %add3A_135, %add3A_136 : i32
        "tpu.region"() ({
          %run_scoped3A = tpu.sem_alloc : memref<!tpu.dma_semaphore, #tpu.memory_space<semaphore_mem>>
          %dma_start3A_272 = arith.constant 0 : i32
          %dma_start3A_273 = tpu.memref_slice %arg7[%add3A_137, %dma_start3A_272] : memref<32x128xi32, #tpu.memory_space<vmem>> -> memref<1x128xi32, #tpu.memory_space<vmem>>
          %dma_start3A_274 = tpu.memref_squeeze %dma_start3A_273 : memref<1x128xi32, #tpu.memory_space<vmem>> -> memref<128xi32, #tpu.memory_space<vmem>>
          %dma_start3A_275 = arith.constant 0 : i32
          %dma_start3A_276 = arith.constant 0 : i32
          %dma_start3A_277 = tpu.memref_slice %arg10[%dma_start3A_275, %dma_start3A_276] : memref<10112x128xf32, #tpu.memory_space<vmem_shared>> -> memref<10112x128xf32, #tpu.memory_space<vmem_shared>>
          tpu.enqueue_indirect_dma source(%arg9 : memref<128x128xf32, #tpu.memory_space<vmem>>) target(%dma_start3A_277 : memref<10112x128xf32, #tpu.memory_space<vmem_shared>>) offsets(%dma_start3A_274 : memref<128xi32, #tpu.memory_space<vmem>>) semaphore(%run_scoped3A : memref<!tpu.dma_semaphore, #tpu.memory_space<semaphore_mem>>) {add = true}
          %dma_wait3A_278 = arith.constant 0 : i32
          %dma_wait3A_279 = tpu.memref_slice %arg7[%add3A_137, %dma_wait3A_278] : memref<32x128xi32, #tpu.memory_space<vmem>> -> memref<1x128xi32, #tpu.memory_space<vmem>>
          %dma_wait3A_280 = tpu.memref_squeeze %dma_wait3A_279 : memref<1x128xi32, #tpu.memory_space<vmem>> -> memref<128xi32, #tpu.memory_space<vmem>>
          %dma_wait3A_281 = arith.constant 0 : i32
          %dma_wait3A_282 = arith.constant 0 : i32
          %dma_wait3A_283 = tpu.memref_slice %arg10[%dma_wait3A_281, %dma_wait3A_282] : memref<10112x128xf32, #tpu.memory_space<vmem_shared>> -> memref<10112x128xf32, #tpu.memory_space<vmem_shared>>
          tpu.wait_indirect_dma semaphore(%run_scoped3A : memref<!tpu.dma_semaphore, #tpu.memory_space<semaphore_mem>>) src(%arg9 : memref<128x128xf32, #tpu.memory_space<vmem>>) dst(%dma_wait3A_283 : memref<10112x128xf32, #tpu.memory_space<vmem_shared>>)
          tpu.yield
        }) : () -> ()
        %add3A_138 = arith.constant 2 : i32
        %add3A_139 = arith.addi %mul3A_69, %add3A_138 : i32
        %dma_wait3A_140 = arith.constant 0 : i32
        %dma_wait3A_141 = tpu.memref_slice %arg7[%add3A_139, %dma_wait3A_140] : memref<32x128xi32, #tpu.memory_space<vmem>> -> memref<1x128xi32, #tpu.memory_space<vmem>>
        %dma_wait3A_142 = tpu.memref_squeeze %dma_wait3A_141 : memref<1x128xi32, #tpu.memory_space<vmem>> -> memref<128xi32, #tpu.memory_space<vmem>>
        %dma_wait3A_143 = arith.constant 0 : i32
        %dma_wait3A_144 = arith.constant 0 : i32
        %dma_wait3A_145 = tpu.memref_slice %arg3[%dma_wait3A_143, %dma_wait3A_144] : memref<10000x128xf32, #tpu.memory_space<hbm>> -> memref<10000x128xf32, #tpu.memory_space<hbm>>
        tpu.wait_indirect_dma semaphore(%arg11 : memref<!tpu.dma_semaphore, #tpu.memory_space<semaphore_mem>>) src(%dma_wait3A_145 : memref<10000x128xf32, #tpu.memory_space<hbm>>) dst(%arg8 : memref<128x128xf32, #tpu.memory_space<vmem>>)
        %add3A_146 = arith.constant 2 : i32
        %add3A_147 = arith.addi %mul3A_69, %add3A_146 : i32
        %add3A_148 = arith.constant 1 : i32
        %add3A_149 = arith.addi %add3A_147, %add3A_148 : i32
        %dma_start3A_150 = arith.constant 0 : i32
        %dma_start3A_151 = tpu.memref_slice %arg7[%add3A_149, %dma_start3A_150] : memref<32x128xi32, #tpu.memory_space<vmem>> -> memref<1x128xi32, #tpu.memory_space<vmem>>
        %dma_start3A_152 = tpu.memref_squeeze %dma_start3A_151 : memref<1x128xi32, #tpu.memory_space<vmem>> -> memref<128xi32, #tpu.memory_space<vmem>>
        %dma_start3A_153 = arith.constant 0 : i32
        %dma_start3A_154 = arith.constant 0 : i32
        %dma_start3A_155 = tpu.memref_slice %arg3[%dma_start3A_153, %dma_start3A_154] : memref<10000x128xf32, #tpu.memory_space<hbm>> -> memref<10000x128xf32, #tpu.memory_space<hbm>>
        tpu.enqueue_indirect_dma source(%dma_start3A_155 : memref<10000x128xf32, #tpu.memory_space<hbm>>) target(%arg9 : memref<128x128xf32, #tpu.memory_space<vmem>>) offsets(%dma_start3A_152 : memref<128xi32, #tpu.memory_space<vmem>>) semaphore(%arg12 : memref<!tpu.dma_semaphore, #tpu.memory_space<semaphore_mem>>)
        %add3A_156 = arith.constant 8 : i32
        %add3A_157 = arith.addi %mul3A_69, %add3A_156 : i32
        %add3A_158 = arith.constant 2 : i32
        %add3A_159 = arith.addi %add3A_157, %add3A_158 : i32
        "tpu.region"() ({
          %run_scoped3A = tpu.sem_alloc : memref<!tpu.dma_semaphore, #tpu.memory_space<semaphore_mem>>
          %dma_start3A_272 = arith.constant 0 : i32
          %dma_start3A_273 = tpu.memref_slice %arg7[%add3A_159, %dma_start3A_272] : memref<32x128xi32, #tpu.memory_space<vmem>> -> memref<1x128xi32, #tpu.memory_space<vmem>>
          %dma_start3A_274 = tpu.memref_squeeze %dma_start3A_273 : memref<1x128xi32, #tpu.memory_space<vmem>> -> memref<128xi32, #tpu.memory_space<vmem>>
          %dma_start3A_275 = arith.constant 0 : i32
          %dma_start3A_276 = arith.constant 0 : i32
          %dma_start3A_277 = tpu.memref_slice %arg10[%dma_start3A_275, %dma_start3A_276] : memref<10112x128xf32, #tpu.memory_space<vmem_shared>> -> memref<10112x128xf32, #tpu.memory_space<vmem_shared>>
          tpu.enqueue_indirect_dma source(%arg8 : memref<128x128xf32, #tpu.memory_space<vmem>>) target(%dma_start3A_277 : memref<10112x128xf32, #tpu.memory_space<vmem_shared>>) offsets(%dma_start3A_274 : memref<128xi32, #tpu.memory_space<vmem>>) semaphore(%run_scoped3A : memref<!tpu.dma_semaphore, #tpu.memory_space<semaphore_mem>>) {add = true}
          %dma_wait3A_278 = arith.constant 0 : i32
          %dma_wait3A_279 = tpu.memref_slice %arg7[%add3A_159, %dma_wait3A_278] : memref<32x128xi32, #tpu.memory_space<vmem>> -> memref<1x128xi32, #tpu.memory_space<vmem>>
          %dma_wait3A_280 = tpu.memref_squeeze %dma_wait3A_279 : memref<1x128xi32, #tpu.memory_space<vmem>> -> memref<128xi32, #tpu.memory_space<vmem>>
          %dma_wait3A_281 = arith.constant 0 : i32
          %dma_wait3A_282 = arith.constant 0 : i32
          %dma_wait3A_283 = tpu.memref_slice %arg10[%dma_wait3A_281, %dma_wait3A_282] : memref<10112x128xf32, #tpu.memory_space<vmem_shared>> -> memref<10112x128xf32, #tpu.memory_space<vmem_shared>>
          tpu.wait_indirect_dma semaphore(%run_scoped3A : memref<!tpu.dma_semaphore, #tpu.memory_space<semaphore_mem>>) src(%arg8 : memref<128x128xf32, #tpu.memory_space<vmem>>) dst(%dma_wait3A_283 : memref<10112x128xf32, #tpu.memory_space<vmem_shared>>)
          tpu.yield
        }) : () -> ()
        %add3A_160 = arith.constant 2 : i32
        %add3A_161 = arith.addi %mul3A_69, %add3A_160 : i32
        %add3A_162 = arith.constant 2 : i32
        %add3A_163 = arith.addi %add3A_161, %add3A_162 : i32
        %dma_start3A_164 = arith.constant 0 : i32
        %dma_start3A_165 = tpu.memref_slice %arg7[%add3A_163, %dma_start3A_164] : memref<32x128xi32, #tpu.memory_space<vmem>> -> memref<1x128xi32, #tpu.memory_space<vmem>>
        %dma_start3A_166 = tpu.memref_squeeze %dma_start3A_165 : memref<1x128xi32, #tpu.memory_space<vmem>> -> memref<128xi32, #tpu.memory_space<vmem>>
        %dma_start3A_167 = arith.constant 0 : i32
        %dma_start3A_168 = arith.constant 0 : i32
        %dma_start3A_169 = tpu.memref_slice %arg3[%dma_start3A_167, %dma_start3A_168] : memref<10000x128xf32, #tpu.memory_space<hbm>> -> memref<10000x128xf32, #tpu.memory_space<hbm>>
        tpu.enqueue_indirect_dma source(%dma_start3A_169 : memref<10000x128xf32, #tpu.memory_space<hbm>>) target(%arg8 : memref<128x128xf32, #tpu.memory_space<vmem>>) offsets(%dma_start3A_166 : memref<128xi32, #tpu.memory_space<vmem>>) semaphore(%arg11 : memref<!tpu.dma_semaphore, #tpu.memory_space<semaphore_mem>>)
        %add3A_170 = arith.constant 2 : i32
        %add3A_171 = arith.addi %mul3A_69, %add3A_170 : i32
        %add3A_172 = arith.constant 1 : i32
        %add3A_173 = arith.addi %add3A_171, %add3A_172 : i32
        %dma_wait3A_174 = arith.constant 0 : i32
        %dma_wait3A_175 = tpu.memref_slice %arg7[%add3A_173, %dma_wait3A_174] : memref<32x128xi32, #tpu.memory_space<vmem>> -> memref<1x128xi32, #tpu.memory_space<vmem>>
        %dma_wait3A_176 = tpu.memref_squeeze %dma_wait3A_175 : memref<1x128xi32, #tpu.memory_space<vmem>> -> memref<128xi32, #tpu.memory_space<vmem>>
        %dma_wait3A_177 = arith.constant 0 : i32
        %dma_wait3A_178 = arith.constant 0 : i32
        %dma_wait3A_179 = tpu.memref_slice %arg3[%dma_wait3A_177, %dma_wait3A_178] : memref<10000x128xf32, #tpu.memory_space<hbm>> -> memref<10000x128xf32, #tpu.memory_space<hbm>>
        tpu.wait_indirect_dma semaphore(%arg12 : memref<!tpu.dma_semaphore, #tpu.memory_space<semaphore_mem>>) src(%dma_wait3A_179 : memref<10000x128xf32, #tpu.memory_space<hbm>>) dst(%arg9 : memref<128x128xf32, #tpu.memory_space<vmem>>)
        %add3A_180 = arith.constant 8 : i32
        %add3A_181 = arith.addi %mul3A_69, %add3A_180 : i32
        %add3A_182 = arith.constant 2 : i32
        %add3A_183 = arith.addi %add3A_181, %add3A_182 : i32
        %add3A_184 = arith.constant 1 : i32
        %add3A_185 = arith.addi %add3A_183, %add3A_184 : i32
        "tpu.region"() ({
          %run_scoped3A = tpu.sem_alloc : memref<!tpu.dma_semaphore, #tpu.memory_space<semaphore_mem>>
          %dma_start3A_272 = arith.constant 0 : i32
          %dma_start3A_273 = tpu.memref_slice %arg7[%add3A_185, %dma_start3A_272] : memref<32x128xi32, #tpu.memory_space<vmem>> -> memref<1x128xi32, #tpu.memory_space<vmem>>
          %dma_start3A_274 = tpu.memref_squeeze %dma_start3A_273 : memref<1x128xi32, #tpu.memory_space<vmem>> -> memref<128xi32, #tpu.memory_space<vmem>>
          %dma_start3A_275 = arith.constant 0 : i32
          %dma_start3A_276 = arith.constant 0 : i32
          %dma_start3A_277 = tpu.memref_slice %arg10[%dma_start3A_275, %dma_start3A_276] : memref<10112x128xf32, #tpu.memory_space<vmem_shared>> -> memref<10112x128xf32, #tpu.memory_space<vmem_shared>>
          tpu.enqueue_indirect_dma source(%arg9 : memref<128x128xf32, #tpu.memory_space<vmem>>) target(%dma_start3A_277 : memref<10112x128xf32, #tpu.memory_space<vmem_shared>>) offsets(%dma_start3A_274 : memref<128xi32, #tpu.memory_space<vmem>>) semaphore(%run_scoped3A : memref<!tpu.dma_semaphore, #tpu.memory_space<semaphore_mem>>) {add = true}
          %dma_wait3A_278 = arith.constant 0 : i32
          %dma_wait3A_279 = tpu.memref_slice %arg7[%add3A_185, %dma_wait3A_278] : memref<32x128xi32, #tpu.memory_space<vmem>> -> memref<1x128xi32, #tpu.memory_space<vmem>>
          %dma_wait3A_280 = tpu.memref_squeeze %dma_wait3A_279 : memref<1x128xi32, #tpu.memory_space<vmem>> -> memref<128xi32, #tpu.memory_space<vmem>>
          %dma_wait3A_281 = arith.constant 0 : i32
          %dma_wait3A_282 = arith.constant 0 : i32
          %dma_wait3A_283 = tpu.memref_slice %arg10[%dma_wait3A_281, %dma_wait3A_282] : memref<10112x128xf32, #tpu.memory_space<vmem_shared>> -> memref<10112x128xf32, #tpu.memory_space<vmem_shared>>
          tpu.wait_indirect_dma semaphore(%run_scoped3A : memref<!tpu.dma_semaphore, #tpu.memory_space<semaphore_mem>>) src(%arg9 : memref<128x128xf32, #tpu.memory_space<vmem>>) dst(%dma_wait3A_283 : memref<10112x128xf32, #tpu.memory_space<vmem_shared>>)
          tpu.yield
        }) : () -> ()
        %add3A_186 = arith.constant 4 : i32
        %add3A_187 = arith.addi %mul3A_69, %add3A_186 : i32
        %dma_wait3A_188 = arith.constant 0 : i32
        %dma_wait3A_189 = tpu.memref_slice %arg7[%add3A_187, %dma_wait3A_188] : memref<32x128xi32, #tpu.memory_space<vmem>> -> memref<1x128xi32, #tpu.memory_space<vmem>>
        %dma_wait3A_190 = tpu.memref_squeeze %dma_wait3A_189 : memref<1x128xi32, #tpu.memory_space<vmem>> -> memref<128xi32, #tpu.memory_space<vmem>>
        %dma_wait3A_191 = arith.constant 0 : i32
        %dma_wait3A_192 = arith.constant 0 : i32
        %dma_wait3A_193 = tpu.memref_slice %arg3[%dma_wait3A_191, %dma_wait3A_192] : memref<10000x128xf32, #tpu.memory_space<hbm>> -> memref<10000x128xf32, #tpu.memory_space<hbm>>
        tpu.wait_indirect_dma semaphore(%arg11 : memref<!tpu.dma_semaphore, #tpu.memory_space<semaphore_mem>>) src(%dma_wait3A_193 : memref<10000x128xf32, #tpu.memory_space<hbm>>) dst(%arg8 : memref<128x128xf32, #tpu.memory_space<vmem>>)
        %add3A_194 = arith.constant 4 : i32
        %add3A_195 = arith.addi %mul3A_69, %add3A_194 : i32
        %add3A_196 = arith.constant 1 : i32
        %add3A_197 = arith.addi %add3A_195, %add3A_196 : i32
        %dma_start3A_198 = arith.constant 0 : i32
        %dma_start3A_199 = tpu.memref_slice %arg7[%add3A_197, %dma_start3A_198] : memref<32x128xi32, #tpu.memory_space<vmem>> -> memref<1x128xi32, #tpu.memory_space<vmem>>
        %dma_start3A_200 = tpu.memref_squeeze %dma_start3A_199 : memref<1x128xi32, #tpu.memory_space<vmem>> -> memref<128xi32, #tpu.memory_space<vmem>>
        %dma_start3A_201 = arith.constant 0 : i32
        %dma_start3A_202 = arith.constant 0 : i32
        %dma_start3A_203 = tpu.memref_slice %arg3[%dma_start3A_201, %dma_start3A_202] : memref<10000x128xf32, #tpu.memory_space<hbm>> -> memref<10000x128xf32, #tpu.memory_space<hbm>>
        tpu.enqueue_indirect_dma source(%dma_start3A_203 : memref<10000x128xf32, #tpu.memory_space<hbm>>) target(%arg9 : memref<128x128xf32, #tpu.memory_space<vmem>>) offsets(%dma_start3A_200 : memref<128xi32, #tpu.memory_space<vmem>>) semaphore(%arg12 : memref<!tpu.dma_semaphore, #tpu.memory_space<semaphore_mem>>)
        %add3A_204 = arith.constant 8 : i32
        %add3A_205 = arith.addi %mul3A_69, %add3A_204 : i32
        %add3A_206 = arith.constant 4 : i32
        %add3A_207 = arith.addi %add3A_205, %add3A_206 : i32
        "tpu.region"() ({
          %run_scoped3A = tpu.sem_alloc : memref<!tpu.dma_semaphore, #tpu.memory_space<semaphore_mem>>
          %dma_start3A_272 = arith.constant 0 : i32
          %dma_start3A_273 = tpu.memref_slice %arg7[%add3A_207, %dma_start3A_272] : memref<32x128xi32, #tpu.memory_space<vmem>> -> memref<1x128xi32, #tpu.memory_space<vmem>>
          %dma_start3A_274 = tpu.memref_squeeze %dma_start3A_273 : memref<1x128xi32, #tpu.memory_space<vmem>> -> memref<128xi32, #tpu.memory_space<vmem>>
          %dma_start3A_275 = arith.constant 0 : i32
          %dma_start3A_276 = arith.constant 0 : i32
          %dma_start3A_277 = tpu.memref_slice %arg10[%dma_start3A_275, %dma_start3A_276] : memref<10112x128xf32, #tpu.memory_space<vmem_shared>> -> memref<10112x128xf32, #tpu.memory_space<vmem_shared>>
          tpu.enqueue_indirect_dma source(%arg8 : memref<128x128xf32, #tpu.memory_space<vmem>>) target(%dma_start3A_277 : memref<10112x128xf32, #tpu.memory_space<vmem_shared>>) offsets(%dma_start3A_274 : memref<128xi32, #tpu.memory_space<vmem>>) semaphore(%run_scoped3A : memref<!tpu.dma_semaphore, #tpu.memory_space<semaphore_mem>>) {add = true}
          %dma_wait3A_278 = arith.constant 0 : i32
          %dma_wait3A_279 = tpu.memref_slice %arg7[%add3A_207, %dma_wait3A_278] : memref<32x128xi32, #tpu.memory_space<vmem>> -> memref<1x128xi32, #tpu.memory_space<vmem>>
          %dma_wait3A_280 = tpu.memref_squeeze %dma_wait3A_279 : memref<1x128xi32, #tpu.memory_space<vmem>> -> memref<128xi32, #tpu.memory_space<vmem>>
          %dma_wait3A_281 = arith.constant 0 : i32
          %dma_wait3A_282 = arith.constant 0 : i32
          %dma_wait3A_283 = tpu.memref_slice %arg10[%dma_wait3A_281, %dma_wait3A_282] : memref<10112x128xf32, #tpu.memory_space<vmem_shared>> -> memref<10112x128xf32, #tpu.memory_space<vmem_shared>>
          tpu.wait_indirect_dma semaphore(%run_scoped3A : memref<!tpu.dma_semaphore, #tpu.memory_space<semaphore_mem>>) src(%arg8 : memref<128x128xf32, #tpu.memory_space<vmem>>) dst(%dma_wait3A_283 : memref<10112x128xf32, #tpu.memory_space<vmem_shared>>)
          tpu.yield
        }) : () -> ()
        %add3A_208 = arith.constant 4 : i32
        %add3A_209 = arith.addi %mul3A_69, %add3A_208 : i32
        %add3A_210 = arith.constant 2 : i32
        %add3A_211 = arith.addi %add3A_209, %add3A_210 : i32
        %dma_start3A_212 = arith.constant 0 : i32
        %dma_start3A_213 = tpu.memref_slice %arg7[%add3A_211, %dma_start3A_212] : memref<32x128xi32, #tpu.memory_space<vmem>> -> memref<1x128xi32, #tpu.memory_space<vmem>>
        %dma_start3A_214 = tpu.memref_squeeze %dma_start3A_213 : memref<1x128xi32, #tpu.memory_space<vmem>> -> memref<128xi32, #tpu.memory_space<vmem>>
        %dma_start3A_215 = arith.constant 0 : i32
        %dma_start3A_216 = arith.constant 0 : i32
        %dma_start3A_217 = tpu.memref_slice %arg3[%dma_start3A_215, %dma_start3A_216] : memref<10000x128xf32, #tpu.memory_space<hbm>> -> memref<10000x128xf32, #tpu.memory_space<hbm>>
        tpu.enqueue_indirect_dma source(%dma_start3A_217 : memref<10000x128xf32, #tpu.memory_space<hbm>>) target(%arg8 : memref<128x128xf32, #tpu.memory_space<vmem>>) offsets(%dma_start3A_214 : memref<128xi32, #tpu.memory_space<vmem>>) semaphore(%arg11 : memref<!tpu.dma_semaphore, #tpu.memory_space<semaphore_mem>>)
        %add3A_218 = arith.constant 4 : i32
        %add3A_219 = arith.addi %mul3A_69, %add3A_218 : i32
        %add3A_220 = arith.constant 1 : i32
        %add3A_221 = arith.addi %add3A_219, %add3A_220 : i32
        %dma_wait3A_222 = arith.constant 0 : i32
        %dma_wait3A_223 = tpu.memref_slice %arg7[%add3A_221, %dma_wait3A_222] : memref<32x128xi32, #tpu.memory_space<vmem>> -> memref<1x128xi32, #tpu.memory_space<vmem>>
        %dma_wait3A_224 = tpu.memref_squeeze %dma_wait3A_223 : memref<1x128xi32, #tpu.memory_space<vmem>> -> memref<128xi32, #tpu.memory_space<vmem>>
        %dma_wait3A_225 = arith.constant 0 : i32
        %dma_wait3A_226 = arith.constant 0 : i32
        %dma_wait3A_227 = tpu.memref_slice %arg3[%dma_wait3A_225, %dma_wait3A_226] : memref<10000x128xf32, #tpu.memory_space<hbm>> -> memref<10000x128xf32, #tpu.memory_space<hbm>>
        tpu.wait_indirect_dma semaphore(%arg12 : memref<!tpu.dma_semaphore, #tpu.memory_space<semaphore_mem>>) src(%dma_wait3A_227 : memref<10000x128xf32, #tpu.memory_space<hbm>>) dst(%arg9 : memref<128x128xf32, #tpu.memory_space<vmem>>)
        %add3A_228 = arith.constant 8 : i32
        %add3A_229 = arith.addi %mul3A_69, %add3A_228 : i32
        %add3A_230 = arith.constant 4 : i32
        %add3A_231 = arith.addi %add3A_229, %add3A_230 : i32
        %add3A_232 = arith.constant 1 : i32
        %add3A_233 = arith.addi %add3A_231, %add3A_232 : i32
        "tpu.region"() ({
          %run_scoped3A = tpu.sem_alloc : memref<!tpu.dma_semaphore, #tpu.memory_space<semaphore_mem>>
          %dma_start3A_272 = arith.constant 0 : i32
          %dma_start3A_273 = tpu.memref_slice %arg7[%add3A_233, %dma_start3A_272] : memref<32x128xi32, #tpu.memory_space<vmem>> -> memref<1x128xi32, #tpu.memory_space<vmem>>
          %dma_start3A_274 = tpu.memref_squeeze %dma_start3A_273 : memref<1x128xi32, #tpu.memory_space<vmem>> -> memref<128xi32, #tpu.memory_space<vmem>>
          %dma_start3A_275 = arith.constant 0 : i32
          %dma_start3A_276 = arith.constant 0 : i32
          %dma_start3A_277 = tpu.memref_slice %arg10[%dma_start3A_275, %dma_start3A_276] : memref<10112x128xf32, #tpu.memory_space<vmem_shared>> -> memref<10112x128xf32, #tpu.memory_space<vmem_shared>>
          tpu.enqueue_indirect_dma source(%arg9 : memref<128x128xf32, #tpu.memory_space<vmem>>) target(%dma_start3A_277 : memref<10112x128xf32, #tpu.memory_space<vmem_shared>>) offsets(%dma_start3A_274 : memref<128xi32, #tpu.memory_space<vmem>>) semaphore(%run_scoped3A : memref<!tpu.dma_semaphore, #tpu.memory_space<semaphore_mem>>) {add = true}
          %dma_wait3A_278 = arith.constant 0 : i32
          %dma_wait3A_279 = tpu.memref_slice %arg7[%add3A_233, %dma_wait3A_278] : memref<32x128xi32, #tpu.memory_space<vmem>> -> memref<1x128xi32, #tpu.memory_space<vmem>>
          %dma_wait3A_280 = tpu.memref_squeeze %dma_wait3A_279 : memref<1x128xi32, #tpu.memory_space<vmem>> -> memref<128xi32, #tpu.memory_space<vmem>>
          %dma_wait3A_281 = arith.constant 0 : i32
          %dma_wait3A_282 = arith.constant 0 : i32
          %dma_wait3A_283 = tpu.memref_slice %arg10[%dma_wait3A_281, %dma_wait3A_282] : memref<10112x128xf32, #tpu.memory_space<vmem_shared>> -> memref<10112x128xf32, #tpu.memory_space<vmem_shared>>
          tpu.wait_indirect_dma semaphore(%run_scoped3A : memref<!tpu.dma_semaphore, #tpu.memory_space<semaphore_mem>>) src(%arg9 : memref<128x128xf32, #tpu.memory_space<vmem>>) dst(%dma_wait3A_283 : memref<10112x128xf32, #tpu.memory_space<vmem_shared>>)
          tpu.yield
        }) : () -> ()
        %add3A_234 = arith.constant 6 : i32
        %add3A_235 = arith.addi %mul3A_69, %add3A_234 : i32
        %dma_wait3A_236 = arith.constant 0 : i32
        %dma_wait3A_237 = tpu.memref_slice %arg7[%add3A_235, %dma_wait3A_236] : memref<32x128xi32, #tpu.memory_space<vmem>> -> memref<1x128xi32, #tpu.memory_space<vmem>>
        %dma_wait3A_238 = tpu.memref_squeeze %dma_wait3A_237 : memref<1x128xi32, #tpu.memory_space<vmem>> -> memref<128xi32, #tpu.memory_space<vmem>>
        %dma_wait3A_239 = arith.constant 0 : i32
        %dma_wait3A_240 = arith.constant 0 : i32
        %dma_wait3A_241 = tpu.memref_slice %arg3[%dma_wait3A_239, %dma_wait3A_240] : memref<10000x128xf32, #tpu.memory_space<hbm>> -> memref<10000x128xf32, #tpu.memory_space<hbm>>
        tpu.wait_indirect_dma semaphore(%arg11 : memref<!tpu.dma_semaphore, #tpu.memory_space<semaphore_mem>>) src(%dma_wait3A_241 : memref<10000x128xf32, #tpu.memory_space<hbm>>) dst(%arg8 : memref<128x128xf32, #tpu.memory_space<vmem>>)
        %add3A_242 = arith.constant 6 : i32
        %add3A_243 = arith.addi %mul3A_69, %add3A_242 : i32
        %add3A_244 = arith.constant 1 : i32
        %add3A_245 = arith.addi %add3A_243, %add3A_244 : i32
        %dma_start3A_246 = arith.constant 0 : i32
        %dma_start3A_247 = tpu.memref_slice %arg7[%add3A_245, %dma_start3A_246] : memref<32x128xi32, #tpu.memory_space<vmem>> -> memref<1x128xi32, #tpu.memory_space<vmem>>
        %dma_start3A_248 = tpu.memref_squeeze %dma_start3A_247 : memref<1x128xi32, #tpu.memory_space<vmem>> -> memref<128xi32, #tpu.memory_space<vmem>>
        %dma_start3A_249 = arith.constant 0 : i32
        %dma_start3A_250 = arith.constant 0 : i32
        %dma_start3A_251 = tpu.memref_slice %arg3[%dma_start3A_249, %dma_start3A_250] : memref<10000x128xf32, #tpu.memory_space<hbm>> -> memref<10000x128xf32, #tpu.memory_space<hbm>>
        tpu.enqueue_indirect_dma source(%dma_start3A_251 : memref<10000x128xf32, #tpu.memory_space<hbm>>) target(%arg9 : memref<128x128xf32, #tpu.memory_space<vmem>>) offsets(%dma_start3A_248 : memref<128xi32, #tpu.memory_space<vmem>>) semaphore(%arg12 : memref<!tpu.dma_semaphore, #tpu.memory_space<semaphore_mem>>)
        %add3A_252 = arith.constant 8 : i32
        %add3A_253 = arith.addi %mul3A_69, %add3A_252 : i32
        %add3A_254 = arith.constant 6 : i32
        %add3A_255 = arith.addi %add3A_253, %add3A_254 : i32
        "tpu.region"() ({
          %run_scoped3A = tpu.sem_alloc : memref<!tpu.dma_semaphore, #tpu.memory_space<semaphore_mem>>
          %dma_start3A_272 = arith.constant 0 : i32
          %dma_start3A_273 = tpu.memref_slice %arg7[%add3A_255, %dma_start3A_272] : memref<32x128xi32, #tpu.memory_space<vmem>> -> memref<1x128xi32, #tpu.memory_space<vmem>>
          %dma_start3A_274 = tpu.memref_squeeze %dma_start3A_273 : memref<1x128xi32, #tpu.memory_space<vmem>> -> memref<128xi32, #tpu.memory_space<vmem>>
          %dma_start3A_275 = arith.constant 0 : i32
          %dma_start3A_276 = arith.constant 0 : i32
          %dma_start3A_277 = tpu.memref_slice %arg10[%dma_start3A_275, %dma_start3A_276] : memref<10112x128xf32, #tpu.memory_space<vmem_shared>> -> memref<10112x128xf32, #tpu.memory_space<vmem_shared>>
          tpu.enqueue_indirect_dma source(%arg8 : memref<128x128xf32, #tpu.memory_space<vmem>>) target(%dma_start3A_277 : memref<10112x128xf32, #tpu.memory_space<vmem_shared>>) offsets(%dma_start3A_274 : memref<128xi32, #tpu.memory_space<vmem>>) semaphore(%run_scoped3A : memref<!tpu.dma_semaphore, #tpu.memory_space<semaphore_mem>>) {add = true}
          %dma_wait3A_278 = arith.constant 0 : i32
          %dma_wait3A_279 = tpu.memref_slice %arg7[%add3A_255, %dma_wait3A_278] : memref<32x128xi32, #tpu.memory_space<vmem>> -> memref<1x128xi32, #tpu.memory_space<vmem>>
          %dma_wait3A_280 = tpu.memref_squeeze %dma_wait3A_279 : memref<1x128xi32, #tpu.memory_space<vmem>> -> memref<128xi32, #tpu.memory_space<vmem>>
          %dma_wait3A_281 = arith.constant 0 : i32
          %dma_wait3A_282 = arith.constant 0 : i32
          %dma_wait3A_283 = tpu.memref_slice %arg10[%dma_wait3A_281, %dma_wait3A_282] : memref<10112x128xf32, #tpu.memory_space<vmem_shared>> -> memref<10112x128xf32, #tpu.memory_space<vmem_shared>>
          tpu.wait_indirect_dma semaphore(%run_scoped3A : memref<!tpu.dma_semaphore, #tpu.memory_space<semaphore_mem>>) src(%arg8 : memref<128x128xf32, #tpu.memory_space<vmem>>) dst(%dma_wait3A_283 : memref<10112x128xf32, #tpu.memory_space<vmem_shared>>)
          tpu.yield
        }) : () -> ()
        %add3A_256 = arith.constant 6 : i32
        %add3A_257 = arith.addi %mul3A_69, %add3A_256 : i32
        %add3A_258 = arith.constant 1 : i32
        %add3A_259 = arith.addi %add3A_257, %add3A_258 : i32
        %dma_wait3A_260 = arith.constant 0 : i32
        %dma_wait3A_261 = tpu.memref_slice %arg7[%add3A_259, %dma_wait3A_260] : memref<32x128xi32, #tpu.memory_space<vmem>> -> memref<1x128xi32, #tpu.memory_space<vmem>>
        %dma_wait3A_262 = tpu.memref_squeeze %dma_wait3A_261 : memref<1x128xi32, #tpu.memory_space<vmem>> -> memref<128xi32, #tpu.memory_space<vmem>>
        %dma_wait3A_263 = arith.constant 0 : i32
        %dma_wait3A_264 = arith.constant 0 : i32
        %dma_wait3A_265 = tpu.memref_slice %arg3[%dma_wait3A_263, %dma_wait3A_264] : memref<10000x128xf32, #tpu.memory_space<hbm>> -> memref<10000x128xf32, #tpu.memory_space<hbm>>
        tpu.wait_indirect_dma semaphore(%arg12 : memref<!tpu.dma_semaphore, #tpu.memory_space<semaphore_mem>>) src(%dma_wait3A_265 : memref<10000x128xf32, #tpu.memory_space<hbm>>) dst(%arg9 : memref<128x128xf32, #tpu.memory_space<vmem>>)
        %add3A_266 = arith.constant 8 : i32
        %add3A_267 = arith.addi %mul3A_69, %add3A_266 : i32
        %add3A_268 = arith.constant 6 : i32
        %add3A_269 = arith.addi %add3A_267, %add3A_268 : i32
        %add3A_270 = arith.constant 1 : i32
        %add3A_271 = arith.addi %add3A_269, %add3A_270 : i32
        "tpu.region"() ({
          %run_scoped3A = tpu.sem_alloc : memref<!tpu.dma_semaphore, #tpu.memory_space<semaphore_mem>>
          %dma_start3A_272 = arith.constant 0 : i32
          %dma_start3A_273 = tpu.memref_slice %arg7[%add3A_271, %dma_start3A_272] : memref<32x128xi32, #tpu.memory_space<vmem>> -> memref<1x128xi32, #tpu.memory_space<vmem>>
          %dma_start3A_274 = tpu.memref_squeeze %dma_start3A_273 : memref<1x128xi32, #tpu.memory_space<vmem>> -> memref<128xi32, #tpu.memory_space<vmem>>
          %dma_start3A_275 = arith.constant 0 : i32
          %dma_start3A_276 = arith.constant 0 : i32
          %dma_start3A_277 = tpu.memref_slice %arg10[%dma_start3A_275, %dma_start3A_276] : memref<10112x128xf32, #tpu.memory_space<vmem_shared>> -> memref<10112x128xf32, #tpu.memory_space<vmem_shared>>
          tpu.enqueue_indirect_dma source(%arg9 : memref<128x128xf32, #tpu.memory_space<vmem>>) target(%dma_start3A_277 : memref<10112x128xf32, #tpu.memory_space<vmem_shared>>) offsets(%dma_start3A_274 : memref<128xi32, #tpu.memory_space<vmem>>) semaphore(%run_scoped3A : memref<!tpu.dma_semaphore, #tpu.memory_space<semaphore_mem>>) {add = true}
          %dma_wait3A_278 = arith.constant 0 : i32
          %dma_wait3A_279 = tpu.memref_slice %arg7[%add3A_271, %dma_wait3A_278] : memref<32x128xi32, #tpu.memory_space<vmem>> -> memref<1x128xi32, #tpu.memory_space<vmem>>
          %dma_wait3A_280 = tpu.memref_squeeze %dma_wait3A_279 : memref<1x128xi32, #tpu.memory_space<vmem>> -> memref<128xi32, #tpu.memory_space<vmem>>
          %dma_wait3A_281 = arith.constant 0 : i32
          %dma_wait3A_282 = arith.constant 0 : i32
          %dma_wait3A_283 = tpu.memref_slice %arg10[%dma_wait3A_281, %dma_wait3A_282] : memref<10112x128xf32, #tpu.memory_space<vmem_shared>> -> memref<10112x128xf32, #tpu.memory_space<vmem_shared>>
          tpu.wait_indirect_dma semaphore(%run_scoped3A : memref<!tpu.dma_semaphore, #tpu.memory_space<semaphore_mem>>) src(%arg9 : memref<128x128xf32, #tpu.memory_space<vmem>>) dst(%dma_wait3A_283 : memref<10112x128xf32, #tpu.memory_space<vmem_shared>>)
          tpu.yield
        }) : () -> ()
      }
      %scan3A_56 = arith.constant 10 : i32
    } else {
    }
    %barrier3A_28 = arith.constant 0 : index
    tpu.barrier barrier_id(%barrier3A_28)
    %mul3A_29 = arith.constant 10112 : i32
    %mul3A_30 = arith.muli %arg0, %mul3A_29 : i32
    %add3A_31 = arith.addi %mul3A_30, %mul3A_0 : i32
    %add3A_32 = arith.constant 0 : i32
    %add3A_33 = arith.addi %mul3A_0, %add3A_32 : i32
    "tpu.region"() ({
      %run_scoped3A = tpu.sem_alloc : memref<!tpu.dma_semaphore, #tpu.memory_space<semaphore_mem>>
      %dma_start3A_52 = arith.constant 0 : i32
      %dma_start3A_53 = tpu.memref_slice %arg10[%add3A_33, %dma_start3A_52] : memref<10112x128xf32, #tpu.memory_space<vmem_shared>> -> memref<128x128xf32, #tpu.memory_space<vmem_shared>>
      %dma_start3A_54 = arith.constant 0 : i32
      %dma_start3A_55 = tpu.memref_slice %arg10[%add3A_33, %dma_start3A_54] : memref<10112x128xf32, #tpu.memory_space<vmem_shared>> -> memref<128x128xf32, #tpu.memory_space<vmem_shared>>
      tpu.enqueue_dma source(%dma_start3A_55 : memref<128x128xf32, #tpu.memory_space<vmem_shared>>) target(%arg8 : memref<128x128xf32, #tpu.memory_space<vmem>>) target_semaphore(%run_scoped3A : memref<!tpu.dma_semaphore, #tpu.memory_space<semaphore_mem>>)
      %dma_wait3A = arith.constant 0 : i32
      %dma_wait3A_56 = tpu.memref_slice %arg10[%add3A_33, %dma_wait3A] : memref<10112x128xf32, #tpu.memory_space<vmem_shared>> -> memref<128x128xf32, #tpu.memory_space<vmem_shared>>
      %dma_wait3A_57 = arith.constant 0 : i32
      %dma_wait3A_58 = tpu.memref_slice %arg10[%add3A_33, %dma_wait3A_57] : memref<10112x128xf32, #tpu.memory_space<vmem_shared>> -> memref<128x128xf32, #tpu.memory_space<vmem_shared>>
      tpu.wait_dma2 semaphore(%run_scoped3A : memref<!tpu.dma_semaphore, #tpu.memory_space<semaphore_mem>>) src(%dma_wait3A_58 : memref<128x128xf32, #tpu.memory_space<vmem_shared>>) dst(%arg8 : memref<128x128xf32, #tpu.memory_space<vmem>>)
      tpu.yield
    }) : () -> ()
    %add3A_34 = arith.constant 0 : i32
    %add3A_35 = arith.addi %add3A_31, %add3A_34 : i32
    "tpu.region"() ({
      %run_scoped3A = tpu.sem_alloc : memref<!tpu.dma_semaphore, #tpu.memory_space<semaphore_mem>>
      %dma_start3A_52 = arith.constant 0 : i32
      %dma_start3A_53 = tpu.memref_slice %arg6[%add3A_35, %dma_start3A_52] : memref<20224x128xf32, #tpu.memory_space<hbm>> -> memref<128x128xf32, #tpu.memory_space<hbm>>
      %dma_start3A_54 = arith.constant 0 : i32
      %dma_start3A_55 = tpu.memref_slice %arg6[%add3A_35, %dma_start3A_54] : memref<20224x128xf32, #tpu.memory_space<hbm>> -> memref<128x128xf32, #tpu.memory_space<hbm>>
      tpu.enqueue_dma source(%arg8 : memref<128x128xf32, #tpu.memory_space<vmem>>) target(%dma_start3A_55 : memref<128x128xf32, #tpu.memory_space<hbm>>) target_semaphore(%run_scoped3A : memref<!tpu.dma_semaphore, #tpu.memory_space<semaphore_mem>>)
      %dma_wait3A = arith.constant 0 : i32
      %dma_wait3A_56 = tpu.memref_slice %arg6[%add3A_35, %dma_wait3A] : memref<20224x128xf32, #tpu.memory_space<hbm>> -> memref<128x128xf32, #tpu.memory_space<hbm>>
      %dma_wait3A_57 = arith.constant 0 : i32
      %dma_wait3A_58 = tpu.memref_slice %arg6[%add3A_35, %dma_wait3A_57] : memref<20224x128xf32, #tpu.memory_space<hbm>> -> memref<128x128xf32, #tpu.memory_space<hbm>>
      tpu.wait_dma2 semaphore(%run_scoped3A : memref<!tpu.dma_semaphore, #tpu.memory_space<semaphore_mem>>) src(%arg8 : memref<128x128xf32, #tpu.memory_space<vmem>>) dst(%dma_wait3A_58 : memref<128x128xf32, #tpu.memory_space<hbm>>)
      tpu.yield
    }) : () -> ()
    %add3A_36 = arith.constant 128 : i32
    %add3A_37 = arith.addi %mul3A_0, %add3A_36 : i32
    "tpu.region"() ({
      %run_scoped3A = tpu.sem_alloc : memref<!tpu.dma_semaphore, #tpu.memory_space<semaphore_mem>>
      %dma_start3A_52 = arith.constant 0 : i32
      %dma_start3A_53 = tpu.memref_slice %arg10[%add3A_37, %dma_start3A_52] : memref<10112x128xf32, #tpu.memory_space<vmem_shared>> -> memref<128x128xf32, #tpu.memory_space<vmem_shared>>
      %dma_start3A_54 = arith.constant 0 : i32
      %dma_start3A_55 = tpu.memref_slice %arg10[%add3A_37, %dma_start3A_54] : memref<10112x128xf32, #tpu.memory_space<vmem_shared>> -> memref<128x128xf32, #tpu.memory_space<vmem_shared>>
      tpu.enqueue_dma source(%dma_start3A_55 : memref<128x128xf32, #tpu.memory_space<vmem_shared>>) target(%arg8 : memref<128x128xf32, #tpu.memory_space<vmem>>) target_semaphore(%run_scoped3A : memref<!tpu.dma_semaphore, #tpu.memory_space<semaphore_mem>>)
      %dma_wait3A = arith.constant 0 : i32
      %dma_wait3A_56 = tpu.memref_slice %arg10[%add3A_37, %dma_wait3A] : memref<10112x128xf32, #tpu.memory_space<vmem_shared>> -> memref<128x128xf32, #tpu.memory_space<vmem_shared>>
      %dma_wait3A_57 = arith.constant 0 : i32
      %dma_wait3A_58 = tpu.memref_slice %arg10[%add3A_37, %dma_wait3A_57] : memref<10112x128xf32, #tpu.memory_space<vmem_shared>> -> memref<128x128xf32, #tpu.memory_space<vmem_shared>>
      tpu.wait_dma2 semaphore(%run_scoped3A : memref<!tpu.dma_semaphore, #tpu.memory_space<semaphore_mem>>) src(%dma_wait3A_58 : memref<128x128xf32, #tpu.memory_space<vmem_shared>>) dst(%arg8 : memref<128x128xf32, #tpu.memory_space<vmem>>)
      tpu.yield
    }) : () -> ()
    %add3A_38 = arith.constant 128 : i32
    %add3A_39 = arith.addi %add3A_31, %add3A_38 : i32
    "tpu.region"() ({
      %run_scoped3A = tpu.sem_alloc : memref<!tpu.dma_semaphore, #tpu.memory_space<semaphore_mem>>
      %dma_start3A_52 = arith.constant 0 : i32
      %dma_start3A_53 = tpu.memref_slice %arg6[%add3A_39, %dma_start3A_52] : memref<20224x128xf32, #tpu.memory_space<hbm>> -> memref<128x128xf32, #tpu.memory_space<hbm>>
      %dma_start3A_54 = arith.constant 0 : i32
      %dma_start3A_55 = tpu.memref_slice %arg6[%add3A_39, %dma_start3A_54] : memref<20224x128xf32, #tpu.memory_space<hbm>> -> memref<128x128xf32, #tpu.memory_space<hbm>>
      tpu.enqueue_dma source(%arg8 : memref<128x128xf32, #tpu.memory_space<vmem>>) target(%dma_start3A_55 : memref<128x128xf32, #tpu.memory_space<hbm>>) target_semaphore(%run_scoped3A : memref<!tpu.dma_semaphore, #tpu.memory_space<semaphore_mem>>)
      %dma_wait3A = arith.constant 0 : i32
      %dma_wait3A_56 = tpu.memref_slice %arg6[%add3A_39, %dma_wait3A] : memref<20224x128xf32, #tpu.memory_space<hbm>> -> memref<128x128xf32, #tpu.memory_space<hbm>>
      %dma_wait3A_57 = arith.constant 0 : i32
      %dma_wait3A_58 = tpu.memref_slice %arg6[%add3A_39, %dma_wait3A_57] : memref<20224x128xf32, #tpu.memory_space<hbm>> -> memref<128x128xf32, #tpu.memory_space<hbm>>
      tpu.wait_dma2 semaphore(%run_scoped3A : memref<!tpu.dma_semaphore, #tpu.memory_space<semaphore_mem>>) src(%arg8 : memref<128x128xf32, #tpu.memory_space<vmem>>) dst(%dma_wait3A_58 : memref<128x128xf32, #tpu.memory_space<hbm>>)
      tpu.yield
    }) : () -> ()
    %add3A_40 = arith.constant 256 : i32
    %add3A_41 = arith.addi %mul3A_0, %add3A_40 : i32
    "tpu.region"() ({
      %run_scoped3A = tpu.sem_alloc : memref<!tpu.dma_semaphore, #tpu.memory_space<semaphore_mem>>
      %dma_start3A_52 = arith.constant 0 : i32
      %dma_start3A_53 = tpu.memref_slice %arg10[%add3A_41, %dma_start3A_52] : memref<10112x128xf32, #tpu.memory_space<vmem_shared>> -> memref<128x128xf32, #tpu.memory_space<vmem_shared>>
      %dma_start3A_54 = arith.constant 0 : i32
      %dma_start3A_55 = tpu.memref_slice %arg10[%add3A_41, %dma_start3A_54] : memref<10112x128xf32, #tpu.memory_space<vmem_shared>> -> memref<128x128xf32, #tpu.memory_space<vmem_shared>>
      tpu.enqueue_dma source(%dma_start3A_55 : memref<128x128xf32, #tpu.memory_space<vmem_shared>>) target(%arg8 : memref<128x128xf32, #tpu.memory_space<vmem>>) target_semaphore(%run_scoped3A : memref<!tpu.dma_semaphore, #tpu.memory_space<semaphore_mem>>)
      %dma_wait3A = arith.constant 0 : i32
      %dma_wait3A_56 = tpu.memref_slice %arg10[%add3A_41, %dma_wait3A] : memref<10112x128xf32, #tpu.memory_space<vmem_shared>> -> memref<128x128xf32, #tpu.memory_space<vmem_shared>>
      %dma_wait3A_57 = arith.constant 0 : i32
      %dma_wait3A_58 = tpu.memref_slice %arg10[%add3A_41, %dma_wait3A_57] : memref<10112x128xf32, #tpu.memory_space<vmem_shared>> -> memref<128x128xf32, #tpu.memory_space<vmem_shared>>
      tpu.wait_dma2 semaphore(%run_scoped3A : memref<!tpu.dma_semaphore, #tpu.memory_space<semaphore_mem>>) src(%dma_wait3A_58 : memref<128x128xf32, #tpu.memory_space<vmem_shared>>) dst(%arg8 : memref<128x128xf32, #tpu.memory_space<vmem>>)
      tpu.yield
    }) : () -> ()
    %add3A_42 = arith.constant 256 : i32
    %add3A_43 = arith.addi %add3A_31, %add3A_42 : i32
    "tpu.region"() ({
      %run_scoped3A = tpu.sem_alloc : memref<!tpu.dma_semaphore, #tpu.memory_space<semaphore_mem>>
      %dma_start3A_52 = arith.constant 0 : i32
      %dma_start3A_53 = tpu.memref_slice %arg6[%add3A_43, %dma_start3A_52] : memref<20224x128xf32, #tpu.memory_space<hbm>> -> memref<128x128xf32, #tpu.memory_space<hbm>>
      %dma_start3A_54 = arith.constant 0 : i32
      %dma_start3A_55 = tpu.memref_slice %arg6[%add3A_43, %dma_start3A_54] : memref<20224x128xf32, #tpu.memory_space<hbm>> -> memref<128x128xf32, #tpu.memory_space<hbm>>
      tpu.enqueue_dma source(%arg8 : memref<128x128xf32, #tpu.memory_space<vmem>>) target(%dma_start3A_55 : memref<128x128xf32, #tpu.memory_space<hbm>>) target_semaphore(%run_scoped3A : memref<!tpu.dma_semaphore, #tpu.memory_space<semaphore_mem>>)
      %dma_wait3A = arith.constant 0 : i32
      %dma_wait3A_56 = tpu.memref_slice %arg6[%add3A_43, %dma_wait3A] : memref<20224x128xf32, #tpu.memory_space<hbm>> -> memref<128x128xf32, #tpu.memory_space<hbm>>
      %dma_wait3A_57 = arith.constant 0 : i32
      %dma_wait3A_58 = tpu.memref_slice %arg6[%add3A_43, %dma_wait3A_57] : memref<20224x128xf32, #tpu.memory_space<hbm>> -> memref<128x128xf32, #tpu.memory_space<hbm>>
      tpu.wait_dma2 semaphore(%run_scoped3A : memref<!tpu.dma_semaphore, #tpu.memory_space<semaphore_mem>>) src(%arg8 : memref<128x128xf32, #tpu.memory_space<vmem>>) dst(%dma_wait3A_58 : memref<128x128xf32, #tpu.memory_space<hbm>>)
      tpu.yield
    }) : () -> ()
    %add3A_44 = arith.constant 384 : i32
    %add3A_45 = arith.addi %mul3A_0, %add3A_44 : i32
    "tpu.region"() ({
      %run_scoped3A = tpu.sem_alloc : memref<!tpu.dma_semaphore, #tpu.memory_space<semaphore_mem>>
      %dma_start3A_52 = arith.constant 0 : i32
      %dma_start3A_53 = tpu.memref_slice %arg10[%add3A_45, %dma_start3A_52] : memref<10112x128xf32, #tpu.memory_space<vmem_shared>> -> memref<128x128xf32, #tpu.memory_space<vmem_shared>>
      %dma_start3A_54 = arith.constant 0 : i32
      %dma_start3A_55 = tpu.memref_slice %arg10[%add3A_45, %dma_start3A_54] : memref<10112x128xf32, #tpu.memory_space<vmem_shared>> -> memref<128x128xf32, #tpu.memory_space<vmem_shared>>
      tpu.enqueue_dma source(%dma_start3A_55 : memref<128x128xf32, #tpu.memory_space<vmem_shared>>) target(%arg8 : memref<128x128xf32, #tpu.memory_space<vmem>>) target_semaphore(%run_scoped3A : memref<!tpu.dma_semaphore, #tpu.memory_space<semaphore_mem>>)
      %dma_wait3A = arith.constant 0 : i32
      %dma_wait3A_56 = tpu.memref_slice %arg10[%add3A_45, %dma_wait3A] : memref<10112x128xf32, #tpu.memory_space<vmem_shared>> -> memref<128x128xf32, #tpu.memory_space<vmem_shared>>
      %dma_wait3A_57 = arith.constant 0 : i32
      %dma_wait3A_58 = tpu.memref_slice %arg10[%add3A_45, %dma_wait3A_57] : memref<10112x128xf32, #tpu.memory_space<vmem_shared>> -> memref<128x128xf32, #tpu.memory_space<vmem_shared>>
      tpu.wait_dma2 semaphore(%run_scoped3A : memref<!tpu.dma_semaphore, #tpu.memory_space<semaphore_mem>>) src(%dma_wait3A_58 : memref<128x128xf32, #tpu.memory_space<vmem_shared>>) dst(%arg8 : memref<128x128xf32, #tpu.memory_space<vmem>>)
      tpu.yield
    }) : () -> ()
    %add3A_46 = arith.constant 384 : i32
    %add3A_47 = arith.addi %add3A_31, %add3A_46 : i32
    "tpu.region"() ({
      %run_scoped3A = tpu.sem_alloc : memref<!tpu.dma_semaphore, #tpu.memory_space<semaphore_mem>>
      %dma_start3A_52 = arith.constant 0 : i32
      %dma_start3A_53 = tpu.memref_slice %arg6[%add3A_47, %dma_start3A_52] : memref<20224x128xf32, #tpu.memory_space<hbm>> -> memref<128x128xf32, #tpu.memory_space<hbm>>
      %dma_start3A_54 = arith.constant 0 : i32
      %dma_start3A_55 = tpu.memref_slice %arg6[%add3A_47, %dma_start3A_54] : memref<20224x128xf32, #tpu.memory_space<hbm>> -> memref<128x128xf32, #tpu.memory_space<hbm>>
      tpu.enqueue_dma source(%arg8 : memref<128x128xf32, #tpu.memory_space<vmem>>) target(%dma_start3A_55 : memref<128x128xf32, #tpu.memory_space<hbm>>) target_semaphore(%run_scoped3A : memref<!tpu.dma_semaphore, #tpu.memory_space<semaphore_mem>>)
      %dma_wait3A = arith.constant 0 : i32
      %dma_wait3A_56 = tpu.memref_slice %arg6[%add3A_47, %dma_wait3A] : memref<20224x128xf32, #tpu.memory_space<hbm>> -> memref<128x128xf32, #tpu.memory_space<hbm>>
      %dma_wait3A_57 = arith.constant 0 : i32
      %dma_wait3A_58 = tpu.memref_slice %arg6[%add3A_47, %dma_wait3A_57] : memref<20224x128xf32, #tpu.memory_space<hbm>> -> memref<128x128xf32, #tpu.memory_space<hbm>>
      tpu.wait_dma2 semaphore(%run_scoped3A : memref<!tpu.dma_semaphore, #tpu.memory_space<semaphore_mem>>) src(%arg8 : memref<128x128xf32, #tpu.memory_space<vmem>>) dst(%dma_wait3A_58 : memref<128x128xf32, #tpu.memory_space<hbm>>)
      tpu.yield
    }) : () -> ()
    %add3A_48 = arith.constant 512 : i32
    %add3A_49 = arith.addi %mul3A_0, %add3A_48 : i32
    "tpu.region"() ({
      %run_scoped3A = tpu.sem_alloc : memref<!tpu.dma_semaphore, #tpu.memory_space<semaphore_mem>>
      %dma_start3A_52 = arith.constant 0 : i32
      %dma_start3A_53 = arith.constant 0 : i32
      %dma_start3A_54 = tpu.memref_slice %arg8[%dma_start3A_52, %dma_start3A_53] : memref<128x128xf32, #tpu.memory_space<vmem>> -> memref<120x128xf32, #tpu.memory_space<vmem>>
      %dma_start3A_55 = arith.constant 0 : i32
      %dma_start3A_56 = tpu.memref_slice %arg10[%add3A_49, %dma_start3A_55] : memref<10112x128xf32, #tpu.memory_space<vmem_shared>> -> memref<120x128xf32, #tpu.memory_space<vmem_shared>>
      %dma_start3A_57 = arith.constant 0 : i32
      %dma_start3A_58 = arith.constant 0 : i32
      %dma_start3A_59 = tpu.memref_slice %arg8[%dma_start3A_57, %dma_start3A_58] : memref<128x128xf32, #tpu.memory_space<vmem>> -> memref<120x128xf32, #tpu.memory_space<vmem>>
      %dma_start3A_60 = arith.constant 0 : i32
      %dma_start3A_61 = tpu.memref_slice %arg10[%add3A_49, %dma_start3A_60] : memref<10112x128xf32, #tpu.memory_space<vmem_shared>> -> memref<120x128xf32, #tpu.memory_space<vmem_shared>>
      tpu.enqueue_dma source(%dma_start3A_61 : memref<120x128xf32, #tpu.memory_space<vmem_shared>>) target(%dma_start3A_59 : memref<120x128xf32, #tpu.memory_space<vmem>>) target_semaphore(%run_scoped3A : memref<!tpu.dma_semaphore, #tpu.memory_space<semaphore_mem>>)
      %dma_wait3A = arith.constant 0 : i32
      %dma_wait3A_62 = arith.constant 0 : i32
      %dma_wait3A_63 = tpu.memref_slice %arg8[%dma_wait3A, %dma_wait3A_62] : memref<128x128xf32, #tpu.memory_space<vmem>> -> memref<120x128xf32, #tpu.memory_space<vmem>>
      %dma_wait3A_64 = arith.constant 0 : i32
      %dma_wait3A_65 = tpu.memref_slice %arg10[%add3A_49, %dma_wait3A_64] : memref<10112x128xf32, #tpu.memory_space<vmem_shared>> -> memref<120x128xf32, #tpu.memory_space<vmem_shared>>
      %dma_wait3A_66 = arith.constant 0 : i32
      %dma_wait3A_67 = arith.constant 0 : i32
      %dma_wait3A_68 = tpu.memref_slice %arg8[%dma_wait3A_66, %dma_wait3A_67] : memref<128x128xf32, #tpu.memory_space<vmem>> -> memref<120x128xf32, #tpu.memory_space<vmem>>
      %dma_wait3A_69 = arith.constant 0 : i32
      %dma_wait3A_70 = tpu.memref_slice %arg10[%add3A_49, %dma_wait3A_69] : memref<10112x128xf32, #tpu.memory_space<vmem_shared>> -> memref<120x128xf32, #tpu.memory_space<vmem_shared>>
      tpu.wait_dma2 semaphore(%run_scoped3A : memref<!tpu.dma_semaphore, #tpu.memory_space<semaphore_mem>>) src(%dma_wait3A_70 : memref<120x128xf32, #tpu.memory_space<vmem_shared>>) dst(%dma_wait3A_68 : memref<120x128xf32, #tpu.memory_space<vmem>>)
      tpu.yield
    }) : () -> ()
    %add3A_50 = arith.constant 512 : i32
    %add3A_51 = arith.addi %add3A_31, %add3A_50 : i32
    "tpu.region"() ({
      %run_scoped3A = tpu.sem_alloc : memref<!tpu.dma_semaphore, #tpu.memory_space<semaphore_mem>>
      %dma_start3A_52 = arith.constant 0 : i32
      %dma_start3A_53 = arith.constant 0 : i32
      %dma_start3A_54 = tpu.memref_slice %arg8[%dma_start3A_52, %dma_start3A_53] : memref<128x128xf32, #tpu.memory_space<vmem>> -> memref<120x128xf32, #tpu.memory_space<vmem>>
      %dma_start3A_55 = arith.constant 0 : i32
      %dma_start3A_56 = tpu.memref_slice %arg6[%add3A_51, %dma_start3A_55] : memref<20224x128xf32, #tpu.memory_space<hbm>> -> memref<120x128xf32, #tpu.memory_space<hbm>>
      %dma_start3A_57 = arith.constant 0 : i32
      %dma_start3A_58 = tpu.memref_slice %arg6[%add3A_51, %dma_start3A_57] : memref<20224x128xf32, #tpu.memory_space<hbm>> -> memref<120x128xf32, #tpu.memory_space<hbm>>
      %dma_start3A_59 = arith.constant 0 : i32
      %dma_start3A_60 = arith.constant 0 : i32
      %dma_start3A_61 = tpu.memref_slice %arg8[%dma_start3A_59, %dma_start3A_60] : memref<128x128xf32, #tpu.memory_space<vmem>> -> memref<120x128xf32, #tpu.memory_space<vmem>>
      tpu.enqueue_dma source(%dma_start3A_61 : memref<120x128xf32, #tpu.memory_space<vmem>>) target(%dma_start3A_58 : memref<120x128xf32, #tpu.memory_space<hbm>>) target_semaphore(%run_scoped3A : memref<!tpu.dma_semaphore, #tpu.memory_space<semaphore_mem>>)
      %dma_wait3A = arith.constant 0 : i32
      %dma_wait3A_62 = arith.constant 0 : i32
      %dma_wait3A_63 = tpu.memref_slice %arg8[%dma_wait3A, %dma_wait3A_62] : memref<128x128xf32, #tpu.memory_space<vmem>> -> memref<120x128xf32, #tpu.memory_space<vmem>>
      %dma_wait3A_64 = arith.constant 0 : i32
      %dma_wait3A_65 = tpu.memref_slice %arg6[%add3A_51, %dma_wait3A_64] : memref<20224x128xf32, #tpu.memory_space<hbm>> -> memref<120x128xf32, #tpu.memory_space<hbm>>
      %dma_wait3A_66 = arith.constant 0 : i32
      %dma_wait3A_67 = tpu.memref_slice %arg6[%add3A_51, %dma_wait3A_66] : memref<20224x128xf32, #tpu.memory_space<hbm>> -> memref<120x128xf32, #tpu.memory_space<hbm>>
      %dma_wait3A_68 = arith.constant 0 : i32
      %dma_wait3A_69 = arith.constant 0 : i32
      %dma_wait3A_70 = tpu.memref_slice %arg8[%dma_wait3A_68, %dma_wait3A_69] : memref<128x128xf32, #tpu.memory_space<vmem>> -> memref<120x128xf32, #tpu.memory_space<vmem>>
      tpu.wait_dma2 semaphore(%run_scoped3A : memref<!tpu.dma_semaphore, #tpu.memory_space<semaphore_mem>>) src(%dma_wait3A_70 : memref<120x128xf32, #tpu.memory_space<vmem>>) dst(%dma_wait3A_67 : memref<120x128xf32, #tpu.memory_space<hbm>>)
      tpu.yield
    }) : () -> ()
    return
  }
}

#map = affine_map<(d0, d1) -> (0, 0)>
module attributes {stable_mosaic.version = 14 : i64} {
  func.func @_sc_scatter_body(%arg0: i32, %arg1: i32, %arg2: memref<10000x128xf32, #tpu.memory_space<hbm>>, %arg3: memref<10000x128xf32, #tpu.memory_space<hbm>>, %arg4: memref<2560x128xi32, #tpu.memory_space<hbm>>, %arg5: memref<128x128xf32, #tpu.memory_space<hbm>>, %arg6: memref<20224x128xf32, #tpu.memory_space<hbm>>, %arg7: memref<32x128xi32, #tpu.memory_space<vmem>>, %arg8: memref<128x128xf32, #tpu.memory_space<vmem>>, %arg9: memref<128x128xf32, #tpu.memory_space<vmem>>, %arg10: memref<10112x128xf32, #tpu.memory_space<vmem_shared>>, %arg11: memref<!tpu.dma_semaphore, #tpu.memory_space<semaphore_mem>>, %arg12: memref<!tpu.dma_semaphore, #tpu.memory_space<semaphore_mem>>, %arg13: memref<!tpu.dma_semaphore, #tpu.memory_space<semaphore_mem>>) attributes {dimension_semantics = [#tpu.dimension_semantics<core_parallel>, #tpu.dimension_semantics<subcore_parallel>], iteration_bounds = array<i64: 2, 16>, scalar_prefetch = 0 : i64, scratch_operands = 7 : i64, tpu.core_type = #tpu.core_type<sc_vector_subcore>, window_params = [{transform_indices = #map}, {transform_indices = #map}, {transform_indices = #map}, {transform_indices = #map}, {transform_indices = #map}]} {
    %mul3A = arith.constant 632 : i32
    %mul3A_0 = arith.muli %arg1, %mul3A : i32
    %mul3A_1 = arith.constant 160 : i32
    %mul3A_2 = arith.muli %arg1, %mul3A_1 : i32
    "tpu.region"() ({
      %run_scoped3A = tpu.sem_alloc : memref<!tpu.dma_semaphore, #tpu.memory_space<semaphore_mem>>
      tpu.enqueue_dma source(%arg5 : memref<128x128xf32, #tpu.memory_space<hbm>>) target(%arg8 : memref<128x128xf32, #tpu.memory_space<vmem>>) target_semaphore(%run_scoped3A : memref<!tpu.dma_semaphore, #tpu.memory_space<semaphore_mem>>)
      tpu.wait_dma2 semaphore(%run_scoped3A : memref<!tpu.dma_semaphore, #tpu.memory_space<semaphore_mem>>) src(%arg5 : memref<128x128xf32, #tpu.memory_space<hbm>>) dst(%arg8 : memref<128x128xf32, #tpu.memory_space<vmem>>)
      tpu.yield
    }) : () -> ()
    %add3A = arith.constant 0 : i32
    %add3A_3 = arith.addi %mul3A_0, %add3A : i32
    "tpu.region"() ({
      %run_scoped3A = tpu.sem_alloc : memref<!tpu.dma_semaphore, #tpu.memory_space<semaphore_mem>>
      %dma_start3A_52 = arith.constant 0 : i32
      %dma_start3A_53 = tpu.memref_slice %arg10[%add3A_3, %dma_start3A_52] : memref<10112x128xf32, #tpu.memory_space<vmem_shared>> -> memref<128x128xf32, #tpu.memory_space<vmem_shared>>
      %dma_start3A_54 = arith.constant 0 : i32
      %dma_start3A_55 = tpu.memref_slice %arg10[%add3A_3, %dma_start3A_54] : memref<10112x128xf32, #tpu.memory_space<vmem_shared>> -> memref<128x128xf32, #tpu.memory_space<vmem_shared>>
      tpu.enqueue_dma source(%arg8 : memref<128x128xf32, #tpu.memory_space<vmem>>) target(%dma_start3A_55 : memref<128x128xf32, #tpu.memory_space<vmem_shared>>) target_semaphore(%run_scoped3A : memref<!tpu.dma_semaphore, #tpu.memory_space<semaphore_mem>>)
      %dma_wait3A = arith.constant 0 : i32
      %dma_wait3A_56 = tpu.memref_slice %arg10[%add3A_3, %dma_wait3A] : memref<10112x128xf32, #tpu.memory_space<vmem_shared>> -> memref<128x128xf32, #tpu.memory_space<vmem_shared>>
      %dma_wait3A_57 = arith.constant 0 : i32
      %dma_wait3A_58 = tpu.memref_slice %arg10[%add3A_3, %dma_wait3A_57] : memref<10112x128xf32, #tpu.memory_space<vmem_shared>> -> memref<128x128xf32, #tpu.memory_space<vmem_shared>>
      tpu.wait_dma2 semaphore(%run_scoped3A : memref<!tpu.dma_semaphore, #tpu.memory_space<semaphore_mem>>) src(%arg8 : memref<128x128xf32, #tpu.memory_space<vmem>>) dst(%dma_wait3A_58 : memref<128x128xf32, #tpu.memory_space<vmem_shared>>)
      tpu.yield
    }) : () -> ()
    %add3A_4 = arith.constant 128 : i32
    %add3A_5 = arith.addi %mul3A_0, %add3A_4 : i32
    "tpu.region"() ({
      %run_scoped3A = tpu.sem_alloc : memref<!tpu.dma_semaphore, #tpu.memory_space<semaphore_mem>>
      %dma_start3A_52 = arith.constant 0 : i32
      %dma_start3A_53 = tpu.memref_slice %arg10[%add3A_5, %dma_start3A_52] : memref<10112x128xf32, #tpu.memory_space<vmem_shared>> -> memref<128x128xf32, #tpu.memory_space<vmem_shared>>
      %dma_start3A_54 = arith.constant 0 : i32
      %dma_start3A_55 = tpu.memref_slice %arg10[%add3A_5, %dma_start3A_54] : memref<10112x128xf32, #tpu.memory_space<vmem_shared>> -> memref<128x128xf32, #tpu.memory_space<vmem_shared>>
      tpu.enqueue_dma source(%arg8 : memref<128x128xf32, #tpu.memory_space<vmem>>) target(%dma_start3A_55 : memref<128x128xf32, #tpu.memory_space<vmem_shared>>) target_semaphore(%run_scoped3A : memref<!tpu.dma_semaphore, #tpu.memory_space<semaphore_mem>>)
      %dma_wait3A = arith.constant 0 : i32
      %dma_wait3A_56 = tpu.memref_slice %arg10[%add3A_5, %dma_wait3A] : memref<10112x128xf32, #tpu.memory_space<vmem_shared>> -> memref<128x128xf32, #tpu.memory_space<vmem_shared>>
      %dma_wait3A_57 = arith.constant 0 : i32
      %dma_wait3A_58 = tpu.memref_slice %arg10[%add3A_5, %dma_wait3A_57] : memref<10112x128xf32, #tpu.memory_space<vmem_shared>> -> memref<128x128xf32, #tpu.memory_space<vmem_shared>>
      tpu.wait_dma2 semaphore(%run_scoped3A : memref<!tpu.dma_semaphore, #tpu.memory_space<semaphore_mem>>) src(%arg8 : memref<128x128xf32, #tpu.memory_space<vmem>>) dst(%dma_wait3A_58 : memref<128x128xf32, #tpu.memory_space<vmem_shared>>)
      tpu.yield
    }) : () -> ()
    %add3A_6 = arith.constant 256 : i32
    %add3A_7 = arith.addi %mul3A_0, %add3A_6 : i32
    "tpu.region"() ({
      %run_scoped3A = tpu.sem_alloc : memref<!tpu.dma_semaphore, #tpu.memory_space<semaphore_mem>>
      %dma_start3A_52 = arith.constant 0 : i32
      %dma_start3A_53 = tpu.memref_slice %arg10[%add3A_7, %dma_start3A_52] : memref<10112x128xf32, #tpu.memory_space<vmem_shared>> -> memref<128x128xf32, #tpu.memory_space<vmem_shared>>
      %dma_start3A_54 = arith.constant 0 : i32
      %dma_start3A_55 = tpu.memref_slice %arg10[%add3A_7, %dma_start3A_54] : memref<10112x128xf32, #tpu.memory_space<vmem_shared>> -> memref<128x128xf32, #tpu.memory_space<vmem_shared>>
      tpu.enqueue_dma source(%arg8 : memref<128x128xf32, #tpu.memory_space<vmem>>) target(%dma_start3A_55 : memref<128x128xf32, #tpu.memory_space<vmem_shared>>) target_semaphore(%run_scoped3A : memref<!tpu.dma_semaphore, #tpu.memory_space<semaphore_mem>>)
      %dma_wait3A = arith.constant 0 : i32
      %dma_wait3A_56 = tpu.memref_slice %arg10[%add3A_7, %dma_wait3A] : memref<10112x128xf32, #tpu.memory_space<vmem_shared>> -> memref<128x128xf32, #tpu.memory_space<vmem_shared>>
      %dma_wait3A_57 = arith.constant 0 : i32
      %dma_wait3A_58 = tpu.memref_slice %arg10[%add3A_7, %dma_wait3A_57] : memref<10112x128xf32, #tpu.memory_space<vmem_shared>> -> memref<128x128xf32, #tpu.memory_space<vmem_shared>>
      tpu.wait_dma2 semaphore(%run_scoped3A : memref<!tpu.dma_semaphore, #tpu.memory_space<semaphore_mem>>) src(%arg8 : memref<128x128xf32, #tpu.memory_space<vmem>>) dst(%dma_wait3A_58 : memref<128x128xf32, #tpu.memory_space<vmem_shared>>)
      tpu.yield
    }) : () -> ()
    %add3A_8 = arith.constant 384 : i32
    %add3A_9 = arith.addi %mul3A_0, %add3A_8 : i32
    "tpu.region"() ({
      %run_scoped3A = tpu.sem_alloc : memref<!tpu.dma_semaphore, #tpu.memory_space<semaphore_mem>>
      %dma_start3A_52 = arith.constant 0 : i32
      %dma_start3A_53 = tpu.memref_slice %arg10[%add3A_9, %dma_start3A_52] : memref<10112x128xf32, #tpu.memory_space<vmem_shared>> -> memref<128x128xf32, #tpu.memory_space<vmem_shared>>
      %dma_start3A_54 = arith.constant 0 : i32
      %dma_start3A_55 = tpu.memref_slice %arg10[%add3A_9, %dma_start3A_54] : memref<10112x128xf32, #tpu.memory_space<vmem_shared>> -> memref<128x128xf32, #tpu.memory_space<vmem_shared>>
      tpu.enqueue_dma source(%arg8 : memref<128x128xf32, #tpu.memory_space<vmem>>) target(%dma_start3A_55 : memref<128x128xf32, #tpu.memory_space<vmem_shared>>) target_semaphore(%run_scoped3A : memref<!tpu.dma_semaphore, #tpu.memory_space<semaphore_mem>>)
      %dma_wait3A = arith.constant 0 : i32
      %dma_wait3A_56 = tpu.memref_slice %arg10[%add3A_9, %dma_wait3A] : memref<10112x128xf32, #tpu.memory_space<vmem_shared>> -> memref<128x128xf32, #tpu.memory_space<vmem_shared>>
      %dma_wait3A_57 = arith.constant 0 : i32
      %dma_wait3A_58 = tpu.memref_slice %arg10[%add3A_9, %dma_wait3A_57] : memref<10112x128xf32, #tpu.memory_space<vmem_shared>> -> memref<128x128xf32, #tpu.memory_space<vmem_shared>>
      tpu.wait_dma2 semaphore(%run_scoped3A : memref<!tpu.dma_semaphore, #tpu.memory_space<semaphore_mem>>) src(%arg8 : memref<128x128xf32, #tpu.memory_space<vmem>>) dst(%dma_wait3A_58 : memref<128x128xf32, #tpu.memory_space<vmem_shared>>)
      tpu.yield
    }) : () -> ()
    %add3A_10 = arith.constant 512 : i32
    %add3A_11 = arith.addi %mul3A_0, %add3A_10 : i32
    "tpu.region"() ({
      %run_scoped3A = tpu.sem_alloc : memref<!tpu.dma_semaphore, #tpu.memory_space<semaphore_mem>>
      %dma_start3A_52 = arith.constant 0 : i32
      %dma_start3A_53 = arith.constant 0 : i32
      %dma_start3A_54 = tpu.memref_slice %arg8[%dma_start3A_52, %dma_start3A_53] : memref<128x128xf32, #tpu.memory_space<vmem>> -> memref<120x128xf32, #tpu.memory_space<vmem>>
      %dma_start3A_55 = arith.constant 0 : i32
      %dma_start3A_56 = tpu.memref_slice %arg10[%add3A_11, %dma_start3A_55] : memref<10112x128xf32, #tpu.memory_space<vmem_shared>> -> memref<120x128xf32, #tpu.memory_space<vmem_shared>>
      %dma_start3A_57 = arith.constant 0 : i32
      %dma_start3A_58 = tpu.memref_slice %arg10[%add3A_11, %dma_start3A_57] : memref<10112x128xf32, #tpu.memory_space<vmem_shared>> -> memref<120x128xf32, #tpu.memory_space<vmem_shared>>
      %dma_start3A_59 = arith.constant 0 : i32
      %dma_start3A_60 = arith.constant 0 : i32
      %dma_start3A_61 = tpu.memref_slice %arg8[%dma_start3A_59, %dma_start3A_60] : memref<128x128xf32, #tpu.memory_space<vmem>> -> memref<120x128xf32, #tpu.memory_space<vmem>>
      tpu.enqueue_dma source(%dma_start3A_61 : memref<120x128xf32, #tpu.memory_space<vmem>>) target(%dma_start3A_58 : memref<120x128xf32, #tpu.memory_space<vmem_shared>>) target_semaphore(%run_scoped3A : memref<!tpu.dma_semaphore, #tpu.memory_space<semaphore_mem>>)
      %dma_wait3A = arith.constant 0 : i32
      %dma_wait3A_62 = arith.constant 0 : i32
      %dma_wait3A_63 = tpu.memref_slice %arg8[%dma_wait3A, %dma_wait3A_62] : memref<128x128xf32, #tpu.memory_space<vmem>> -> memref<120x128xf32, #tpu.memory_space<vmem>>
      %dma_wait3A_64 = arith.constant 0 : i32
      %dma_wait3A_65 = tpu.memref_slice %arg10[%add3A_11, %dma_wait3A_64] : memref<10112x128xf32, #tpu.memory_space<vmem_shared>> -> memref<120x128xf32, #tpu.memory_space<vmem_shared>>
      %dma_wait3A_66 = arith.constant 0 : i32
      %dma_wait3A_67 = tpu.memref_slice %arg10[%add3A_11, %dma_wait3A_66] : memref<10112x128xf32, #tpu.memory_space<vmem_shared>> -> memref<120x128xf32, #tpu.memory_space<vmem_shared>>
      %dma_wait3A_68 = arith.constant 0 : i32
      %dma_wait3A_69 = arith.constant 0 : i32
      %dma_wait3A_70 = tpu.memref_slice %arg8[%dma_wait3A_68, %dma_wait3A_69] : memref<128x128xf32, #tpu.memory_space<vmem>> -> memref<120x128xf32, #tpu.memory_space<vmem>>
      tpu.wait_dma2 semaphore(%run_scoped3A : memref<!tpu.dma_semaphore, #tpu.memory_space<semaphore_mem>>) src(%dma_wait3A_70 : memref<120x128xf32, #tpu.memory_space<vmem>>) dst(%dma_wait3A_67 : memref<120x128xf32, #tpu.memory_space<vmem_shared>>)
      tpu.yield
    }) : () -> ()
    %dma_start3A = arith.constant 0 : i32
    %dma_start3A_12 = arith.constant 0 : i32
    %dma_start3A_13 = tpu.memref_slice %arg7[%dma_start3A, %dma_start3A_12] : memref<32x128xi32, #tpu.memory_space<vmem>> -> memref<16x128xi32, #tpu.memory_space<vmem>>
    %dma_start3A_14 = arith.constant 0 : i32
    %dma_start3A_15 = tpu.memref_slice %arg4[%mul3A_2, %dma_start3A_14] : memref<2560x128xi32, #tpu.memory_space<hbm>> -> memref<16x128xi32, #tpu.memory_space<hbm>>
    %dma_start3A_16 = arith.constant 0 : i32
    %dma_start3A_17 = arith.constant 0 : i32
    %dma_start3A_18 = tpu.memref_slice %arg7[%dma_start3A_16, %dma_start3A_17] : memref<32x128xi32, #tpu.memory_space<vmem>> -> memref<16x128xi32, #tpu.memory_space<vmem>>
    %dma_start3A_19 = arith.constant 0 : i32
    %dma_start3A_20 = tpu.memref_slice %arg4[%mul3A_2, %dma_start3A_19] : memref<2560x128xi32, #tpu.memory_space<hbm>> -> memref<16x128xi32, #tpu.memory_space<hbm>>
    tpu.enqueue_dma source(%dma_start3A_20 : memref<16x128xi32, #tpu.memory_space<hbm>>) target(%dma_start3A_18 : memref<16x128xi32, #tpu.memory_space<vmem>>) target_semaphore(%arg13 : memref<!tpu.dma_semaphore, #tpu.memory_space<semaphore_mem>>)
    %barrier3A = arith.constant 0 : index
    tpu.barrier barrier_id(%barrier3A)
    %eq3A = arith.constant 0 : i32
    %eq3A_21 = arith.cmpi eq, %arg0, %eq3A : i32
    %convert_element_type3A = arith.extui %eq3A_21 : i1 to i32
    %cond3A = arith.constant 0 : i32
    %cond3A_22 = arith.cmpi ne, %convert_element_type3A, %cond3A : i32
    scf.if %cond3A_22 {
      %scan3A = arith.constant 0 : i32
      %scan3A_52 = arith.constant 0 : i32
      %scan3A_53 = arith.constant 10 : i32
      %scan3A_54 = arith.addi %scan3A_52, %scan3A_53 : i32
      %scan3A_55 = arith.constant 1 : i32
      scf.for %scan3A_57 = %scan3A_52 to %scan3A_54 step %scan3A_55  : i32 {
        %jit3A = arith.constant 2 : i32
        %eq3A_58 = arith.constant 0 : i32
        %eq3A_59 = arith.cmpi eq, %jit3A, %eq3A_58 : i32
        %jit3A_60 = arith.constant 1 : i32
        %select_n3A = arith.select %eq3A_59, %jit3A_60, %jit3A : i32
        %rem3A = arith.remsi %scan3A_57, %select_n3A : i32
        %ne3A = arith.constant 0 : i32
        %ne3A_61 = arith.cmpi ne, %rem3A, %ne3A : i32
        %lt3A = arith.constant 0 : i32
        %lt3A_62 = arith.cmpi slt, %rem3A, %lt3A : i32
        %lt3A_63 = arith.constant 0 : i32
        %lt3A_64 = arith.cmpi slt, %select_n3A, %lt3A_63 : i32
        %ne3A_65 = arith.xori %lt3A_62, %lt3A_64 : i1
        %and3A = arith.andi %ne3A_65, %ne3A_61 : i1
        %add3A_66 = arith.addi %rem3A, %select_n3A : i32
        %select_n3A_67 = arith.select %and3A, %add3A_66, %rem3A : i32
        %mul3A_68 = arith.constant 16 : i32
        %mul3A_69 = arith.muli %select_n3A_67, %mul3A_68 : i32
        %dma_wait3A = arith.constant 0 : i32
        %dma_wait3A_70 = arith.constant 0 : i32
        %dma_wait3A_71 = tpu.memref_slice %arg7[%dma_wait3A, %dma_wait3A_70] : memref<32x128xi32, #tpu.memory_space<vmem>> -> memref<16x128xi32, #tpu.memory_space<vmem>>
        %dma_wait3A_72 = arith.constant 0 : i32
        %dma_wait3A_73 = tpu.memref_slice %arg4[%mul3A_2, %dma_wait3A_72] : memref<2560x128xi32, #tpu.memory_space<hbm>> -> memref<16x128xi32, #tpu.memory_space<hbm>>
        %dma_wait3A_74 = arith.constant 0 : i32
        %dma_wait3A_75 = arith.constant 0 : i32
        %dma_wait3A_76 = tpu.memref_slice %arg7[%dma_wait3A_74, %dma_wait3A_75] : memref<32x128xi32, #tpu.memory_space<vmem>> -> memref<16x128xi32, #tpu.memory_space<vmem>>
        %dma_wait3A_77 = arith.constant 0 : i32
        %dma_wait3A_78 = tpu.memref_slice %arg4[%mul3A_2, %dma_wait3A_77] : memref<2560x128xi32, #tpu.memory_space<hbm>> -> memref<16x128xi32, #tpu.memory_space<hbm>>
        tpu.wait_dma2 semaphore(%arg13 : memref<!tpu.dma_semaphore, #tpu.memory_space<semaphore_mem>>) src(%dma_wait3A_78 : memref<16x128xi32, #tpu.memory_space<hbm>>) dst(%dma_wait3A_76 : memref<16x128xi32, #tpu.memory_space<vmem>>)
        %lt3A_79 = arith.constant 9 : i32
        %lt3A_80 = arith.cmpi slt, %scan3A_57, %lt3A_79 : i32
        %convert_element_type3A_81 = arith.extui %lt3A_80 : i1 to i32
        %cond3A_82 = arith.constant 0 : i32
        %cond3A_83 = arith.cmpi ne, %convert_element_type3A_81, %cond3A_82 : i32
        scf.if %cond3A_83 {
          %sub3A = arith.constant 16 : i32
          %sub3A_272 = arith.subi %sub3A, %mul3A_69 : i32
          %add3A_273 = arith.constant 1 : i32
          %add3A_274 = arith.addi %scan3A_57, %add3A_273 : i32
          %mul3A_275 = arith.constant 16 : i32
          %mul3A_276 = arith.muli %add3A_274, %mul3A_275 : i32
          %add3A_277 = arith.addi %mul3A_2, %mul3A_276 : i32
          %dma_start3A_278 = arith.constant 0 : i32
          %dma_start3A_279 = tpu.memref_slice %arg7[%sub3A_272, %dma_start3A_278] : memref<32x128xi32, #tpu.memory_space<vmem>> -> memref<16x128xi32, #tpu.memory_space<vmem>>
          %dma_start3A_280 = arith.constant 0 : i32
          %dma_start3A_281 = tpu.memref_slice %arg4[%add3A_277, %dma_start3A_280] : memref<2560x128xi32, #tpu.memory_space<hbm>> -> memref<16x128xi32, #tpu.memory_space<hbm>>
          %dma_start3A_282 = arith.constant 0 : i32
          %dma_start3A_283 = tpu.memref_slice %arg7[%sub3A_272, %dma_start3A_282] : memref<32x128xi32, #tpu.memory_space<vmem>> -> memref<16x128xi32, #tpu.memory_space<vmem>>
          %dma_start3A_284 = arith.constant 0 : i32
          %dma_start3A_285 = tpu.memref_slice %arg4[%add3A_277, %dma_start3A_284] : memref<2560x128xi32, #tpu.memory_space<hbm>> -> memref<16x128xi32, #tpu.memory_space<hbm>>
          tpu.enqueue_dma source(%dma_start3A_285 : memref<16x128xi32, #tpu.memory_space<hbm>>) target(%dma_start3A_283 : memref<16x128xi32, #tpu.memory_space<vmem>>) target_semaphore(%arg13 : memref<!tpu.dma_semaphore, #tpu.memory_space<semaphore_mem>>)
        } else {
        }
        %dma_start3A_84 = arith.constant 0 : i32
        %dma_start3A_85 = tpu.memref_slice %arg7[%mul3A_69, %dma_start3A_84] : memref<32x128xi32, #tpu.memory_space<vmem>> -> memref<1x128xi32, #tpu.memory_space<vmem>>
        %dma_start3A_86 = tpu.memref_squeeze %dma_start3A_85 : memref<1x128xi32, #tpu.memory_space<vmem>> -> memref<128xi32, #tpu.memory_space<vmem>>
        %dma_start3A_87 = arith.constant 0 : i32
        %dma_start3A_88 = arith.constant 0 : i32
        %dma_start3A_89 = tpu.memref_slice %arg2[%dma_start3A_87, %dma_start3A_88] : memref<10000x128xf32, #tpu.memory_space<hbm>> -> memref<10000x128xf32, #tpu.memory_space<hbm>>
        tpu.enqueue_indirect_dma source(%dma_start3A_89 : memref<10000x128xf32, #tpu.memory_space<hbm>>) target(%arg8 : memref<128x128xf32, #tpu.memory_space<vmem>>) offsets(%dma_start3A_86 : memref<128xi32, #tpu.memory_space<vmem>>) semaphore(%arg11 : memref<!tpu.dma_semaphore, #tpu.memory_space<semaphore_mem>>)
        %add3A_90 = arith.constant 0 : i32
        %add3A_91 = arith.addi %mul3A_69, %add3A_90 : i32
        %dma_wait3A_92 = arith.constant 0 : i32
        %dma_wait3A_93 = tpu.memref_slice %arg7[%add3A_91, %dma_wait3A_92] : memref<32x128xi32, #tpu.memory_space<vmem>> -> memref<1x128xi32, #tpu.memory_space<vmem>>
        %dma_wait3A_94 = tpu.memref_squeeze %dma_wait3A_93 : memref<1x128xi32, #tpu.memory_space<vmem>> -> memref<128xi32, #tpu.memory_space<vmem>>
        %dma_wait3A_95 = arith.constant 0 : i32
        %dma_wait3A_96 = arith.constant 0 : i32
        %dma_wait3A_97 = tpu.memref_slice %arg2[%dma_wait3A_95, %dma_wait3A_96] : memref<10000x128xf32, #tpu.memory_space<hbm>> -> memref<10000x128xf32, #tpu.memory_space<hbm>>
        tpu.wait_indirect_dma semaphore(%arg11 : memref<!tpu.dma_semaphore, #tpu.memory_space<semaphore_mem>>) src(%dma_wait3A_97 : memref<10000x128xf32, #tpu.memory_space<hbm>>) dst(%arg8 : memref<128x128xf32, #tpu.memory_space<vmem>>)
        %add3A_98 = arith.constant 0 : i32
        %add3A_99 = arith.addi %mul3A_69, %add3A_98 : i32
        %add3A_100 = arith.constant 1 : i32
        %add3A_101 = arith.addi %add3A_99, %add3A_100 : i32
        %dma_start3A_102 = arith.constant 0 : i32
        %dma_start3A_103 = tpu.memref_slice %arg7[%add3A_101, %dma_start3A_102] : memref<32x128xi32, #tpu.memory_space<vmem>> -> memref<1x128xi32, #tpu.memory_space<vmem>>
        %dma_start3A_104 = tpu.memref_squeeze %dma_start3A_103 : memref<1x128xi32, #tpu.memory_space<vmem>> -> memref<128xi32, #tpu.memory_space<vmem>>
        %dma_start3A_105 = arith.constant 0 : i32
        %dma_start3A_106 = arith.constant 0 : i32
        %dma_start3A_107 = tpu.memref_slice %arg2[%dma_start3A_105, %dma_start3A_106] : memref<10000x128xf32, #tpu.memory_space<hbm>> -> memref<10000x128xf32, #tpu.memory_space<hbm>>
        tpu.enqueue_indirect_dma source(%dma_start3A_107 : memref<10000x128xf32, #tpu.memory_space<hbm>>) target(%arg9 : memref<128x128xf32, #tpu.memory_space<vmem>>) offsets(%dma_start3A_104 : memref<128xi32, #tpu.memory_space<vmem>>) semaphore(%arg12 : memref<!tpu.dma_semaphore, #tpu.memory_space<semaphore_mem>>)
        %add3A_108 = arith.constant 8 : i32
        %add3A_109 = arith.addi %mul3A_69, %add3A_108 : i32
        %add3A_110 = arith.constant 0 : i32
        %add3A_111 = arith.addi %add3A_109, %add3A_110 : i32
        "tpu.region"() ({
          %run_scoped3A = tpu.sem_alloc : memref<!tpu.dma_semaphore, #tpu.memory_space<semaphore_mem>>
          %dma_start3A_272 = arith.constant 0 : i32
          %dma_start3A_273 = tpu.memref_slice %arg7[%add3A_111, %dma_start3A_272] : memref<32x128xi32, #tpu.memory_space<vmem>> -> memref<1x128xi32, #tpu.memory_space<vmem>>
          %dma_start3A_274 = tpu.memref_squeeze %dma_start3A_273 : memref<1x128xi32, #tpu.memory_space<vmem>> -> memref<128xi32, #tpu.memory_space<vmem>>
          %dma_start3A_275 = arith.constant 0 : i32
          %dma_start3A_276 = arith.constant 0 : i32
          %dma_start3A_277 = tpu.memref_slice %arg10[%dma_start3A_275, %dma_start3A_276] : memref<10112x128xf32, #tpu.memory_space<vmem_shared>> -> memref<10112x128xf32, #tpu.memory_space<vmem_shared>>
          tpu.enqueue_indirect_dma source(%arg8 : memref<128x128xf32, #tpu.memory_space<vmem>>) target(%dma_start3A_277 : memref<10112x128xf32, #tpu.memory_space<vmem_shared>>) offsets(%dma_start3A_274 : memref<128xi32, #tpu.memory_space<vmem>>) semaphore(%run_scoped3A : memref<!tpu.dma_semaphore, #tpu.memory_space<semaphore_mem>>) {add = true}
          %dma_wait3A_278 = arith.constant 0 : i32
          %dma_wait3A_279 = tpu.memref_slice %arg7[%add3A_111, %dma_wait3A_278] : memref<32x128xi32, #tpu.memory_space<vmem>> -> memref<1x128xi32, #tpu.memory_space<vmem>>
          %dma_wait3A_280 = tpu.memref_squeeze %dma_wait3A_279 : memref<1x128xi32, #tpu.memory_space<vmem>> -> memref<128xi32, #tpu.memory_space<vmem>>
          %dma_wait3A_281 = arith.constant 0 : i32
          %dma_wait3A_282 = arith.constant 0 : i32
          %dma_wait3A_283 = tpu.memref_slice %arg10[%dma_wait3A_281, %dma_wait3A_282] : memref<10112x128xf32, #tpu.memory_space<vmem_shared>> -> memref<10112x128xf32, #tpu.memory_space<vmem_shared>>
          tpu.wait_indirect_dma semaphore(%run_scoped3A : memref<!tpu.dma_semaphore, #tpu.memory_space<semaphore_mem>>) src(%arg8 : memref<128x128xf32, #tpu.memory_space<vmem>>) dst(%dma_wait3A_283 : memref<10112x128xf32, #tpu.memory_space<vmem_shared>>)
          tpu.yield
        }) : () -> ()
        %add3A_112 = arith.constant 0 : i32
        %add3A_113 = arith.addi %mul3A_69, %add3A_112 : i32
        %add3A_114 = arith.constant 2 : i32
        %add3A_115 = arith.addi %add3A_113, %add3A_114 : i32
        %dma_start3A_116 = arith.constant 0 : i32
        %dma_start3A_117 = tpu.memref_slice %arg7[%add3A_115, %dma_start3A_116] : memref<32x128xi32, #tpu.memory_space<vmem>> -> memref<1x128xi32, #tpu.memory_space<vmem>>
        %dma_start3A_118 = tpu.memref_squeeze %dma_start3A_117 : memref<1x128xi32, #tpu.memory_space<vmem>> -> memref<128xi32, #tpu.memory_space<vmem>>
        %dma_start3A_119 = arith.constant 0 : i32
        %dma_start3A_120 = arith.constant 0 : i32
        %dma_start3A_121 = tpu.memref_slice %arg2[%dma_start3A_119, %dma_start3A_120] : memref<10000x128xf32, #tpu.memory_space<hbm>> -> memref<10000x128xf32, #tpu.memory_space<hbm>>
        tpu.enqueue_indirect_dma source(%dma_start3A_121 : memref<10000x128xf32, #tpu.memory_space<hbm>>) target(%arg8 : memref<128x128xf32, #tpu.memory_space<vmem>>) offsets(%dma_start3A_118 : memref<128xi32, #tpu.memory_space<vmem>>) semaphore(%arg11 : memref<!tpu.dma_semaphore, #tpu.memory_space<semaphore_mem>>)
        %add3A_122 = arith.constant 0 : i32
        %add3A_123 = arith.addi %mul3A_69, %add3A_122 : i32
        %add3A_124 = arith.constant 1 : i32
        %add3A_125 = arith.addi %add3A_123, %add3A_124 : i32
        %dma_wait3A_126 = arith.constant 0 : i32
        %dma_wait3A_127 = tpu.memref_slice %arg7[%add3A_125, %dma_wait3A_126] : memref<32x128xi32, #tpu.memory_space<vmem>> -> memref<1x128xi32, #tpu.memory_space<vmem>>
        %dma_wait3A_128 = tpu.memref_squeeze %dma_wait3A_127 : memref<1x128xi32, #tpu.memory_space<vmem>> -> memref<128xi32, #tpu.memory_space<vmem>>
        %dma_wait3A_129 = arith.constant 0 : i32
        %dma_wait3A_130 = arith.constant 0 : i32
        %dma_wait3A_131 = tpu.memref_slice %arg2[%dma_wait3A_129, %dma_wait3A_130] : memref<10000x128xf32, #tpu.memory_space<hbm>> -> memref<10000x128xf32, #tpu.memory_space<hbm>>
        tpu.wait_indirect_dma semaphore(%arg12 : memref<!tpu.dma_semaphore, #tpu.memory_space<semaphore_mem>>) src(%dma_wait3A_131 : memref<10000x128xf32, #tpu.memory_space<hbm>>) dst(%arg9 : memref<128x128xf32, #tpu.memory_space<vmem>>)
        %add3A_132 = arith.constant 8 : i32
        %add3A_133 = arith.addi %mul3A_69, %add3A_132 : i32
        %add3A_134 = arith.constant 0 : i32
        %add3A_135 = arith.addi %add3A_133, %add3A_134 : i32
        %add3A_136 = arith.constant 1 : i32
        %add3A_137 = arith.addi %add3A_135, %add3A_136 : i32
        "tpu.region"() ({
          %run_scoped3A = tpu.sem_alloc : memref<!tpu.dma_semaphore, #tpu.memory_space<semaphore_mem>>
          %dma_start3A_272 = arith.constant 0 : i32
          %dma_start3A_273 = tpu.memref_slice %arg7[%add3A_137, %dma_start3A_272] : memref<32x128xi32, #tpu.memory_space<vmem>> -> memref<1x128xi32, #tpu.memory_space<vmem>>
          %dma_start3A_274 = tpu.memref_squeeze %dma_start3A_273 : memref<1x128xi32, #tpu.memory_space<vmem>> -> memref<128xi32, #tpu.memory_space<vmem>>
          %dma_start3A_275 = arith.constant 0 : i32
          %dma_start3A_276 = arith.constant 0 : i32
          %dma_start3A_277 = tpu.memref_slice %arg10[%dma_start3A_275, %dma_start3A_276] : memref<10112x128xf32, #tpu.memory_space<vmem_shared>> -> memref<10112x128xf32, #tpu.memory_space<vmem_shared>>
          tpu.enqueue_indirect_dma source(%arg9 : memref<128x128xf32, #tpu.memory_space<vmem>>) target(%dma_start3A_277 : memref<10112x128xf32, #tpu.memory_space<vmem_shared>>) offsets(%dma_start3A_274 : memref<128xi32, #tpu.memory_space<vmem>>) semaphore(%run_scoped3A : memref<!tpu.dma_semaphore, #tpu.memory_space<semaphore_mem>>) {add = true}
          %dma_wait3A_278 = arith.constant 0 : i32
          %dma_wait3A_279 = tpu.memref_slice %arg7[%add3A_137, %dma_wait3A_278] : memref<32x128xi32, #tpu.memory_space<vmem>> -> memref<1x128xi32, #tpu.memory_space<vmem>>
          %dma_wait3A_280 = tpu.memref_squeeze %dma_wait3A_279 : memref<1x128xi32, #tpu.memory_space<vmem>> -> memref<128xi32, #tpu.memory_space<vmem>>
          %dma_wait3A_281 = arith.constant 0 : i32
          %dma_wait3A_282 = arith.constant 0 : i32
          %dma_wait3A_283 = tpu.memref_slice %arg10[%dma_wait3A_281, %dma_wait3A_282] : memref<10112x128xf32, #tpu.memory_space<vmem_shared>> -> memref<10112x128xf32, #tpu.memory_space<vmem_shared>>
          tpu.wait_indirect_dma semaphore(%run_scoped3A : memref<!tpu.dma_semaphore, #tpu.memory_space<semaphore_mem>>) src(%arg9 : memref<128x128xf32, #tpu.memory_space<vmem>>) dst(%dma_wait3A_283 : memref<10112x128xf32, #tpu.memory_space<vmem_shared>>)
          tpu.yield
        }) : () -> ()
        %add3A_138 = arith.constant 2 : i32
        %add3A_139 = arith.addi %mul3A_69, %add3A_138 : i32
        %dma_wait3A_140 = arith.constant 0 : i32
        %dma_wait3A_141 = tpu.memref_slice %arg7[%add3A_139, %dma_wait3A_140] : memref<32x128xi32, #tpu.memory_space<vmem>> -> memref<1x128xi32, #tpu.memory_space<vmem>>
        %dma_wait3A_142 = tpu.memref_squeeze %dma_wait3A_141 : memref<1x128xi32, #tpu.memory_space<vmem>> -> memref<128xi32, #tpu.memory_space<vmem>>
        %dma_wait3A_143 = arith.constant 0 : i32
        %dma_wait3A_144 = arith.constant 0 : i32
        %dma_wait3A_145 = tpu.memref_slice %arg2[%dma_wait3A_143, %dma_wait3A_144] : memref<10000x128xf32, #tpu.memory_space<hbm>> -> memref<10000x128xf32, #tpu.memory_space<hbm>>
        tpu.wait_indirect_dma semaphore(%arg11 : memref<!tpu.dma_semaphore, #tpu.memory_space<semaphore_mem>>) src(%dma_wait3A_145 : memref<10000x128xf32, #tpu.memory_space<hbm>>) dst(%arg8 : memref<128x128xf32, #tpu.memory_space<vmem>>)
        %add3A_146 = arith.constant 2 : i32
        %add3A_147 = arith.addi %mul3A_69, %add3A_146 : i32
        %add3A_148 = arith.constant 1 : i32
        %add3A_149 = arith.addi %add3A_147, %add3A_148 : i32
        %dma_start3A_150 = arith.constant 0 : i32
        %dma_start3A_151 = tpu.memref_slice %arg7[%add3A_149, %dma_start3A_150] : memref<32x128xi32, #tpu.memory_space<vmem>> -> memref<1x128xi32, #tpu.memory_space<vmem>>
        %dma_start3A_152 = tpu.memref_squeeze %dma_start3A_151 : memref<1x128xi32, #tpu.memory_space<vmem>> -> memref<128xi32, #tpu.memory_space<vmem>>
        %dma_start3A_153 = arith.constant 0 : i32
        %dma_start3A_154 = arith.constant 0 : i32
        %dma_start3A_155 = tpu.memref_slice %arg2[%dma_start3A_153, %dma_start3A_154] : memref<10000x128xf32, #tpu.memory_space<hbm>> -> memref<10000x128xf32, #tpu.memory_space<hbm>>
        tpu.enqueue_indirect_dma source(%dma_start3A_155 : memref<10000x128xf32, #tpu.memory_space<hbm>>) target(%arg9 : memref<128x128xf32, #tpu.memory_space<vmem>>) offsets(%dma_start3A_152 : memref<128xi32, #tpu.memory_space<vmem>>) semaphore(%arg12 : memref<!tpu.dma_semaphore, #tpu.memory_space<semaphore_mem>>)
        %add3A_156 = arith.constant 8 : i32
        %add3A_157 = arith.addi %mul3A_69, %add3A_156 : i32
        %add3A_158 = arith.constant 2 : i32
        %add3A_159 = arith.addi %add3A_157, %add3A_158 : i32
        "tpu.region"() ({
          %run_scoped3A = tpu.sem_alloc : memref<!tpu.dma_semaphore, #tpu.memory_space<semaphore_mem>>
          %dma_start3A_272 = arith.constant 0 : i32
          %dma_start3A_273 = tpu.memref_slice %arg7[%add3A_159, %dma_start3A_272] : memref<32x128xi32, #tpu.memory_space<vmem>> -> memref<1x128xi32, #tpu.memory_space<vmem>>
          %dma_start3A_274 = tpu.memref_squeeze %dma_start3A_273 : memref<1x128xi32, #tpu.memory_space<vmem>> -> memref<128xi32, #tpu.memory_space<vmem>>
          %dma_start3A_275 = arith.constant 0 : i32
          %dma_start3A_276 = arith.constant 0 : i32
          %dma_start3A_277 = tpu.memref_slice %arg10[%dma_start3A_275, %dma_start3A_276] : memref<10112x128xf32, #tpu.memory_space<vmem_shared>> -> memref<10112x128xf32, #tpu.memory_space<vmem_shared>>
          tpu.enqueue_indirect_dma source(%arg8 : memref<128x128xf32, #tpu.memory_space<vmem>>) target(%dma_start3A_277 : memref<10112x128xf32, #tpu.memory_space<vmem_shared>>) offsets(%dma_start3A_274 : memref<128xi32, #tpu.memory_space<vmem>>) semaphore(%run_scoped3A : memref<!tpu.dma_semaphore, #tpu.memory_space<semaphore_mem>>) {add = true}
          %dma_wait3A_278 = arith.constant 0 : i32
          %dma_wait3A_279 = tpu.memref_slice %arg7[%add3A_159, %dma_wait3A_278] : memref<32x128xi32, #tpu.memory_space<vmem>> -> memref<1x128xi32, #tpu.memory_space<vmem>>
          %dma_wait3A_280 = tpu.memref_squeeze %dma_wait3A_279 : memref<1x128xi32, #tpu.memory_space<vmem>> -> memref<128xi32, #tpu.memory_space<vmem>>
          %dma_wait3A_281 = arith.constant 0 : i32
          %dma_wait3A_282 = arith.constant 0 : i32
          %dma_wait3A_283 = tpu.memref_slice %arg10[%dma_wait3A_281, %dma_wait3A_282] : memref<10112x128xf32, #tpu.memory_space<vmem_shared>> -> memref<10112x128xf32, #tpu.memory_space<vmem_shared>>
          tpu.wait_indirect_dma semaphore(%run_scoped3A : memref<!tpu.dma_semaphore, #tpu.memory_space<semaphore_mem>>) src(%arg8 : memref<128x128xf32, #tpu.memory_space<vmem>>) dst(%dma_wait3A_283 : memref<10112x128xf32, #tpu.memory_space<vmem_shared>>)
          tpu.yield
        }) : () -> ()
        %add3A_160 = arith.constant 2 : i32
        %add3A_161 = arith.addi %mul3A_69, %add3A_160 : i32
        %add3A_162 = arith.constant 2 : i32
        %add3A_163 = arith.addi %add3A_161, %add3A_162 : i32
        %dma_start3A_164 = arith.constant 0 : i32
        %dma_start3A_165 = tpu.memref_slice %arg7[%add3A_163, %dma_start3A_164] : memref<32x128xi32, #tpu.memory_space<vmem>> -> memref<1x128xi32, #tpu.memory_space<vmem>>
        %dma_start3A_166 = tpu.memref_squeeze %dma_start3A_165 : memref<1x128xi32, #tpu.memory_space<vmem>> -> memref<128xi32, #tpu.memory_space<vmem>>
        %dma_start3A_167 = arith.constant 0 : i32
        %dma_start3A_168 = arith.constant 0 : i32
        %dma_start3A_169 = tpu.memref_slice %arg2[%dma_start3A_167, %dma_start3A_168] : memref<10000x128xf32, #tpu.memory_space<hbm>> -> memref<10000x128xf32, #tpu.memory_space<hbm>>
        tpu.enqueue_indirect_dma source(%dma_start3A_169 : memref<10000x128xf32, #tpu.memory_space<hbm>>) target(%arg8 : memref<128x128xf32, #tpu.memory_space<vmem>>) offsets(%dma_start3A_166 : memref<128xi32, #tpu.memory_space<vmem>>) semaphore(%arg11 : memref<!tpu.dma_semaphore, #tpu.memory_space<semaphore_mem>>)
        %add3A_170 = arith.constant 2 : i32
        %add3A_171 = arith.addi %mul3A_69, %add3A_170 : i32
        %add3A_172 = arith.constant 1 : i32
        %add3A_173 = arith.addi %add3A_171, %add3A_172 : i32
        %dma_wait3A_174 = arith.constant 0 : i32
        %dma_wait3A_175 = tpu.memref_slice %arg7[%add3A_173, %dma_wait3A_174] : memref<32x128xi32, #tpu.memory_space<vmem>> -> memref<1x128xi32, #tpu.memory_space<vmem>>
        %dma_wait3A_176 = tpu.memref_squeeze %dma_wait3A_175 : memref<1x128xi32, #tpu.memory_space<vmem>> -> memref<128xi32, #tpu.memory_space<vmem>>
        %dma_wait3A_177 = arith.constant 0 : i32
        %dma_wait3A_178 = arith.constant 0 : i32
        %dma_wait3A_179 = tpu.memref_slice %arg2[%dma_wait3A_177, %dma_wait3A_178] : memref<10000x128xf32, #tpu.memory_space<hbm>> -> memref<10000x128xf32, #tpu.memory_space<hbm>>
        tpu.wait_indirect_dma semaphore(%arg12 : memref<!tpu.dma_semaphore, #tpu.memory_space<semaphore_mem>>) src(%dma_wait3A_179 : memref<10000x128xf32, #tpu.memory_space<hbm>>) dst(%arg9 : memref<128x128xf32, #tpu.memory_space<vmem>>)
        %add3A_180 = arith.constant 8 : i32
        %add3A_181 = arith.addi %mul3A_69, %add3A_180 : i32
        %add3A_182 = arith.constant 2 : i32
        %add3A_183 = arith.addi %add3A_181, %add3A_182 : i32
        %add3A_184 = arith.constant 1 : i32
        %add3A_185 = arith.addi %add3A_183, %add3A_184 : i32
        "tpu.region"() ({
          %run_scoped3A = tpu.sem_alloc : memref<!tpu.dma_semaphore, #tpu.memory_space<semaphore_mem>>
          %dma_start3A_272 = arith.constant 0 : i32
          %dma_start3A_273 = tpu.memref_slice %arg7[%add3A_185, %dma_start3A_272] : memref<32x128xi32, #tpu.memory_space<vmem>> -> memref<1x128xi32, #tpu.memory_space<vmem>>
          %dma_start3A_274 = tpu.memref_squeeze %dma_start3A_273 : memref<1x128xi32, #tpu.memory_space<vmem>> -> memref<128xi32, #tpu.memory_space<vmem>>
          %dma_start3A_275 = arith.constant 0 : i32
          %dma_start3A_276 = arith.constant 0 : i32
          %dma_start3A_277 = tpu.memref_slice %arg10[%dma_start3A_275, %dma_start3A_276] : memref<10112x128xf32, #tpu.memory_space<vmem_shared>> -> memref<10112x128xf32, #tpu.memory_space<vmem_shared>>
          tpu.enqueue_indirect_dma source(%arg9 : memref<128x128xf32, #tpu.memory_space<vmem>>) target(%dma_start3A_277 : memref<10112x128xf32, #tpu.memory_space<vmem_shared>>) offsets(%dma_start3A_274 : memref<128xi32, #tpu.memory_space<vmem>>) semaphore(%run_scoped3A : memref<!tpu.dma_semaphore, #tpu.memory_space<semaphore_mem>>) {add = true}
          %dma_wait3A_278 = arith.constant 0 : i32
          %dma_wait3A_279 = tpu.memref_slice %arg7[%add3A_185, %dma_wait3A_278] : memref<32x128xi32, #tpu.memory_space<vmem>> -> memref<1x128xi32, #tpu.memory_space<vmem>>
          %dma_wait3A_280 = tpu.memref_squeeze %dma_wait3A_279 : memref<1x128xi32, #tpu.memory_space<vmem>> -> memref<128xi32, #tpu.memory_space<vmem>>
          %dma_wait3A_281 = arith.constant 0 : i32
          %dma_wait3A_282 = arith.constant 0 : i32
          %dma_wait3A_283 = tpu.memref_slice %arg10[%dma_wait3A_281, %dma_wait3A_282] : memref<10112x128xf32, #tpu.memory_space<vmem_shared>> -> memref<10112x128xf32, #tpu.memory_space<vmem_shared>>
          tpu.wait_indirect_dma semaphore(%run_scoped3A : memref<!tpu.dma_semaphore, #tpu.memory_space<semaphore_mem>>) src(%arg9 : memref<128x128xf32, #tpu.memory_space<vmem>>) dst(%dma_wait3A_283 : memref<10112x128xf32, #tpu.memory_space<vmem_shared>>)
          tpu.yield
        }) : () -> ()
        %add3A_186 = arith.constant 4 : i32
        %add3A_187 = arith.addi %mul3A_69, %add3A_186 : i32
        %dma_wait3A_188 = arith.constant 0 : i32
        %dma_wait3A_189 = tpu.memref_slice %arg7[%add3A_187, %dma_wait3A_188] : memref<32x128xi32, #tpu.memory_space<vmem>> -> memref<1x128xi32, #tpu.memory_space<vmem>>
        %dma_wait3A_190 = tpu.memref_squeeze %dma_wait3A_189 : memref<1x128xi32, #tpu.memory_space<vmem>> -> memref<128xi32, #tpu.memory_space<vmem>>
        %dma_wait3A_191 = arith.constant 0 : i32
        %dma_wait3A_192 = arith.constant 0 : i32
        %dma_wait3A_193 = tpu.memref_slice %arg2[%dma_wait3A_191, %dma_wait3A_192] : memref<10000x128xf32, #tpu.memory_space<hbm>> -> memref<10000x128xf32, #tpu.memory_space<hbm>>
        tpu.wait_indirect_dma semaphore(%arg11 : memref<!tpu.dma_semaphore, #tpu.memory_space<semaphore_mem>>) src(%dma_wait3A_193 : memref<10000x128xf32, #tpu.memory_space<hbm>>) dst(%arg8 : memref<128x128xf32, #tpu.memory_space<vmem>>)
        %add3A_194 = arith.constant 4 : i32
        %add3A_195 = arith.addi %mul3A_69, %add3A_194 : i32
        %add3A_196 = arith.constant 1 : i32
        %add3A_197 = arith.addi %add3A_195, %add3A_196 : i32
        %dma_start3A_198 = arith.constant 0 : i32
        %dma_start3A_199 = tpu.memref_slice %arg7[%add3A_197, %dma_start3A_198] : memref<32x128xi32, #tpu.memory_space<vmem>> -> memref<1x128xi32, #tpu.memory_space<vmem>>
        %dma_start3A_200 = tpu.memref_squeeze %dma_start3A_199 : memref<1x128xi32, #tpu.memory_space<vmem>> -> memref<128xi32, #tpu.memory_space<vmem>>
        %dma_start3A_201 = arith.constant 0 : i32
        %dma_start3A_202 = arith.constant 0 : i32
        %dma_start3A_203 = tpu.memref_slice %arg2[%dma_start3A_201, %dma_start3A_202] : memref<10000x128xf32, #tpu.memory_space<hbm>> -> memref<10000x128xf32, #tpu.memory_space<hbm>>
        tpu.enqueue_indirect_dma source(%dma_start3A_203 : memref<10000x128xf32, #tpu.memory_space<hbm>>) target(%arg9 : memref<128x128xf32, #tpu.memory_space<vmem>>) offsets(%dma_start3A_200 : memref<128xi32, #tpu.memory_space<vmem>>) semaphore(%arg12 : memref<!tpu.dma_semaphore, #tpu.memory_space<semaphore_mem>>)
        %add3A_204 = arith.constant 8 : i32
        %add3A_205 = arith.addi %mul3A_69, %add3A_204 : i32
        %add3A_206 = arith.constant 4 : i32
        %add3A_207 = arith.addi %add3A_205, %add3A_206 : i32
        "tpu.region"() ({
          %run_scoped3A = tpu.sem_alloc : memref<!tpu.dma_semaphore, #tpu.memory_space<semaphore_mem>>
          %dma_start3A_272 = arith.constant 0 : i32
          %dma_start3A_273 = tpu.memref_slice %arg7[%add3A_207, %dma_start3A_272] : memref<32x128xi32, #tpu.memory_space<vmem>> -> memref<1x128xi32, #tpu.memory_space<vmem>>
          %dma_start3A_274 = tpu.memref_squeeze %dma_start3A_273 : memref<1x128xi32, #tpu.memory_space<vmem>> -> memref<128xi32, #tpu.memory_space<vmem>>
          %dma_start3A_275 = arith.constant 0 : i32
          %dma_start3A_276 = arith.constant 0 : i32
          %dma_start3A_277 = tpu.memref_slice %arg10[%dma_start3A_275, %dma_start3A_276] : memref<10112x128xf32, #tpu.memory_space<vmem_shared>> -> memref<10112x128xf32, #tpu.memory_space<vmem_shared>>
          tpu.enqueue_indirect_dma source(%arg8 : memref<128x128xf32, #tpu.memory_space<vmem>>) target(%dma_start3A_277 : memref<10112x128xf32, #tpu.memory_space<vmem_shared>>) offsets(%dma_start3A_274 : memref<128xi32, #tpu.memory_space<vmem>>) semaphore(%run_scoped3A : memref<!tpu.dma_semaphore, #tpu.memory_space<semaphore_mem>>) {add = true}
          %dma_wait3A_278 = arith.constant 0 : i32
          %dma_wait3A_279 = tpu.memref_slice %arg7[%add3A_207, %dma_wait3A_278] : memref<32x128xi32, #tpu.memory_space<vmem>> -> memref<1x128xi32, #tpu.memory_space<vmem>>
          %dma_wait3A_280 = tpu.memref_squeeze %dma_wait3A_279 : memref<1x128xi32, #tpu.memory_space<vmem>> -> memref<128xi32, #tpu.memory_space<vmem>>
          %dma_wait3A_281 = arith.constant 0 : i32
          %dma_wait3A_282 = arith.constant 0 : i32
          %dma_wait3A_283 = tpu.memref_slice %arg10[%dma_wait3A_281, %dma_wait3A_282] : memref<10112x128xf32, #tpu.memory_space<vmem_shared>> -> memref<10112x128xf32, #tpu.memory_space<vmem_shared>>
          tpu.wait_indirect_dma semaphore(%run_scoped3A : memref<!tpu.dma_semaphore, #tpu.memory_space<semaphore_mem>>) src(%arg8 : memref<128x128xf32, #tpu.memory_space<vmem>>) dst(%dma_wait3A_283 : memref<10112x128xf32, #tpu.memory_space<vmem_shared>>)
          tpu.yield
        }) : () -> ()
        %add3A_208 = arith.constant 4 : i32
        %add3A_209 = arith.addi %mul3A_69, %add3A_208 : i32
        %add3A_210 = arith.constant 2 : i32
        %add3A_211 = arith.addi %add3A_209, %add3A_210 : i32
        %dma_start3A_212 = arith.constant 0 : i32
        %dma_start3A_213 = tpu.memref_slice %arg7[%add3A_211, %dma_start3A_212] : memref<32x128xi32, #tpu.memory_space<vmem>> -> memref<1x128xi32, #tpu.memory_space<vmem>>
        %dma_start3A_214 = tpu.memref_squeeze %dma_start3A_213 : memref<1x128xi32, #tpu.memory_space<vmem>> -> memref<128xi32, #tpu.memory_space<vmem>>
        %dma_start3A_215 = arith.constant 0 : i32
        %dma_start3A_216 = arith.constant 0 : i32
        %dma_start3A_217 = tpu.memref_slice %arg2[%dma_start3A_215, %dma_start3A_216] : memref<10000x128xf32, #tpu.memory_space<hbm>> -> memref<10000x128xf32, #tpu.memory_space<hbm>>
        tpu.enqueue_indirect_dma source(%dma_start3A_217 : memref<10000x128xf32, #tpu.memory_space<hbm>>) target(%arg8 : memref<128x128xf32, #tpu.memory_space<vmem>>) offsets(%dma_start3A_214 : memref<128xi32, #tpu.memory_space<vmem>>) semaphore(%arg11 : memref<!tpu.dma_semaphore, #tpu.memory_space<semaphore_mem>>)
        %add3A_218 = arith.constant 4 : i32
        %add3A_219 = arith.addi %mul3A_69, %add3A_218 : i32
        %add3A_220 = arith.constant 1 : i32
        %add3A_221 = arith.addi %add3A_219, %add3A_220 : i32
        %dma_wait3A_222 = arith.constant 0 : i32
        %dma_wait3A_223 = tpu.memref_slice %arg7[%add3A_221, %dma_wait3A_222] : memref<32x128xi32, #tpu.memory_space<vmem>> -> memref<1x128xi32, #tpu.memory_space<vmem>>
        %dma_wait3A_224 = tpu.memref_squeeze %dma_wait3A_223 : memref<1x128xi32, #tpu.memory_space<vmem>> -> memref<128xi32, #tpu.memory_space<vmem>>
        %dma_wait3A_225 = arith.constant 0 : i32
        %dma_wait3A_226 = arith.constant 0 : i32
        %dma_wait3A_227 = tpu.memref_slice %arg2[%dma_wait3A_225, %dma_wait3A_226] : memref<10000x128xf32, #tpu.memory_space<hbm>> -> memref<10000x128xf32, #tpu.memory_space<hbm>>
        tpu.wait_indirect_dma semaphore(%arg12 : memref<!tpu.dma_semaphore, #tpu.memory_space<semaphore_mem>>) src(%dma_wait3A_227 : memref<10000x128xf32, #tpu.memory_space<hbm>>) dst(%arg9 : memref<128x128xf32, #tpu.memory_space<vmem>>)
        %add3A_228 = arith.constant 8 : i32
        %add3A_229 = arith.addi %mul3A_69, %add3A_228 : i32
        %add3A_230 = arith.constant 4 : i32
        %add3A_231 = arith.addi %add3A_229, %add3A_230 : i32
        %add3A_232 = arith.constant 1 : i32
        %add3A_233 = arith.addi %add3A_231, %add3A_232 : i32
        "tpu.region"() ({
          %run_scoped3A = tpu.sem_alloc : memref<!tpu.dma_semaphore, #tpu.memory_space<semaphore_mem>>
          %dma_start3A_272 = arith.constant 0 : i32
          %dma_start3A_273 = tpu.memref_slice %arg7[%add3A_233, %dma_start3A_272] : memref<32x128xi32, #tpu.memory_space<vmem>> -> memref<1x128xi32, #tpu.memory_space<vmem>>
          %dma_start3A_274 = tpu.memref_squeeze %dma_start3A_273 : memref<1x128xi32, #tpu.memory_space<vmem>> -> memref<128xi32, #tpu.memory_space<vmem>>
          %dma_start3A_275 = arith.constant 0 : i32
          %dma_start3A_276 = arith.constant 0 : i32
          %dma_start3A_277 = tpu.memref_slice %arg10[%dma_start3A_275, %dma_start3A_276] : memref<10112x128xf32, #tpu.memory_space<vmem_shared>> -> memref<10112x128xf32, #tpu.memory_space<vmem_shared>>
          tpu.enqueue_indirect_dma source(%arg9 : memref<128x128xf32, #tpu.memory_space<vmem>>) target(%dma_start3A_277 : memref<10112x128xf32, #tpu.memory_space<vmem_shared>>) offsets(%dma_start3A_274 : memref<128xi32, #tpu.memory_space<vmem>>) semaphore(%run_scoped3A : memref<!tpu.dma_semaphore, #tpu.memory_space<semaphore_mem>>) {add = true}
          %dma_wait3A_278 = arith.constant 0 : i32
          %dma_wait3A_279 = tpu.memref_slice %arg7[%add3A_233, %dma_wait3A_278] : memref<32x128xi32, #tpu.memory_space<vmem>> -> memref<1x128xi32, #tpu.memory_space<vmem>>
          %dma_wait3A_280 = tpu.memref_squeeze %dma_wait3A_279 : memref<1x128xi32, #tpu.memory_space<vmem>> -> memref<128xi32, #tpu.memory_space<vmem>>
          %dma_wait3A_281 = arith.constant 0 : i32
          %dma_wait3A_282 = arith.constant 0 : i32
          %dma_wait3A_283 = tpu.memref_slice %arg10[%dma_wait3A_281, %dma_wait3A_282] : memref<10112x128xf32, #tpu.memory_space<vmem_shared>> -> memref<10112x128xf32, #tpu.memory_space<vmem_shared>>
          tpu.wait_indirect_dma semaphore(%run_scoped3A : memref<!tpu.dma_semaphore, #tpu.memory_space<semaphore_mem>>) src(%arg9 : memref<128x128xf32, #tpu.memory_space<vmem>>) dst(%dma_wait3A_283 : memref<10112x128xf32, #tpu.memory_space<vmem_shared>>)
          tpu.yield
        }) : () -> ()
        %add3A_234 = arith.constant 6 : i32
        %add3A_235 = arith.addi %mul3A_69, %add3A_234 : i32
        %dma_wait3A_236 = arith.constant 0 : i32
        %dma_wait3A_237 = tpu.memref_slice %arg7[%add3A_235, %dma_wait3A_236] : memref<32x128xi32, #tpu.memory_space<vmem>> -> memref<1x128xi32, #tpu.memory_space<vmem>>
        %dma_wait3A_238 = tpu.memref_squeeze %dma_wait3A_237 : memref<1x128xi32, #tpu.memory_space<vmem>> -> memref<128xi32, #tpu.memory_space<vmem>>
        %dma_wait3A_239 = arith.constant 0 : i32
        %dma_wait3A_240 = arith.constant 0 : i32
        %dma_wait3A_241 = tpu.memref_slice %arg2[%dma_wait3A_239, %dma_wait3A_240] : memref<10000x128xf32, #tpu.memory_space<hbm>> -> memref<10000x128xf32, #tpu.memory_space<hbm>>
        tpu.wait_indirect_dma semaphore(%arg11 : memref<!tpu.dma_semaphore, #tpu.memory_space<semaphore_mem>>) src(%dma_wait3A_241 : memref<10000x128xf32, #tpu.memory_space<hbm>>) dst(%arg8 : memref<128x128xf32, #tpu.memory_space<vmem>>)
        %add3A_242 = arith.constant 6 : i32
        %add3A_243 = arith.addi %mul3A_69, %add3A_242 : i32
        %add3A_244 = arith.constant 1 : i32
        %add3A_245 = arith.addi %add3A_243, %add3A_244 : i32
        %dma_start3A_246 = arith.constant 0 : i32
        %dma_start3A_247 = tpu.memref_slice %arg7[%add3A_245, %dma_start3A_246] : memref<32x128xi32, #tpu.memory_space<vmem>> -> memref<1x128xi32, #tpu.memory_space<vmem>>
        %dma_start3A_248 = tpu.memref_squeeze %dma_start3A_247 : memref<1x128xi32, #tpu.memory_space<vmem>> -> memref<128xi32, #tpu.memory_space<vmem>>
        %dma_start3A_249 = arith.constant 0 : i32
        %dma_start3A_250 = arith.constant 0 : i32
        %dma_start3A_251 = tpu.memref_slice %arg2[%dma_start3A_249, %dma_start3A_250] : memref<10000x128xf32, #tpu.memory_space<hbm>> -> memref<10000x128xf32, #tpu.memory_space<hbm>>
        tpu.enqueue_indirect_dma source(%dma_start3A_251 : memref<10000x128xf32, #tpu.memory_space<hbm>>) target(%arg9 : memref<128x128xf32, #tpu.memory_space<vmem>>) offsets(%dma_start3A_248 : memref<128xi32, #tpu.memory_space<vmem>>) semaphore(%arg12 : memref<!tpu.dma_semaphore, #tpu.memory_space<semaphore_mem>>)
        %add3A_252 = arith.constant 8 : i32
        %add3A_253 = arith.addi %mul3A_69, %add3A_252 : i32
        %add3A_254 = arith.constant 6 : i32
        %add3A_255 = arith.addi %add3A_253, %add3A_254 : i32
        "tpu.region"() ({
          %run_scoped3A = tpu.sem_alloc : memref<!tpu.dma_semaphore, #tpu.memory_space<semaphore_mem>>
          %dma_start3A_272 = arith.constant 0 : i32
          %dma_start3A_273 = tpu.memref_slice %arg7[%add3A_255, %dma_start3A_272] : memref<32x128xi32, #tpu.memory_space<vmem>> -> memref<1x128xi32, #tpu.memory_space<vmem>>
          %dma_start3A_274 = tpu.memref_squeeze %dma_start3A_273 : memref<1x128xi32, #tpu.memory_space<vmem>> -> memref<128xi32, #tpu.memory_space<vmem>>
          %dma_start3A_275 = arith.constant 0 : i32
          %dma_start3A_276 = arith.constant 0 : i32
          %dma_start3A_277 = tpu.memref_slice %arg10[%dma_start3A_275, %dma_start3A_276] : memref<10112x128xf32, #tpu.memory_space<vmem_shared>> -> memref<10112x128xf32, #tpu.memory_space<vmem_shared>>
          tpu.enqueue_indirect_dma source(%arg8 : memref<128x128xf32, #tpu.memory_space<vmem>>) target(%dma_start3A_277 : memref<10112x128xf32, #tpu.memory_space<vmem_shared>>) offsets(%dma_start3A_274 : memref<128xi32, #tpu.memory_space<vmem>>) semaphore(%run_scoped3A : memref<!tpu.dma_semaphore, #tpu.memory_space<semaphore_mem>>) {add = true}
          %dma_wait3A_278 = arith.constant 0 : i32
          %dma_wait3A_279 = tpu.memref_slice %arg7[%add3A_255, %dma_wait3A_278] : memref<32x128xi32, #tpu.memory_space<vmem>> -> memref<1x128xi32, #tpu.memory_space<vmem>>
          %dma_wait3A_280 = tpu.memref_squeeze %dma_wait3A_279 : memref<1x128xi32, #tpu.memory_space<vmem>> -> memref<128xi32, #tpu.memory_space<vmem>>
          %dma_wait3A_281 = arith.constant 0 : i32
          %dma_wait3A_282 = arith.constant 0 : i32
          %dma_wait3A_283 = tpu.memref_slice %arg10[%dma_wait3A_281, %dma_wait3A_282] : memref<10112x128xf32, #tpu.memory_space<vmem_shared>> -> memref<10112x128xf32, #tpu.memory_space<vmem_shared>>
          tpu.wait_indirect_dma semaphore(%run_scoped3A : memref<!tpu.dma_semaphore, #tpu.memory_space<semaphore_mem>>) src(%arg8 : memref<128x128xf32, #tpu.memory_space<vmem>>) dst(%dma_wait3A_283 : memref<10112x128xf32, #tpu.memory_space<vmem_shared>>)
          tpu.yield
        }) : () -> ()
        %add3A_256 = arith.constant 6 : i32
        %add3A_257 = arith.addi %mul3A_69, %add3A_256 : i32
        %add3A_258 = arith.constant 1 : i32
        %add3A_259 = arith.addi %add3A_257, %add3A_258 : i32
        %dma_wait3A_260 = arith.constant 0 : i32
        %dma_wait3A_261 = tpu.memref_slice %arg7[%add3A_259, %dma_wait3A_260] : memref<32x128xi32, #tpu.memory_space<vmem>> -> memref<1x128xi32, #tpu.memory_space<vmem>>
        %dma_wait3A_262 = tpu.memref_squeeze %dma_wait3A_261 : memref<1x128xi32, #tpu.memory_space<vmem>> -> memref<128xi32, #tpu.memory_space<vmem>>
        %dma_wait3A_263 = arith.constant 0 : i32
        %dma_wait3A_264 = arith.constant 0 : i32
        %dma_wait3A_265 = tpu.memref_slice %arg2[%dma_wait3A_263, %dma_wait3A_264] : memref<10000x128xf32, #tpu.memory_space<hbm>> -> memref<10000x128xf32, #tpu.memory_space<hbm>>
        tpu.wait_indirect_dma semaphore(%arg12 : memref<!tpu.dma_semaphore, #tpu.memory_space<semaphore_mem>>) src(%dma_wait3A_265 : memref<10000x128xf32, #tpu.memory_space<hbm>>) dst(%arg9 : memref<128x128xf32, #tpu.memory_space<vmem>>)
        %add3A_266 = arith.constant 8 : i32
        %add3A_267 = arith.addi %mul3A_69, %add3A_266 : i32
        %add3A_268 = arith.constant 6 : i32
        %add3A_269 = arith.addi %add3A_267, %add3A_268 : i32
        %add3A_270 = arith.constant 1 : i32
        %add3A_271 = arith.addi %add3A_269, %add3A_270 : i32
        "tpu.region"() ({
          %run_scoped3A = tpu.sem_alloc : memref<!tpu.dma_semaphore, #tpu.memory_space<semaphore_mem>>
          %dma_start3A_272 = arith.constant 0 : i32
          %dma_start3A_273 = tpu.memref_slice %arg7[%add3A_271, %dma_start3A_272] : memref<32x128xi32, #tpu.memory_space<vmem>> -> memref<1x128xi32, #tpu.memory_space<vmem>>
          %dma_start3A_274 = tpu.memref_squeeze %dma_start3A_273 : memref<1x128xi32, #tpu.memory_space<vmem>> -> memref<128xi32, #tpu.memory_space<vmem>>
          %dma_start3A_275 = arith.constant 0 : i32
          %dma_start3A_276 = arith.constant 0 : i32
          %dma_start3A_277 = tpu.memref_slice %arg10[%dma_start3A_275, %dma_start3A_276] : memref<10112x128xf32, #tpu.memory_space<vmem_shared>> -> memref<10112x128xf32, #tpu.memory_space<vmem_shared>>
          tpu.enqueue_indirect_dma source(%arg9 : memref<128x128xf32, #tpu.memory_space<vmem>>) target(%dma_start3A_277 : memref<10112x128xf32, #tpu.memory_space<vmem_shared>>) offsets(%dma_start3A_274 : memref<128xi32, #tpu.memory_space<vmem>>) semaphore(%run_scoped3A : memref<!tpu.dma_semaphore, #tpu.memory_space<semaphore_mem>>) {add = true}
          %dma_wait3A_278 = arith.constant 0 : i32
          %dma_wait3A_279 = tpu.memref_slice %arg7[%add3A_271, %dma_wait3A_278] : memref<32x128xi32, #tpu.memory_space<vmem>> -> memref<1x128xi32, #tpu.memory_space<vmem>>
          %dma_wait3A_280 = tpu.memref_squeeze %dma_wait3A_279 : memref<1x128xi32, #tpu.memory_space<vmem>> -> memref<128xi32, #tpu.memory_space<vmem>>
          %dma_wait3A_281 = arith.constant 0 : i32
          %dma_wait3A_282 = arith.constant 0 : i32
          %dma_wait3A_283 = tpu.memref_slice %arg10[%dma_wait3A_281, %dma_wait3A_282] : memref<10112x128xf32, #tpu.memory_space<vmem_shared>> -> memref<10112x128xf32, #tpu.memory_space<vmem_shared>>
          tpu.wait_indirect_dma semaphore(%run_scoped3A : memref<!tpu.dma_semaphore, #tpu.memory_space<semaphore_mem>>) src(%arg9 : memref<128x128xf32, #tpu.memory_space<vmem>>) dst(%dma_wait3A_283 : memref<10112x128xf32, #tpu.memory_space<vmem_shared>>)
          tpu.yield
        }) : () -> ()
      }
      %scan3A_56 = arith.constant 10 : i32
    } else {
    }
    %eq3A_23 = arith.constant 1 : i32
    %eq3A_24 = arith.cmpi eq, %arg0, %eq3A_23 : i32
    %convert_element_type3A_25 = arith.extui %eq3A_24 : i1 to i32
    %cond3A_26 = arith.constant 0 : i32
    %cond3A_27 = arith.cmpi ne, %convert_element_type3A_25, %cond3A_26 : i32
    scf.if %cond3A_27 {
      %scan3A = arith.constant 0 : i32
      %scan3A_52 = arith.constant 0 : i32
      %scan3A_53 = arith.constant 10 : i32
      %scan3A_54 = arith.addi %scan3A_52, %scan3A_53 : i32
      %scan3A_55 = arith.constant 1 : i32
      scf.for %scan3A_57 = %scan3A_52 to %scan3A_54 step %scan3A_55  : i32 {
        %jit3A = arith.constant 2 : i32
        %eq3A_58 = arith.constant 0 : i32
        %eq3A_59 = arith.cmpi eq, %jit3A, %eq3A_58 : i32
        %jit3A_60 = arith.constant 1 : i32
        %select_n3A = arith.select %eq3A_59, %jit3A_60, %jit3A : i32
        %rem3A = arith.remsi %scan3A_57, %select_n3A : i32
        %ne3A = arith.constant 0 : i32
        %ne3A_61 = arith.cmpi ne, %rem3A, %ne3A : i32
        %lt3A = arith.constant 0 : i32
        %lt3A_62 = arith.cmpi slt, %rem3A, %lt3A : i32
        %lt3A_63 = arith.constant 0 : i32
        %lt3A_64 = arith.cmpi slt, %select_n3A, %lt3A_63 : i32
        %ne3A_65 = arith.xori %lt3A_62, %lt3A_64 : i1
        %and3A = arith.andi %ne3A_65, %ne3A_61 : i1
        %add3A_66 = arith.addi %rem3A, %select_n3A : i32
        %select_n3A_67 = arith.select %and3A, %add3A_66, %rem3A : i32
        %mul3A_68 = arith.constant 16 : i32
        %mul3A_69 = arith.muli %select_n3A_67, %mul3A_68 : i32
        %dma_wait3A = arith.constant 0 : i32
        %dma_wait3A_70 = arith.constant 0 : i32
        %dma_wait3A_71 = tpu.memref_slice %arg7[%dma_wait3A, %dma_wait3A_70] : memref<32x128xi32, #tpu.memory_space<vmem>> -> memref<16x128xi32, #tpu.memory_space<vmem>>
        %dma_wait3A_72 = arith.constant 0 : i32
        %dma_wait3A_73 = tpu.memref_slice %arg4[%mul3A_2, %dma_wait3A_72] : memref<2560x128xi32, #tpu.memory_space<hbm>> -> memref<16x128xi32, #tpu.memory_space<hbm>>
        %dma_wait3A_74 = arith.constant 0 : i32
        %dma_wait3A_75 = arith.constant 0 : i32
        %dma_wait3A_76 = tpu.memref_slice %arg7[%dma_wait3A_74, %dma_wait3A_75] : memref<32x128xi32, #tpu.memory_space<vmem>> -> memref<16x128xi32, #tpu.memory_space<vmem>>
        %dma_wait3A_77 = arith.constant 0 : i32
        %dma_wait3A_78 = tpu.memref_slice %arg4[%mul3A_2, %dma_wait3A_77] : memref<2560x128xi32, #tpu.memory_space<hbm>> -> memref<16x128xi32, #tpu.memory_space<hbm>>
        tpu.wait_dma2 semaphore(%arg13 : memref<!tpu.dma_semaphore, #tpu.memory_space<semaphore_mem>>) src(%dma_wait3A_78 : memref<16x128xi32, #tpu.memory_space<hbm>>) dst(%dma_wait3A_76 : memref<16x128xi32, #tpu.memory_space<vmem>>)
        %lt3A_79 = arith.constant 9 : i32
        %lt3A_80 = arith.cmpi slt, %scan3A_57, %lt3A_79 : i32
        %convert_element_type3A_81 = arith.extui %lt3A_80 : i1 to i32
        %cond3A_82 = arith.constant 0 : i32
        %cond3A_83 = arith.cmpi ne, %convert_element_type3A_81, %cond3A_82 : i32
        scf.if %cond3A_83 {
          %sub3A = arith.constant 16 : i32
          %sub3A_272 = arith.subi %sub3A, %mul3A_69 : i32
          %add3A_273 = arith.constant 1 : i32
          %add3A_274 = arith.addi %scan3A_57, %add3A_273 : i32
          %mul3A_275 = arith.constant 16 : i32
          %mul3A_276 = arith.muli %add3A_274, %mul3A_275 : i32
          %add3A_277 = arith.addi %mul3A_2, %mul3A_276 : i32
          %dma_start3A_278 = arith.constant 0 : i32
          %dma_start3A_279 = tpu.memref_slice %arg7[%sub3A_272, %dma_start3A_278] : memref<32x128xi32, #tpu.memory_space<vmem>> -> memref<16x128xi32, #tpu.memory_space<vmem>>
          %dma_start3A_280 = arith.constant 0 : i32
          %dma_start3A_281 = tpu.memref_slice %arg4[%add3A_277, %dma_start3A_280] : memref<2560x128xi32, #tpu.memory_space<hbm>> -> memref<16x128xi32, #tpu.memory_space<hbm>>
          %dma_start3A_282 = arith.constant 0 : i32
          %dma_start3A_283 = tpu.memref_slice %arg7[%sub3A_272, %dma_start3A_282] : memref<32x128xi32, #tpu.memory_space<vmem>> -> memref<16x128xi32, #tpu.memory_space<vmem>>
          %dma_start3A_284 = arith.constant 0 : i32
          %dma_start3A_285 = tpu.memref_slice %arg4[%add3A_277, %dma_start3A_284] : memref<2560x128xi32, #tpu.memory_space<hbm>> -> memref<16x128xi32, #tpu.memory_space<hbm>>
          tpu.enqueue_dma source(%dma_start3A_285 : memref<16x128xi32, #tpu.memory_space<hbm>>) target(%dma_start3A_283 : memref<16x128xi32, #tpu.memory_space<vmem>>) target_semaphore(%arg13 : memref<!tpu.dma_semaphore, #tpu.memory_space<semaphore_mem>>)
        } else {
        }
        %dma_start3A_84 = arith.constant 0 : i32
        %dma_start3A_85 = tpu.memref_slice %arg7[%mul3A_69, %dma_start3A_84] : memref<32x128xi32, #tpu.memory_space<vmem>> -> memref<1x128xi32, #tpu.memory_space<vmem>>
        %dma_start3A_86 = tpu.memref_squeeze %dma_start3A_85 : memref<1x128xi32, #tpu.memory_space<vmem>> -> memref<128xi32, #tpu.memory_space<vmem>>
        %dma_start3A_87 = arith.constant 0 : i32
        %dma_start3A_88 = arith.constant 0 : i32
        %dma_start3A_89 = tpu.memref_slice %arg3[%dma_start3A_87, %dma_start3A_88] : memref<10000x128xf32, #tpu.memory_space<hbm>> -> memref<10000x128xf32, #tpu.memory_space<hbm>>
        tpu.enqueue_indirect_dma source(%dma_start3A_89 : memref<10000x128xf32, #tpu.memory_space<hbm>>) target(%arg8 : memref<128x128xf32, #tpu.memory_space<vmem>>) offsets(%dma_start3A_86 : memref<128xi32, #tpu.memory_space<vmem>>) semaphore(%arg11 : memref<!tpu.dma_semaphore, #tpu.memory_space<semaphore_mem>>)
        %add3A_90 = arith.constant 0 : i32
        %add3A_91 = arith.addi %mul3A_69, %add3A_90 : i32
        %dma_wait3A_92 = arith.constant 0 : i32
        %dma_wait3A_93 = tpu.memref_slice %arg7[%add3A_91, %dma_wait3A_92] : memref<32x128xi32, #tpu.memory_space<vmem>> -> memref<1x128xi32, #tpu.memory_space<vmem>>
        %dma_wait3A_94 = tpu.memref_squeeze %dma_wait3A_93 : memref<1x128xi32, #tpu.memory_space<vmem>> -> memref<128xi32, #tpu.memory_space<vmem>>
        %dma_wait3A_95 = arith.constant 0 : i32
        %dma_wait3A_96 = arith.constant 0 : i32
        %dma_wait3A_97 = tpu.memref_slice %arg3[%dma_wait3A_95, %dma_wait3A_96] : memref<10000x128xf32, #tpu.memory_space<hbm>> -> memref<10000x128xf32, #tpu.memory_space<hbm>>
        tpu.wait_indirect_dma semaphore(%arg11 : memref<!tpu.dma_semaphore, #tpu.memory_space<semaphore_mem>>) src(%dma_wait3A_97 : memref<10000x128xf32, #tpu.memory_space<hbm>>) dst(%arg8 : memref<128x128xf32, #tpu.memory_space<vmem>>)
        %add3A_98 = arith.constant 0 : i32
        %add3A_99 = arith.addi %mul3A_69, %add3A_98 : i32
        %add3A_100 = arith.constant 1 : i32
        %add3A_101 = arith.addi %add3A_99, %add3A_100 : i32
        %dma_start3A_102 = arith.constant 0 : i32
        %dma_start3A_103 = tpu.memref_slice %arg7[%add3A_101, %dma_start3A_102] : memref<32x128xi32, #tpu.memory_space<vmem>> -> memref<1x128xi32, #tpu.memory_space<vmem>>
        %dma_start3A_104 = tpu.memref_squeeze %dma_start3A_103 : memref<1x128xi32, #tpu.memory_space<vmem>> -> memref<128xi32, #tpu.memory_space<vmem>>
        %dma_start3A_105 = arith.constant 0 : i32
        %dma_start3A_106 = arith.constant 0 : i32
        %dma_start3A_107 = tpu.memref_slice %arg3[%dma_start3A_105, %dma_start3A_106] : memref<10000x128xf32, #tpu.memory_space<hbm>> -> memref<10000x128xf32, #tpu.memory_space<hbm>>
        tpu.enqueue_indirect_dma source(%dma_start3A_107 : memref<10000x128xf32, #tpu.memory_space<hbm>>) target(%arg9 : memref<128x128xf32, #tpu.memory_space<vmem>>) offsets(%dma_start3A_104 : memref<128xi32, #tpu.memory_space<vmem>>) semaphore(%arg12 : memref<!tpu.dma_semaphore, #tpu.memory_space<semaphore_mem>>)
        %add3A_108 = arith.constant 8 : i32
        %add3A_109 = arith.addi %mul3A_69, %add3A_108 : i32
        %add3A_110 = arith.constant 0 : i32
        %add3A_111 = arith.addi %add3A_109, %add3A_110 : i32
        "tpu.region"() ({
          %run_scoped3A = tpu.sem_alloc : memref<!tpu.dma_semaphore, #tpu.memory_space<semaphore_mem>>
          %dma_start3A_272 = arith.constant 0 : i32
          %dma_start3A_273 = tpu.memref_slice %arg7[%add3A_111, %dma_start3A_272] : memref<32x128xi32, #tpu.memory_space<vmem>> -> memref<1x128xi32, #tpu.memory_space<vmem>>
          %dma_start3A_274 = tpu.memref_squeeze %dma_start3A_273 : memref<1x128xi32, #tpu.memory_space<vmem>> -> memref<128xi32, #tpu.memory_space<vmem>>
          %dma_start3A_275 = arith.constant 0 : i32
          %dma_start3A_276 = arith.constant 0 : i32
          %dma_start3A_277 = tpu.memref_slice %arg10[%dma_start3A_275, %dma_start3A_276] : memref<10112x128xf32, #tpu.memory_space<vmem_shared>> -> memref<10112x128xf32, #tpu.memory_space<vmem_shared>>
          tpu.enqueue_indirect_dma source(%arg8 : memref<128x128xf32, #tpu.memory_space<vmem>>) target(%dma_start3A_277 : memref<10112x128xf32, #tpu.memory_space<vmem_shared>>) offsets(%dma_start3A_274 : memref<128xi32, #tpu.memory_space<vmem>>) semaphore(%run_scoped3A : memref<!tpu.dma_semaphore, #tpu.memory_space<semaphore_mem>>) {add = true}
          %dma_wait3A_278 = arith.constant 0 : i32
          %dma_wait3A_279 = tpu.memref_slice %arg7[%add3A_111, %dma_wait3A_278] : memref<32x128xi32, #tpu.memory_space<vmem>> -> memref<1x128xi32, #tpu.memory_space<vmem>>
          %dma_wait3A_280 = tpu.memref_squeeze %dma_wait3A_279 : memref<1x128xi32, #tpu.memory_space<vmem>> -> memref<128xi32, #tpu.memory_space<vmem>>
          %dma_wait3A_281 = arith.constant 0 : i32
          %dma_wait3A_282 = arith.constant 0 : i32
          %dma_wait3A_283 = tpu.memref_slice %arg10[%dma_wait3A_281, %dma_wait3A_282] : memref<10112x128xf32, #tpu.memory_space<vmem_shared>> -> memref<10112x128xf32, #tpu.memory_space<vmem_shared>>
          tpu.wait_indirect_dma semaphore(%run_scoped3A : memref<!tpu.dma_semaphore, #tpu.memory_space<semaphore_mem>>) src(%arg8 : memref<128x128xf32, #tpu.memory_space<vmem>>) dst(%dma_wait3A_283 : memref<10112x128xf32, #tpu.memory_space<vmem_shared>>)
          tpu.yield
        }) : () -> ()
        %add3A_112 = arith.constant 0 : i32
        %add3A_113 = arith.addi %mul3A_69, %add3A_112 : i32
        %add3A_114 = arith.constant 2 : i32
        %add3A_115 = arith.addi %add3A_113, %add3A_114 : i32
        %dma_start3A_116 = arith.constant 0 : i32
        %dma_start3A_117 = tpu.memref_slice %arg7[%add3A_115, %dma_start3A_116] : memref<32x128xi32, #tpu.memory_space<vmem>> -> memref<1x128xi32, #tpu.memory_space<vmem>>
        %dma_start3A_118 = tpu.memref_squeeze %dma_start3A_117 : memref<1x128xi32, #tpu.memory_space<vmem>> -> memref<128xi32, #tpu.memory_space<vmem>>
        %dma_start3A_119 = arith.constant 0 : i32
        %dma_start3A_120 = arith.constant 0 : i32
        %dma_start3A_121 = tpu.memref_slice %arg3[%dma_start3A_119, %dma_start3A_120] : memref<10000x128xf32, #tpu.memory_space<hbm>> -> memref<10000x128xf32, #tpu.memory_space<hbm>>
        tpu.enqueue_indirect_dma source(%dma_start3A_121 : memref<10000x128xf32, #tpu.memory_space<hbm>>) target(%arg8 : memref<128x128xf32, #tpu.memory_space<vmem>>) offsets(%dma_start3A_118 : memref<128xi32, #tpu.memory_space<vmem>>) semaphore(%arg11 : memref<!tpu.dma_semaphore, #tpu.memory_space<semaphore_mem>>)
        %add3A_122 = arith.constant 0 : i32
        %add3A_123 = arith.addi %mul3A_69, %add3A_122 : i32
        %add3A_124 = arith.constant 1 : i32
        %add3A_125 = arith.addi %add3A_123, %add3A_124 : i32
        %dma_wait3A_126 = arith.constant 0 : i32
        %dma_wait3A_127 = tpu.memref_slice %arg7[%add3A_125, %dma_wait3A_126] : memref<32x128xi32, #tpu.memory_space<vmem>> -> memref<1x128xi32, #tpu.memory_space<vmem>>
        %dma_wait3A_128 = tpu.memref_squeeze %dma_wait3A_127 : memref<1x128xi32, #tpu.memory_space<vmem>> -> memref<128xi32, #tpu.memory_space<vmem>>
        %dma_wait3A_129 = arith.constant 0 : i32
        %dma_wait3A_130 = arith.constant 0 : i32
        %dma_wait3A_131 = tpu.memref_slice %arg3[%dma_wait3A_129, %dma_wait3A_130] : memref<10000x128xf32, #tpu.memory_space<hbm>> -> memref<10000x128xf32, #tpu.memory_space<hbm>>
        tpu.wait_indirect_dma semaphore(%arg12 : memref<!tpu.dma_semaphore, #tpu.memory_space<semaphore_mem>>) src(%dma_wait3A_131 : memref<10000x128xf32, #tpu.memory_space<hbm>>) dst(%arg9 : memref<128x128xf32, #tpu.memory_space<vmem>>)
        %add3A_132 = arith.constant 8 : i32
        %add3A_133 = arith.addi %mul3A_69, %add3A_132 : i32
        %add3A_134 = arith.constant 0 : i32
        %add3A_135 = arith.addi %add3A_133, %add3A_134 : i32
        %add3A_136 = arith.constant 1 : i32
        %add3A_137 = arith.addi %add3A_135, %add3A_136 : i32
        "tpu.region"() ({
          %run_scoped3A = tpu.sem_alloc : memref<!tpu.dma_semaphore, #tpu.memory_space<semaphore_mem>>
          %dma_start3A_272 = arith.constant 0 : i32
          %dma_start3A_273 = tpu.memref_slice %arg7[%add3A_137, %dma_start3A_272] : memref<32x128xi32, #tpu.memory_space<vmem>> -> memref<1x128xi32, #tpu.memory_space<vmem>>
          %dma_start3A_274 = tpu.memref_squeeze %dma_start3A_273 : memref<1x128xi32, #tpu.memory_space<vmem>> -> memref<128xi32, #tpu.memory_space<vmem>>
          %dma_start3A_275 = arith.constant 0 : i32
          %dma_start3A_276 = arith.constant 0 : i32
          %dma_start3A_277 = tpu.memref_slice %arg10[%dma_start3A_275, %dma_start3A_276] : memref<10112x128xf32, #tpu.memory_space<vmem_shared>> -> memref<10112x128xf32, #tpu.memory_space<vmem_shared>>
          tpu.enqueue_indirect_dma source(%arg9 : memref<128x128xf32, #tpu.memory_space<vmem>>) target(%dma_start3A_277 : memref<10112x128xf32, #tpu.memory_space<vmem_shared>>) offsets(%dma_start3A_274 : memref<128xi32, #tpu.memory_space<vmem>>) semaphore(%run_scoped3A : memref<!tpu.dma_semaphore, #tpu.memory_space<semaphore_mem>>) {add = true}
          %dma_wait3A_278 = arith.constant 0 : i32
          %dma_wait3A_279 = tpu.memref_slice %arg7[%add3A_137, %dma_wait3A_278] : memref<32x128xi32, #tpu.memory_space<vmem>> -> memref<1x128xi32, #tpu.memory_space<vmem>>
          %dma_wait3A_280 = tpu.memref_squeeze %dma_wait3A_279 : memref<1x128xi32, #tpu.memory_space<vmem>> -> memref<128xi32, #tpu.memory_space<vmem>>
          %dma_wait3A_281 = arith.constant 0 : i32
          %dma_wait3A_282 = arith.constant 0 : i32
          %dma_wait3A_283 = tpu.memref_slice %arg10[%dma_wait3A_281, %dma_wait3A_282] : memref<10112x128xf32, #tpu.memory_space<vmem_shared>> -> memref<10112x128xf32, #tpu.memory_space<vmem_shared>>
          tpu.wait_indirect_dma semaphore(%run_scoped3A : memref<!tpu.dma_semaphore, #tpu.memory_space<semaphore_mem>>) src(%arg9 : memref<128x128xf32, #tpu.memory_space<vmem>>) dst(%dma_wait3A_283 : memref<10112x128xf32, #tpu.memory_space<vmem_shared>>)
          tpu.yield
        }) : () -> ()
        %add3A_138 = arith.constant 2 : i32
        %add3A_139 = arith.addi %mul3A_69, %add3A_138 : i32
        %dma_wait3A_140 = arith.constant 0 : i32
        %dma_wait3A_141 = tpu.memref_slice %arg7[%add3A_139, %dma_wait3A_140] : memref<32x128xi32, #tpu.memory_space<vmem>> -> memref<1x128xi32, #tpu.memory_space<vmem>>
        %dma_wait3A_142 = tpu.memref_squeeze %dma_wait3A_141 : memref<1x128xi32, #tpu.memory_space<vmem>> -> memref<128xi32, #tpu.memory_space<vmem>>
        %dma_wait3A_143 = arith.constant 0 : i32
        %dma_wait3A_144 = arith.constant 0 : i32
        %dma_wait3A_145 = tpu.memref_slice %arg3[%dma_wait3A_143, %dma_wait3A_144] : memref<10000x128xf32, #tpu.memory_space<hbm>> -> memref<10000x128xf32, #tpu.memory_space<hbm>>
        tpu.wait_indirect_dma semaphore(%arg11 : memref<!tpu.dma_semaphore, #tpu.memory_space<semaphore_mem>>) src(%dma_wait3A_145 : memref<10000x128xf32, #tpu.memory_space<hbm>>) dst(%arg8 : memref<128x128xf32, #tpu.memory_space<vmem>>)
        %add3A_146 = arith.constant 2 : i32
        %add3A_147 = arith.addi %mul3A_69, %add3A_146 : i32
        %add3A_148 = arith.constant 1 : i32
        %add3A_149 = arith.addi %add3A_147, %add3A_148 : i32
        %dma_start3A_150 = arith.constant 0 : i32
        %dma_start3A_151 = tpu.memref_slice %arg7[%add3A_149, %dma_start3A_150] : memref<32x128xi32, #tpu.memory_space<vmem>> -> memref<1x128xi32, #tpu.memory_space<vmem>>
        %dma_start3A_152 = tpu.memref_squeeze %dma_start3A_151 : memref<1x128xi32, #tpu.memory_space<vmem>> -> memref<128xi32, #tpu.memory_space<vmem>>
        %dma_start3A_153 = arith.constant 0 : i32
        %dma_start3A_154 = arith.constant 0 : i32
        %dma_start3A_155 = tpu.memref_slice %arg3[%dma_start3A_153, %dma_start3A_154] : memref<10000x128xf32, #tpu.memory_space<hbm>> -> memref<10000x128xf32, #tpu.memory_space<hbm>>
        tpu.enqueue_indirect_dma source(%dma_start3A_155 : memref<10000x128xf32, #tpu.memory_space<hbm>>) target(%arg9 : memref<128x128xf32, #tpu.memory_space<vmem>>) offsets(%dma_start3A_152 : memref<128xi32, #tpu.memory_space<vmem>>) semaphore(%arg12 : memref<!tpu.dma_semaphore, #tpu.memory_space<semaphore_mem>>)
        %add3A_156 = arith.constant 8 : i32
        %add3A_157 = arith.addi %mul3A_69, %add3A_156 : i32
        %add3A_158 = arith.constant 2 : i32
        %add3A_159 = arith.addi %add3A_157, %add3A_158 : i32
        "tpu.region"() ({
          %run_scoped3A = tpu.sem_alloc : memref<!tpu.dma_semaphore, #tpu.memory_space<semaphore_mem>>
          %dma_start3A_272 = arith.constant 0 : i32
          %dma_start3A_273 = tpu.memref_slice %arg7[%add3A_159, %dma_start3A_272] : memref<32x128xi32, #tpu.memory_space<vmem>> -> memref<1x128xi32, #tpu.memory_space<vmem>>
          %dma_start3A_274 = tpu.memref_squeeze %dma_start3A_273 : memref<1x128xi32, #tpu.memory_space<vmem>> -> memref<128xi32, #tpu.memory_space<vmem>>
          %dma_start3A_275 = arith.constant 0 : i32
          %dma_start3A_276 = arith.constant 0 : i32
          %dma_start3A_277 = tpu.memref_slice %arg10[%dma_start3A_275, %dma_start3A_276] : memref<10112x128xf32, #tpu.memory_space<vmem_shared>> -> memref<10112x128xf32, #tpu.memory_space<vmem_shared>>
          tpu.enqueue_indirect_dma source(%arg8 : memref<128x128xf32, #tpu.memory_space<vmem>>) target(%dma_start3A_277 : memref<10112x128xf32, #tpu.memory_space<vmem_shared>>) offsets(%dma_start3A_274 : memref<128xi32, #tpu.memory_space<vmem>>) semaphore(%run_scoped3A : memref<!tpu.dma_semaphore, #tpu.memory_space<semaphore_mem>>) {add = true}
          %dma_wait3A_278 = arith.constant 0 : i32
          %dma_wait3A_279 = tpu.memref_slice %arg7[%add3A_159, %dma_wait3A_278] : memref<32x128xi32, #tpu.memory_space<vmem>> -> memref<1x128xi32, #tpu.memory_space<vmem>>
          %dma_wait3A_280 = tpu.memref_squeeze %dma_wait3A_279 : memref<1x128xi32, #tpu.memory_space<vmem>> -> memref<128xi32, #tpu.memory_space<vmem>>
          %dma_wait3A_281 = arith.constant 0 : i32
          %dma_wait3A_282 = arith.constant 0 : i32
          %dma_wait3A_283 = tpu.memref_slice %arg10[%dma_wait3A_281, %dma_wait3A_282] : memref<10112x128xf32, #tpu.memory_space<vmem_shared>> -> memref<10112x128xf32, #tpu.memory_space<vmem_shared>>
          tpu.wait_indirect_dma semaphore(%run_scoped3A : memref<!tpu.dma_semaphore, #tpu.memory_space<semaphore_mem>>) src(%arg8 : memref<128x128xf32, #tpu.memory_space<vmem>>) dst(%dma_wait3A_283 : memref<10112x128xf32, #tpu.memory_space<vmem_shared>>)
          tpu.yield
        }) : () -> ()
        %add3A_160 = arith.constant 2 : i32
        %add3A_161 = arith.addi %mul3A_69, %add3A_160 : i32
        %add3A_162 = arith.constant 2 : i32
        %add3A_163 = arith.addi %add3A_161, %add3A_162 : i32
        %dma_start3A_164 = arith.constant 0 : i32
        %dma_start3A_165 = tpu.memref_slice %arg7[%add3A_163, %dma_start3A_164] : memref<32x128xi32, #tpu.memory_space<vmem>> -> memref<1x128xi32, #tpu.memory_space<vmem>>
        %dma_start3A_166 = tpu.memref_squeeze %dma_start3A_165 : memref<1x128xi32, #tpu.memory_space<vmem>> -> memref<128xi32, #tpu.memory_space<vmem>>
        %dma_start3A_167 = arith.constant 0 : i32
        %dma_start3A_168 = arith.constant 0 : i32
        %dma_start3A_169 = tpu.memref_slice %arg3[%dma_start3A_167, %dma_start3A_168] : memref<10000x128xf32, #tpu.memory_space<hbm>> -> memref<10000x128xf32, #tpu.memory_space<hbm>>
        tpu.enqueue_indirect_dma source(%dma_start3A_169 : memref<10000x128xf32, #tpu.memory_space<hbm>>) target(%arg8 : memref<128x128xf32, #tpu.memory_space<vmem>>) offsets(%dma_start3A_166 : memref<128xi32, #tpu.memory_space<vmem>>) semaphore(%arg11 : memref<!tpu.dma_semaphore, #tpu.memory_space<semaphore_mem>>)
        %add3A_170 = arith.constant 2 : i32
        %add3A_171 = arith.addi %mul3A_69, %add3A_170 : i32
        %add3A_172 = arith.constant 1 : i32
        %add3A_173 = arith.addi %add3A_171, %add3A_172 : i32
        %dma_wait3A_174 = arith.constant 0 : i32
        %dma_wait3A_175 = tpu.memref_slice %arg7[%add3A_173, %dma_wait3A_174] : memref<32x128xi32, #tpu.memory_space<vmem>> -> memref<1x128xi32, #tpu.memory_space<vmem>>
        %dma_wait3A_176 = tpu.memref_squeeze %dma_wait3A_175 : memref<1x128xi32, #tpu.memory_space<vmem>> -> memref<128xi32, #tpu.memory_space<vmem>>
        %dma_wait3A_177 = arith.constant 0 : i32
        %dma_wait3A_178 = arith.constant 0 : i32
        %dma_wait3A_179 = tpu.memref_slice %arg3[%dma_wait3A_177, %dma_wait3A_178] : memref<10000x128xf32, #tpu.memory_space<hbm>> -> memref<10000x128xf32, #tpu.memory_space<hbm>>
        tpu.wait_indirect_dma semaphore(%arg12 : memref<!tpu.dma_semaphore, #tpu.memory_space<semaphore_mem>>) src(%dma_wait3A_179 : memref<10000x128xf32, #tpu.memory_space<hbm>>) dst(%arg9 : memref<128x128xf32, #tpu.memory_space<vmem>>)
        %add3A_180 = arith.constant 8 : i32
        %add3A_181 = arith.addi %mul3A_69, %add3A_180 : i32
        %add3A_182 = arith.constant 2 : i32
        %add3A_183 = arith.addi %add3A_181, %add3A_182 : i32
        %add3A_184 = arith.constant 1 : i32
        %add3A_185 = arith.addi %add3A_183, %add3A_184 : i32
        "tpu.region"() ({
          %run_scoped3A = tpu.sem_alloc : memref<!tpu.dma_semaphore, #tpu.memory_space<semaphore_mem>>
          %dma_start3A_272 = arith.constant 0 : i32
          %dma_start3A_273 = tpu.memref_slice %arg7[%add3A_185, %dma_start3A_272] : memref<32x128xi32, #tpu.memory_space<vmem>> -> memref<1x128xi32, #tpu.memory_space<vmem>>
          %dma_start3A_274 = tpu.memref_squeeze %dma_start3A_273 : memref<1x128xi32, #tpu.memory_space<vmem>> -> memref<128xi32, #tpu.memory_space<vmem>>
          %dma_start3A_275 = arith.constant 0 : i32
          %dma_start3A_276 = arith.constant 0 : i32
          %dma_start3A_277 = tpu.memref_slice %arg10[%dma_start3A_275, %dma_start3A_276] : memref<10112x128xf32, #tpu.memory_space<vmem_shared>> -> memref<10112x128xf32, #tpu.memory_space<vmem_shared>>
          tpu.enqueue_indirect_dma source(%arg9 : memref<128x128xf32, #tpu.memory_space<vmem>>) target(%dma_start3A_277 : memref<10112x128xf32, #tpu.memory_space<vmem_shared>>) offsets(%dma_start3A_274 : memref<128xi32, #tpu.memory_space<vmem>>) semaphore(%run_scoped3A : memref<!tpu.dma_semaphore, #tpu.memory_space<semaphore_mem>>) {add = true}
          %dma_wait3A_278 = arith.constant 0 : i32
          %dma_wait3A_279 = tpu.memref_slice %arg7[%add3A_185, %dma_wait3A_278] : memref<32x128xi32, #tpu.memory_space<vmem>> -> memref<1x128xi32, #tpu.memory_space<vmem>>
          %dma_wait3A_280 = tpu.memref_squeeze %dma_wait3A_279 : memref<1x128xi32, #tpu.memory_space<vmem>> -> memref<128xi32, #tpu.memory_space<vmem>>
          %dma_wait3A_281 = arith.constant 0 : i32
          %dma_wait3A_282 = arith.constant 0 : i32
          %dma_wait3A_283 = tpu.memref_slice %arg10[%dma_wait3A_281, %dma_wait3A_282] : memref<10112x128xf32, #tpu.memory_space<vmem_shared>> -> memref<10112x128xf32, #tpu.memory_space<vmem_shared>>
          tpu.wait_indirect_dma semaphore(%run_scoped3A : memref<!tpu.dma_semaphore, #tpu.memory_space<semaphore_mem>>) src(%arg9 : memref<128x128xf32, #tpu.memory_space<vmem>>) dst(%dma_wait3A_283 : memref<10112x128xf32, #tpu.memory_space<vmem_shared>>)
          tpu.yield
        }) : () -> ()
        %add3A_186 = arith.constant 4 : i32
        %add3A_187 = arith.addi %mul3A_69, %add3A_186 : i32
        %dma_wait3A_188 = arith.constant 0 : i32
        %dma_wait3A_189 = tpu.memref_slice %arg7[%add3A_187, %dma_wait3A_188] : memref<32x128xi32, #tpu.memory_space<vmem>> -> memref<1x128xi32, #tpu.memory_space<vmem>>
        %dma_wait3A_190 = tpu.memref_squeeze %dma_wait3A_189 : memref<1x128xi32, #tpu.memory_space<vmem>> -> memref<128xi32, #tpu.memory_space<vmem>>
        %dma_wait3A_191 = arith.constant 0 : i32
        %dma_wait3A_192 = arith.constant 0 : i32
        %dma_wait3A_193 = tpu.memref_slice %arg3[%dma_wait3A_191, %dma_wait3A_192] : memref<10000x128xf32, #tpu.memory_space<hbm>> -> memref<10000x128xf32, #tpu.memory_space<hbm>>
        tpu.wait_indirect_dma semaphore(%arg11 : memref<!tpu.dma_semaphore, #tpu.memory_space<semaphore_mem>>) src(%dma_wait3A_193 : memref<10000x128xf32, #tpu.memory_space<hbm>>) dst(%arg8 : memref<128x128xf32, #tpu.memory_space<vmem>>)
        %add3A_194 = arith.constant 4 : i32
        %add3A_195 = arith.addi %mul3A_69, %add3A_194 : i32
        %add3A_196 = arith.constant 1 : i32
        %add3A_197 = arith.addi %add3A_195, %add3A_196 : i32
        %dma_start3A_198 = arith.constant 0 : i32
        %dma_start3A_199 = tpu.memref_slice %arg7[%add3A_197, %dma_start3A_198] : memref<32x128xi32, #tpu.memory_space<vmem>> -> memref<1x128xi32, #tpu.memory_space<vmem>>
        %dma_start3A_200 = tpu.memref_squeeze %dma_start3A_199 : memref<1x128xi32, #tpu.memory_space<vmem>> -> memref<128xi32, #tpu.memory_space<vmem>>
        %dma_start3A_201 = arith.constant 0 : i32
        %dma_start3A_202 = arith.constant 0 : i32
        %dma_start3A_203 = tpu.memref_slice %arg3[%dma_start3A_201, %dma_start3A_202] : memref<10000x128xf32, #tpu.memory_space<hbm>> -> memref<10000x128xf32, #tpu.memory_space<hbm>>
        tpu.enqueue_indirect_dma source(%dma_start3A_203 : memref<10000x128xf32, #tpu.memory_space<hbm>>) target(%arg9 : memref<128x128xf32, #tpu.memory_space<vmem>>) offsets(%dma_start3A_200 : memref<128xi32, #tpu.memory_space<vmem>>) semaphore(%arg12 : memref<!tpu.dma_semaphore, #tpu.memory_space<semaphore_mem>>)
        %add3A_204 = arith.constant 8 : i32
        %add3A_205 = arith.addi %mul3A_69, %add3A_204 : i32
        %add3A_206 = arith.constant 4 : i32
        %add3A_207 = arith.addi %add3A_205, %add3A_206 : i32
        "tpu.region"() ({
          %run_scoped3A = tpu.sem_alloc : memref<!tpu.dma_semaphore, #tpu.memory_space<semaphore_mem>>
          %dma_start3A_272 = arith.constant 0 : i32
          %dma_start3A_273 = tpu.memref_slice %arg7[%add3A_207, %dma_start3A_272] : memref<32x128xi32, #tpu.memory_space<vmem>> -> memref<1x128xi32, #tpu.memory_space<vmem>>
          %dma_start3A_274 = tpu.memref_squeeze %dma_start3A_273 : memref<1x128xi32, #tpu.memory_space<vmem>> -> memref<128xi32, #tpu.memory_space<vmem>>
          %dma_start3A_275 = arith.constant 0 : i32
          %dma_start3A_276 = arith.constant 0 : i32
          %dma_start3A_277 = tpu.memref_slice %arg10[%dma_start3A_275, %dma_start3A_276] : memref<10112x128xf32, #tpu.memory_space<vmem_shared>> -> memref<10112x128xf32, #tpu.memory_space<vmem_shared>>
          tpu.enqueue_indirect_dma source(%arg8 : memref<128x128xf32, #tpu.memory_space<vmem>>) target(%dma_start3A_277 : memref<10112x128xf32, #tpu.memory_space<vmem_shared>>) offsets(%dma_start3A_274 : memref<128xi32, #tpu.memory_space<vmem>>) semaphore(%run_scoped3A : memref<!tpu.dma_semaphore, #tpu.memory_space<semaphore_mem>>) {add = true}
          %dma_wait3A_278 = arith.constant 0 : i32
          %dma_wait3A_279 = tpu.memref_slice %arg7[%add3A_207, %dma_wait3A_278] : memref<32x128xi32, #tpu.memory_space<vmem>> -> memref<1x128xi32, #tpu.memory_space<vmem>>
          %dma_wait3A_280 = tpu.memref_squeeze %dma_wait3A_279 : memref<1x128xi32, #tpu.memory_space<vmem>> -> memref<128xi32, #tpu.memory_space<vmem>>
          %dma_wait3A_281 = arith.constant 0 : i32
          %dma_wait3A_282 = arith.constant 0 : i32
          %dma_wait3A_283 = tpu.memref_slice %arg10[%dma_wait3A_281, %dma_wait3A_282] : memref<10112x128xf32, #tpu.memory_space<vmem_shared>> -> memref<10112x128xf32, #tpu.memory_space<vmem_shared>>
          tpu.wait_indirect_dma semaphore(%run_scoped3A : memref<!tpu.dma_semaphore, #tpu.memory_space<semaphore_mem>>) src(%arg8 : memref<128x128xf32, #tpu.memory_space<vmem>>) dst(%dma_wait3A_283 : memref<10112x128xf32, #tpu.memory_space<vmem_shared>>)
          tpu.yield
        }) : () -> ()
        %add3A_208 = arith.constant 4 : i32
        %add3A_209 = arith.addi %mul3A_69, %add3A_208 : i32
        %add3A_210 = arith.constant 2 : i32
        %add3A_211 = arith.addi %add3A_209, %add3A_210 : i32
        %dma_start3A_212 = arith.constant 0 : i32
        %dma_start3A_213 = tpu.memref_slice %arg7[%add3A_211, %dma_start3A_212] : memref<32x128xi32, #tpu.memory_space<vmem>> -> memref<1x128xi32, #tpu.memory_space<vmem>>
        %dma_start3A_214 = tpu.memref_squeeze %dma_start3A_213 : memref<1x128xi32, #tpu.memory_space<vmem>> -> memref<128xi32, #tpu.memory_space<vmem>>
        %dma_start3A_215 = arith.constant 0 : i32
        %dma_start3A_216 = arith.constant 0 : i32
        %dma_start3A_217 = tpu.memref_slice %arg3[%dma_start3A_215, %dma_start3A_216] : memref<10000x128xf32, #tpu.memory_space<hbm>> -> memref<10000x128xf32, #tpu.memory_space<hbm>>
        tpu.enqueue_indirect_dma source(%dma_start3A_217 : memref<10000x128xf32, #tpu.memory_space<hbm>>) target(%arg8 : memref<128x128xf32, #tpu.memory_space<vmem>>) offsets(%dma_start3A_214 : memref<128xi32, #tpu.memory_space<vmem>>) semaphore(%arg11 : memref<!tpu.dma_semaphore, #tpu.memory_space<semaphore_mem>>)
        %add3A_218 = arith.constant 4 : i32
        %add3A_219 = arith.addi %mul3A_69, %add3A_218 : i32
        %add3A_220 = arith.constant 1 : i32
        %add3A_221 = arith.addi %add3A_219, %add3A_220 : i32
        %dma_wait3A_222 = arith.constant 0 : i32
        %dma_wait3A_223 = tpu.memref_slice %arg7[%add3A_221, %dma_wait3A_222] : memref<32x128xi32, #tpu.memory_space<vmem>> -> memref<1x128xi32, #tpu.memory_space<vmem>>
        %dma_wait3A_224 = tpu.memref_squeeze %dma_wait3A_223 : memref<1x128xi32, #tpu.memory_space<vmem>> -> memref<128xi32, #tpu.memory_space<vmem>>
        %dma_wait3A_225 = arith.constant 0 : i32
        %dma_wait3A_226 = arith.constant 0 : i32
        %dma_wait3A_227 = tpu.memref_slice %arg3[%dma_wait3A_225, %dma_wait3A_226] : memref<10000x128xf32, #tpu.memory_space<hbm>> -> memref<10000x128xf32, #tpu.memory_space<hbm>>
        tpu.wait_indirect_dma semaphore(%arg12 : memref<!tpu.dma_semaphore, #tpu.memory_space<semaphore_mem>>) src(%dma_wait3A_227 : memref<10000x128xf32, #tpu.memory_space<hbm>>) dst(%arg9 : memref<128x128xf32, #tpu.memory_space<vmem>>)
        %add3A_228 = arith.constant 8 : i32
        %add3A_229 = arith.addi %mul3A_69, %add3A_228 : i32
        %add3A_230 = arith.constant 4 : i32
        %add3A_231 = arith.addi %add3A_229, %add3A_230 : i32
        %add3A_232 = arith.constant 1 : i32
        %add3A_233 = arith.addi %add3A_231, %add3A_232 : i32
        "tpu.region"() ({
          %run_scoped3A = tpu.sem_alloc : memref<!tpu.dma_semaphore, #tpu.memory_space<semaphore_mem>>
          %dma_start3A_272 = arith.constant 0 : i32
          %dma_start3A_273 = tpu.memref_slice %arg7[%add3A_233, %dma_start3A_272] : memref<32x128xi32, #tpu.memory_space<vmem>> -> memref<1x128xi32, #tpu.memory_space<vmem>>
          %dma_start3A_274 = tpu.memref_squeeze %dma_start3A_273 : memref<1x128xi32, #tpu.memory_space<vmem>> -> memref<128xi32, #tpu.memory_space<vmem>>
          %dma_start3A_275 = arith.constant 0 : i32
          %dma_start3A_276 = arith.constant 0 : i32
          %dma_start3A_277 = tpu.memref_slice %arg10[%dma_start3A_275, %dma_start3A_276] : memref<10112x128xf32, #tpu.memory_space<vmem_shared>> -> memref<10112x128xf32, #tpu.memory_space<vmem_shared>>
          tpu.enqueue_indirect_dma source(%arg9 : memref<128x128xf32, #tpu.memory_space<vmem>>) target(%dma_start3A_277 : memref<10112x128xf32, #tpu.memory_space<vmem_shared>>) offsets(%dma_start3A_274 : memref<128xi32, #tpu.memory_space<vmem>>) semaphore(%run_scoped3A : memref<!tpu.dma_semaphore, #tpu.memory_space<semaphore_mem>>) {add = true}
          %dma_wait3A_278 = arith.constant 0 : i32
          %dma_wait3A_279 = tpu.memref_slice %arg7[%add3A_233, %dma_wait3A_278] : memref<32x128xi32, #tpu.memory_space<vmem>> -> memref<1x128xi32, #tpu.memory_space<vmem>>
          %dma_wait3A_280 = tpu.memref_squeeze %dma_wait3A_279 : memref<1x128xi32, #tpu.memory_space<vmem>> -> memref<128xi32, #tpu.memory_space<vmem>>
          %dma_wait3A_281 = arith.constant 0 : i32
          %dma_wait3A_282 = arith.constant 0 : i32
          %dma_wait3A_283 = tpu.memref_slice %arg10[%dma_wait3A_281, %dma_wait3A_282] : memref<10112x128xf32, #tpu.memory_space<vmem_shared>> -> memref<10112x128xf32, #tpu.memory_space<vmem_shared>>
          tpu.wait_indirect_dma semaphore(%run_scoped3A : memref<!tpu.dma_semaphore, #tpu.memory_space<semaphore_mem>>) src(%arg9 : memref<128x128xf32, #tpu.memory_space<vmem>>) dst(%dma_wait3A_283 : memref<10112x128xf32, #tpu.memory_space<vmem_shared>>)
          tpu.yield
        }) : () -> ()
        %add3A_234 = arith.constant 6 : i32
        %add3A_235 = arith.addi %mul3A_69, %add3A_234 : i32
        %dma_wait3A_236 = arith.constant 0 : i32
        %dma_wait3A_237 = tpu.memref_slice %arg7[%add3A_235, %dma_wait3A_236] : memref<32x128xi32, #tpu.memory_space<vmem>> -> memref<1x128xi32, #tpu.memory_space<vmem>>
        %dma_wait3A_238 = tpu.memref_squeeze %dma_wait3A_237 : memref<1x128xi32, #tpu.memory_space<vmem>> -> memref<128xi32, #tpu.memory_space<vmem>>
        %dma_wait3A_239 = arith.constant 0 : i32
        %dma_wait3A_240 = arith.constant 0 : i32
        %dma_wait3A_241 = tpu.memref_slice %arg3[%dma_wait3A_239, %dma_wait3A_240] : memref<10000x128xf32, #tpu.memory_space<hbm>> -> memref<10000x128xf32, #tpu.memory_space<hbm>>
        tpu.wait_indirect_dma semaphore(%arg11 : memref<!tpu.dma_semaphore, #tpu.memory_space<semaphore_mem>>) src(%dma_wait3A_241 : memref<10000x128xf32, #tpu.memory_space<hbm>>) dst(%arg8 : memref<128x128xf32, #tpu.memory_space<vmem>>)
        %add3A_242 = arith.constant 6 : i32
        %add3A_243 = arith.addi %mul3A_69, %add3A_242 : i32
        %add3A_244 = arith.constant 1 : i32
        %add3A_245 = arith.addi %add3A_243, %add3A_244 : i32
        %dma_start3A_246 = arith.constant 0 : i32
        %dma_start3A_247 = tpu.memref_slice %arg7[%add3A_245, %dma_start3A_246] : memref<32x128xi32, #tpu.memory_space<vmem>> -> memref<1x128xi32, #tpu.memory_space<vmem>>
        %dma_start3A_248 = tpu.memref_squeeze %dma_start3A_247 : memref<1x128xi32, #tpu.memory_space<vmem>> -> memref<128xi32, #tpu.memory_space<vmem>>
        %dma_start3A_249 = arith.constant 0 : i32
        %dma_start3A_250 = arith.constant 0 : i32
        %dma_start3A_251 = tpu.memref_slice %arg3[%dma_start3A_249, %dma_start3A_250] : memref<10000x128xf32, #tpu.memory_space<hbm>> -> memref<10000x128xf32, #tpu.memory_space<hbm>>
        tpu.enqueue_indirect_dma source(%dma_start3A_251 : memref<10000x128xf32, #tpu.memory_space<hbm>>) target(%arg9 : memref<128x128xf32, #tpu.memory_space<vmem>>) offsets(%dma_start3A_248 : memref<128xi32, #tpu.memory_space<vmem>>) semaphore(%arg12 : memref<!tpu.dma_semaphore, #tpu.memory_space<semaphore_mem>>)
        %add3A_252 = arith.constant 8 : i32
        %add3A_253 = arith.addi %mul3A_69, %add3A_252 : i32
        %add3A_254 = arith.constant 6 : i32
        %add3A_255 = arith.addi %add3A_253, %add3A_254 : i32
        "tpu.region"() ({
          %run_scoped3A = tpu.sem_alloc : memref<!tpu.dma_semaphore, #tpu.memory_space<semaphore_mem>>
          %dma_start3A_272 = arith.constant 0 : i32
          %dma_start3A_273 = tpu.memref_slice %arg7[%add3A_255, %dma_start3A_272] : memref<32x128xi32, #tpu.memory_space<vmem>> -> memref<1x128xi32, #tpu.memory_space<vmem>>
          %dma_start3A_274 = tpu.memref_squeeze %dma_start3A_273 : memref<1x128xi32, #tpu.memory_space<vmem>> -> memref<128xi32, #tpu.memory_space<vmem>>
          %dma_start3A_275 = arith.constant 0 : i32
          %dma_start3A_276 = arith.constant 0 : i32
          %dma_start3A_277 = tpu.memref_slice %arg10[%dma_start3A_275, %dma_start3A_276] : memref<10112x128xf32, #tpu.memory_space<vmem_shared>> -> memref<10112x128xf32, #tpu.memory_space<vmem_shared>>
          tpu.enqueue_indirect_dma source(%arg8 : memref<128x128xf32, #tpu.memory_space<vmem>>) target(%dma_start3A_277 : memref<10112x128xf32, #tpu.memory_space<vmem_shared>>) offsets(%dma_start3A_274 : memref<128xi32, #tpu.memory_space<vmem>>) semaphore(%run_scoped3A : memref<!tpu.dma_semaphore, #tpu.memory_space<semaphore_mem>>) {add = true}
          %dma_wait3A_278 = arith.constant 0 : i32
          %dma_wait3A_279 = tpu.memref_slice %arg7[%add3A_255, %dma_wait3A_278] : memref<32x128xi32, #tpu.memory_space<vmem>> -> memref<1x128xi32, #tpu.memory_space<vmem>>
          %dma_wait3A_280 = tpu.memref_squeeze %dma_wait3A_279 : memref<1x128xi32, #tpu.memory_space<vmem>> -> memref<128xi32, #tpu.memory_space<vmem>>
          %dma_wait3A_281 = arith.constant 0 : i32
          %dma_wait3A_282 = arith.constant 0 : i32
          %dma_wait3A_283 = tpu.memref_slice %arg10[%dma_wait3A_281, %dma_wait3A_282] : memref<10112x128xf32, #tpu.memory_space<vmem_shared>> -> memref<10112x128xf32, #tpu.memory_space<vmem_shared>>
          tpu.wait_indirect_dma semaphore(%run_scoped3A : memref<!tpu.dma_semaphore, #tpu.memory_space<semaphore_mem>>) src(%arg8 : memref<128x128xf32, #tpu.memory_space<vmem>>) dst(%dma_wait3A_283 : memref<10112x128xf32, #tpu.memory_space<vmem_shared>>)
          tpu.yield
        }) : () -> ()
        %add3A_256 = arith.constant 6 : i32
        %add3A_257 = arith.addi %mul3A_69, %add3A_256 : i32
        %add3A_258 = arith.constant 1 : i32
        %add3A_259 = arith.addi %add3A_257, %add3A_258 : i32
        %dma_wait3A_260 = arith.constant 0 : i32
        %dma_wait3A_261 = tpu.memref_slice %arg7[%add3A_259, %dma_wait3A_260] : memref<32x128xi32, #tpu.memory_space<vmem>> -> memref<1x128xi32, #tpu.memory_space<vmem>>
        %dma_wait3A_262 = tpu.memref_squeeze %dma_wait3A_261 : memref<1x128xi32, #tpu.memory_space<vmem>> -> memref<128xi32, #tpu.memory_space<vmem>>
        %dma_wait3A_263 = arith.constant 0 : i32
        %dma_wait3A_264 = arith.constant 0 : i32
        %dma_wait3A_265 = tpu.memref_slice %arg3[%dma_wait3A_263, %dma_wait3A_264] : memref<10000x128xf32, #tpu.memory_space<hbm>> -> memref<10000x128xf32, #tpu.memory_space<hbm>>
        tpu.wait_indirect_dma semaphore(%arg12 : memref<!tpu.dma_semaphore, #tpu.memory_space<semaphore_mem>>) src(%dma_wait3A_265 : memref<10000x128xf32, #tpu.memory_space<hbm>>) dst(%arg9 : memref<128x128xf32, #tpu.memory_space<vmem>>)
        %add3A_266 = arith.constant 8 : i32
        %add3A_267 = arith.addi %mul3A_69, %add3A_266 : i32
        %add3A_268 = arith.constant 6 : i32
        %add3A_269 = arith.addi %add3A_267, %add3A_268 : i32
        %add3A_270 = arith.constant 1 : i32
        %add3A_271 = arith.addi %add3A_269, %add3A_270 : i32
        "tpu.region"() ({
          %run_scoped3A = tpu.sem_alloc : memref<!tpu.dma_semaphore, #tpu.memory_space<semaphore_mem>>
          %dma_start3A_272 = arith.constant 0 : i32
          %dma_start3A_273 = tpu.memref_slice %arg7[%add3A_271, %dma_start3A_272] : memref<32x128xi32, #tpu.memory_space<vmem>> -> memref<1x128xi32, #tpu.memory_space<vmem>>
          %dma_start3A_274 = tpu.memref_squeeze %dma_start3A_273 : memref<1x128xi32, #tpu.memory_space<vmem>> -> memref<128xi32, #tpu.memory_space<vmem>>
          %dma_start3A_275 = arith.constant 0 : i32
          %dma_start3A_276 = arith.constant 0 : i32
          %dma_start3A_277 = tpu.memref_slice %arg10[%dma_start3A_275, %dma_start3A_276] : memref<10112x128xf32, #tpu.memory_space<vmem_shared>> -> memref<10112x128xf32, #tpu.memory_space<vmem_shared>>
          tpu.enqueue_indirect_dma source(%arg9 : memref<128x128xf32, #tpu.memory_space<vmem>>) target(%dma_start3A_277 : memref<10112x128xf32, #tpu.memory_space<vmem_shared>>) offsets(%dma_start3A_274 : memref<128xi32, #tpu.memory_space<vmem>>) semaphore(%run_scoped3A : memref<!tpu.dma_semaphore, #tpu.memory_space<semaphore_mem>>) {add = true}
          %dma_wait3A_278 = arith.constant 0 : i32
          %dma_wait3A_279 = tpu.memref_slice %arg7[%add3A_271, %dma_wait3A_278] : memref<32x128xi32, #tpu.memory_space<vmem>> -> memref<1x128xi32, #tpu.memory_space<vmem>>
          %dma_wait3A_280 = tpu.memref_squeeze %dma_wait3A_279 : memref<1x128xi32, #tpu.memory_space<vmem>> -> memref<128xi32, #tpu.memory_space<vmem>>
          %dma_wait3A_281 = arith.constant 0 : i32
          %dma_wait3A_282 = arith.constant 0 : i32
          %dma_wait3A_283 = tpu.memref_slice %arg10[%dma_wait3A_281, %dma_wait3A_282] : memref<10112x128xf32, #tpu.memory_space<vmem_shared>> -> memref<10112x128xf32, #tpu.memory_space<vmem_shared>>
          tpu.wait_indirect_dma semaphore(%run_scoped3A : memref<!tpu.dma_semaphore, #tpu.memory_space<semaphore_mem>>) src(%arg9 : memref<128x128xf32, #tpu.memory_space<vmem>>) dst(%dma_wait3A_283 : memref<10112x128xf32, #tpu.memory_space<vmem_shared>>)
          tpu.yield
        }) : () -> ()
      }
      %scan3A_56 = arith.constant 10 : i32
    } else {
    }
    %barrier3A_28 = arith.constant 0 : index
    tpu.barrier barrier_id(%barrier3A_28)
    %mul3A_29 = arith.constant 10112 : i32
    %mul3A_30 = arith.muli %arg0, %mul3A_29 : i32
    %add3A_31 = arith.addi %mul3A_30, %mul3A_0 : i32
    %add3A_32 = arith.constant 0 : i32
    %add3A_33 = arith.addi %mul3A_0, %add3A_32 : i32
    "tpu.region"() ({
      %run_scoped3A = tpu.sem_alloc : memref<!tpu.dma_semaphore, #tpu.memory_space<semaphore_mem>>
      %dma_start3A_52 = arith.constant 0 : i32
      %dma_start3A_53 = tpu.memref_slice %arg10[%add3A_33, %dma_start3A_52] : memref<10112x128xf32, #tpu.memory_space<vmem_shared>> -> memref<128x128xf32, #tpu.memory_space<vmem_shared>>
      %dma_start3A_54 = arith.constant 0 : i32
      %dma_start3A_55 = tpu.memref_slice %arg10[%add3A_33, %dma_start3A_54] : memref<10112x128xf32, #tpu.memory_space<vmem_shared>> -> memref<128x128xf32, #tpu.memory_space<vmem_shared>>
      tpu.enqueue_dma source(%dma_start3A_55 : memref<128x128xf32, #tpu.memory_space<vmem_shared>>) target(%arg8 : memref<128x128xf32, #tpu.memory_space<vmem>>) target_semaphore(%run_scoped3A : memref<!tpu.dma_semaphore, #tpu.memory_space<semaphore_mem>>)
      %dma_wait3A = arith.constant 0 : i32
      %dma_wait3A_56 = tpu.memref_slice %arg10[%add3A_33, %dma_wait3A] : memref<10112x128xf32, #tpu.memory_space<vmem_shared>> -> memref<128x128xf32, #tpu.memory_space<vmem_shared>>
      %dma_wait3A_57 = arith.constant 0 : i32
      %dma_wait3A_58 = tpu.memref_slice %arg10[%add3A_33, %dma_wait3A_57] : memref<10112x128xf32, #tpu.memory_space<vmem_shared>> -> memref<128x128xf32, #tpu.memory_space<vmem_shared>>
      tpu.wait_dma2 semaphore(%run_scoped3A : memref<!tpu.dma_semaphore, #tpu.memory_space<semaphore_mem>>) src(%dma_wait3A_58 : memref<128x128xf32, #tpu.memory_space<vmem_shared>>) dst(%arg8 : memref<128x128xf32, #tpu.memory_space<vmem>>)
      tpu.yield
    }) : () -> ()
    %add3A_34 = arith.constant 0 : i32
    %add3A_35 = arith.addi %add3A_31, %add3A_34 : i32
    "tpu.region"() ({
      %run_scoped3A = tpu.sem_alloc : memref<!tpu.dma_semaphore, #tpu.memory_space<semaphore_mem>>
      %dma_start3A_52 = arith.constant 0 : i32
      %dma_start3A_53 = tpu.memref_slice %arg6[%add3A_35, %dma_start3A_52] : memref<20224x128xf32, #tpu.memory_space<hbm>> -> memref<128x128xf32, #tpu.memory_space<hbm>>
      %dma_start3A_54 = arith.constant 0 : i32
      %dma_start3A_55 = tpu.memref_slice %arg6[%add3A_35, %dma_start3A_54] : memref<20224x128xf32, #tpu.memory_space<hbm>> -> memref<128x128xf32, #tpu.memory_space<hbm>>
      tpu.enqueue_dma source(%arg8 : memref<128x128xf32, #tpu.memory_space<vmem>>) target(%dma_start3A_55 : memref<128x128xf32, #tpu.memory_space<hbm>>) target_semaphore(%run_scoped3A : memref<!tpu.dma_semaphore, #tpu.memory_space<semaphore_mem>>)
      %dma_wait3A = arith.constant 0 : i32
      %dma_wait3A_56 = tpu.memref_slice %arg6[%add3A_35, %dma_wait3A] : memref<20224x128xf32, #tpu.memory_space<hbm>> -> memref<128x128xf32, #tpu.memory_space<hbm>>
      %dma_wait3A_57 = arith.constant 0 : i32
      %dma_wait3A_58 = tpu.memref_slice %arg6[%add3A_35, %dma_wait3A_57] : memref<20224x128xf32, #tpu.memory_space<hbm>> -> memref<128x128xf32, #tpu.memory_space<hbm>>
      tpu.wait_dma2 semaphore(%run_scoped3A : memref<!tpu.dma_semaphore, #tpu.memory_space<semaphore_mem>>) src(%arg8 : memref<128x128xf32, #tpu.memory_space<vmem>>) dst(%dma_wait3A_58 : memref<128x128xf32, #tpu.memory_space<hbm>>)
      tpu.yield
    }) : () -> ()
    %add3A_36 = arith.constant 128 : i32
    %add3A_37 = arith.addi %mul3A_0, %add3A_36 : i32
    "tpu.region"() ({
      %run_scoped3A = tpu.sem_alloc : memref<!tpu.dma_semaphore, #tpu.memory_space<semaphore_mem>>
      %dma_start3A_52 = arith.constant 0 : i32
      %dma_start3A_53 = tpu.memref_slice %arg10[%add3A_37, %dma_start3A_52] : memref<10112x128xf32, #tpu.memory_space<vmem_shared>> -> memref<128x128xf32, #tpu.memory_space<vmem_shared>>
      %dma_start3A_54 = arith.constant 0 : i32
      %dma_start3A_55 = tpu.memref_slice %arg10[%add3A_37, %dma_start3A_54] : memref<10112x128xf32, #tpu.memory_space<vmem_shared>> -> memref<128x128xf32, #tpu.memory_space<vmem_shared>>
      tpu.enqueue_dma source(%dma_start3A_55 : memref<128x128xf32, #tpu.memory_space<vmem_shared>>) target(%arg8 : memref<128x128xf32, #tpu.memory_space<vmem>>) target_semaphore(%run_scoped3A : memref<!tpu.dma_semaphore, #tpu.memory_space<semaphore_mem>>)
      %dma_wait3A = arith.constant 0 : i32
      %dma_wait3A_56 = tpu.memref_slice %arg10[%add3A_37, %dma_wait3A] : memref<10112x128xf32, #tpu.memory_space<vmem_shared>> -> memref<128x128xf32, #tpu.memory_space<vmem_shared>>
      %dma_wait3A_57 = arith.constant 0 : i32
      %dma_wait3A_58 = tpu.memref_slice %arg10[%add3A_37, %dma_wait3A_57] : memref<10112x128xf32, #tpu.memory_space<vmem_shared>> -> memref<128x128xf32, #tpu.memory_space<vmem_shared>>
      tpu.wait_dma2 semaphore(%run_scoped3A : memref<!tpu.dma_semaphore, #tpu.memory_space<semaphore_mem>>) src(%dma_wait3A_58 : memref<128x128xf32, #tpu.memory_space<vmem_shared>>) dst(%arg8 : memref<128x128xf32, #tpu.memory_space<vmem>>)
      tpu.yield
    }) : () -> ()
    %add3A_38 = arith.constant 128 : i32
    %add3A_39 = arith.addi %add3A_31, %add3A_38 : i32
    "tpu.region"() ({
      %run_scoped3A = tpu.sem_alloc : memref<!tpu.dma_semaphore, #tpu.memory_space<semaphore_mem>>
      %dma_start3A_52 = arith.constant 0 : i32
      %dma_start3A_53 = tpu.memref_slice %arg6[%add3A_39, %dma_start3A_52] : memref<20224x128xf32, #tpu.memory_space<hbm>> -> memref<128x128xf32, #tpu.memory_space<hbm>>
      %dma_start3A_54 = arith.constant 0 : i32
      %dma_start3A_55 = tpu.memref_slice %arg6[%add3A_39, %dma_start3A_54] : memref<20224x128xf32, #tpu.memory_space<hbm>> -> memref<128x128xf32, #tpu.memory_space<hbm>>
      tpu.enqueue_dma source(%arg8 : memref<128x128xf32, #tpu.memory_space<vmem>>) target(%dma_start3A_55 : memref<128x128xf32, #tpu.memory_space<hbm>>) target_semaphore(%run_scoped3A : memref<!tpu.dma_semaphore, #tpu.memory_space<semaphore_mem>>)
      %dma_wait3A = arith.constant 0 : i32
      %dma_wait3A_56 = tpu.memref_slice %arg6[%add3A_39, %dma_wait3A] : memref<20224x128xf32, #tpu.memory_space<hbm>> -> memref<128x128xf32, #tpu.memory_space<hbm>>
      %dma_wait3A_57 = arith.constant 0 : i32
      %dma_wait3A_58 = tpu.memref_slice %arg6[%add3A_39, %dma_wait3A_57] : memref<20224x128xf32, #tpu.memory_space<hbm>> -> memref<128x128xf32, #tpu.memory_space<hbm>>
      tpu.wait_dma2 semaphore(%run_scoped3A : memref<!tpu.dma_semaphore, #tpu.memory_space<semaphore_mem>>) src(%arg8 : memref<128x128xf32, #tpu.memory_space<vmem>>) dst(%dma_wait3A_58 : memref<128x128xf32, #tpu.memory_space<hbm>>)
      tpu.yield
    }) : () -> ()
    %add3A_40 = arith.constant 256 : i32
    %add3A_41 = arith.addi %mul3A_0, %add3A_40 : i32
    "tpu.region"() ({
      %run_scoped3A = tpu.sem_alloc : memref<!tpu.dma_semaphore, #tpu.memory_space<semaphore_mem>>
      %dma_start3A_52 = arith.constant 0 : i32
      %dma_start3A_53 = tpu.memref_slice %arg10[%add3A_41, %dma_start3A_52] : memref<10112x128xf32, #tpu.memory_space<vmem_shared>> -> memref<128x128xf32, #tpu.memory_space<vmem_shared>>
      %dma_start3A_54 = arith.constant 0 : i32
      %dma_start3A_55 = tpu.memref_slice %arg10[%add3A_41, %dma_start3A_54] : memref<10112x128xf32, #tpu.memory_space<vmem_shared>> -> memref<128x128xf32, #tpu.memory_space<vmem_shared>>
      tpu.enqueue_dma source(%dma_start3A_55 : memref<128x128xf32, #tpu.memory_space<vmem_shared>>) target(%arg8 : memref<128x128xf32, #tpu.memory_space<vmem>>) target_semaphore(%run_scoped3A : memref<!tpu.dma_semaphore, #tpu.memory_space<semaphore_mem>>)
      %dma_wait3A = arith.constant 0 : i32
      %dma_wait3A_56 = tpu.memref_slice %arg10[%add3A_41, %dma_wait3A] : memref<10112x128xf32, #tpu.memory_space<vmem_shared>> -> memref<128x128xf32, #tpu.memory_space<vmem_shared>>
      %dma_wait3A_57 = arith.constant 0 : i32
      %dma_wait3A_58 = tpu.memref_slice %arg10[%add3A_41, %dma_wait3A_57] : memref<10112x128xf32, #tpu.memory_space<vmem_shared>> -> memref<128x128xf32, #tpu.memory_space<vmem_shared>>
      tpu.wait_dma2 semaphore(%run_scoped3A : memref<!tpu.dma_semaphore, #tpu.memory_space<semaphore_mem>>) src(%dma_wait3A_58 : memref<128x128xf32, #tpu.memory_space<vmem_shared>>) dst(%arg8 : memref<128x128xf32, #tpu.memory_space<vmem>>)
      tpu.yield
    }) : () -> ()
    %add3A_42 = arith.constant 256 : i32
    %add3A_43 = arith.addi %add3A_31, %add3A_42 : i32
    "tpu.region"() ({
      %run_scoped3A = tpu.sem_alloc : memref<!tpu.dma_semaphore, #tpu.memory_space<semaphore_mem>>
      %dma_start3A_52 = arith.constant 0 : i32
      %dma_start3A_53 = tpu.memref_slice %arg6[%add3A_43, %dma_start3A_52] : memref<20224x128xf32, #tpu.memory_space<hbm>> -> memref<128x128xf32, #tpu.memory_space<hbm>>
      %dma_start3A_54 = arith.constant 0 : i32
      %dma_start3A_55 = tpu.memref_slice %arg6[%add3A_43, %dma_start3A_54] : memref<20224x128xf32, #tpu.memory_space<hbm>> -> memref<128x128xf32, #tpu.memory_space<hbm>>
      tpu.enqueue_dma source(%arg8 : memref<128x128xf32, #tpu.memory_space<vmem>>) target(%dma_start3A_55 : memref<128x128xf32, #tpu.memory_space<hbm>>) target_semaphore(%run_scoped3A : memref<!tpu.dma_semaphore, #tpu.memory_space<semaphore_mem>>)
      %dma_wait3A = arith.constant 0 : i32
      %dma_wait3A_56 = tpu.memref_slice %arg6[%add3A_43, %dma_wait3A] : memref<20224x128xf32, #tpu.memory_space<hbm>> -> memref<128x128xf32, #tpu.memory_space<hbm>>
      %dma_wait3A_57 = arith.constant 0 : i32
      %dma_wait3A_58 = tpu.memref_slice %arg6[%add3A_43, %dma_wait3A_57] : memref<20224x128xf32, #tpu.memory_space<hbm>> -> memref<128x128xf32, #tpu.memory_space<hbm>>
      tpu.wait_dma2 semaphore(%run_scoped3A : memref<!tpu.dma_semaphore, #tpu.memory_space<semaphore_mem>>) src(%arg8 : memref<128x128xf32, #tpu.memory_space<vmem>>) dst(%dma_wait3A_58 : memref<128x128xf32, #tpu.memory_space<hbm>>)
      tpu.yield
    }) : () -> ()
    %add3A_44 = arith.constant 384 : i32
    %add3A_45 = arith.addi %mul3A_0, %add3A_44 : i32
    "tpu.region"() ({
      %run_scoped3A = tpu.sem_alloc : memref<!tpu.dma_semaphore, #tpu.memory_space<semaphore_mem>>
      %dma_start3A_52 = arith.constant 0 : i32
      %dma_start3A_53 = tpu.memref_slice %arg10[%add3A_45, %dma_start3A_52] : memref<10112x128xf32, #tpu.memory_space<vmem_shared>> -> memref<128x128xf32, #tpu.memory_space<vmem_shared>>
      %dma_start3A_54 = arith.constant 0 : i32
      %dma_start3A_55 = tpu.memref_slice %arg10[%add3A_45, %dma_start3A_54] : memref<10112x128xf32, #tpu.memory_space<vmem_shared>> -> memref<128x128xf32, #tpu.memory_space<vmem_shared>>
      tpu.enqueue_dma source(%dma_start3A_55 : memref<128x128xf32, #tpu.memory_space<vmem_shared>>) target(%arg8 : memref<128x128xf32, #tpu.memory_space<vmem>>) target_semaphore(%run_scoped3A : memref<!tpu.dma_semaphore, #tpu.memory_space<semaphore_mem>>)
      %dma_wait3A = arith.constant 0 : i32
      %dma_wait3A_56 = tpu.memref_slice %arg10[%add3A_45, %dma_wait3A] : memref<10112x128xf32, #tpu.memory_space<vmem_shared>> -> memref<128x128xf32, #tpu.memory_space<vmem_shared>>
      %dma_wait3A_57 = arith.constant 0 : i32
      %dma_wait3A_58 = tpu.memref_slice %arg10[%add3A_45, %dma_wait3A_57] : memref<10112x128xf32, #tpu.memory_space<vmem_shared>> -> memref<128x128xf32, #tpu.memory_space<vmem_shared>>
      tpu.wait_dma2 semaphore(%run_scoped3A : memref<!tpu.dma_semaphore, #tpu.memory_space<semaphore_mem>>) src(%dma_wait3A_58 : memref<128x128xf32, #tpu.memory_space<vmem_shared>>) dst(%arg8 : memref<128x128xf32, #tpu.memory_space<vmem>>)
      tpu.yield
    }) : () -> ()
    %add3A_46 = arith.constant 384 : i32
    %add3A_47 = arith.addi %add3A_31, %add3A_46 : i32
    "tpu.region"() ({
      %run_scoped3A = tpu.sem_alloc : memref<!tpu.dma_semaphore, #tpu.memory_space<semaphore_mem>>
      %dma_start3A_52 = arith.constant 0 : i32
      %dma_start3A_53 = tpu.memref_slice %arg6[%add3A_47, %dma_start3A_52] : memref<20224x128xf32, #tpu.memory_space<hbm>> -> memref<128x128xf32, #tpu.memory_space<hbm>>
      %dma_start3A_54 = arith.constant 0 : i32
      %dma_start3A_55 = tpu.memref_slice %arg6[%add3A_47, %dma_start3A_54] : memref<20224x128xf32, #tpu.memory_space<hbm>> -> memref<128x128xf32, #tpu.memory_space<hbm>>
      tpu.enqueue_dma source(%arg8 : memref<128x128xf32, #tpu.memory_space<vmem>>) target(%dma_start3A_55 : memref<128x128xf32, #tpu.memory_space<hbm>>) target_semaphore(%run_scoped3A : memref<!tpu.dma_semaphore, #tpu.memory_space<semaphore_mem>>)
      %dma_wait3A = arith.constant 0 : i32
      %dma_wait3A_56 = tpu.memref_slice %arg6[%add3A_47, %dma_wait3A] : memref<20224x128xf32, #tpu.memory_space<hbm>> -> memref<128x128xf32, #tpu.memory_space<hbm>>
      %dma_wait3A_57 = arith.constant 0 : i32
      %dma_wait3A_58 = tpu.memref_slice %arg6[%add3A_47, %dma_wait3A_57] : memref<20224x128xf32, #tpu.memory_space<hbm>> -> memref<128x128xf32, #tpu.memory_space<hbm>>
      tpu.wait_dma2 semaphore(%run_scoped3A : memref<!tpu.dma_semaphore, #tpu.memory_space<semaphore_mem>>) src(%arg8 : memref<128x128xf32, #tpu.memory_space<vmem>>) dst(%dma_wait3A_58 : memref<128x128xf32, #tpu.memory_space<hbm>>)
      tpu.yield
    }) : () -> ()
    %add3A_48 = arith.constant 512 : i32
    %add3A_49 = arith.addi %mul3A_0, %add3A_48 : i32
    "tpu.region"() ({
      %run_scoped3A = tpu.sem_alloc : memref<!tpu.dma_semaphore, #tpu.memory_space<semaphore_mem>>
      %dma_start3A_52 = arith.constant 0 : i32
      %dma_start3A_53 = arith.constant 0 : i32
      %dma_start3A_54 = tpu.memref_slice %arg8[%dma_start3A_52, %dma_start3A_53] : memref<128x128xf32, #tpu.memory_space<vmem>> -> memref<120x128xf32, #tpu.memory_space<vmem>>
      %dma_start3A_55 = arith.constant 0 : i32
      %dma_start3A_56 = tpu.memref_slice %arg10[%add3A_49, %dma_start3A_55] : memref<10112x128xf32, #tpu.memory_space<vmem_shared>> -> memref<120x128xf32, #tpu.memory_space<vmem_shared>>
      %dma_start3A_57 = arith.constant 0 : i32
      %dma_start3A_58 = arith.constant 0 : i32
      %dma_start3A_59 = tpu.memref_slice %arg8[%dma_start3A_57, %dma_start3A_58] : memref<128x128xf32, #tpu.memory_space<vmem>> -> memref<120x128xf32, #tpu.memory_space<vmem>>
      %dma_start3A_60 = arith.constant 0 : i32
      %dma_start3A_61 = tpu.memref_slice %arg10[%add3A_49, %dma_start3A_60] : memref<10112x128xf32, #tpu.memory_space<vmem_shared>> -> memref<120x128xf32, #tpu.memory_space<vmem_shared>>
      tpu.enqueue_dma source(%dma_start3A_61 : memref<120x128xf32, #tpu.memory_space<vmem_shared>>) target(%dma_start3A_59 : memref<120x128xf32, #tpu.memory_space<vmem>>) target_semaphore(%run_scoped3A : memref<!tpu.dma_semaphore, #tpu.memory_space<semaphore_mem>>)
      %dma_wait3A = arith.constant 0 : i32
      %dma_wait3A_62 = arith.constant 0 : i32
      %dma_wait3A_63 = tpu.memref_slice %arg8[%dma_wait3A, %dma_wait3A_62] : memref<128x128xf32, #tpu.memory_space<vmem>> -> memref<120x128xf32, #tpu.memory_space<vmem>>
      %dma_wait3A_64 = arith.constant 0 : i32
      %dma_wait3A_65 = tpu.memref_slice %arg10[%add3A_49, %dma_wait3A_64] : memref<10112x128xf32, #tpu.memory_space<vmem_shared>> -> memref<120x128xf32, #tpu.memory_space<vmem_shared>>
      %dma_wait3A_66 = arith.constant 0 : i32
      %dma_wait3A_67 = arith.constant 0 : i32
      %dma_wait3A_68 = tpu.memref_slice %arg8[%dma_wait3A_66, %dma_wait3A_67] : memref<128x128xf32, #tpu.memory_space<vmem>> -> memref<120x128xf32, #tpu.memory_space<vmem>>
      %dma_wait3A_69 = arith.constant 0 : i32
      %dma_wait3A_70 = tpu.memref_slice %arg10[%add3A_49, %dma_wait3A_69] : memref<10112x128xf32, #tpu.memory_space<vmem_shared>> -> memref<120x128xf32, #tpu.memory_space<vmem_shared>>
      tpu.wait_dma2 semaphore(%run_scoped3A : memref<!tpu.dma_semaphore, #tpu.memory_space<semaphore_mem>>) src(%dma_wait3A_70 : memref<120x128xf32, #tpu.memory_space<vmem_shared>>) dst(%dma_wait3A_68 : memref<120x128xf32, #tpu.memory_space<vmem>>)
      tpu.yield
    }) : () -> ()
    %add3A_50 = arith.constant 512 : i32
    %add3A_51 = arith.addi %add3A_31, %add3A_50 : i32
    "tpu.region"() ({
      %run_scoped3A = tpu.sem_alloc : memref<!tpu.dma_semaphore, #tpu.memory_space<semaphore_mem>>
      %dma_start3A_52 = arith.constant 0 : i32
      %dma_start3A_53 = arith.constant 0 : i32
      %dma_start3A_54 = tpu.memref_slice %arg8[%dma_start3A_52, %dma_start3A_53] : memref<128x128xf32, #tpu.memory_space<vmem>> -> memref<120x128xf32, #tpu.memory_space<vmem>>
      %dma_start3A_55 = arith.constant 0 : i32
      %dma_start3A_56 = tpu.memref_slice %arg6[%add3A_51, %dma_start3A_55] : memref<20224x128xf32, #tpu.memory_space<hbm>> -> memref<120x128xf32, #tpu.memory_space<hbm>>
      %dma_start3A_57 = arith.constant 0 : i32
      %dma_start3A_58 = tpu.memref_slice %arg6[%add3A_51, %dma_start3A_57] : memref<20224x128xf32, #tpu.memory_space<hbm>> -> memref<120x128xf32, #tpu.memory_space<hbm>>
      %dma_start3A_59 = arith.constant 0 : i32
      %dma_start3A_60 = arith.constant 0 : i32
      %dma_start3A_61 = tpu.memref_slice %arg8[%dma_start3A_59, %dma_start3A_60] : memref<128x128xf32, #tpu.memory_space<vmem>> -> memref<120x128xf32, #tpu.memory_space<vmem>>
      tpu.enqueue_dma source(%dma_start3A_61 : memref<120x128xf32, #tpu.memory_space<vmem>>) target(%dma_start3A_58 : memref<120x128xf32, #tpu.memory_space<hbm>>) target_semaphore(%run_scoped3A : memref<!tpu.dma_semaphore, #tpu.memory_space<semaphore_mem>>)
      %dma_wait3A = arith.constant 0 : i32
      %dma_wait3A_62 = arith.constant 0 : i32
      %dma_wait3A_63 = tpu.memref_slice %arg8[%dma_wait3A, %dma_wait3A_62] : memref<128x128xf32, #tpu.memory_space<vmem>> -> memref<120x128xf32, #tpu.memory_space<vmem>>
      %dma_wait3A_64 = arith.constant 0 : i32
      %dma_wait3A_65 = tpu.memref_slice %arg6[%add3A_51, %dma_wait3A_64] : memref<20224x128xf32, #tpu.memory_space<hbm>> -> memref<120x128xf32, #tpu.memory_space<hbm>>
      %dma_wait3A_66 = arith.constant 0 : i32
      %dma_wait3A_67 = tpu.memref_slice %arg6[%add3A_51, %dma_wait3A_66] : memref<20224x128xf32, #tpu.memory_space<hbm>> -> memref<120x128xf32, #tpu.memory_space<hbm>>
      %dma_wait3A_68 = arith.constant 0 : i32
      %dma_wait3A_69 = arith.constant 0 : i32
      %dma_wait3A_70 = tpu.memref_slice %arg8[%dma_wait3A_68, %dma_wait3A_69] : memref<128x128xf32, #tpu.memory_space<vmem>> -> memref<120x128xf32, #tpu.memory_space<vmem>>
      tpu.wait_dma2 semaphore(%run_scoped3A : memref<!tpu.dma_semaphore, #tpu.memory_space<semaphore_mem>>) src(%dma_wait3A_70 : memref<120x128xf32, #tpu.memory_space<vmem>>) dst(%dma_wait3A_67 : memref<120x128xf32, #tpu.memory_space<hbm>>)
      tpu.yield
    }) : () -> ()
    return
  }
}

module attributes {stable_mosaic.version = 14 : i64} {
  func.func @_scale_body(%arg0: i32, %arg1: memref<1000x256xf32, #tpu.memory_space<vmem>>, %arg2: memref<256x256xf32, #tpu.memory_space<vmem>>, %arg3: memref<1000x128xf32, #tpu.memory_space<vmem>>, %arg4: memref<1000x128xf32, #tpu.memory_space<vmem>>, %arg5: memref<1000x128xf32, #tpu.memory_space<vmem>>, %arg6: memref<1000x128xf32, #tpu.memory_space<vmem>>) attributes {dimension_semantics = [#tpu.dimension_semantics<arbitrary>], iteration_bounds = array<i64: 10>, scalar_prefetch = 0 : i64, scratch_operands = 0 : i64, tpu.core_type = #tpu.core_type<tc>, window_params = [{transform_indices = @transform_0, window_bounds = array<i64: 1000, 256>}, {pipeline_mode = #tpu.pipeline_mode<synchronous>, transform_indices = @transform_1, window_bounds = array<i64: 256, 256>}, {transform_indices = @transform_2, window_bounds = array<i64: 1000, 128>}, {transform_indices = @transform_3, window_bounds = array<i64: 1000, 128>}, {transform_indices = @transform_4, window_bounds = array<i64: 1000, 128>}, {transform_indices = @transform_5, window_bounds = array<i64: 1000, 128>}]} {
    %get3A = arith.constant 0 : index
    %get3A_0 = arith.constant 0 : index
    %get3A_1 = vector.load %arg1[%get3A, %get3A_0] : memref<1000x256xf32, #tpu.memory_space<vmem>>, vector<1000x256xf32>
    %get3A_2 = arith.constant 0 : index
    %get3A_3 = arith.constant 0 : index
    %get3A_4 = vector.load %arg2[%get3A_2, %get3A_3] : memref<256x256xf32, #tpu.memory_space<vmem>>, vector<256x256xf32>
    %dot_general3A = arith.constant dense<0.000000e+00> : vector<1000x256xf32>
    %dot_general3A_5 = tpu.matmul %get3A_1, %get3A_4, %dot_general3A {dimension_numbers = #tpu.dot_dimension_numbers<[1], [0], [0], [1], [0, 0, 1, 1], [], []>, precision = #tpu.contract_precision<fp32>, transpose_lhs_hint = false} : vector<1000x256xf32>, vector<256x256xf32>, vector<1000x256xf32> -> vector<1000x256xf32>
    %get3A_6 = arith.constant 0 : index
    %get3A_7 = arith.constant 0 : index
    %get3A_8 = vector.load %arg3[%get3A_6, %get3A_7] : memref<1000x128xf32, #tpu.memory_space<vmem>>, vector<1000x128xf32>
    %get3A_9 = arith.constant 0 : index
    %get3A_10 = arith.constant 0 : index
    %get3A_11 = vector.load %arg4[%get3A_9, %get3A_10] : memref<1000x128xf32, #tpu.memory_space<vmem>>, vector<1000x128xf32>
    %slice3A = vector.extract_strided_slice %get3A_8 {offsets = [0, 0], sizes = [1000, 1], strides = [1, 1]} : vector<1000x128xf32> to vector<1000x1xf32>
    %slice3A_12 = vector.extract_strided_slice %get3A_11 {offsets = [0, 0], sizes = [1000, 1], strides = [1, 1]} : vector<1000x128xf32> to vector<1000x1xf32>
    %add3A = arith.addf %slice3A, %slice3A_12 : vector<1000x1xf32>
    %add3A_13 = arith.constant 1.000000e+00 : f32
    %add3A_14 = vector.broadcast %add3A_13 : f32 to vector<1000x1xf32>
    %add3A_15 = arith.addf %add3A, %add3A_14 : vector<1000x1xf32>
    %rsqrt3A = math.rsqrt %add3A_15 : vector<1000x1xf32>
    %mul3A = vector.broadcast %rsqrt3A : vector<1000x1xf32> to vector<1000x256xf32>
    %mul3A_16 = arith.mulf %dot_general3A_5, %mul3A : vector<1000x256xf32>
    %slice3A_17 = vector.extract_strided_slice %mul3A_16 {offsets = [0, 0], sizes = [1000, 128], strides = [1, 1]} : vector<1000x256xf32> to vector<1000x128xf32>
    %swap3A = arith.constant 0 : index
    %swap3A_18 = arith.constant 0 : index
    %swap3A_19 = vector.load %arg5[%swap3A, %swap3A_18] : memref<1000x128xf32, #tpu.memory_space<vmem>>, vector<1000x128xf32>
    tpu.vector_store %arg5[%swap3A, %swap3A_18], %slice3A_17 {strides = array<i32>} : memref<1000x128xf32, #tpu.memory_space<vmem>>, vector<1000x128xf32>,
    %slice3A_20 = vector.extract_strided_slice %mul3A_16 {offsets = [0, 128], sizes = [1000, 128], strides = [1, 1]} : vector<1000x256xf32> to vector<1000x128xf32>
    %swap3A_21 = arith.constant 0 : index
    %swap3A_22 = arith.constant 0 : index
    %swap3A_23 = vector.load %arg6[%swap3A_21, %swap3A_22] : memref<1000x128xf32, #tpu.memory_space<vmem>>, vector<1000x128xf32>
    tpu.vector_store %arg6[%swap3A_21, %swap3A_22], %slice3A_20 {strides = array<i32>} : memref<1000x128xf32, #tpu.memory_space<vmem>>, vector<1000x128xf32>,
    return
  }
  func.func @transform_0(%arg0: i32) -> (i32, i32) {
    %c0_i32 = arith.constant 0 : i32
    %c0_i32_0 = arith.constant 0 : i32
    return %arg0, %c0_i32 : i32, i32
  }
  func.func @transform_1(%arg0: i32) -> (i32, i32) {
    %c0_i32 = arith.constant 0 : i32
    %c0_i32_0 = arith.constant 0 : i32
    %c0_i32_1 = arith.constant 0 : i32
    return %c0_i32, %c0_i32_0 : i32, i32
  }
  func.func @transform_2(%arg0: i32) -> (i32, i32) {
    %c0_i32 = arith.constant 0 : i32
    %c0_i32_0 = arith.constant 0 : i32
    return %arg0, %c0_i32 : i32, i32
  }
  func.func @transform_3(%arg0: i32) -> (i32, i32) {
    %c0_i32 = arith.constant 0 : i32
    %c0_i32_0 = arith.constant 0 : i32
    return %arg0, %c0_i32 : i32, i32
  }
  func.func @transform_4(%arg0: i32) -> (i32, i32) {
    %c0_i32 = arith.constant 0 : i32
    %c0_i32_0 = arith.constant 0 : i32
    return %arg0, %c0_i32 : i32, i32
  }
  func.func @transform_5(%arg0: i32) -> (i32, i32) {
    %c0_i32 = arith.constant 0 : i32
    %c0_i32_0 = arith.constant 0 : i32
    return %arg0, %c0_i32 : i32, i32
  }
}

module attributes {stable_mosaic.version = 14 : i64} {
  func.func @_mid_body(%arg0: i32, %arg1: memref<1000x128xf32, #tpu.memory_space<vmem>>, %arg2: memref<1000x128xf32, #tpu.memory_space<vmem>>, %arg3: memref<1000x128xf32, #tpu.memory_space<vmem>>, %arg4: memref<1000x128xf32, #tpu.memory_space<vmem>>, %arg5: memref<1000x128xf32, #tpu.memory_space<vmem>>, %arg6: memref<1000x128xf32, #tpu.memory_space<vmem>>, %arg7: memref<256x256xf32, #tpu.memory_space<vmem>>, %arg8: memref<1x256xf32, #tpu.memory_space<vmem>>, %arg9: memref<1000x128xf32, #tpu.memory_space<vmem>>, %arg10: memref<1000x128xf32, #tpu.memory_space<vmem>>) attributes {dimension_semantics = [#tpu.dimension_semantics<arbitrary>], iteration_bounds = array<i64: 10>, scalar_prefetch = 0 : i64, scratch_operands = 0 : i64, tpu.core_type = #tpu.core_type<tc>, window_params = [{transform_indices = @transform_0, window_bounds = array<i64: 1000, 128>}, {transform_indices = @transform_1, window_bounds = array<i64: 1000, 128>}, {transform_indices = @transform_2, window_bounds = array<i64: 1000, 128>}, {transform_indices = @transform_3, window_bounds = array<i64: 1000, 128>}, {transform_indices = @transform_4, window_bounds = array<i64: 1000, 128>}, {transform_indices = @transform_5, window_bounds = array<i64: 1000, 128>}, {pipeline_mode = #tpu.pipeline_mode<synchronous>, transform_indices = @transform_6, window_bounds = array<i64: 256, 256>}, {pipeline_mode = #tpu.pipeline_mode<synchronous>, transform_indices = @transform_7, window_bounds = array<i64: 1, 256>}, {transform_indices = @transform_8, window_bounds = array<i64: 1000, 128>}, {transform_indices = @transform_9, window_bounds = array<i64: 1000, 128>}]} {
    %get3A = arith.constant 0 : index
    %get3A_0 = arith.constant 0 : index
    %get3A_1 = vector.load %arg5[%get3A, %get3A_0] : memref<1000x128xf32, #tpu.memory_space<vmem>>, vector<1000x128xf32>
    %get3A_2 = arith.constant 0 : index
    %get3A_3 = arith.constant 0 : index
    %get3A_4 = vector.load %arg6[%get3A_2, %get3A_3] : memref<1000x128xf32, #tpu.memory_space<vmem>>, vector<1000x128xf32>
    %slice3A = vector.extract_strided_slice %get3A_1 {offsets = [0, 0], sizes = [1000, 1], strides = [1, 1]} : vector<1000x128xf32> to vector<1000x1xf32>
    %slice3A_5 = vector.extract_strided_slice %get3A_4 {offsets = [0, 0], sizes = [1000, 1], strides = [1, 1]} : vector<1000x128xf32> to vector<1000x1xf32>
    %add3A = arith.addf %slice3A, %slice3A_5 : vector<1000x1xf32>
    %add3A_6 = arith.constant 1.000000e+00 : f32
    %add3A_7 = vector.broadcast %add3A_6 : f32 to vector<1000x1xf32>
    %add3A_8 = arith.addf %add3A, %add3A_7 : vector<1000x1xf32>
    %rsqrt3A = math.rsqrt %add3A_8 : vector<1000x1xf32>
    %get3A_9 = arith.constant 0 : index
    %get3A_10 = arith.constant 0 : index
    %get3A_11 = vector.load %arg1[%get3A_9, %get3A_10] : memref<1000x128xf32, #tpu.memory_space<vmem>>, vector<1000x128xf32>
    %get3A_12 = arith.constant 0 : index
    %get3A_13 = arith.constant 0 : index
    %get3A_14 = vector.load %arg3[%get3A_12, %get3A_13] : memref<1000x128xf32, #tpu.memory_space<vmem>>, vector<1000x128xf32>
    %add3A_15 = arith.addf %get3A_11, %get3A_14 : vector<1000x128xf32>
    %get3A_16 = arith.constant 0 : index
    %get3A_17 = arith.constant 0 : index
    %get3A_18 = vector.load %arg2[%get3A_16, %get3A_17] : memref<1000x128xf32, #tpu.memory_space<vmem>>, vector<1000x128xf32>
    %get3A_19 = arith.constant 0 : index
    %get3A_20 = arith.constant 0 : index
    %get3A_21 = vector.load %arg4[%get3A_19, %get3A_20] : memref<1000x128xf32, #tpu.memory_space<vmem>>, vector<1000x128xf32>
    %add3A_22 = arith.addf %get3A_18, %get3A_21 : vector<1000x128xf32>
    %concatenate3A = tpu.concatenate %add3A_15, %add3A_22 in 1 : vector<1000x128xf32>, vector<1000x128xf32> -> vector<1000x256xf32>
    %mul3A = vector.broadcast %rsqrt3A : vector<1000x1xf32> to vector<1000x256xf32>
    %mul3A_23 = arith.mulf %mul3A, %concatenate3A : vector<1000x256xf32>
    %get3A_24 = arith.constant 0 : index
    %get3A_25 = arith.constant 0 : index
    %get3A_26 = vector.load %arg8[%get3A_24, %get3A_25] : memref<1x256xf32, #tpu.memory_space<vmem>>, vector<1x256xf32>
    %add3A_27 = vector.broadcast %get3A_26 : vector<1x256xf32> to vector<1000x256xf32>
    %add3A_28 = arith.addf %mul3A_23, %add3A_27 : vector<1000x256xf32>
    %max3A = arith.constant 0.000000e+00 : f32
    %max3A_29 = vector.broadcast %max3A : f32 to vector<1000x256xf32>
    %max3A_30 = arith.maximumf %add3A_28, %max3A_29 : vector<1000x256xf32>
    %get3A_31 = arith.constant 0 : index
    %get3A_32 = arith.constant 0 : index
    %get3A_33 = vector.load %arg7[%get3A_31, %get3A_32] : memref<256x256xf32, #tpu.memory_space<vmem>>, vector<256x256xf32>
    %dot_general3A = arith.constant dense<0.000000e+00> : vector<1000x256xf32>
    %dot_general3A_34 = tpu.matmul %max3A_30, %get3A_33, %dot_general3A {dimension_numbers = #tpu.dot_dimension_numbers<[1], [0], [0], [1], [0, 0, 1, 1], [], []>, precision = #tpu.contract_precision<fp32>, transpose_lhs_hint = false} : vector<1000x256xf32>, vector<256x256xf32>, vector<1000x256xf32> -> vector<1000x256xf32>
    %mul3A_35 = vector.broadcast %rsqrt3A : vector<1000x1xf32> to vector<1000x256xf32>
    %mul3A_36 = arith.mulf %dot_general3A_34, %mul3A_35 : vector<1000x256xf32>
    %slice3A_37 = vector.extract_strided_slice %mul3A_36 {offsets = [0, 0], sizes = [1000, 128], strides = [1, 1]} : vector<1000x256xf32> to vector<1000x128xf32>
    %swap3A = arith.constant 0 : index
    %swap3A_38 = arith.constant 0 : index
    %swap3A_39 = vector.load %arg9[%swap3A, %swap3A_38] : memref<1000x128xf32, #tpu.memory_space<vmem>>, vector<1000x128xf32>
    tpu.vector_store %arg9[%swap3A, %swap3A_38], %slice3A_37 {strides = array<i32>} : memref<1000x128xf32, #tpu.memory_space<vmem>>, vector<1000x128xf32>,
    %slice3A_40 = vector.extract_strided_slice %mul3A_36 {offsets = [0, 128], sizes = [1000, 128], strides = [1, 1]} : vector<1000x256xf32> to vector<1000x128xf32>
    %swap3A_41 = arith.constant 0 : index
    %swap3A_42 = arith.constant 0 : index
    %swap3A_43 = vector.load %arg10[%swap3A_41, %swap3A_42] : memref<1000x128xf32, #tpu.memory_space<vmem>>, vector<1000x128xf32>
    tpu.vector_store %arg10[%swap3A_41, %swap3A_42], %slice3A_40 {strides = array<i32>} : memref<1000x128xf32, #tpu.memory_space<vmem>>, vector<1000x128xf32>,
    return
  }
  func.func @transform_0(%arg0: i32) -> (i32, i32) {
    %c0_i32 = arith.constant 0 : i32
    %c0_i32_0 = arith.constant 0 : i32
    return %arg0, %c0_i32 : i32, i32
  }
  func.func @transform_1(%arg0: i32) -> (i32, i32) {
    %c0_i32 = arith.constant 0 : i32
    %c0_i32_0 = arith.constant 0 : i32
    return %arg0, %c0_i32 : i32, i32
  }
  func.func @transform_2(%arg0: i32) -> (i32, i32) {
    %c0_i32 = arith.constant 0 : i32
    %c0_i32_0 = arith.constant 0 : i32
    return %arg0, %c0_i32 : i32, i32
  }
  func.func @transform_3(%arg0: i32) -> (i32, i32) {
    %c0_i32 = arith.constant 0 : i32
    %c0_i32_0 = arith.constant 0 : i32
    return %arg0, %c0_i32 : i32, i32
  }
  func.func @transform_4(%arg0: i32) -> (i32, i32) {
    %c0_i32 = arith.constant 0 : i32
    %c0_i32_0 = arith.constant 0 : i32
    return %arg0, %c0_i32 : i32, i32
  }
  func.func @transform_5(%arg0: i32) -> (i32, i32) {
    %c0_i32 = arith.constant 0 : i32
    %c0_i32_0 = arith.constant 0 : i32
    return %arg0, %c0_i32 : i32, i32
  }
  func.func @transform_6(%arg0: i32) -> (i32, i32) {
    %c0_i32 = arith.constant 0 : i32
    %c0_i32_0 = arith.constant 0 : i32
    %c0_i32_1 = arith.constant 0 : i32
    return %c0_i32, %c0_i32_0 : i32, i32
  }
  func.func @transform_7(%arg0: i32) -> (i32, i32) {
    %c0_i32 = arith.constant 0 : i32
    %c0_i32_0 = arith.constant 0 : i32
    %c0_i32_1 = arith.constant 0 : i32
    return %c0_i32, %c0_i32_0 : i32, i32
  }
  func.func @transform_8(%arg0: i32) -> (i32, i32) {
    %c0_i32 = arith.constant 0 : i32
    %c0_i32_0 = arith.constant 0 : i32
    return %arg0, %c0_i32 : i32, i32
  }
  func.func @transform_9(%arg0: i32) -> (i32, i32) {
    %c0_i32 = arith.constant 0 : i32
    %c0_i32_0 = arith.constant 0 : i32
    return %arg0, %c0_i32 : i32, i32
  }
}

module attributes {stable_mosaic.version = 14 : i64} {
  func.func @_final_body(%arg0: i32, %arg1: memref<1000x128xf32, #tpu.memory_space<vmem>>, %arg2: memref<1000x128xf32, #tpu.memory_space<vmem>>, %arg3: memref<1000x128xf32, #tpu.memory_space<vmem>>, %arg4: memref<1000x128xf32, #tpu.memory_space<vmem>>, %arg5: memref<1000x128xf32, #tpu.memory_space<vmem>>, %arg6: memref<1000x128xf32, #tpu.memory_space<vmem>>, %arg7: memref<1x256xf32, #tpu.memory_space<vmem>>, %arg8: memref<1x256xf32, #tpu.memory_space<vmem>>, %arg9: memref<1x256xf32, #tpu.memory_space<vmem>>, %arg10: memref<1x256xf32, #tpu.memory_space<vmem>>, %arg11: memref<1x1xf32, #tpu.memory_space<vmem>>, %arg12: memref<1000x1xf32, #tpu.memory_space<vmem>>) attributes {dimension_semantics = [#tpu.dimension_semantics<arbitrary>], iteration_bounds = array<i64: 10>, scalar_prefetch = 0 : i64, scratch_operands = 0 : i64, tpu.core_type = #tpu.core_type<tc>, window_params = [{transform_indices = @transform_0, window_bounds = array<i64: 1000, 128>}, {transform_indices = @transform_1, window_bounds = array<i64: 1000, 128>}, {transform_indices = @transform_2, window_bounds = array<i64: 1000, 128>}, {transform_indices = @transform_3, window_bounds = array<i64: 1000, 128>}, {transform_indices = @transform_4, window_bounds = array<i64: 1000, 128>}, {transform_indices = @transform_5, window_bounds = array<i64: 1000, 128>}, {pipeline_mode = #tpu.pipeline_mode<synchronous>, transform_indices = @transform_6, window_bounds = array<i64: 1, 256>}, {pipeline_mode = #tpu.pipeline_mode<synchronous>, transform_indices = @transform_7, window_bounds = array<i64: 1, 256>}, {pipeline_mode = #tpu.pipeline_mode<synchronous>, transform_indices = @transform_8, window_bounds = array<i64: 1, 256>}, {pipeline_mode = #tpu.pipeline_mode<synchronous>, transform_indices = @transform_9, window_bounds = array<i64: 1, 256>}, {pipeline_mode = #tpu.pipeline_mode<synchronous>, transform_indices = @transform_10, window_bounds = array<i64: 1, 1>}, {transform_indices = @transform_11, window_bounds = array<i64: 1000, 1>}]} {
    %get3A = arith.constant 0 : index
    %get3A_0 = arith.constant 0 : index
    %get3A_1 = vector.load %arg5[%get3A, %get3A_0] : memref<1000x128xf32, #tpu.memory_space<vmem>>, vector<1000x128xf32>
    %get3A_2 = arith.constant 0 : index
    %get3A_3 = arith.constant 0 : index
    %get3A_4 = vector.load %arg6[%get3A_2, %get3A_3] : memref<1000x128xf32, #tpu.memory_space<vmem>>, vector<1000x128xf32>
    %slice3A = vector.extract_strided_slice %get3A_1 {offsets = [0, 0], sizes = [1000, 1], strides = [1, 1]} : vector<1000x128xf32> to vector<1000x1xf32>
    %slice3A_5 = vector.extract_strided_slice %get3A_4 {offsets = [0, 0], sizes = [1000, 1], strides = [1, 1]} : vector<1000x128xf32> to vector<1000x1xf32>
    %add3A = arith.addf %slice3A, %slice3A_5 : vector<1000x1xf32>
    %add3A_6 = arith.constant 1.000000e+00 : f32
    %add3A_7 = vector.broadcast %add3A_6 : f32 to vector<1000x1xf32>
    %add3A_8 = arith.addf %add3A, %add3A_7 : vector<1000x1xf32>
    %rsqrt3A = math.rsqrt %add3A_8 : vector<1000x1xf32>
    %get3A_9 = arith.constant 0 : index
    %get3A_10 = arith.constant 0 : index
    %get3A_11 = vector.load %arg1[%get3A_9, %get3A_10] : memref<1000x128xf32, #tpu.memory_space<vmem>>, vector<1000x128xf32>
    %get3A_12 = arith.constant 0 : index
    %get3A_13 = arith.constant 0 : index
    %get3A_14 = vector.load %arg3[%get3A_12, %get3A_13] : memref<1000x128xf32, #tpu.memory_space<vmem>>, vector<1000x128xf32>
    %add3A_15 = arith.addf %get3A_11, %get3A_14 : vector<1000x128xf32>
    %get3A_16 = arith.constant 0 : index
    %get3A_17 = arith.constant 0 : index
    %get3A_18 = vector.load %arg2[%get3A_16, %get3A_17] : memref<1000x128xf32, #tpu.memory_space<vmem>>, vector<1000x128xf32>
    %get3A_19 = arith.constant 0 : index
    %get3A_20 = arith.constant 0 : index
    %get3A_21 = vector.load %arg4[%get3A_19, %get3A_20] : memref<1000x128xf32, #tpu.memory_space<vmem>>, vector<1000x128xf32>
    %add3A_22 = arith.addf %get3A_18, %get3A_21 : vector<1000x128xf32>
    %concatenate3A = tpu.concatenate %add3A_15, %add3A_22 in 1 : vector<1000x128xf32>, vector<1000x128xf32> -> vector<1000x256xf32>
    %mul3A = vector.broadcast %rsqrt3A : vector<1000x1xf32> to vector<1000x256xf32>
    %mul3A_23 = arith.mulf %mul3A, %concatenate3A : vector<1000x256xf32>
    %get3A_24 = arith.constant 0 : index
    %get3A_25 = arith.constant 0 : index
    %get3A_26 = vector.load %arg7[%get3A_24, %get3A_25] : memref<1x256xf32, #tpu.memory_space<vmem>>, vector<1x256xf32>
    %add3A_27 = vector.broadcast %get3A_26 : vector<1x256xf32> to vector<1000x256xf32>
    %add3A_28 = arith.addf %mul3A_23, %add3A_27 : vector<1000x256xf32>
    %max3A = arith.constant 0.000000e+00 : f32
    %max3A_29 = vector.broadcast %max3A : f32 to vector<1000x256xf32>
    %max3A_30 = arith.maximumf %add3A_28, %max3A_29 : vector<1000x256xf32>
    %get3A_31 = arith.constant 0 : index
    %get3A_32 = arith.constant 0 : index
    %get3A_33 = vector.load %arg10[%get3A_31, %get3A_32] : memref<1x256xf32, #tpu.memory_space<vmem>>, vector<1x256xf32>
    %get3A_34 = arith.constant 0 : index
    %get3A_35 = arith.constant 0 : index
    %get3A_36 = vector.load %arg9[%get3A_34, %get3A_35] : memref<1x256xf32, #tpu.memory_space<vmem>>, vector<1x256xf32>
    %mul3A_37 = arith.mulf %get3A_33, %get3A_36 : vector<1x256xf32>
    %reduce_sum3A = vector.shape_cast %mul3A_37 : vector<1x256xf32> to vector<1x1x256xf32>
    %reduce_sum3A_38 = arith.constant dense<0.000000e+00> : vector<1xf32>
    %reduce_sum3A_39 = vector.multi_reduction <add>, %reduce_sum3A, %reduce_sum3A_38 [1, 2] : vector<1x1x256xf32> to vector<1xf32>
    %reduce_sum3A_40 = vector.shape_cast %reduce_sum3A_39 : vector<1xf32> to vector<1x1x1xf32>
    %reduce_sum3A_41 = vector.extract %reduce_sum3A_40[0, 0, 0] : f32 from vector<1x1x1xf32>
    %get3A_42 = arith.constant 0 : index
    %get3A_43 = arith.constant 0 : index
    %get3A_44 = vector.load %arg11[%get3A_42, %get3A_43] : memref<1x1xf32, #tpu.memory_space<vmem>>, vector<1x1xf32>
    %get3A_45 = vector.extract %get3A_44[0, 0] : f32 from vector<1x1xf32>
    %add3A_46 = arith.addf %reduce_sum3A_41, %get3A_45 : f32
    %get3A_47 = arith.constant 0 : index
    %get3A_48 = arith.constant 0 : index
    %get3A_49 = vector.load %arg8[%get3A_47, %get3A_48] : memref<1x256xf32, #tpu.memory_space<vmem>>, vector<1x256xf32>
    %mul3A_50 = vector.broadcast %get3A_49 : vector<1x256xf32> to vector<1000x256xf32>
    %mul3A_51 = arith.mulf %max3A_30, %mul3A_50 : vector<1000x256xf32>
    %reduce_sum3A_52 = arith.constant dense<0.000000e+00> : vector<1000xf32>
    %reduce_sum3A_53 = vector.multi_reduction <add>, %mul3A_51, %reduce_sum3A_52 [1] : vector<1000x256xf32> to vector<1000xf32>
    %broadcast_in_dim3A = vector.shape_cast %reduce_sum3A_53 : vector<1000xf32> to vector<1000x1xf32>
    %add3A_54 = vector.broadcast %add3A_46 : f32 to vector<1000x1xf32>
    %add3A_55 = arith.addf %broadcast_in_dim3A, %add3A_54 : vector<1000x1xf32>
    %swap3A = arith.constant 0 : index
    %swap3A_56 = arith.constant 0 : index
    %swap3A_57 = vector.load %arg12[%swap3A, %swap3A_56] : memref<1000x1xf32, #tpu.memory_space<vmem>>, vector<1000x1xf32>
    tpu.vector_store %arg12[%swap3A, %swap3A_56], %add3A_55 {strides = array<i32>} : memref<1000x1xf32, #tpu.memory_space<vmem>>, vector<1000x1xf32>,
    return
  }
  func.func @transform_0(%arg0: i32) -> (i32, i32) {
    %c0_i32 = arith.constant 0 : i32
    %c0_i32_0 = arith.constant 0 : i32
    return %arg0, %c0_i32 : i32, i32
  }
  func.func @transform_1(%arg0: i32) -> (i32, i32) {
    %c0_i32 = arith.constant 0 : i32
    %c0_i32_0 = arith.constant 0 : i32
    return %arg0, %c0_i32 : i32, i32
  }
  func.func @transform_2(%arg0: i32) -> (i32, i32) {
    %c0_i32 = arith.constant 0 : i32
    %c0_i32_0 = arith.constant 0 : i32
    return %arg0, %c0_i32 : i32, i32
  }
  func.func @transform_3(%arg0: i32) -> (i32, i32) {
    %c0_i32 = arith.constant 0 : i32
    %c0_i32_0 = arith.constant 0 : i32
    return %arg0, %c0_i32 : i32, i32
  }
  func.func @transform_4(%arg0: i32) -> (i32, i32) {
    %c0_i32 = arith.constant 0 : i32
    %c0_i32_0 = arith.constant 0 : i32
    return %arg0, %c0_i32 : i32, i32
  }
  func.func @transform_5(%arg0: i32) -> (i32, i32) {
    %c0_i32 = arith.constant 0 : i32
    %c0_i32_0 = arith.constant 0 : i32
    return %arg0, %c0_i32 : i32, i32
  }
  func.func @transform_6(%arg0: i32) -> (i32, i32) {
    %c0_i32 = arith.constant 0 : i32
    %c0_i32_0 = arith.constant 0 : i32
    %c0_i32_1 = arith.constant 0 : i32
    return %c0_i32, %c0_i32_0 : i32, i32
  }
  func.func @transform_7(%arg0: i32) -> (i32, i32) {
    %c0_i32 = arith.constant 0 : i32
    %c0_i32_0 = arith.constant 0 : i32
    %c0_i32_1 = arith.constant 0 : i32
    return %c0_i32, %c0_i32_0 : i32, i32
  }
  func.func @transform_8(%arg0: i32) -> (i32, i32) {
    %c0_i32 = arith.constant 0 : i32
    %c0_i32_0 = arith.constant 0 : i32
    %c0_i32_1 = arith.constant 0 : i32
    return %c0_i32, %c0_i32_0 : i32, i32
  }
  func.func @transform_9(%arg0: i32) -> (i32, i32) {
    %c0_i32 = arith.constant 0 : i32
    %c0_i32_0 = arith.constant 0 : i32
    %c0_i32_1 = arith.constant 0 : i32
    return %c0_i32, %c0_i32_0 : i32, i32
  }
  func.func @transform_10(%arg0: i32) -> (i32, i32) {
    %c0_i32 = arith.constant 0 : i32
    %c0_i32_0 = arith.constant 0 : i32
    %c0_i32_1 = arith.constant 0 : i32
    return %c0_i32, %c0_i32_0 : i32, i32
  }
  func.func @transform_11(%arg0: i32) -> (i32, i32) {
    %c0_i32 = arith.constant 0 : i32
    %c0_i32_0 = arith.constant 0 : i32
    return %arg0, %c0_i32 : i32, i32
  }
}

</mosaic_0001>

<sc_bundles>
// kernel: kernel.11.cloned.1.call-start
scs
__scs_entry_jumppad:
0x0: {  	(pc) =	sbr.rel $0x88, $3  }
0x1: {  	(tag) =	ssettag $0x0;
	lr =	simm.s32 $0x1  }
0x2: {  	[smem:$0x3F98] =	sst lr;
	_ =	strace $0xD0000000  }
0x3: {  	_ = 	snop  }
0x4: {  	_ = 	snop  }
0x5: {  	_ = 	snop  }
0x6: {  	_ = 	snop  }
0x7: {  	_ = 	snop  }
__scs_overlays_trampoline_lowered:
0x8: {  	[smem:$0x3FA7] =	sst s0  }
0x9: {  	[smem:$0x3FA8] =	sst s1  }
0xa: {  	[smem:$0x3FA9] =	sst s2  }
0xb: {  	[smem:$0x3FAA] =	sst s3  }
0xc: {  	[smem:$0x3FAB] =	sst s4  }
0xd: {  	[smem:$0x3FAC] =	sst s5  }
0xe: {  	[smem:$0x3FAD] =	sst s6  }
0xf: {  	[smem:$0x3FAE] =	sst s7  }
0x10: {  	[smem:$0x3FAF] =	sst s8  }
0x11: {  	[smem:$0x3FB0] =	sst s9;
	s0 =	simm.s32 @!p0 $0x0  }
0x12: {  	s1 =	sld [smem:$0x3F96];
	s0 =	simm.s32 @p0 $0x1  }
0x13: {  	[smem:$0x3FB1] =	sst s0;
	s0 =	simm.s32 @!p1 $0x0  }
0x14: {  	s2 =	sld [smem:$0x3F95];
	s0 =	simm.s32 @p1 $0x1  }
0x15: {  	[smem:$0x3FB2] =	sst s0;
	s0 =	simm.s32 @!p2 $0x0  }
0x16: {  	s3 =	sld [smem:$0x3FDB];
	s0 =	simm.s32 @p2 $0x1  }
0x17: {  	s4 =	simm.s32 $0x1BF5;
	[smem:$0x3FB4] =	sst s0  }
0x18: {  	s0 =	sld [smem:$0x3F97];
	_ =	swait.ge [sflag:s4], $0x0  }
0x19: {  	s7 =	sld [smem:$0x3F98]  }
0x1a: {  	s8 =	sadd.s32 $0xFFFFE003, lr  }
0x1b: {  	s9 =	sadd.s32 $0xFFFFFEF7, lr;
	s5 =	simm.s32 $0xFFFFFFFF;
	p2 =	slt.u32 s8, $0xFFFFF086  }
0x1c: {  	p1 =	slt.u32 s9, $0xF7A;
	s5 =	simm.s32 @!p2 $0x0  }
0x1d: {  	s5 =	simm.s32 @p1 $0x1;
	p0 =	seq.s32 s7, s2  }
0x1e: {  	s7 =	smul.u32 @!p0 $0xF7A, s2;
	p2 =	seq.s32 @!p0 s5, $0x0  }
0x1f: {  	s9 =	smul.u32 $0xF7A, s1;
	s8 =	simm.s32 @!p0 $0x1BF5;
	p2 =	por !p2, p0  }
0x20: {  	[sflag:s8] =	ssyncset.s32 @!p0 $0xFFFFF086;
	s6 =	sadd.s32 @!p0 s3, s7;
	s7 =	simm.s32 @!p0 $0x108  }
0x21: {  	s3 =	sadd.s32 s3, s9;
	s6 =	sadd.s32 @!p0 $0x88, s6;
	s7 =	simm.s32 @p2 $0x1082  }
0x22: {  	[simem:s7], [sflag:s8] =	dma.local @!p0 [hbm:s6], $0xF7A  }
0x23: {  	s9 =	sor.u32 $0xD0000000, s2;
	s6 =	simm.s32 $0x108;
	_ =	swait.ge @!p0 [sflag:s8], $0x0  }
0x24: {  	s3 =	sadd.s32 $0x88, s3;
	s6 =	simm.s32 @!p1 $0x1082;
	[sflag:s4] =	ssyncset.s32 $0xFFFFF086  }
0x25: {  	[simem:s6], [sflag:s4] =	dma.local [hbm:s3], $0xF7A  }
0x26: {  	[smem:$0x3F98] =	sst s1;
	(tag) =	ssettag s2;
	_ =	strace s9  }
0x27: {  	s1 =	sld [smem:$0x3FA8]  }
0x28: {  	s2 =	sld [smem:$0x3FA9]  }
0x29: {  	s4 =	sld [smem:$0x3FAB]  }
0x2a: {  	p0 =	seq.s32 s5, $0x0;
	s5 =	sld [smem:$0x3FAC]  }
0x2b: {  	s6 =	sld [smem:$0x3FAD]  }
0x2c: {  	s7 =	sld [smem:$0x3FAE]  }
0x2d: {  	s3 =	simm.s32 $0x108;
	s8 =	sld [smem:$0x3FAF]  }
0x2e: {  	s3 =	simm.s32 @!p0 $0x1082;
	s9 =	sld [smem:$0x3FB0]  }
0x2f: {  	lr =	sadd.s32 s0, s3;
	s0 =	sld [smem:$0x3FA7]  }
0x30: {  	s3 =	sld [smem:$0x3FAA]  }
0x31: {  	[smem:$0x3FB3] =	sst s10  }
0x32: {  	s10 =	sld [smem:$0x3FB1];
	_ =	sdelay $0x3  }
0x33: {  	p0 =	seq.s32 s10, $0x1;
	s10 =	sld [smem:$0x3FB3];
	_ =	sdelay $0x3  }
0x34: {  	[smem:$0x3FB3] =	sst s10  }
0x35: {  	s10 =	sld [smem:$0x3FB2];
	_ =	sdelay $0x3  }
0x36: {  	p1 =	seq.s32 s10, $0x1;
	s10 =	sld [smem:$0x3FB3];
	_ =	sdelay $0x3  }
0x37: {  	[smem:$0x3FB3] =	sst s10  }
0x38: {  	s10 =	sld [smem:$0x3FB4]  }
0x39: {  	_ = 	snop;
	(pc) =	sbr.ind lr, $3  }
0x3a: {  	_ = 	snop  }
0x3b: {  	_ = 	snop  }
0x3c: {  	p2 =	seq.s32 s10, $0x1;
	s10 =	sld [smem:$0x3FB3]  }
0x3d: {  	_ =	shalt  }
0x3e: {  	_ =	shalt  }
0x3f: {  	_ =	shalt  }
0x40: {  	_ =	shalt  }
0x41: {  	_ =	shalt  }
0x42: {  	_ =	shalt  }
0x43: {  	_ =	shalt  }
0x44: {  	_ =	shalt  }
0x45: {  	_ =	shalt  }
0x46: {  	_ =	shalt  }
0x47: {  	_ =	shalt  }
0x48: {  	_ =	shalt  }
0x49: {  	_ =	shalt  }
0x4a: {  	_ =	shalt  }
0x4b: {  	_ =	shalt  }
0x4c: {  	_ =	shalt  }
0x4d: {  	_ =	shalt  }
0x4e: {  	_ =	shalt  }
0x4f: {  	_ =	shalt  }
0x50: {  	_ =	shalt  }
0x51: {  	_ =	shalt  }
0x52: {  	_ =	shalt  }
0x53: {  	_ =	shalt  }
0x54: {  	_ =	shalt  }
0x55: {  	_ =	shalt  }
0x56: {  	_ =	shalt  }
0x57: {  	_ =	shalt  }
0x58: {  	_ =	shalt  }
0x59: {  	_ =	shalt  }
0x5a: {  	_ =	shalt  }
0x5b: {  	_ =	shalt  }
0x5c: {  	_ =	shalt  }
0x5d: {  	_ =	shalt  }
0x5e: {  	_ =	shalt  }
0x5f: {  	_ =	shalt  }
0x60: {  	_ =	shalt  }
0x61: {  	_ =	shalt  }
0x62: {  	_ =	shalt  }
0x63: {  	_ =	shalt  }
0x64: {  	_ =	shalt  }
0x65: {  	_ =	shalt  }
0x66: {  	_ =	shalt  }
0x67: {  	_ =	shalt  }
0x68: {  	_ =	shalt  }
0x69: {  	_ =	shalt  }
0x6a: {  	_ =	shalt  }
0x6b: {  	_ =	shalt  }
0x6c: {  	_ =	shalt  }
0x6d: {  	_ =	shalt  }
0x6e: {  	_ =	shalt  }
0x6f: {  	_ =	shalt  }
0x70: {  	_ =	shalt  }
0x71: {  	_ =	shalt  }
0x72: {  	_ =	shalt  }
0x73: {  	_ =	shalt  }
0x74: {  	_ =	shalt  }
0x75: {  	_ =	shalt  }
0x76: {  	_ =	shalt  }
0x77: {  	_ =	shalt  }
0x78: {  	_ =	shalt  }
0x79: {  	_ =	shalt  }
0x7a: {  	_ =	shalt  }
0x7b: {  	_ =	shalt  }
0x7c: {  	_ =	shalt  }
0x7d: {  	_ =	shalt  }
0x7e: {  	_ =	shalt  }
0x7f: {  	_ =	shalt  }
0x80: {  	_ =	shalt  }
0x81: {  	_ =	shalt  }
0x82: {  	_ =	shalt  }
0x83: {  	_ =	shalt  }
0x84: {  	_ =	shalt  }
0x85: {  	_ =	shalt  }
0x86: {  	_ =	shalt  }
0x87: {  	_ =	shalt  }
.Lfunc_end0:
.L_simem_size_0:
called_computation.1_lowered:
.L_overlay_start_0:
0x88: {  	s2 =	sld [smem:$0x3FD9]  }
0x89: {  	s3 =	sld [smem:$0x3FFE];
	_ =	sdelay $0x1  }
0x8a: {  	s1 =	srdreg.scid  }
0x8b: {  	s0 =	sand.u32 $0x1, s1  }
0x8c: {  	s16 =	sshll.u32 s0, $0xA;
	s2 =	sadd.s32 s3, s2  }
0x8d: {  	s2 =	sadd.s32 s2, s16  }
0x8e: {  	[smem:$0x3FBF] =	sst s2  }
0x8f: {  	_ = 	snop  }
0x90: {  	(tm) =	ssettm $0x1  }
0x91: {  	s17 =	sld [smem:$0x3FFB];
	_ =	sdelay $0x3  }
0x92: {  	_ =	strace s17  }
0x93: {  	s2 =	sld [smem:$0x3FFC];
	_ =	sdelay $0x3  }
0x94: {  	_ =	strace s2  }
0x95: {  	s2 =	sld [smem:$0x3FFD];
	_ =	sdelay $0x3  }
0x96: {  	_ =	strace s2  }
0x97: {  	_ =	strace $0x8FFFFFFF  }
0x98: {  	s18 =	sld [smem:$0x3FDB];
	_ =	sdelay $0x1  }
0x99: {  	s19 =	simm.s32 $_scs_section_size  }
0x9a: {  	s4 =	simm.s32 $_size__tile_overlayer_lowered;
	s5 =	simm.s32 $_tile_overlayer_lowered  }
0x9b: {  	s22 =	simm.s32 $0x1BFF;
	s21 =	sshll.u32 s5, $0x1;
	s2 =	sadd.s32 s19, s18  }
0x9c: {  	s6 =	simm.s32 $0x0;
	s20 =	sshll.u32 s4, $0x1;
	s4 =	sadd.s32 s21, s2  }
0x9d: {  	[timem:s6], [sflag:s22] =	dma.local [hbm:s4], s20  }
0x9e: {  	_ =	swait.ge [sflag:s22], s20  }
0x9f: {  	s3 =	ssub.s32 $0x0, s20;
	[sflag:s22] =	ssyncset.done $0x0  }
0xa0: {  	[sflag:s22] =	ssyncadd.s32 s3;
	_ =	sdelay $0x1  }
0xa1: {  	s23 =	simm.s32 $0x1B8B  }
0xa2: {  	_ =	swait.ge [sflag:s23], $0x1  }
0xa3: {  	[sflag:s23] =	ssyncset.done $0x0  }
0xa4: {  	s25 =	simm.s32 $0x1B8E;
	s24 =	sld [smem:$0x3FFE];
	[sflag:s23] =	ssyncadd.s32 $0xFFFFFFFF  }
0xa5: {  	s26 =	simm.s32 $execute0_lowered;
	[smem:$0x3FD2] =	sst s25  }
0xa6: {  	s4 =	sshll.u32 s26, $0x1;
	_ =	strace $0x80000049;
	[dreg:$0x1] =	wrdreg $0xFFFFFFFF  }
0xa7: {  	s28 =	simm.s32 $_size_execute0_lowered;
	s2 =	sadd.s32 s2, s4;
	[dreg:$0x0] =	wrdreg $0x0  }
0xa8: {  	s4 =	sshll.u32 s28, $0x1;
	[dreg:$0x2] =	wrdreg s2  }
0xa9: {  	[dreg:$0x3] =	wrdreg s4  }
0xaa: {  	[dreg:$0x4] =	wrdreg $0xC0  }
0xab: {  	_ =	task [dreg:s6], $0x5FFFF  }
0xac: {  	[dreg:$0x1] =	wrdreg $0xFFFFFFFF  }
0xad: {  	[dreg:$0x0] =	wrdreg $0x60  }
0xae: {  	[dreg:$0x2] =	wrdreg s24  }
0xaf: {  	[dreg:$0x3] =	wrdreg $0x90000  }
0xb0: {  	[dreg:$0x4] =	wrdreg $0x9  }
0xb1: {  	_ =	task.clear_ibuf [dreg:s6], $0x5FFFF;
	_ =	strace $0x90000049  }
0xb2: {  	s29 =	simm.s32 $0x9;
	_ =	strace $0x8000004B  }
0xb3: {  	_ =	swait.ge [sflag:s29], $0x1  }
0xb4: {  	[sflag:s29] =	ssyncadd.s32 $0xFFFFFFFF  }
0xb5: {  	_ =	strace $0x9000004B  }
0xb6: {  	_ =	sfence  }
0xb7: {  	s30 =	sld [smem:$0x0];
	_ =	sdelay $0x2  }
0xb8: {  	s31 =	sshll.u32 s1, $0xD;
	s1 =	sshrl.u32 s1, $0x2  }
0xb9: {  	s3 =	sand.u32 $0x4000, s31;
	s1 =	sadd.s32 s1, s30  }
0xba: {  	s0 =	sor.u32 s3, s0;
	s1 =	sshll.u32 s1, $0x11  }
0xbb: {  	s0 =	sor.u32 s1, s0  }
0xbc: {  	s0 =	sadd.s32 $0x8F2B, s0  }
0xbd: {  	[sflag:s0] =	ssyncadd.remote.s32 $0x1  }
0xbe: {  	_ =	sfence.sel $0xFFFF  }
0xbf: {  	[dreg:$0x0] =	wrdreg $0xFFFFFFFF;
	(pc) =	sbr.abs _section_cstart, $3  }
0xc0: {  	[dreg:$0x1] =	wrdreg $0xFFFFFFFF  }
0xc1: {  	_ =	task.clear_ibuf [dreg:s6], $0x2FFFF;
	_ =	strace $0x9FFFFFFF  }
0xc2: {  	(tm) =	ssettm $0x7FFFFFFF  }
0xc3: {  	_ =	shalt  }
tec
execute0_lowered:
.L_overlay_start_1:
0x0: {  	(tag) =	ssettag $0x1  }
0x1: {  	s7 =	rddreg [dreg:$0x0]  }
0x2: {  	s2 =	rddreg [dreg:$0x1];
	s0 =	stileid.u32;
	s3 =	simm.s32 $0x0  }
0x3: {  	s4 =	srdreg.scid;
	s20 =	simm.s32 $0x1000;
	s21 =	simm.s32 $0x4  }
0x4: {  	s22 =	simm.s32 $0x3;
	s23 =	simm.s32 $0x80;
	s24 =	simm.s32 $0x1  }
0x5: {  	s25 =	simm.s32 $0x5000;
	s26 =	simm.s32 $0x2;
	s6 =	smul.u32 $0xA00, s0  }
0x6: {  	s28 =	simm.s32 $0x0;
	[smem:$0x7FF] =	sst s3;
	s8 =	smul.u32 $0x278, s0  }
0x7: {  	s13 =	sand.u32 $0x1, s4;
	s4 =	sadd.s32 $0x61C00, s7;
	s10 =	smul.u32 $0x4F000, s0  }
0x8: {  	s5 =	sadd.s32 $0x88E00, s7;
	_ =	strace $0x8000004A;
	s9 =	smul.u32 $0x2780, s13  }
0x9: {  	s31 =	ssub.s32 $0x2, s13;
	p0 =	seq.s32 s13, $0x1;
	s19 =	sadd.s32 s6, s7  }
0xa: {  	s6 =	sadd.s32 $0x7C00, s7;
	s11 =	sshrl.u32 s31, $0x1;
	s10 =	sshrl.u32 s10, $0x2  }
0xb: {  	s8 =	sadd.s32 s8, s9;
	s18 =	ssub.s32 s31, s11;
	s12 =	sadd.s32 $0x57C00, s19  }
.Ltmp0:
0xc: {  	s19 =	sadd.s32 $0x57D00, s19;
	s8 =	sshll.u32 s8, $0x4;
	(pc) =	sbr.rel .LBB2_1-.Ltmp0, $4  }
0xd: {  	s18 =	smax.u32 s18, $0x1;
	s17 =	sadd.s32 s8, s7;
	s7 =	sadd.s32 s10, s2  }
0xe: {  	s8 =	sadd.s32 $0x4000, s7;
	s9 =	sadd.s32 $0x8000, s7;
	s10 =	sadd.s32 $0xC000, s7  }
0xf: {  	s11 =	sadd.s32 $0x10000, s7;
	s13 =	sadd.s32 $0xB0000, s17;
	s14 =	sadd.s32 $0xB0800, s17  }
0x10: {  	s15 =	sadd.s32 $0xB1000, s17;
	s16 =	sadd.s32 $0xB1800, s17;
	s17 =	sadd.s32 $0xB2000, s17  }
.LBB2_7:
0x11: {  	[sflag:s21] =	ssyncadd.s32 $0xFFFFC000  }
.LBB2_8:
0x12: {  	[bflag:$0x0] =	sbarrier.arrive $0xFFFF  }
0x13: {  	[tilespmem:s20], [sflag:$0x4] =	stream.linear.gather [spmem:s7], $0x4000, $0x38;
	[tilespmem:$0x1CC00] =	vst v63  }
0x14: {  	_ =	swait.ge [sflag:s21], $0x4000  }
0x15: {  	[sflag:s21] =	ssyncset.done $0x0  }
0x16: {  	[sflag:s21] =	ssyncadd.s32 $0xFFFFC000  }
0x17: {  	[hbm4b:s13+s3] =	stream.linear.scatter [tilespmem:s20], [sflag:$0x4], $0x4000, $0x38;
	[tilespmem:$0x1CC00] =	vst v63  }
0x18: {  	_ =	swait.ge [sflag:s21], $0x4000  }
0x19: {  	[sflag:s21] =	ssyncset.done $0x0  }
0x1a: {  	[sflag:s21] =	ssyncadd.s32 $0xFFFFC000  }
0x1b: {  	[tilespmem:s20], [sflag:$0x4] =	stream.linear.gather [spmem:s8], $0x4000, $0x38;
	[tilespmem:$0x1CC00] =	vst v63  }
0x1c: {  	_ =	swait.ge [sflag:s21], $0x4000  }
0x1d: {  	[sflag:s21] =	ssyncset.done $0x0  }
0x1e: {  	[sflag:s21] =	ssyncadd.s32 $0xFFFFC000  }
0x1f: {  	[hbm4b:s14+s3] =	stream.linear.scatter [tilespmem:s20], [sflag:$0x4], $0x4000, $0x38;
	[tilespmem:$0x1CC00] =	vst v63  }
0x20: {  	_ =	swait.ge [sflag:s21], $0x4000  }
0x21: {  	[sflag:s21] =	ssyncset.done $0x0  }
0x22: {  	[sflag:s21] =	ssyncadd.s32 $0xFFFFC000  }
0x23: {  	[tilespmem:s20], [sflag:$0x4] =	stream.linear.gather [spmem:s9], $0x4000, $0x38;
	[tilespmem:$0x1CC00] =	vst v63  }
0x24: {  	_ =	swait.ge [sflag:s21], $0x4000  }
0x25: {  	[sflag:s21] =	ssyncset.done $0x0  }
0x26: {  	[sflag:s21] =	ssyncadd.s32 $0xFFFFC000  }
0x27: {  	[hbm4b:s15+s3] =	stream.linear.scatter [tilespmem:s20], [sflag:$0x4], $0x4000, $0x38;
	[tilespmem:$0x1CC00] =	vst v63  }
0x28: {  	_ =	swait.ge [sflag:s21], $0x4000  }
0x29: {  	[sflag:s21] =	ssyncset.done $0x0  }
0x2a: {  	[sflag:s21] =	ssyncadd.s32 $0xFFFFC000  }
0x2b: {  	[tilespmem:s20], [sflag:$0x4] =	stream.linear.gather [spmem:s10], $0x4000, $0x38;
	[tilespmem:$0x1CC00] =	vst v63  }
0x2c: {  	_ =	swait.ge [sflag:s21], $0x4000  }
0x2d: {  	[sflag:s21] =	ssyncset.done $0x0  }
0x2e: {  	[sflag:s21] =	ssyncadd.s32 $0xFFFFC000  }
0x2f: {  	[hbm4b:s16+s3] =	stream.linear.scatter [tilespmem:s20], [sflag:$0x4], $0x4000, $0x38;
	[tilespmem:$0x1CC00] =	vst v63  }
0x30: {  	_ =	swait.ge [sflag:s21], $0x4000  }
0x31: {  	[sflag:s21] =	ssyncset.done $0x0  }
0x32: {  	[sflag:s21] =	ssyncadd.s32 $0xFFFFC000  }
0x33: {  	[tilespmem:s20], [sflag:$0x4] =	stream.linear.gather [spmem:s11], $0x3C00, $0x38;
	[tilespmem:$0x1CC00] =	vst v63  }
0x34: {  	s28 =	sadd.s32 $0x1, s28;
	_ =	swait.ge [sflag:s21], $0x3C00  }
0x35: {  	p1 =	sne.s32 s28, s18;
	[sflag:s21] =	ssyncset.done $0x0  }
.Ltmp1:
0x36: {  	[sflag:s21] =	ssyncadd.s32 $0xFFFFC400;
	(pc) =	sbr.rel @!p1 .LBB2_9-.Ltmp1, $4  }
0x37: {  	[hbm4b:s17+s3] =	stream.linear.scatter [tilespmem:s20], [sflag:$0x4], $0x3C00, $0x38;
	[tilespmem:$0x1CC00] =	vst v63  }
0x38: {  	_ =	swait.ge [sflag:s21], $0x3C00  }
0x39: {  	[sflag:s21] =	ssyncset.done $0x0  }
0x3a: {  	[sflag:s21] =	ssyncadd.s32 $0xFFFFC400  }
.LBB2_1:
0x3b: {  	[tilespmem:s20], [sflag:$0x4] =	stream.linear.gather [hbm4b:s6+s3], $0x4000, $0x38;
	[tilespmem:$0x1CC00] =	vst v63  }
0x3c: {  	_ =	swait.ge [sflag:s21], $0x4000  }
0x3d: {  	[sflag:s21] =	ssyncset.done $0x0  }
0x3e: {  	[sflag:s21] =	ssyncadd.s32 $0xFFFFC000  }
0x3f: {  	[spmem:s7] =	stream.linear.scatter [tilespmem:s20], [sflag:$0x4], $0x4000, $0x38;
	[tilespmem:$0x1CC00] =	vst v63  }
0x40: {  	_ =	swait.ge [sflag:s21], $0x4000  }
0x41: {  	[sflag:s21] =	ssyncset.done $0x0  }
0x42: {  	[sflag:s21] =	ssyncadd.s32 $0xFFFFC000  }
0x43: {  	[spmem:s8] =	stream.linear.scatter [tilespmem:s20], [sflag:$0x4], $0x4000, $0x38;
	[tilespmem:$0x1CC00] =	vst v63  }
0x44: {  	_ =	swait.ge [sflag:s21], $0x4000  }
0x45: {  	[sflag:s21] =	ssyncset.done $0x0  }
0x46: {  	[sflag:s21] =	ssyncadd.s32 $0xFFFFC000  }
0x47: {  	[spmem:s9] =	stream.linear.scatter [tilespmem:s20], [sflag:$0x4], $0x4000, $0x38;
	[tilespmem:$0x1CC00] =	vst v63  }
0x48: {  	_ =	swait.ge [sflag:s21], $0x4000  }
0x49: {  	[sflag:s21] =	ssyncset.done $0x0  }
0x4a: {  	[sflag:s21] =	ssyncadd.s32 $0xFFFFC000  }
0x4b: {  	[spmem:s10] =	stream.linear.scatter [tilespmem:s20], [sflag:$0x4], $0x4000, $0x38;
	[tilespmem:$0x1CC00] =	vst v63  }
0x4c: {  	_ =	swait.ge [sflag:s21], $0x4000  }
0x4d: {  	[sflag:s21] =	ssyncset.done $0x0  }
0x4e: {  	[sflag:s21] =	ssyncadd.s32 $0xFFFFC000  }
0x4f: {  	[spmem:s11] =	stream.linear.scatter [tilespmem:s20], [sflag:$0x4], $0x3C00, $0x38;
	[tilespmem:$0x1CC00] =	vst v63  }
0x50: {  	_ =	swait.ge [sflag:s21], $0x3C00  }
.Ltmp2:
0x51: {  	[sflag:s21] =	ssyncset.done $0x0;
	(pc) =	sbr.rel @!p0 .LBB2_2-.Ltmp2, $3  }
0x52: {  	[sflag:s21] =	ssyncadd.s32 $0xFFFFC400  }
0x53: {  	[tilespmem:s3], [sflag:$0x3] =	stream.linear.gather [hbm4b:s12+s3], $0x800, $0x38;
	[tilespmem:$0x1CC00] =	vst v63  }
0x54: {  	[bflag:$0x0] =	sbarrier.arrive $0xFFFF;
	_ =	sdelay $0x1  }
0x55: {  	s0 =	sand.u32 $0x10, s3;
	_ =	swait.ge [sflag:s22], $0x800;
	p1 =	por $0x0, $0x0  }
0x56: {  	[sflag:s22] =	ssyncset.done $0x0;
	s1 =	sshll.u32 @!p1 s0, $0x7  }
0x57: {  	s29 =	simm.s32 @!p1 $0x0;
	[sflag:s22] =	ssyncadd.s32 $0xFFFFF800;
	s1 =	ssub.s32 @!p1 $0x800, s1  }
0x58: {  	[tilespmem:s1], [sflag:$0x3] =	stream.linear.gather @!p1 [hbm4b:s19+s29], $0x800, $0x38;
	[tilespmem:$0x1CC00] =	vst v63  }
0x59: {  	s29 =	sshll.u32 s0, $0x7  }
0x5a: {  	[tilespmem:s20], [sflag:$0x1] =	stream.indirect.gather [hbm4b:s5+s23], $0x80, s29, s23, $0xb8;
	[tilespmem:$0x1CC00] =	vst v63  }
0x5b: {  	_ =	swait.ge [sflag:s24], $0x4000  }
0x5c: {  	[sflag:s24] =	ssyncset.done $0x0  }
0x5d: {  	s0 =	sadd.s32 $0x80, s29;
	[sflag:s24] =	ssyncadd.s32 $0xFFFFC000  }
0x5e: {  	[tilespmem:s25], [sflag:$0x2] =	stream.indirect.gather [hbm4b:s5+s23], $0x80, s0, s23, $0xb8;
	[tilespmem:$0x1CC00] =	vst v63  }
0x5f: {  	s1 =	sadd.s32 $0x400, s29  }
0x60: {  	[spmem:s2] =	stream.indirect.scatter.add.f32 [tilespmem:s20], [sflag:$0x4], $0x80, s1, s23, $0xb8;
	[tilespmem:$0x1CC00] =	vst v63  }
0x61: {  	_ =	swait.ge [sflag:s21], $0x4000  }
0x62: {  	[sflag:s21] =	ssyncset.done $0x0  }
0x63: {  	s31 =	sadd.s32 $0x100, s29;
	[sflag:s21] =	ssyncadd.s32 $0xFFFFC000  }
0x64: {  	[tilespmem:s20], [sflag:$0x1] =	stream.indirect.gather [hbm4b:s5+s23], $0x80, s31, s23, $0xb8;
	[tilespmem:$0x1CC00] =	vst v63  }
0x65: {  	_ =	swait.ge [sflag:s26], $0x4000  }
0x66: {  	[sflag:s26] =	ssyncset.done $0x0  }
0x67: {  	s1 =	sadd.s32 $0x480, s29;
	[sflag:s26] =	ssyncadd.s32 $0xFFFFC000  }
0x68: {  	[spmem:s2] =	stream.indirect.scatter.add.f32 [tilespmem:s25], [sflag:$0x4], $0x80, s1, s23, $0xb8;
	[tilespmem:$0x1CC00] =	vst v63  }
0x69: {  	_ =	swait.ge [sflag:s21], $0x4000  }
0x6a: {  	[sflag:s21] =	ssyncset.done $0x0  }
0x6b: {  	[sflag:s21] =	ssyncadd.s32 $0xFFFFC000  }
0x6c: {  	_ =	swait.ge [sflag:s24], $0x4000  }
0x6d: {  	[sflag:s24] =	ssyncset.done $0x0  }
0x6e: {  	s31 =	sadd.s32 $0x180, s29;
	[sflag:s24] =	ssyncadd.s32 $0xFFFFC000  }
0x6f: {  	[tilespmem:s25], [sflag:$0x2] =	stream.indirect.gather [hbm4b:s5+s23], $0x80, s31, s23, $0xb8;
	[tilespmem:$0x1CC00] =	vst v63  }
0x70: {  	s1 =	sadd.s32 $0x500, s29  }
0x71: {  	[spmem:s2] =	stream.indirect.scatter.add.f32 [tilespmem:s20], [sflag:$0x4], $0x80, s1, s23, $0xb8;
	[tilespmem:$0x1CC00] =	vst v63  }
0x72: {  	_ =	swait.ge [sflag:s21], $0x4000  }
0x73: {  	[sflag:s21] =	ssyncset.done $0x0  }
0x74: {  	s31 =	sadd.s32 $0x200, s29;
	[sflag:s21] =	ssyncadd.s32 $0xFFFFC000  }
0x75: {  	[tilespmem:s20], [sflag:$0x1] =	stream.indirect.gather [hbm4b:s5+s23], $0x80, s31, s23, $0xb8;
	[tilespmem:$0x1CC00] =	vst v63  }
0x76: {  	_ =	swait.ge [sflag:s26], $0x4000  }
0x77: {  	[sflag:s26] =	ssyncset.done $0x0  }
0x78: {  	s1 =	sadd.s32 $0x580, s29;
	[sflag:s26] =	ssyncadd.s32 $0xFFFFC000  }
0x79: {  	[spmem:s2] =	stream.indirect.scatter.add.f32 [tilespmem:s25], [sflag:$0x4], $0x80, s1, s23, $0xb8;
	[tilespmem:$0x1CC00] =	vst v63  }
0x7a: {  	_ =	swait.ge [sflag:s21], $0x4000  }
0x7b: {  	[sflag:s21] =	ssyncset.done $0x0  }
0x7c: {  	[sflag:s21] =	ssyncadd.s32 $0xFFFFC000  }
0x7d: {  	_ =	swait.ge [sflag:s24], $0x4000  }
0x7e: {  	[sflag:s24] =	ssyncset.done $0x0  }
0x7f: {  	s31 =	sadd.s32 $0x280, s29;
	[sflag:s24] =	ssyncadd.s32 $0xFFFFC000  }
0x80: {  	[tilespmem:s25], [sflag:$0x2] =	stream.indirect.gather [hbm4b:s5+s23], $0x80, s31, s23, $0xb8;
	[tilespmem:$0x1CC00] =	vst v63  }
0x81: {  	s1 =	sadd.s32 $0x600, s29  }
0x82: {  	[spmem:s2] =	stream.indirect.scatter.add.f32 [tilespmem:s20], [sflag:$0x4], $0x80, s1, s23, $0xb8;
	[tilespmem:$0x1CC00] =	vst v63  }
0x83: {  	_ =	swait.ge [sflag:s21], $0x4000  }
0x84: {  	[sflag:s21] =	ssyncset.done $0x0  }
0x85: {  	s31 =	sadd.s32 $0x300, s29;
	[sflag:s21] =	ssyncadd.s32 $0xFFFFC000  }
0x86: {  	[tilespmem:s20], [sflag:$0x1] =	stream.indirect.gather [hbm4b:s5+s23], $0x80, s31, s23, $0xb8;
	[tilespmem:$0x1CC00] =	vst v63  }
0x87: {  	_ =	swait.ge [sflag:s26], $0x4000  }
0x88: {  	[sflag:s26] =	ssyncset.done $0x0  }
0x89: {  	s1 =	sadd.s32 $0x680, s29;
	[sflag:s26] =	ssyncadd.s32 $0xFFFFC000  }
0x8a: {  	[spmem:s2] =	stream.indirect.scatter.add.f32 [tilespmem:s25], [sflag:$0x4], $0x80, s1, s23, $0xb8;
	[tilespmem:$0x1CC00] =	vst v63  }
0x8b: {  	_ =	swait.ge [sflag:s21], $0x4000  }
0x8c: {  	[sflag:s21] =	ssyncset.done $0x0  }
0x8d: {  	[sflag:s21] =	ssyncadd.s32 $0xFFFFC000  }
0x8e: {  	_ =	swait.ge [sflag:s24], $0x4000  }
0x8f: {  	[sflag:s24] =	ssyncset.done $0x0  }
0x90: {  	s31 =	sadd.s32 $0x380, s29;
	[sflag:s24] =	ssyncadd.s32 $0xFFFFC000  }
0x91: {  	[tilespmem:s25], [sflag:$0x2] =	stream.indirect.gather [hbm4b:s5+s23], $0x80, s31, s23, $0xb8;
	[tilespmem:$0x1CC00] =	vst v63  }
0x92: {  	s1 =	sadd.s32 $0x700, s29  }
0x93: {  	[spmem:s2] =	stream.indirect.scatter.add.f32 [tilespmem:s20], [sflag:$0x4], $0x80, s1, s23, $0xb8;
	[tilespmem:$0x1CC00] =	vst v63  }
0x94: {  	_ =	swait.ge [sflag:s21], $0x4000  }
0x95: {  	[sflag:s21] =	ssyncset.done $0x0  }
0x96: {  	[sflag:s21] =	ssyncadd.s32 $0xFFFFC000  }
0x97: {  	_ =	swait.ge [sflag:s26], $0x4000  }
0x98: {  	[sflag:s26] =	ssyncset.done $0x0  }
0x99: {  	s31 =	sadd.s32 $0x780, s29;
	[sflag:s26] =	ssyncadd.s32 $0xFFFFC000  }
0x9a: {  	[spmem:s2] =	stream.indirect.scatter.add.f32 [tilespmem:s25], [sflag:$0x4], $0x80, s31, s23, $0xb8;
	[tilespmem:$0x1CC00] =	vst v63  }
0x9b: {  	_ =	swait.ge [sflag:s21], $0x4000  }
0x9c: {  	s30 =	smov.u32 s19;
	s29 =	simm.s32 $0x10;
	[sflag:s21] =	ssyncset.done $0x0  }
.LBB2_6:
0x9d: {  	[sflag:s21] =	ssyncadd.s32 $0xFFFFC000  }
0x9e: {  	s30 =	sadd.s32 $0x100, s30;
	s0 =	smov.u32 s29;
	s29 =	sadd.s32 $0x10, s29  }
0x9f: {  	s1 =	sand.u32 $0x10, s0;
	_ =	swait.ge [sflag:s22], $0x800;
	p2 =	seq.s32 s0, $0x90  }
0xa0: {  	p1 =	sne.s32 s29, $0xA0;
	[sflag:s22] =	ssyncset.done $0x0;
	s0 =	sshll.u32 @!p2 s1, $0x7  }
0xa1: {  	s31 =	simm.s32 @!p2 $0x0;
	[sflag:s22] =	ssyncadd.s32 $0xFFFFF800;
	s0 =	ssub.s32 @!p2 $0x800, s0  }
0xa2: {  	[tilespmem:s0], [sflag:$0x3] =	stream.linear.gather @!p2 [hbm4b:s30+s31], $0x800, $0x38;
	[tilespmem:$0x1CC00] =	vst v63  }
0xa3: {  	s31 =	sshll.u32 s1, $0x7  }
0xa4: {  	[tilespmem:s20], [sflag:$0x1] =	stream.indirect.gather [hbm4b:s5+s23], $0x80, s31, s23, $0xb8;
	[tilespmem:$0x1CC00] =	vst v63  }
0xa5: {  	_ =	swait.ge [sflag:s24], $0x4000  }
0xa6: {  	[sflag:s24] =	ssyncset.done $0x0  }
0xa7: {  	s0 =	sadd.s32 $0x80, s31;
	[sflag:s24] =	ssyncadd.s32 $0xFFFFC000  }
0xa8: {  	[tilespmem:s25], [sflag:$0x2] =	stream.indirect.gather [hbm4b:s5+s23], $0x80, s0, s23, $0xb8;
	[tilespmem:$0x1CC00] =	vst v63  }
0xa9: {  	s0 =	sadd.s32 $0x400, s31  }
0xaa: {  	[spmem:s2] =	stream.indirect.scatter.add.f32 [tilespmem:s20], [sflag:$0x4], $0x80, s0, s23, $0xb8;
	[tilespmem:$0x1CC00] =	vst v63  }
0xab: {  	_ =	swait.ge [sflag:s21], $0x4000  }
0xac: {  	[sflag:s21] =	ssyncset.done $0x0  }
0xad: {  	s0 =	sadd.s32 $0x100, s31;
	[sflag:s21] =	ssyncadd.s32 $0xFFFFC000  }
0xae: {  	[tilespmem:s20], [sflag:$0x1] =	stream.indirect.gather [hbm4b:s5+s23], $0x80, s0, s23, $0xb8;
	[tilespmem:$0x1CC00] =	vst v63  }
0xaf: {  	_ =	swait.ge [sflag:s26], $0x4000  }
0xb0: {  	[sflag:s26] =	ssyncset.done $0x0  }
0xb1: {  	s0 =	sadd.s32 $0x480, s31;
	[sflag:s26] =	ssyncadd.s32 $0xFFFFC000  }
0xb2: {  	[spmem:s2] =	stream.indirect.scatter.add.f32 [tilespmem:s25], [sflag:$0x4], $0x80, s0, s23, $0xb8;
	[tilespmem:$0x1CC00] =	vst v63  }
0xb3: {  	_ =	swait.ge [sflag:s21], $0x4000  }
0xb4: {  	[sflag:s21] =	ssyncset.done $0x0  }
0xb5: {  	[sflag:s21] =	ssyncadd.s32 $0xFFFFC000  }
0xb6: {  	_ =	swait.ge [sflag:s24], $0x4000  }
0xb7: {  	[sflag:s24] =	ssyncset.done $0x0  }
0xb8: {  	s0 =	sadd.s32 $0x180, s31;
	[sflag:s24] =	ssyncadd.s32 $0xFFFFC000  }
0xb9: {  	[tilespmem:s25], [sflag:$0x2] =	stream.indirect.gather [hbm4b:s5+s23], $0x80, s0, s23, $0xb8;
	[tilespmem:$0x1CC00] =	vst v63  }
0xba: {  	s0 =	sadd.s32 $0x500, s31  }
0xbb: {  	[spmem:s2] =	stream.indirect.scatter.add.f32 [tilespmem:s20], [sflag:$0x4], $0x80, s0, s23, $0xb8;
	[tilespmem:$0x1CC00] =	vst v63  }
0xbc: {  	_ =	swait.ge [sflag:s21], $0x4000  }
0xbd: {  	[sflag:s21] =	ssyncset.done $0x0  }
0xbe: {  	s0 =	sadd.s32 $0x200, s31;
	[sflag:s21] =	ssyncadd.s32 $0xFFFFC000  }
0xbf: {  	[tilespmem:s20], [sflag:$0x1] =	stream.indirect.gather [hbm4b:s5+s23], $0x80, s0, s23, $0xb8;
	[tilespmem:$0x1CC00] =	vst v63  }
0xc0: {  	_ =	swait.ge [sflag:s26], $0x4000  }
0xc1: {  	[sflag:s26] =	ssyncset.done $0x0  }
0xc2: {  	s0 =	sadd.s32 $0x580, s31;
	[sflag:s26] =	ssyncadd.s32 $0xFFFFC000  }
0xc3: {  	[spmem:s2] =	stream.indirect.scatter.add.f32 [tilespmem:s25], [sflag:$0x4], $0x80, s0, s23, $0xb8;
	[tilespmem:$0x1CC00] =	vst v63  }
0xc4: {  	_ =	swait.ge [sflag:s21], $0x4000  }
0xc5: {  	[sflag:s21] =	ssyncset.done $0x0  }
0xc6: {  	[sflag:s21] =	ssyncadd.s32 $0xFFFFC000  }
0xc7: {  	_ =	swait.ge [sflag:s24], $0x4000  }
0xc8: {  	[sflag:s24] =	ssyncset.done $0x0  }
0xc9: {  	s0 =	sadd.s32 $0x280, s31;
	[sflag:s24] =	ssyncadd.s32 $0xFFFFC000  }
0xca: {  	[tilespmem:s25], [sflag:$0x2] =	stream.indirect.gather [hbm4b:s5+s23], $0x80, s0, s23, $0xb8;
	[tilespmem:$0x1CC00] =	vst v63  }
0xcb: {  	s0 =	sadd.s32 $0x600, s31  }
0xcc: {  	[spmem:s2] =	stream.indirect.scatter.add.f32 [tilespmem:s20], [sflag:$0x4], $0x80, s0, s23, $0xb8;
	[tilespmem:$0x1CC00] =	vst v63  }
0xcd: {  	_ =	swait.ge [sflag:s21], $0x4000  }
0xce: {  	[sflag:s21] =	ssyncset.done $0x0  }
0xcf: {  	s0 =	sadd.s32 $0x300, s31;
	[sflag:s21] =	ssyncadd.s32 $0xFFFFC000  }
0xd0: {  	[tilespmem:s20], [sflag:$0x1] =	stream.indirect.gather [hbm4b:s5+s23], $0x80, s0, s23, $0xb8;
	[tilespmem:$0x1CC00] =	vst v63  }
0xd1: {  	_ =	swait.ge [sflag:s26], $0x4000  }
0xd2: {  	[sflag:s26] =	ssyncset.done $0x0  }
0xd3: {  	s0 =	sadd.s32 $0x680, s31;
	[sflag:s26] =	ssyncadd.s32 $0xFFFFC000  }
0xd4: {  	[spmem:s2] =	stream.indirect.scatter.add.f32 [tilespmem:s25], [sflag:$0x4], $0x80, s0, s23, $0xb8;
	[tilespmem:$0x1CC00] =	vst v63  }
0xd5: {  	_ =	swait.ge [sflag:s21], $0x4000  }
0xd6: {  	[sflag:s21] =	ssyncset.done $0x0  }
0xd7: {  	[sflag:s21] =	ssyncadd.s32 $0xFFFFC000  }
0xd8: {  	_ =	swait.ge [sflag:s24], $0x4000  }
0xd9: {  	[sflag:s24] =	ssyncset.done $0x0  }
0xda: {  	s0 =	sadd.s32 $0x380, s31;
	[sflag:s24] =	ssyncadd.s32 $0xFFFFC000  }
0xdb: {  	[tilespmem:s25], [sflag:$0x2] =	stream.indirect.gather [hbm4b:s5+s23], $0x80, s0, s23, $0xb8;
	[tilespmem:$0x1CC00] =	vst v63  }
0xdc: {  	s0 =	sadd.s32 $0x700, s31  }
0xdd: {  	[spmem:s2] =	stream.indirect.scatter.add.f32 [tilespmem:s20], [sflag:$0x4], $0x80, s0, s23, $0xb8;
	[tilespmem:$0x1CC00] =	vst v63  }
0xde: {  	_ =	swait.ge [sflag:s21], $0x4000  }
0xdf: {  	[sflag:s21] =	ssyncset.done $0x0  }
0xe0: {  	[sflag:s21] =	ssyncadd.s32 $0xFFFFC000  }
0xe1: {  	_ =	swait.ge [sflag:s26], $0x4000  }
.Ltmp3:
0xe2: {  	[sflag:s26] =	ssyncset.done $0x0;
	(pc) =	sbr.rel @p1 .LBB2_6-.Ltmp3, $4  }
0xe3: {  	s0 =	sadd.s32 $0x780, s31;
	[sflag:s26] =	ssyncadd.s32 $0xFFFFC000  }
0xe4: {  	[spmem:s2] =	stream.indirect.scatter.add.f32 [tilespmem:s25], [sflag:$0x4], $0x80, s0, s23, $0xb8;
	[tilespmem:$0x1CC00] =	vst v63  }
0xe5: {  	_ =	swait.ge [sflag:s21], $0x4000  }
0xe6: {  	[sflag:s21] =	ssyncset.done $0x0  }
.Ltmp4:
0xe7: {  	_ = 	snop;
	(pc) =	sbr.rel .LBB2_7-.Ltmp4, $1  }
0xe8: {  	_ =	sdelay $0x3  }
.LBB2_2:
0xe9: {  	s29 =	sand.u32 $0x10, s3;
	_ =	swait.ge [sflag:s22], $0x800;
	p1 =	por $0x0, $0x0  }
0xea: {  	[sflag:s22] =	ssyncset.done $0x0;
	s30 =	sshll.u32 @!p1 s29, $0x7  }
0xeb: {  	s31 =	simm.s32 @!p1 $0x0;
	[sflag:s22] =	ssyncadd.s32 $0xFFFFF800;
	s30 =	ssub.s32 @!p1 $0x800, s30  }
0xec: {  	[tilespmem:s30], [sflag:$0x3] =	stream.linear.gather @!p1 [hbm4b:s19+s31], $0x800, $0x38;
	[tilespmem:$0x1CC00] =	vst v63  }
0xed: {  	s29 =	sshll.u32 s29, $0x7  }
0xee: {  	[tilespmem:s20], [sflag:$0x1] =	stream.indirect.gather [hbm4b:s4+s23], $0x80, s29, s23, $0xb8;
	[tilespmem:$0x1CC00] =	vst v63  }
0xef: {  	_ =	swait.ge [sflag:s24], $0x4000  }
0xf0: {  	[sflag:s24] =	ssyncset.done $0x0  }
0xf1: {  	s30 =	sadd.s32 $0x80, s29;
	[sflag:s24] =	ssyncadd.s32 $0xFFFFC000  }
0xf2: {  	[tilespmem:s25], [sflag:$0x2] =	stream.indirect.gather [hbm4b:s4+s23], $0x80, s30, s23, $0xb8;
	[tilespmem:$0x1CC00] =	vst v63  }
0xf3: {  	s30 =	sadd.s32 $0x400, s29  }
0xf4: {  	[spmem:s2] =	stream.indirect.scatter.add.f32 [tilespmem:s20], [sflag:$0x4], $0x80, s30, s23, $0xb8;
	[tilespmem:$0x1CC00] =	vst v63  }
0xf5: {  	_ =	swait.ge [sflag:s21], $0x4000  }
0xf6: {  	[sflag:s21] =	ssyncset.done $0x0  }
0xf7: {  	s30 =	sadd.s32 $0x100, s29;
	[sflag:s21] =	ssyncadd.s32 $0xFFFFC000  }
0xf8: {  	[tilespmem:s20], [sflag:$0x1] =	stream.indirect.gather [hbm4b:s4+s23], $0x80, s30, s23, $0xb8;
	[tilespmem:$0x1CC00] =	vst v63  }
0xf9: {  	_ =	swait.ge [sflag:s26], $0x4000  }
0xfa: {  	[sflag:s26] =	ssyncset.done $0x0  }
0xfb: {  	s30 =	sadd.s32 $0x480, s29;
	[sflag:s26] =	ssyncadd.s32 $0xFFFFC000  }
0xfc: {  	[spmem:s2] =	stream.indirect.scatter.add.f32 [tilespmem:s25], [sflag:$0x4], $0x80, s30, s23, $0xb8;
	[tilespmem:$0x1CC00] =	vst v63  }
0xfd: {  	_ =	swait.ge [sflag:s21], $0x4000  }
0xfe: {  	[sflag:s21] =	ssyncset.done $0x0  }
0xff: {  	[sflag:s21] =	ssyncadd.s32 $0xFFFFC000  }
0x100: {  	_ =	swait.ge [sflag:s24], $0x4000  }
0x101: {  	[sflag:s24] =	ssyncset.done $0x0  }
0x102: {  	s30 =	sadd.s32 $0x180, s29;
	[sflag:s24] =	ssyncadd.s32 $0xFFFFC000  }
0x103: {  	[tilespmem:s25], [sflag:$0x2] =	stream.indirect.gather [hbm4b:s4+s23], $0x80, s30, s23, $0xb8;
	[tilespmem:$0x1CC00] =	vst v63  }
0x104: {  	s30 =	sadd.s32 $0x500, s29  }
0x105: {  	[spmem:s2] =	stream.indirect.scatter.add.f32 [tilespmem:s20], [sflag:$0x4], $0x80, s30, s23, $0xb8;
	[tilespmem:$0x1CC00] =	vst v63  }
0x106: {  	_ =	swait.ge [sflag:s21], $0x4000  }
0x107: {  	[sflag:s21] =	ssyncset.done $0x0  }
0x108: {  	s30 =	sadd.s32 $0x200, s29;
	[sflag:s21] =	ssyncadd.s32 $0xFFFFC000  }
0x109: {  	[tilespmem:s20], [sflag:$0x1] =	stream.indirect.gather [hbm4b:s4+s23], $0x80, s30, s23, $0xb8;
	[tilespmem:$0x1CC00] =	vst v63  }
0x10a: {  	_ =	swait.ge [sflag:s26], $0x4000  }
0x10b: {  	[sflag:s26] =	ssyncset.done $0x0  }
0x10c: {  	s30 =	sadd.s32 $0x580, s29;
	[sflag:s26] =	ssyncadd.s32 $0xFFFFC000  }
0x10d: {  	[spmem:s2] =	stream.indirect.scatter.add.f32 [tilespmem:s25], [sflag:$0x4], $0x80, s30, s23, $0xb8;
	[tilespmem:$0x1CC00] =	vst v63  }
0x10e: {  	_ =	swait.ge [sflag:s21], $0x4000  }
0x10f: {  	[sflag:s21] =	ssyncset.done $0x0  }
0x110: {  	[sflag:s21] =	ssyncadd.s32 $0xFFFFC000  }
0x111: {  	_ =	swait.ge [sflag:s24], $0x4000  }
0x112: {  	[sflag:s24] =	ssyncset.done $0x0  }
0x113: {  	s30 =	sadd.s32 $0x280, s29;
	[sflag:s24] =	ssyncadd.s32 $0xFFFFC000  }
0x114: {  	[tilespmem:s25], [sflag:$0x2] =	stream.indirect.gather [hbm4b:s4+s23], $0x80, s30, s23, $0xb8;
	[tilespmem:$0x1CC00] =	vst v63  }
0x115: {  	s30 =	sadd.s32 $0x600, s29  }
0x116: {  	[spmem:s2] =	stream.indirect.scatter.add.f32 [tilespmem:s20], [sflag:$0x4], $0x80, s30, s23, $0xb8;
	[tilespmem:$0x1CC00] =	vst v63  }
0x117: {  	_ =	swait.ge [sflag:s21], $0x4000  }
0x118: {  	[sflag:s21] =	ssyncset.done $0x0  }
0x119: {  	s30 =	sadd.s32 $0x300, s29;
	[sflag:s21] =	ssyncadd.s32 $0xFFFFC000  }
0x11a: {  	[tilespmem:s20], [sflag:$0x1] =	stream.indirect.gather [hbm4b:s4+s23], $0x80, s30, s23, $0xb8;
	[tilespmem:$0x1CC00] =	vst v63  }
0x11b: {  	_ =	swait.ge [sflag:s26], $0x4000  }
0x11c: {  	[sflag:s26] =	ssyncset.done $0x0  }
0x11d: {  	s30 =	sadd.s32 $0x680, s29;
	[sflag:s26] =	ssyncadd.s32 $0xFFFFC000  }
0x11e: {  	[spmem:s2] =	stream.indirect.scatter.add.f32 [tilespmem:s25], [sflag:$0x4], $0x80, s30, s23, $0xb8;
	[tilespmem:$0x1CC00] =	vst v63  }
0x11f: {  	_ =	swait.ge [sflag:s21], $0x4000  }
0x120: {  	[sflag:s21] =	ssyncset.done $0x0  }
0x121: {  	[sflag:s21] =	ssyncadd.s32 $0xFFFFC000  }
0x122: {  	_ =	swait.ge [sflag:s24], $0x4000  }
0x123: {  	[sflag:s24] =	ssyncset.done $0x0  }
0x124: {  	s30 =	sadd.s32 $0x380, s29;
	[sflag:s24] =	ssyncadd.s32 $0xFFFFC000  }
0x125: {  	[tilespmem:s25], [sflag:$0x2] =	stream.indirect.gather [hbm4b:s4+s23], $0x80, s30, s23, $0xb8;
	[tilespmem:$0x1CC00] =	vst v63  }
0x126: {  	s30 =	sadd.s32 $0x700, s29  }
0x127: {  	[spmem:s2] =	stream.indirect.scatter.add.f32 [tilespmem:s20], [sflag:$0x4], $0x80, s30, s23, $0xb8;
	[tilespmem:$0x1CC00] =	vst v63  }
0x128: {  	_ =	swait.ge [sflag:s21], $0x4000  }
0x129: {  	[sflag:s21] =	ssyncset.done $0x0  }
0x12a: {  	[sflag:s21] =	ssyncadd.s32 $0xFFFFC000  }
0x12b: {  	_ =	swait.ge [sflag:s26], $0x4000  }
0x12c: {  	[sflag:s26] =	ssyncset.done $0x0  }
0x12d: {  	s29 =	sadd.s32 $0x780, s29;
	[sflag:s26] =	ssyncadd.s32 $0xFFFFC000  }
0x12e: {  	[spmem:s2] =	stream.indirect.scatter.add.f32 [tilespmem:s25], [sflag:$0x4], $0x80, s29, s23, $0xb8;
	[tilespmem:$0x1CC00] =	vst v63  }
0x12f: {  	_ =	swait.ge [sflag:s21], $0x4000  }
0x130: {  	s30 =	smov.u32 s19;
	s29 =	simm.s32 $0x10;
	[sflag:s21] =	ssyncset.done $0x0  }
.LBB2_3:
0x131: {  	[sflag:s21] =	ssyncadd.s32 $0xFFFFC000  }
0x132: {  	s30 =	sadd.s32 $0x100, s30;
	s31 =	smov.u32 s29;
	s29 =	sadd.s32 $0x10, s29  }
0x133: {  	s0 =	sand.u32 $0x10, s31;
	_ =	swait.ge [sflag:s22], $0x800;
	p2 =	seq.s32 s31, $0x90  }
0x134: {  	p1 =	seq.s32 s29, $0xA0;
	[sflag:s22] =	ssyncset.done $0x0;
	s31 =	sshll.u32 @!p2 s0, $0x7  }
0x135: {  	s1 =	simm.s32 @!p2 $0x0;
	[sflag:s22] =	ssyncadd.s32 $0xFFFFF800;
	s31 =	ssub.s32 @!p2 $0x800, s31  }
0x136: {  	[tilespmem:s31], [sflag:$0x3] =	stream.linear.gather @!p2 [hbm4b:s30+s1], $0x800, $0x38;
	[tilespmem:$0x1CC00] =	vst v63  }
0x137: {  	s31 =	sshll.u32 s0, $0x7  }
0x138: {  	[tilespmem:s20], [sflag:$0x1] =	stream.indirect.gather [hbm4b:s4+s23], $0x80, s31, s23, $0xb8;
	[tilespmem:$0x1CC00] =	vst v63  }
0x139: {  	_ =	swait.ge [sflag:s24], $0x4000  }
0x13a: {  	[sflag:s24] =	ssyncset.done $0x0  }
0x13b: {  	s0 =	sadd.s32 $0x80, s31;
	[sflag:s24] =	ssyncadd.s32 $0xFFFFC000  }
0x13c: {  	[tilespmem:s25], [sflag:$0x2] =	stream.indirect.gather [hbm4b:s4+s23], $0x80, s0, s23, $0xb8;
	[tilespmem:$0x1CC00] =	vst v63  }
0x13d: {  	s0 =	sadd.s32 $0x400, s31  }
0x13e: {  	[spmem:s2] =	stream.indirect.scatter.add.f32 [tilespmem:s20], [sflag:$0x4], $0x80, s0, s23, $0xb8;
	[tilespmem:$0x1CC00] =	vst v63  }
0x13f: {  	_ =	swait.ge [sflag:s21], $0x4000  }
0x140: {  	[sflag:s21] =	ssyncset.done $0x0  }
0x141: {  	s0 =	sadd.s32 $0x100, s31;
	[sflag:s21] =	ssyncadd.s32 $0xFFFFC000  }
0x142: {  	[tilespmem:s20], [sflag:$0x1] =	stream.indirect.gather [hbm4b:s4+s23], $0x80, s0, s23, $0xb8;
	[tilespmem:$0x1CC00] =	vst v63  }
0x143: {  	_ =	swait.ge [sflag:s26], $0x4000  }
0x144: {  	[sflag:s26] =	ssyncset.done $0x0  }
0x145: {  	s0 =	sadd.s32 $0x480, s31;
	[sflag:s26] =	ssyncadd.s32 $0xFFFFC000  }
0x146: {  	[spmem:s2] =	stream.indirect.scatter.add.f32 [tilespmem:s25], [sflag:$0x4], $0x80, s0, s23, $0xb8;
	[tilespmem:$0x1CC00] =	vst v63  }
0x147: {  	_ =	swait.ge [sflag:s21], $0x4000  }
0x148: {  	[sflag:s21] =	ssyncset.done $0x0  }
0x149: {  	[sflag:s21] =	ssyncadd.s32 $0xFFFFC000  }
0x14a: {  	_ =	swait.ge [sflag:s24], $0x4000  }
0x14b: {  	[sflag:s24] =	ssyncset.done $0x0  }
0x14c: {  	s0 =	sadd.s32 $0x180, s31;
	[sflag:s24] =	ssyncadd.s32 $0xFFFFC000  }
0x14d: {  	[tilespmem:s25], [sflag:$0x2] =	stream.indirect.gather [hbm4b:s4+s23], $0x80, s0, s23, $0xb8;
	[tilespmem:$0x1CC00] =	vst v63  }
0x14e: {  	s0 =	sadd.s32 $0x500, s31  }
0x14f: {  	[spmem:s2] =	stream.indirect.scatter.add.f32 [tilespmem:s20], [sflag:$0x4], $0x80, s0, s23, $0xb8;
	[tilespmem:$0x1CC00] =	vst v63  }
0x150: {  	_ =	swait.ge [sflag:s21], $0x4000  }
0x151: {  	[sflag:s21] =	ssyncset.done $0x0  }
0x152: {  	s0 =	sadd.s32 $0x200, s31;
	[sflag:s21] =	ssyncadd.s32 $0xFFFFC000  }
0x153: {  	[tilespmem:s20], [sflag:$0x1] =	stream.indirect.gather [hbm4b:s4+s23], $0x80, s0, s23, $0xb8;
	[tilespmem:$0x1CC00] =	vst v63  }
0x154: {  	_ =	swait.ge [sflag:s26], $0x4000  }
0x155: {  	[sflag:s26] =	ssyncset.done $0x0  }
0x156: {  	s0 =	sadd.s32 $0x580, s31;
	[sflag:s26] =	ssyncadd.s32 $0xFFFFC000  }
0x157: {  	[spmem:s2] =	stream.indirect.scatter.add.f32 [tilespmem:s25], [sflag:$0x4], $0x80, s0, s23, $0xb8;
	[tilespmem:$0x1CC00] =	vst v63  }
0x158: {  	_ =	swait.ge [sflag:s21], $0x4000  }
0x159: {  	[sflag:s21] =	ssyncset.done $0x0  }
0x15a: {  	[sflag:s21] =	ssyncadd.s32 $0xFFFFC000  }
0x15b: {  	_ =	swait.ge [sflag:s24], $0x4000  }
0x15c: {  	[sflag:s24] =	ssyncset.done $0x0  }
0x15d: {  	s0 =	sadd.s32 $0x280, s31;
	[sflag:s24] =	ssyncadd.s32 $0xFFFFC000  }
0x15e: {  	[tilespmem:s25], [sflag:$0x2] =	stream.indirect.gather [hbm4b:s4+s23], $0x80, s0, s23, $0xb8;
	[tilespmem:$0x1CC00] =	vst v63  }
0x15f: {  	s0 =	sadd.s32 $0x600, s31  }
0x160: {  	[spmem:s2] =	stream.indirect.scatter.add.f32 [tilespmem:s20], [sflag:$0x4], $0x80, s0, s23, $0xb8;
	[tilespmem:$0x1CC00] =	vst v63  }
0x161: {  	_ =	swait.ge [sflag:s21], $0x4000  }
0x162: {  	[sflag:s21] =	ssyncset.done $0x0  }
0x163: {  	s0 =	sadd.s32 $0x300, s31;
	[sflag:s21] =	ssyncadd.s32 $0xFFFFC000  }
0x164: {  	[tilespmem:s20], [sflag:$0x1] =	stream.indirect.gather [hbm4b:s4+s23], $0x80, s0, s23, $0xb8;
	[tilespmem:$0x1CC00] =	vst v63  }
0x165: {  	_ =	swait.ge [sflag:s26], $0x4000  }
0x166: {  	[sflag:s26] =	ssyncset.done $0x0  }
0x167: {  	s0 =	sadd.s32 $0x680, s31;
	[sflag:s26] =	ssyncadd.s32 $0xFFFFC000  }
0x168: {  	[spmem:s2] =	stream.indirect.scatter.add.f32 [tilespmem:s25], [sflag:$0x4], $0x80, s0, s23, $0xb8;
	[tilespmem:$0x1CC00] =	vst v63  }
0x169: {  	_ =	swait.ge [sflag:s21], $0x4000  }
0x16a: {  	[sflag:s21] =	ssyncset.done $0x0  }
0x16b: {  	[sflag:s21] =	ssyncadd.s32 $0xFFFFC000  }
0x16c: {  	_ =	swait.ge [sflag:s24], $0x4000  }
0x16d: {  	[sflag:s24] =	ssyncset.done $0x0  }
0x16e: {  	s0 =	sadd.s32 $0x380, s31;
	[sflag:s24] =	ssyncadd.s32 $0xFFFFC000  }
0x16f: {  	[tilespmem:s25], [sflag:$0x2] =	stream.indirect.gather [hbm4b:s4+s23], $0x80, s0, s23, $0xb8;
	[tilespmem:$0x1CC00] =	vst v63  }
0x170: {  	s0 =	sadd.s32 $0x700, s31  }
0x171: {  	[spmem:s2] =	stream.indirect.scatter.add.f32 [tilespmem:s20], [sflag:$0x4], $0x80, s0, s23, $0xb8;
	[tilespmem:$0x1CC00] =	vst v63  }
0x172: {  	_ =	swait.ge [sflag:s21], $0x4000  }
0x173: {  	[sflag:s21] =	ssyncset.done $0x0  }
0x174: {  	[sflag:s21] =	ssyncadd.s32 $0xFFFFC000  }
0x175: {  	_ =	swait.ge [sflag:s26], $0x4000  }
.Ltmp5:
0x176: {  	[sflag:s26] =	ssyncset.done $0x0;
	(pc) =	sbr.rel @!p1 .LBB2_3-.Ltmp5, $4  }
0x177: {  	s0 =	sadd.s32 $0x780, s31;
	[sflag:s26] =	ssyncadd.s32 $0xFFFFC000  }
0x178: {  	[spmem:s2] =	stream.indirect.scatter.add.f32 [tilespmem:s25], [sflag:$0x4], $0x80, s0, s23, $0xb8;
	[tilespmem:$0x1CC00] =	vst v63  }
0x179: {  	_ =	swait.ge [sflag:s21], $0x4000  }
0x17a: {  	[sflag:s21] =	ssyncset.done $0x0  }
.Ltmp6:
0x17b: {  	(pc) =	sbr.rel .LBB2_8-.Ltmp6, $2  }
0x17c: {  	_ =	sdelay $0x2  }
0x17d: {  	[sflag:s21] =	ssyncadd.s32 $0xFFFFC000  }
.LBB2_9:
0x17e: {  	_ =	sfence.sel $0x180000  }
0x17f: {  	[bflag:$0x0] =	sbarrier.arrive $0xFFFF  }
0x180: {  	_ =	strace $0x9000004A  }
0x181: {  	s0 =	stileid.u32;
	[bflag:$0x2] =	sbarrier.arrive $0xFFFF  }
0x182: {  	p0 =	sne.s32 s0, $0x0;
	s0 =	rddreg [dreg:$0x2]  }
0x183: {  	s0 =	sadd.s32 @!p0 $0x100000, s0  }
0x184: {  	[sflag:s0] =	ssyncadd.tile.s32 @!p0 $0x1;
	_ =	shalt  }
.Lfunc_end2:
_tile_overlayer_lowered:
.L_overlay_start_2:
0x185: {  	(tag) =	ssettag $0x2  }
0x186: {  	s0 =	rddreg [dreg:$0x0];
	s2 =	stileid.u32  }
0x187: {  	s1 =	rddreg [dreg:$0x1];
	p0 =	sne.s32 s2, $0x0  }
0x188: {  	s3 =	rddreg [dreg:$0x2];
	[bflag:$0x3] =	sbarrier.arrive $0xFFFF;
	s2 =	simm.s32 @!p0 $0x1C04  }
0x189: {  	[timem:s3], [sflag:s2] =	dma.local @!p0 [hbm:s0], s1  }
0x18a: {  	s0 =	simm.s32 @!p0 $0x4  }
0x18b: {  	_ =	swait.ge @!p0 [sflag:s0], s1  }
0x18c: {  	s1 =	ssub.s32 @!p0 $0x0, s1;
	[sflag:s0] =	ssyncset.done @!p0 $0x0  }
0x18d: {  	[sflag:s0] =	ssyncadd.s32 @!p0 s1  }
0x18e: {  	[bflag:$0x3] =	sbarrier.arrive $0xFFFF  }
0x18f: {  	_ =	shalt  }

// kernel: kernel.14.cloned.1.call-start
scs
__scs_entry_jumppad:
0x0: {  	(pc) =	sbr.rel $0x88, $3  }
0x1: {  	(tag) =	ssettag $0x0;
	lr =	simm.s32 $0x1  }
0x2: {  	[smem:$0x3F98] =	sst lr;
	_ =	strace $0xD0000000  }
0x3: {  	_ = 	snop  }
0x4: {  	_ = 	snop  }
0x5: {  	_ = 	snop  }
0x6: {  	_ = 	snop  }
0x7: {  	_ = 	snop  }
__scs_overlays_trampoline_lowered:
0x8: {  	[smem:$0x3FA7] =	sst s0  }
0x9: {  	[smem:$0x3FA8] =	sst s1  }
0xa: {  	[smem:$0x3FA9] =	sst s2  }
0xb: {  	[smem:$0x3FAA] =	sst s3  }
0xc: {  	[smem:$0x3FAB] =	sst s4  }
0xd: {  	[smem:$0x3FAC] =	sst s5  }
0xe: {  	[smem:$0x3FAD] =	sst s6  }
0xf: {  	[smem:$0x3FAE] =	sst s7  }
0x10: {  	[smem:$0x3FAF] =	sst s8  }
0x11: {  	[smem:$0x3FB0] =	sst s9;
	s0 =	simm.s32 @!p0 $0x0  }
0x12: {  	s1 =	sld [smem:$0x3F96];
	s0 =	simm.s32 @p0 $0x1  }
0x13: {  	[smem:$0x3FB1] =	sst s0;
	s0 =	simm.s32 @!p1 $0x0  }
0x14: {  	s2 =	sld [smem:$0x3F95];
	s0 =	simm.s32 @p1 $0x1  }
0x15: {  	[smem:$0x3FB2] =	sst s0;
	s0 =	simm.s32 @!p2 $0x0  }
0x16: {  	s3 =	sld [smem:$0x3FDB];
	s0 =	simm.s32 @p2 $0x1  }
0x17: {  	s4 =	simm.s32 $0x1BF5;
	[smem:$0x3FB4] =	sst s0  }
0x18: {  	s0 =	sld [smem:$0x3F97];
	_ =	swait.ge [sflag:s4], $0x0  }
0x19: {  	s7 =	sld [smem:$0x3F98]  }
0x1a: {  	s8 =	sadd.s32 $0xFFFFE003, lr  }
0x1b: {  	s9 =	sadd.s32 $0xFFFFFEF7, lr;
	s5 =	simm.s32 $0xFFFFFFFF;
	p2 =	slt.u32 s8, $0xFFFFF086  }
0x1c: {  	p1 =	slt.u32 s9, $0xF7A;
	s5 =	simm.s32 @!p2 $0x0  }
0x1d: {  	s5 =	simm.s32 @p1 $0x1;
	p0 =	seq.s32 s7, s2  }
0x1e: {  	s7 =	smul.u32 @!p0 $0xF7A, s2;
	p2 =	seq.s32 @!p0 s5, $0x0  }
0x1f: {  	s9 =	smul.u32 $0xF7A, s1;
	s8 =	simm.s32 @!p0 $0x1BF5;
	p2 =	por !p2, p0  }
0x20: {  	[sflag:s8] =	ssyncset.s32 @!p0 $0xFFFFF086;
	s6 =	sadd.s32 @!p0 s3, s7;
	s7 =	simm.s32 @!p0 $0x108  }
0x21: {  	s3 =	sadd.s32 s3, s9;
	s6 =	sadd.s32 @!p0 $0x88, s6;
	s7 =	simm.s32 @p2 $0x1082  }
0x22: {  	[simem:s7], [sflag:s8] =	dma.local @!p0 [hbm:s6], $0xF7A  }
0x23: {  	s9 =	sor.u32 $0xD0000000, s2;
	s6 =	simm.s32 $0x108;
	_ =	swait.ge @!p0 [sflag:s8], $0x0  }
0x24: {  	s3 =	sadd.s32 $0x88, s3;
	s6 =	simm.s32 @!p1 $0x1082;
	[sflag:s4] =	ssyncset.s32 $0xFFFFF086  }
0x25: {  	[simem:s6], [sflag:s4] =	dma.local [hbm:s3], $0xF7A  }
0x26: {  	[smem:$0x3F98] =	sst s1;
	(tag) =	ssettag s2;
	_ =	strace s9  }
0x27: {  	s1 =	sld [smem:$0x3FA8]  }
0x28: {  	s2 =	sld [smem:$0x3FA9]  }
0x29: {  	s4 =	sld [smem:$0x3FAB]  }
0x2a: {  	p0 =	seq.s32 s5, $0x0;
	s5 =	sld [smem:$0x3FAC]  }
0x2b: {  	s6 =	sld [smem:$0x3FAD]  }
0x2c: {  	s7 =	sld [smem:$0x3FAE]  }
0x2d: {  	s3 =	simm.s32 $0x108;
	s8 =	sld [smem:$0x3FAF]  }
0x2e: {  	s3 =	simm.s32 @!p0 $0x1082;
	s9 =	sld [smem:$0x3FB0]  }
0x2f: {  	lr =	sadd.s32 s0, s3;
	s0 =	sld [smem:$0x3FA7]  }
0x30: {  	s3 =	sld [smem:$0x3FAA]  }
0x31: {  	[smem:$0x3FB3] =	sst s10  }
0x32: {  	s10 =	sld [smem:$0x3FB1];
	_ =	sdelay $0x3  }
0x33: {  	p0 =	seq.s32 s10, $0x1;
	s10 =	sld [smem:$0x3FB3];
	_ =	sdelay $0x3  }
0x34: {  	[smem:$0x3FB3] =	sst s10  }
0x35: {  	s10 =	sld [smem:$0x3FB2];
	_ =	sdelay $0x3  }
0x36: {  	p1 =	seq.s32 s10, $0x1;
	s10 =	sld [smem:$0x3FB3];
	_ =	sdelay $0x3  }
0x37: {  	[smem:$0x3FB3] =	sst s10  }
0x38: {  	s10 =	sld [smem:$0x3FB4]  }
0x39: {  	_ = 	snop;
	(pc) =	sbr.ind lr, $3  }
0x3a: {  	_ = 	snop  }
0x3b: {  	_ = 	snop  }
0x3c: {  	p2 =	seq.s32 s10, $0x1;
	s10 =	sld [smem:$0x3FB3]  }
0x3d: {  	_ =	shalt  }
0x3e: {  	_ =	shalt  }
0x3f: {  	_ =	shalt  }
0x40: {  	_ =	shalt  }
0x41: {  	_ =	shalt  }
0x42: {  	_ =	shalt  }
0x43: {  	_ =	shalt  }
0x44: {  	_ =	shalt  }
0x45: {  	_ =	shalt  }
0x46: {  	_ =	shalt  }
0x47: {  	_ =	shalt  }
0x48: {  	_ =	shalt  }
0x49: {  	_ =	shalt  }
0x4a: {  	_ =	shalt  }
0x4b: {  	_ =	shalt  }
0x4c: {  	_ =	shalt  }
0x4d: {  	_ =	shalt  }
0x4e: {  	_ =	shalt  }
0x4f: {  	_ =	shalt  }
0x50: {  	_ =	shalt  }
0x51: {  	_ =	shalt  }
0x52: {  	_ =	shalt  }
0x53: {  	_ =	shalt  }
0x54: {  	_ =	shalt  }
0x55: {  	_ =	shalt  }
0x56: {  	_ =	shalt  }
0x57: {  	_ =	shalt  }
0x58: {  	_ =	shalt  }
0x59: {  	_ =	shalt  }
0x5a: {  	_ =	shalt  }
0x5b: {  	_ =	shalt  }
0x5c: {  	_ =	shalt  }
0x5d: {  	_ =	shalt  }
0x5e: {  	_ =	shalt  }
0x5f: {  	_ =	shalt  }
0x60: {  	_ =	shalt  }
0x61: {  	_ =	shalt  }
0x62: {  	_ =	shalt  }
0x63: {  	_ =	shalt  }
0x64: {  	_ =	shalt  }
0x65: {  	_ =	shalt  }
0x66: {  	_ =	shalt  }
0x67: {  	_ =	shalt  }
0x68: {  	_ =	shalt  }
0x69: {  	_ =	shalt  }
0x6a: {  	_ =	shalt  }
0x6b: {  	_ =	shalt  }
0x6c: {  	_ =	shalt  }
0x6d: {  	_ =	shalt  }
0x6e: {  	_ =	shalt  }
0x6f: {  	_ =	shalt  }
0x70: {  	_ =	shalt  }
0x71: {  	_ =	shalt  }
0x72: {  	_ =	shalt  }
0x73: {  	_ =	shalt  }
0x74: {  	_ =	shalt  }
0x75: {  	_ =	shalt  }
0x76: {  	_ =	shalt  }
0x77: {  	_ =	shalt  }
0x78: {  	_ =	shalt  }
0x79: {  	_ =	shalt  }
0x7a: {  	_ =	shalt  }
0x7b: {  	_ =	shalt  }
0x7c: {  	_ =	shalt  }
0x7d: {  	_ =	shalt  }
0x7e: {  	_ =	shalt  }
0x7f: {  	_ =	shalt  }
0x80: {  	_ =	shalt  }
0x81: {  	_ =	shalt  }
0x82: {  	_ =	shalt  }
0x83: {  	_ =	shalt  }
0x84: {  	_ =	shalt  }
0x85: {  	_ =	shalt  }
0x86: {  	_ =	shalt  }
0x87: {  	_ =	shalt  }
.Lfunc_end0:
.L_simem_size_0:
called_computation.2_lowered:
.L_overlay_start_0:
0x88: {  	s2 =	sld [smem:$0x3FD9]  }
0x89: {  	s3 =	sld [smem:$0x3FFE];
	_ =	sdelay $0x1  }
0x8a: {  	s1 =	srdreg.scid  }
0x8b: {  	s0 =	sand.u32 $0x1, s1  }
0x8c: {  	s16 =	sshll.u32 s0, $0xA;
	s2 =	sadd.s32 s3, s2  }
0x8d: {  	s2 =	sadd.s32 s2, s16  }
0x8e: {  	[smem:$0x3FBF] =	sst s2  }
0x8f: {  	_ = 	snop  }
0x90: {  	(tm) =	ssettm $0x1  }
0x91: {  	s17 =	sld [smem:$0x3FFB];
	_ =	sdelay $0x3  }
0x92: {  	_ =	strace s17  }
0x93: {  	s2 =	sld [smem:$0x3FFC];
	_ =	sdelay $0x3  }
0x94: {  	_ =	strace s2  }
0x95: {  	s2 =	sld [smem:$0x3FFD];
	_ =	sdelay $0x3  }
0x96: {  	_ =	strace s2  }
0x97: {  	_ =	strace $0x8FFFFFFF  }
0x98: {  	s18 =	sld [smem:$0x3FDB];
	_ =	sdelay $0x1  }
0x99: {  	s19 =	simm.s32 $_scs_section_size  }
0x9a: {  	s4 =	simm.s32 $_size__tile_overlayer_lowered;
	s5 =	simm.s32 $_tile_overlayer_lowered  }
0x9b: {  	s22 =	simm.s32 $0x1BFF;
	s21 =	sshll.u32 s5, $0x1;
	s2 =	sadd.s32 s19, s18  }
0x9c: {  	s6 =	simm.s32 $0x0;
	s20 =	sshll.u32 s4, $0x1;
	s4 =	sadd.s32 s21, s2  }
0x9d: {  	[timem:s6], [sflag:s22] =	dma.local [hbm:s4], s20  }
0x9e: {  	_ =	swait.ge [sflag:s22], s20  }
0x9f: {  	s3 =	ssub.s32 $0x0, s20;
	[sflag:s22] =	ssyncset.done $0x0  }
0xa0: {  	[sflag:s22] =	ssyncadd.s32 s3;
	_ =	sdelay $0x1  }
0xa1: {  	s23 =	simm.s32 $0x1B8B  }
0xa2: {  	_ =	swait.ge [sflag:s23], $0x1  }
0xa3: {  	[sflag:s23] =	ssyncset.done $0x0  }
0xa4: {  	s25 =	simm.s32 $0x1B8E;
	s24 =	sld [smem:$0x3FFE];
	[sflag:s23] =	ssyncadd.s32 $0xFFFFFFFF  }
0xa5: {  	s26 =	simm.s32 $execute0_lowered;
	[smem:$0x3FD2] =	sst s25  }
0xa6: {  	s4 =	sshll.u32 s26, $0x1;
	_ =	strace $0x8000004C;
	[dreg:$0x1] =	wrdreg $0xFFFFFFFF  }
0xa7: {  	s28 =	simm.s32 $_size_execute0_lowered;
	s2 =	sadd.s32 s2, s4;
	[dreg:$0x0] =	wrdreg $0x0  }
0xa8: {  	s4 =	sshll.u32 s28, $0x1;
	[dreg:$0x2] =	wrdreg s2  }
0xa9: {  	[dreg:$0x3] =	wrdreg s4  }
0xaa: {  	[dreg:$0x4] =	wrdreg $0xC0  }
0xab: {  	_ =	task [dreg:s6], $0x5FFFF  }
0xac: {  	[dreg:$0x1] =	wrdreg $0xFFFFFFFF  }
0xad: {  	[dreg:$0x0] =	wrdreg $0x60  }
0xae: {  	[dreg:$0x2] =	wrdreg s24  }
0xaf: {  	[dreg:$0x3] =	wrdreg $0x90000  }
0xb0: {  	[dreg:$0x4] =	wrdreg $0x9  }
0xb1: {  	_ =	task.clear_ibuf [dreg:s6], $0x5FFFF;
	_ =	strace $0x9000004C  }
0xb2: {  	s29 =	simm.s32 $0x9;
	_ =	strace $0x8000004E  }
0xb3: {  	_ =	swait.ge [sflag:s29], $0x1  }
0xb4: {  	[sflag:s29] =	ssyncadd.s32 $0xFFFFFFFF  }
0xb5: {  	_ =	strace $0x9000004E  }
0xb6: {  	_ =	sfence  }
0xb7: {  	s30 =	sld [smem:$0x0];
	_ =	sdelay $0x2  }
0xb8: {  	s31 =	sshll.u32 s1, $0xD;
	s1 =	sshrl.u32 s1, $0x2  }
0xb9: {  	s3 =	sand.u32 $0x4000, s31;
	s1 =	sadd.s32 s1, s30  }
0xba: {  	s0 =	sor.u32 s3, s0;
	s1 =	sshll.u32 s1, $0x11  }
0xbb: {  	s0 =	sor.u32 s1, s0  }
0xbc: {  	s0 =	sadd.s32 $0x8F2B, s0  }
0xbd: {  	[sflag:s0] =	ssyncadd.remote.s32 $0x1  }
0xbe: {  	_ =	sfence.sel $0xFFFF  }
0xbf: {  	[dreg:$0x0] =	wrdreg $0xFFFFFFFF;
	(pc) =	sbr.abs _section_cstart, $3  }
0xc0: {  	[dreg:$0x1] =	wrdreg $0xFFFFFFFF  }
0xc1: {  	_ =	task.clear_ibuf [dreg:s6], $0x2FFFF;
	_ =	strace $0x9FFFFFFF  }
0xc2: {  	(tm) =	ssettm $0x7FFFFFFF  }
0xc3: {  	_ =	shalt  }
tec
execute0_lowered:
.L_overlay_start_1:
0x0: {  	(tag) =	ssettag $0x1  }
0x1: {  	s7 =	rddreg [dreg:$0x0]  }
0x2: {  	s2 =	rddreg [dreg:$0x1];
	s0 =	stileid.u32;
	s3 =	simm.s32 $0x0  }
0x3: {  	s4 =	srdreg.scid;
	s20 =	simm.s32 $0x1000;
	s21 =	simm.s32 $0x4  }
0x4: {  	s22 =	simm.s32 $0x3;
	s23 =	simm.s32 $0x80;
	s24 =	simm.s32 $0x1  }
0x5: {  	s25 =	simm.s32 $0x5000;
	s26 =	simm.s32 $0x2;
	s6 =	smul.u32 $0xA00, s0  }
0x6: {  	s28 =	simm.s32 $0x0;
	[smem:$0x7FF] =	sst s3;
	s8 =	smul.u32 $0x278, s0  }
0x7: {  	s13 =	sand.u32 $0x1, s4;
	s4 =	sadd.s32 $0x61C00, s7;
	s10 =	smul.u32 $0x4F000, s0  }
0x8: {  	s5 =	sadd.s32 $0x88E00, s7;
	_ =	strace $0x8000004D;
	s9 =	smul.u32 $0x2780, s13  }
0x9: {  	s31 =	ssub.s32 $0x2, s13;
	p0 =	seq.s32 s13, $0x1;
	s19 =	sadd.s32 s6, s7  }
0xa: {  	s6 =	sadd.s32 $0x7C00, s7;
	s11 =	sshrl.u32 s31, $0x1;
	s10 =	sshrl.u32 s10, $0x2  }
0xb: {  	s8 =	sadd.s32 s8, s9;
	s18 =	ssub.s32 s31, s11;
	s12 =	sadd.s32 $0x57C00, s19  }
.Ltmp0:
0xc: {  	s19 =	sadd.s32 $0x57D00, s19;
	s8 =	sshll.u32 s8, $0x4;
	(pc) =	sbr.rel .LBB2_1-.Ltmp0, $4  }
0xd: {  	s18 =	smax.u32 s18, $0x1;
	s17 =	sadd.s32 s8, s7;
	s7 =	sadd.s32 s10, s2  }
0xe: {  	s8 =	sadd.s32 $0x4000, s7;
	s9 =	sadd.s32 $0x8000, s7;
	s10 =	sadd.s32 $0xC000, s7  }
0xf: {  	s11 =	sadd.s32 $0x10000, s7;
	s13 =	sadd.s32 $0xB0000, s17;
	s14 =	sadd.s32 $0xB0800, s17  }
0x10: {  	s15 =	sadd.s32 $0xB1000, s17;
	s16 =	sadd.s32 $0xB1800, s17;
	s17 =	sadd.s32 $0xB2000, s17  }
.LBB2_7:
0x11: {  	[sflag:s21] =	ssyncadd.s32 $0xFFFFC000  }
.LBB2_8:
0x12: {  	[bflag:$0x0] =	sbarrier.arrive $0xFFFF  }
0x13: {  	[tilespmem:s20], [sflag:$0x4] =	stream.linear.gather [spmem:s7], $0x4000, $0x38;
	[tilespmem:$0x1CC00] =	vst v63  }
0x14: {  	_ =	swait.ge [sflag:s21], $0x4000  }
0x15: {  	[sflag:s21] =	ssyncset.done $0x0  }
0x16: {  	[sflag:s21] =	ssyncadd.s32 $0xFFFFC000  }
0x17: {  	[hbm4b:s13+s3] =	stream.linear.scatter [tilespmem:s20], [sflag:$0x4], $0x4000, $0x38;
	[tilespmem:$0x1CC00] =	vst v63  }
0x18: {  	_ =	swait.ge [sflag:s21], $0x4000  }
0x19: {  	[sflag:s21] =	ssyncset.done $0x0  }
0x1a: {  	[sflag:s21] =	ssyncadd.s32 $0xFFFFC000  }
0x1b: {  	[tilespmem:s20], [sflag:$0x4] =	stream.linear.gather [spmem:s8], $0x4000, $0x38;
	[tilespmem:$0x1CC00] =	vst v63  }
0x1c: {  	_ =	swait.ge [sflag:s21], $0x4000  }
0x1d: {  	[sflag:s21] =	ssyncset.done $0x0  }
0x1e: {  	[sflag:s21] =	ssyncadd.s32 $0xFFFFC000  }
0x1f: {  	[hbm4b:s14+s3] =	stream.linear.scatter [tilespmem:s20], [sflag:$0x4], $0x4000, $0x38;
	[tilespmem:$0x1CC00] =	vst v63  }
0x20: {  	_ =	swait.ge [sflag:s21], $0x4000  }
0x21: {  	[sflag:s21] =	ssyncset.done $0x0  }
0x22: {  	[sflag:s21] =	ssyncadd.s32 $0xFFFFC000  }
0x23: {  	[tilespmem:s20], [sflag:$0x4] =	stream.linear.gather [spmem:s9], $0x4000, $0x38;
	[tilespmem:$0x1CC00] =	vst v63  }
0x24: {  	_ =	swait.ge [sflag:s21], $0x4000  }
0x25: {  	[sflag:s21] =	ssyncset.done $0x0  }
0x26: {  	[sflag:s21] =	ssyncadd.s32 $0xFFFFC000  }
0x27: {  	[hbm4b:s15+s3] =	stream.linear.scatter [tilespmem:s20], [sflag:$0x4], $0x4000, $0x38;
	[tilespmem:$0x1CC00] =	vst v63  }
0x28: {  	_ =	swait.ge [sflag:s21], $0x4000  }
0x29: {  	[sflag:s21] =	ssyncset.done $0x0  }
0x2a: {  	[sflag:s21] =	ssyncadd.s32 $0xFFFFC000  }
0x2b: {  	[tilespmem:s20], [sflag:$0x4] =	stream.linear.gather [spmem:s10], $0x4000, $0x38;
	[tilespmem:$0x1CC00] =	vst v63  }
0x2c: {  	_ =	swait.ge [sflag:s21], $0x4000  }
0x2d: {  	[sflag:s21] =	ssyncset.done $0x0  }
0x2e: {  	[sflag:s21] =	ssyncadd.s32 $0xFFFFC000  }
0x2f: {  	[hbm4b:s16+s3] =	stream.linear.scatter [tilespmem:s20], [sflag:$0x4], $0x4000, $0x38;
	[tilespmem:$0x1CC00] =	vst v63  }
0x30: {  	_ =	swait.ge [sflag:s21], $0x4000  }
0x31: {  	[sflag:s21] =	ssyncset.done $0x0  }
0x32: {  	[sflag:s21] =	ssyncadd.s32 $0xFFFFC000  }
0x33: {  	[tilespmem:s20], [sflag:$0x4] =	stream.linear.gather [spmem:s11], $0x3C00, $0x38;
	[tilespmem:$0x1CC00] =	vst v63  }
0x34: {  	s28 =	sadd.s32 $0x1, s28;
	_ =	swait.ge [sflag:s21], $0x3C00  }
0x35: {  	p1 =	sne.s32 s28, s18;
	[sflag:s21] =	ssyncset.done $0x0  }
.Ltmp1:
0x36: {  	[sflag:s21] =	ssyncadd.s32 $0xFFFFC400;
	(pc) =	sbr.rel @!p1 .LBB2_9-.Ltmp1, $4  }
0x37: {  	[hbm4b:s17+s3] =	stream.linear.scatter [tilespmem:s20], [sflag:$0x4], $0x3C00, $0x38;
	[tilespmem:$0x1CC00] =	vst v63  }
0x38: {  	_ =	swait.ge [sflag:s21], $0x3C00  }
0x39: {  	[sflag:s21] =	ssyncset.done $0x0  }
0x3a: {  	[sflag:s21] =	ssyncadd.s32 $0xFFFFC400  }
.LBB2_1:
0x3b: {  	[tilespmem:s20], [sflag:$0x4] =	stream.linear.gather [hbm4b:s6+s3], $0x4000, $0x38;
	[tilespmem:$0x1CC00] =	vst v63  }
0x3c: {  	_ =	swait.ge [sflag:s21], $0x4000  }
0x3d: {  	[sflag:s21] =	ssyncset.done $0x0  }
0x3e: {  	[sflag:s21] =	ssyncadd.s32 $0xFFFFC000  }
0x3f: {  	[spmem:s7] =	stream.linear.scatter [tilespmem:s20], [sflag:$0x4], $0x4000, $0x38;
	[tilespmem:$0x1CC00] =	vst v63  }
0x40: {  	_ =	swait.ge [sflag:s21], $0x4000  }
0x41: {  	[sflag:s21] =	ssyncset.done $0x0  }
0x42: {  	[sflag:s21] =	ssyncadd.s32 $0xFFFFC000  }
0x43: {  	[spmem:s8] =	stream.linear.scatter [tilespmem:s20], [sflag:$0x4], $0x4000, $0x38;
	[tilespmem:$0x1CC00] =	vst v63  }
0x44: {  	_ =	swait.ge [sflag:s21], $0x4000  }
0x45: {  	[sflag:s21] =	ssyncset.done $0x0  }
0x46: {  	[sflag:s21] =	ssyncadd.s32 $0xFFFFC000  }
0x47: {  	[spmem:s9] =	stream.linear.scatter [tilespmem:s20], [sflag:$0x4], $0x4000, $0x38;
	[tilespmem:$0x1CC00] =	vst v63  }
0x48: {  	_ =	swait.ge [sflag:s21], $0x4000  }
0x49: {  	[sflag:s21] =	ssyncset.done $0x0  }
0x4a: {  	[sflag:s21] =	ssyncadd.s32 $0xFFFFC000  }
0x4b: {  	[spmem:s10] =	stream.linear.scatter [tilespmem:s20], [sflag:$0x4], $0x4000, $0x38;
	[tilespmem:$0x1CC00] =	vst v63  }
0x4c: {  	_ =	swait.ge [sflag:s21], $0x4000  }
0x4d: {  	[sflag:s21] =	ssyncset.done $0x0  }
0x4e: {  	[sflag:s21] =	ssyncadd.s32 $0xFFFFC000  }
0x4f: {  	[spmem:s11] =	stream.linear.scatter [tilespmem:s20], [sflag:$0x4], $0x3C00, $0x38;
	[tilespmem:$0x1CC00] =	vst v63  }
0x50: {  	_ =	swait.ge [sflag:s21], $0x3C00  }
.Ltmp2:
0x51: {  	[sflag:s21] =	ssyncset.done $0x0;
	(pc) =	sbr.rel @!p0 .LBB2_2-.Ltmp2, $3  }
0x52: {  	[sflag:s21] =	ssyncadd.s32 $0xFFFFC400  }
0x53: {  	[tilespmem:s3], [sflag:$0x3] =	stream.linear.gather [hbm4b:s12+s3], $0x800, $0x38;
	[tilespmem:$0x1CC00] =	vst v63  }
0x54: {  	[bflag:$0x0] =	sbarrier.arrive $0xFFFF;
	_ =	sdelay $0x1  }
0x55: {  	s0 =	sand.u32 $0x10, s3;
	_ =	swait.ge [sflag:s22], $0x800;
	p1 =	por $0x0, $0x0  }
0x56: {  	[sflag:s22] =	ssyncset.done $0x0;
	s1 =	sshll.u32 @!p1 s0, $0x7  }
0x57: {  	s29 =	simm.s32 @!p1 $0x0;
	[sflag:s22] =	ssyncadd.s32 $0xFFFFF800;
	s1 =	ssub.s32 @!p1 $0x800, s1  }
0x58: {  	[tilespmem:s1], [sflag:$0x3] =	stream.linear.gather @!p1 [hbm4b:s19+s29], $0x800, $0x38;
	[tilespmem:$0x1CC00] =	vst v63  }
0x59: {  	s29 =	sshll.u32 s0, $0x7  }
0x5a: {  	[tilespmem:s20], [sflag:$0x1] =	stream.indirect.gather [hbm4b:s5+s23], $0x80, s29, s23, $0xb8;
	[tilespmem:$0x1CC00] =	vst v63  }
0x5b: {  	_ =	swait.ge [sflag:s24], $0x4000  }
0x5c: {  	[sflag:s24] =	ssyncset.done $0x0  }
0x5d: {  	s0 =	sadd.s32 $0x80, s29;
	[sflag:s24] =	ssyncadd.s32 $0xFFFFC000  }
0x5e: {  	[tilespmem:s25], [sflag:$0x2] =	stream.indirect.gather [hbm4b:s5+s23], $0x80, s0, s23, $0xb8;
	[tilespmem:$0x1CC00] =	vst v63  }
0x5f: {  	s1 =	sadd.s32 $0x400, s29  }
0x60: {  	[spmem:s2] =	stream.indirect.scatter.add.f32 [tilespmem:s20], [sflag:$0x4], $0x80, s1, s23, $0xb8;
	[tilespmem:$0x1CC00] =	vst v63  }
0x61: {  	_ =	swait.ge [sflag:s21], $0x4000  }
0x62: {  	[sflag:s21] =	ssyncset.done $0x0  }
0x63: {  	s31 =	sadd.s32 $0x100, s29;
	[sflag:s21] =	ssyncadd.s32 $0xFFFFC000  }
0x64: {  	[tilespmem:s20], [sflag:$0x1] =	stream.indirect.gather [hbm4b:s5+s23], $0x80, s31, s23, $0xb8;
	[tilespmem:$0x1CC00] =	vst v63  }
0x65: {  	_ =	swait.ge [sflag:s26], $0x4000  }
0x66: {  	[sflag:s26] =	ssyncset.done $0x0  }
0x67: {  	s1 =	sadd.s32 $0x480, s29;
	[sflag:s26] =	ssyncadd.s32 $0xFFFFC000  }
0x68: {  	[spmem:s2] =	stream.indirect.scatter.add.f32 [tilespmem:s25], [sflag:$0x4], $0x80, s1, s23, $0xb8;
	[tilespmem:$0x1CC00] =	vst v63  }
0x69: {  	_ =	swait.ge [sflag:s21], $0x4000  }
0x6a: {  	[sflag:s21] =	ssyncset.done $0x0  }
0x6b: {  	[sflag:s21] =	ssyncadd.s32 $0xFFFFC000  }
0x6c: {  	_ =	swait.ge [sflag:s24], $0x4000  }
0x6d: {  	[sflag:s24] =	ssyncset.done $0x0  }
0x6e: {  	s31 =	sadd.s32 $0x180, s29;
	[sflag:s24] =	ssyncadd.s32 $0xFFFFC000  }
0x6f: {  	[tilespmem:s25], [sflag:$0x2] =	stream.indirect.gather [hbm4b:s5+s23], $0x80, s31, s23, $0xb8;
	[tilespmem:$0x1CC00] =	vst v63  }
0x70: {  	s1 =	sadd.s32 $0x500, s29  }
0x71: {  	[spmem:s2] =	stream.indirect.scatter.add.f32 [tilespmem:s20], [sflag:$0x4], $0x80, s1, s23, $0xb8;
	[tilespmem:$0x1CC00] =	vst v63  }
0x72: {  	_ =	swait.ge [sflag:s21], $0x4000  }
0x73: {  	[sflag:s21] =	ssyncset.done $0x0  }
0x74: {  	s31 =	sadd.s32 $0x200, s29;
	[sflag:s21] =	ssyncadd.s32 $0xFFFFC000  }
0x75: {  	[tilespmem:s20], [sflag:$0x1] =	stream.indirect.gather [hbm4b:s5+s23], $0x80, s31, s23, $0xb8;
	[tilespmem:$0x1CC00] =	vst v63  }
0x76: {  	_ =	swait.ge [sflag:s26], $0x4000  }
0x77: {  	[sflag:s26] =	ssyncset.done $0x0  }
0x78: {  	s1 =	sadd.s32 $0x580, s29;
	[sflag:s26] =	ssyncadd.s32 $0xFFFFC000  }
0x79: {  	[spmem:s2] =	stream.indirect.scatter.add.f32 [tilespmem:s25], [sflag:$0x4], $0x80, s1, s23, $0xb8;
	[tilespmem:$0x1CC00] =	vst v63  }
0x7a: {  	_ =	swait.ge [sflag:s21], $0x4000  }
0x7b: {  	[sflag:s21] =	ssyncset.done $0x0  }
0x7c: {  	[sflag:s21] =	ssyncadd.s32 $0xFFFFC000  }
0x7d: {  	_ =	swait.ge [sflag:s24], $0x4000  }
0x7e: {  	[sflag:s24] =	ssyncset.done $0x0  }
0x7f: {  	s31 =	sadd.s32 $0x280, s29;
	[sflag:s24] =	ssyncadd.s32 $0xFFFFC000  }
0x80: {  	[tilespmem:s25], [sflag:$0x2] =	stream.indirect.gather [hbm4b:s5+s23], $0x80, s31, s23, $0xb8;
	[tilespmem:$0x1CC00] =	vst v63  }
0x81: {  	s1 =	sadd.s32 $0x600, s29  }
0x82: {  	[spmem:s2] =	stream.indirect.scatter.add.f32 [tilespmem:s20], [sflag:$0x4], $0x80, s1, s23, $0xb8;
	[tilespmem:$0x1CC00] =	vst v63  }
0x83: {  	_ =	swait.ge [sflag:s21], $0x4000  }
0x84: {  	[sflag:s21] =	ssyncset.done $0x0  }
0x85: {  	s31 =	sadd.s32 $0x300, s29;
	[sflag:s21] =	ssyncadd.s32 $0xFFFFC000  }
0x86: {  	[tilespmem:s20], [sflag:$0x1] =	stream.indirect.gather [hbm4b:s5+s23], $0x80, s31, s23, $0xb8;
	[tilespmem:$0x1CC00] =	vst v63  }
0x87: {  	_ =	swait.ge [sflag:s26], $0x4000  }
0x88: {  	[sflag:s26] =	ssyncset.done $0x0  }
0x89: {  	s1 =	sadd.s32 $0x680, s29;
	[sflag:s26] =	ssyncadd.s32 $0xFFFFC000  }
0x8a: {  	[spmem:s2] =	stream.indirect.scatter.add.f32 [tilespmem:s25], [sflag:$0x4], $0x80, s1, s23, $0xb8;
	[tilespmem:$0x1CC00] =	vst v63  }
0x8b: {  	_ =	swait.ge [sflag:s21], $0x4000  }
0x8c: {  	[sflag:s21] =	ssyncset.done $0x0  }
0x8d: {  	[sflag:s21] =	ssyncadd.s32 $0xFFFFC000  }
0x8e: {  	_ =	swait.ge [sflag:s24], $0x4000  }
0x8f: {  	[sflag:s24] =	ssyncset.done $0x0  }
0x90: {  	s31 =	sadd.s32 $0x380, s29;
	[sflag:s24] =	ssyncadd.s32 $0xFFFFC000  }
0x91: {  	[tilespmem:s25], [sflag:$0x2] =	stream.indirect.gather [hbm4b:s5+s23], $0x80, s31, s23, $0xb8;
	[tilespmem:$0x1CC00] =	vst v63  }
0x92: {  	s1 =	sadd.s32 $0x700, s29  }
0x93: {  	[spmem:s2] =	stream.indirect.scatter.add.f32 [tilespmem:s20], [sflag:$0x4], $0x80, s1, s23, $0xb8;
	[tilespmem:$0x1CC00] =	vst v63  }
0x94: {  	_ =	swait.ge [sflag:s21], $0x4000  }
0x95: {  	[sflag:s21] =	ssyncset.done $0x0  }
0x96: {  	[sflag:s21] =	ssyncadd.s32 $0xFFFFC000  }
0x97: {  	_ =	swait.ge [sflag:s26], $0x4000  }
0x98: {  	[sflag:s26] =	ssyncset.done $0x0  }
0x99: {  	s31 =	sadd.s32 $0x780, s29;
	[sflag:s26] =	ssyncadd.s32 $0xFFFFC000  }
0x9a: {  	[spmem:s2] =	stream.indirect.scatter.add.f32 [tilespmem:s25], [sflag:$0x4], $0x80, s31, s23, $0xb8;
	[tilespmem:$0x1CC00] =	vst v63  }
0x9b: {  	_ =	swait.ge [sflag:s21], $0x4000  }
0x9c: {  	s30 =	smov.u32 s19;
	s29 =	simm.s32 $0x10;
	[sflag:s21] =	ssyncset.done $0x0  }
.LBB2_6:
0x9d: {  	[sflag:s21] =	ssyncadd.s32 $0xFFFFC000  }
0x9e: {  	s30 =	sadd.s32 $0x100, s30;
	s0 =	smov.u32 s29;
	s29 =	sadd.s32 $0x10, s29  }
0x9f: {  	s1 =	sand.u32 $0x10, s0;
	_ =	swait.ge [sflag:s22], $0x800;
	p2 =	seq.s32 s0, $0x90  }
0xa0: {  	p1 =	sne.s32 s29, $0xA0;
	[sflag:s22] =	ssyncset.done $0x0;
	s0 =	sshll.u32 @!p2 s1, $0x7  }
0xa1: {  	s31 =	simm.s32 @!p2 $0x0;
	[sflag:s22] =	ssyncadd.s32 $0xFFFFF800;
	s0 =	ssub.s32 @!p2 $0x800, s0  }
0xa2: {  	[tilespmem:s0], [sflag:$0x3] =	stream.linear.gather @!p2 [hbm4b:s30+s31], $0x800, $0x38;
	[tilespmem:$0x1CC00] =	vst v63  }
0xa3: {  	s31 =	sshll.u32 s1, $0x7  }
0xa4: {  	[tilespmem:s20], [sflag:$0x1] =	stream.indirect.gather [hbm4b:s5+s23], $0x80, s31, s23, $0xb8;
	[tilespmem:$0x1CC00] =	vst v63  }
0xa5: {  	_ =	swait.ge [sflag:s24], $0x4000  }
0xa6: {  	[sflag:s24] =	ssyncset.done $0x0  }
0xa7: {  	s0 =	sadd.s32 $0x80, s31;
	[sflag:s24] =	ssyncadd.s32 $0xFFFFC000  }
0xa8: {  	[tilespmem:s25], [sflag:$0x2] =	stream.indirect.gather [hbm4b:s5+s23], $0x80, s0, s23, $0xb8;
	[tilespmem:$0x1CC00] =	vst v63  }
0xa9: {  	s0 =	sadd.s32 $0x400, s31  }
0xaa: {  	[spmem:s2] =	stream.indirect.scatter.add.f32 [tilespmem:s20], [sflag:$0x4], $0x80, s0, s23, $0xb8;
	[tilespmem:$0x1CC00] =	vst v63  }
0xab: {  	_ =	swait.ge [sflag:s21], $0x4000  }
0xac: {  	[sflag:s21] =	ssyncset.done $0x0  }
0xad: {  	s0 =	sadd.s32 $0x100, s31;
	[sflag:s21] =	ssyncadd.s32 $0xFFFFC000  }
0xae: {  	[tilespmem:s20], [sflag:$0x1] =	stream.indirect.gather [hbm4b:s5+s23], $0x80, s0, s23, $0xb8;
	[tilespmem:$0x1CC00] =	vst v63  }
0xaf: {  	_ =	swait.ge [sflag:s26], $0x4000  }
0xb0: {  	[sflag:s26] =	ssyncset.done $0x0  }
0xb1: {  	s0 =	sadd.s32 $0x480, s31;
	[sflag:s26] =	ssyncadd.s32 $0xFFFFC000  }
0xb2: {  	[spmem:s2] =	stream.indirect.scatter.add.f32 [tilespmem:s25], [sflag:$0x4], $0x80, s0, s23, $0xb8;
	[tilespmem:$0x1CC00] =	vst v63  }
0xb3: {  	_ =	swait.ge [sflag:s21], $0x4000  }
0xb4: {  	[sflag:s21] =	ssyncset.done $0x0  }
0xb5: {  	[sflag:s21] =	ssyncadd.s32 $0xFFFFC000  }
0xb6: {  	_ =	swait.ge [sflag:s24], $0x4000  }
0xb7: {  	[sflag:s24] =	ssyncset.done $0x0  }
0xb8: {  	s0 =	sadd.s32 $0x180, s31;
	[sflag:s24] =	ssyncadd.s32 $0xFFFFC000  }
0xb9: {  	[tilespmem:s25], [sflag:$0x2] =	stream.indirect.gather [hbm4b:s5+s23], $0x80, s0, s23, $0xb8;
	[tilespmem:$0x1CC00] =	vst v63  }
0xba: {  	s0 =	sadd.s32 $0x500, s31  }
0xbb: {  	[spmem:s2] =	stream.indirect.scatter.add.f32 [tilespmem:s20], [sflag:$0x4], $0x80, s0, s23, $0xb8;
	[tilespmem:$0x1CC00] =	vst v63  }
0xbc: {  	_ =	swait.ge [sflag:s21], $0x4000  }
0xbd: {  	[sflag:s21] =	ssyncset.done $0x0  }
0xbe: {  	s0 =	sadd.s32 $0x200, s31;
	[sflag:s21] =	ssyncadd.s32 $0xFFFFC000  }
0xbf: {  	[tilespmem:s20], [sflag:$0x1] =	stream.indirect.gather [hbm4b:s5+s23], $0x80, s0, s23, $0xb8;
	[tilespmem:$0x1CC00] =	vst v63  }
0xc0: {  	_ =	swait.ge [sflag:s26], $0x4000  }
0xc1: {  	[sflag:s26] =	ssyncset.done $0x0  }
0xc2: {  	s0 =	sadd.s32 $0x580, s31;
	[sflag:s26] =	ssyncadd.s32 $0xFFFFC000  }
0xc3: {  	[spmem:s2] =	stream.indirect.scatter.add.f32 [tilespmem:s25], [sflag:$0x4], $0x80, s0, s23, $0xb8;
	[tilespmem:$0x1CC00] =	vst v63  }
0xc4: {  	_ =	swait.ge [sflag:s21], $0x4000  }
0xc5: {  	[sflag:s21] =	ssyncset.done $0x0  }
0xc6: {  	[sflag:s21] =	ssyncadd.s32 $0xFFFFC000  }
0xc7: {  	_ =	swait.ge [sflag:s24], $0x4000  }
0xc8: {  	[sflag:s24] =	ssyncset.done $0x0  }
0xc9: {  	s0 =	sadd.s32 $0x280, s31;
	[sflag:s24] =	ssyncadd.s32 $0xFFFFC000  }
0xca: {  	[tilespmem:s25], [sflag:$0x2] =	stream.indirect.gather [hbm4b:s5+s23], $0x80, s0, s23, $0xb8;
	[tilespmem:$0x1CC00] =	vst v63  }
0xcb: {  	s0 =	sadd.s32 $0x600, s31  }
0xcc: {  	[spmem:s2] =	stream.indirect.scatter.add.f32 [tilespmem:s20], [sflag:$0x4], $0x80, s0, s23, $0xb8;
	[tilespmem:$0x1CC00] =	vst v63  }
0xcd: {  	_ =	swait.ge [sflag:s21], $0x4000  }
0xce: {  	[sflag:s21] =	ssyncset.done $0x0  }
0xcf: {  	s0 =	sadd.s32 $0x300, s31;
	[sflag:s21] =	ssyncadd.s32 $0xFFFFC000  }
0xd0: {  	[tilespmem:s20], [sflag:$0x1] =	stream.indirect.gather [hbm4b:s5+s23], $0x80, s0, s23, $0xb8;
	[tilespmem:$0x1CC00] =	vst v63  }
0xd1: {  	_ =	swait.ge [sflag:s26], $0x4000  }
0xd2: {  	[sflag:s26] =	ssyncset.done $0x0  }
0xd3: {  	s0 =	sadd.s32 $0x680, s31;
	[sflag:s26] =	ssyncadd.s32 $0xFFFFC000  }
0xd4: {  	[spmem:s2] =	stream.indirect.scatter.add.f32 [tilespmem:s25], [sflag:$0x4], $0x80, s0, s23, $0xb8;
	[tilespmem:$0x1CC00] =	vst v63  }
0xd5: {  	_ =	swait.ge [sflag:s21], $0x4000  }
0xd6: {  	[sflag:s21] =	ssyncset.done $0x0  }
0xd7: {  	[sflag:s21] =	ssyncadd.s32 $0xFFFFC000  }
0xd8: {  	_ =	swait.ge [sflag:s24], $0x4000  }
0xd9: {  	[sflag:s24] =	ssyncset.done $0x0  }
0xda: {  	s0 =	sadd.s32 $0x380, s31;
	[sflag:s24] =	ssyncadd.s32 $0xFFFFC000  }
0xdb: {  	[tilespmem:s25], [sflag:$0x2] =	stream.indirect.gather [hbm4b:s5+s23], $0x80, s0, s23, $0xb8;
	[tilespmem:$0x1CC00] =	vst v63  }
0xdc: {  	s0 =	sadd.s32 $0x700, s31  }
0xdd: {  	[spmem:s2] =	stream.indirect.scatter.add.f32 [tilespmem:s20], [sflag:$0x4], $0x80, s0, s23, $0xb8;
	[tilespmem:$0x1CC00] =	vst v63  }
0xde: {  	_ =	swait.ge [sflag:s21], $0x4000  }
0xdf: {  	[sflag:s21] =	ssyncset.done $0x0  }
0xe0: {  	[sflag:s21] =	ssyncadd.s32 $0xFFFFC000  }
0xe1: {  	_ =	swait.ge [sflag:s26], $0x4000  }
.Ltmp3:
0xe2: {  	[sflag:s26] =	ssyncset.done $0x0;
	(pc) =	sbr.rel @p1 .LBB2_6-.Ltmp3, $4  }
0xe3: {  	s0 =	sadd.s32 $0x780, s31;
	[sflag:s26] =	ssyncadd.s32 $0xFFFFC000  }
0xe4: {  	[spmem:s2] =	stream.indirect.scatter.add.f32 [tilespmem:s25], [sflag:$0x4], $0x80, s0, s23, $0xb8;
	[tilespmem:$0x1CC00] =	vst v63  }
0xe5: {  	_ =	swait.ge [sflag:s21], $0x4000  }
0xe6: {  	[sflag:s21] =	ssyncset.done $0x0  }
.Ltmp4:
0xe7: {  	_ = 	snop;
	(pc) =	sbr.rel .LBB2_7-.Ltmp4, $1  }
0xe8: {  	_ =	sdelay $0x3  }
.LBB2_2:
0xe9: {  	s29 =	sand.u32 $0x10, s3;
	_ =	swait.ge [sflag:s22], $0x800;
	p1 =	por $0x0, $0x0  }
0xea: {  	[sflag:s22] =	ssyncset.done $0x0;
	s30 =	sshll.u32 @!p1 s29, $0x7  }
0xeb: {  	s31 =	simm.s32 @!p1 $0x0;
	[sflag:s22] =	ssyncadd.s32 $0xFFFFF800;
	s30 =	ssub.s32 @!p1 $0x800, s30  }
0xec: {  	[tilespmem:s30], [sflag:$0x3] =	stream.linear.gather @!p1 [hbm4b:s19+s31], $0x800, $0x38;
	[tilespmem:$0x1CC00] =	vst v63  }
0xed: {  	s29 =	sshll.u32 s29, $0x7  }
0xee: {  	[tilespmem:s20], [sflag:$0x1] =	stream.indirect.gather [hbm4b:s4+s23], $0x80, s29, s23, $0xb8;
	[tilespmem:$0x1CC00] =	vst v63  }
0xef: {  	_ =	swait.ge [sflag:s24], $0x4000  }
0xf0: {  	[sflag:s24] =	ssyncset.done $0x0  }
0xf1: {  	s30 =	sadd.s32 $0x80, s29;
	[sflag:s24] =	ssyncadd.s32 $0xFFFFC000  }
0xf2: {  	[tilespmem:s25], [sflag:$0x2] =	stream.indirect.gather [hbm4b:s4+s23], $0x80, s30, s23, $0xb8;
	[tilespmem:$0x1CC00] =	vst v63  }
0xf3: {  	s30 =	sadd.s32 $0x400, s29  }
0xf4: {  	[spmem:s2] =	stream.indirect.scatter.add.f32 [tilespmem:s20], [sflag:$0x4], $0x80, s30, s23, $0xb8;
	[tilespmem:$0x1CC00] =	vst v63  }
0xf5: {  	_ =	swait.ge [sflag:s21], $0x4000  }
0xf6: {  	[sflag:s21] =	ssyncset.done $0x0  }
0xf7: {  	s30 =	sadd.s32 $0x100, s29;
	[sflag:s21] =	ssyncadd.s32 $0xFFFFC000  }
0xf8: {  	[tilespmem:s20], [sflag:$0x1] =	stream.indirect.gather [hbm4b:s4+s23], $0x80, s30, s23, $0xb8;
	[tilespmem:$0x1CC00] =	vst v63  }
0xf9: {  	_ =	swait.ge [sflag:s26], $0x4000  }
0xfa: {  	[sflag:s26] =	ssyncset.done $0x0  }
0xfb: {  	s30 =	sadd.s32 $0x480, s29;
	[sflag:s26] =	ssyncadd.s32 $0xFFFFC000  }
0xfc: {  	[spmem:s2] =	stream.indirect.scatter.add.f32 [tilespmem:s25], [sflag:$0x4], $0x80, s30, s23, $0xb8;
	[tilespmem:$0x1CC00] =	vst v63  }
0xfd: {  	_ =	swait.ge [sflag:s21], $0x4000  }
0xfe: {  	[sflag:s21] =	ssyncset.done $0x0  }
0xff: {  	[sflag:s21] =	ssyncadd.s32 $0xFFFFC000  }
0x100: {  	_ =	swait.ge [sflag:s24], $0x4000  }
0x101: {  	[sflag:s24] =	ssyncset.done $0x0  }
0x102: {  	s30 =	sadd.s32 $0x180, s29;
	[sflag:s24] =	ssyncadd.s32 $0xFFFFC000  }
0x103: {  	[tilespmem:s25], [sflag:$0x2] =	stream.indirect.gather [hbm4b:s4+s23], $0x80, s30, s23, $0xb8;
	[tilespmem:$0x1CC00] =	vst v63  }
0x104: {  	s30 =	sadd.s32 $0x500, s29  }
0x105: {  	[spmem:s2] =	stream.indirect.scatter.add.f32 [tilespmem:s20], [sflag:$0x4], $0x80, s30, s23, $0xb8;
	[tilespmem:$0x1CC00] =	vst v63  }
0x106: {  	_ =	swait.ge [sflag:s21], $0x4000  }
0x107: {  	[sflag:s21] =	ssyncset.done $0x0  }
0x108: {  	s30 =	sadd.s32 $0x200, s29;
	[sflag:s21] =	ssyncadd.s32 $0xFFFFC000  }
0x109: {  	[tilespmem:s20], [sflag:$0x1] =	stream.indirect.gather [hbm4b:s4+s23], $0x80, s30, s23, $0xb8;
	[tilespmem:$0x1CC00] =	vst v63  }
0x10a: {  	_ =	swait.ge [sflag:s26], $0x4000  }
0x10b: {  	[sflag:s26] =	ssyncset.done $0x0  }
0x10c: {  	s30 =	sadd.s32 $0x580, s29;
	[sflag:s26] =	ssyncadd.s32 $0xFFFFC000  }
0x10d: {  	[spmem:s2] =	stream.indirect.scatter.add.f32 [tilespmem:s25], [sflag:$0x4], $0x80, s30, s23, $0xb8;
	[tilespmem:$0x1CC00] =	vst v63  }
0x10e: {  	_ =	swait.ge [sflag:s21], $0x4000  }
0x10f: {  	[sflag:s21] =	ssyncset.done $0x0  }
0x110: {  	[sflag:s21] =	ssyncadd.s32 $0xFFFFC000  }
0x111: {  	_ =	swait.ge [sflag:s24], $0x4000  }
0x112: {  	[sflag:s24] =	ssyncset.done $0x0  }
0x113: {  	s30 =	sadd.s32 $0x280, s29;
	[sflag:s24] =	ssyncadd.s32 $0xFFFFC000  }
0x114: {  	[tilespmem:s25], [sflag:$0x2] =	stream.indirect.gather [hbm4b:s4+s23], $0x80, s30, s23, $0xb8;
	[tilespmem:$0x1CC00] =	vst v63  }
0x115: {  	s30 =	sadd.s32 $0x600, s29  }
0x116: {  	[spmem:s2] =	stream.indirect.scatter.add.f32 [tilespmem:s20], [sflag:$0x4], $0x80, s30, s23, $0xb8;
	[tilespmem:$0x1CC00] =	vst v63  }
0x117: {  	_ =	swait.ge [sflag:s21], $0x4000  }
0x118: {  	[sflag:s21] =	ssyncset.done $0x0  }
0x119: {  	s30 =	sadd.s32 $0x300, s29;
	[sflag:s21] =	ssyncadd.s32 $0xFFFFC000  }
0x11a: {  	[tilespmem:s20], [sflag:$0x1] =	stream.indirect.gather [hbm4b:s4+s23], $0x80, s30, s23, $0xb8;
	[tilespmem:$0x1CC00] =	vst v63  }
0x11b: {  	_ =	swait.ge [sflag:s26], $0x4000  }
0x11c: {  	[sflag:s26] =	ssyncset.done $0x0  }
0x11d: {  	s30 =	sadd.s32 $0x680, s29;
	[sflag:s26] =	ssyncadd.s32 $0xFFFFC000  }
0x11e: {  	[spmem:s2] =	stream.indirect.scatter.add.f32 [tilespmem:s25], [sflag:$0x4], $0x80, s30, s23, $0xb8;
	[tilespmem:$0x1CC00] =	vst v63  }
0x11f: {  	_ =	swait.ge [sflag:s21], $0x4000  }
0x120: {  	[sflag:s21] =	ssyncset.done $0x0  }
0x121: {  	[sflag:s21] =	ssyncadd.s32 $0xFFFFC000  }
0x122: {  	_ =	swait.ge [sflag:s24], $0x4000  }
0x123: {  	[sflag:s24] =	ssyncset.done $0x0  }
0x124: {  	s30 =	sadd.s32 $0x380, s29;
	[sflag:s24] =	ssyncadd.s32 $0xFFFFC000  }
0x125: {  	[tilespmem:s25], [sflag:$0x2] =	stream.indirect.gather [hbm4b:s4+s23], $0x80, s30, s23, $0xb8;
	[tilespmem:$0x1CC00] =	vst v63  }
0x126: {  	s30 =	sadd.s32 $0x700, s29  }
0x127: {  	[spmem:s2] =	stream.indirect.scatter.add.f32 [tilespmem:s20], [sflag:$0x4], $0x80, s30, s23, $0xb8;
	[tilespmem:$0x1CC00] =	vst v63  }
0x128: {  	_ =	swait.ge [sflag:s21], $0x4000  }
0x129: {  	[sflag:s21] =	ssyncset.done $0x0  }
0x12a: {  	[sflag:s21] =	ssyncadd.s32 $0xFFFFC000  }
0x12b: {  	_ =	swait.ge [sflag:s26], $0x4000  }
0x12c: {  	[sflag:s26] =	ssyncset.done $0x0  }
0x12d: {  	s29 =	sadd.s32 $0x780, s29;
	[sflag:s26] =	ssyncadd.s32 $0xFFFFC000  }
0x12e: {  	[spmem:s2] =	stream.indirect.scatter.add.f32 [tilespmem:s25], [sflag:$0x4], $0x80, s29, s23, $0xb8;
	[tilespmem:$0x1CC00] =	vst v63  }
0x12f: {  	_ =	swait.ge [sflag:s21], $0x4000  }
0x130: {  	s30 =	smov.u32 s19;
	s29 =	simm.s32 $0x10;
	[sflag:s21] =	ssyncset.done $0x0  }
.LBB2_3:
0x131: {  	[sflag:s21] =	ssyncadd.s32 $0xFFFFC000  }
0x132: {  	s30 =	sadd.s32 $0x100, s30;
	s31 =	smov.u32 s29;
	s29 =	sadd.s32 $0x10, s29  }
0x133: {  	s0 =	sand.u32 $0x10, s31;
	_ =	swait.ge [sflag:s22], $0x800;
	p2 =	seq.s32 s31, $0x90  }
0x134: {  	p1 =	seq.s32 s29, $0xA0;
	[sflag:s22] =	ssyncset.done $0x0;
	s31 =	sshll.u32 @!p2 s0, $0x7  }
0x135: {  	s1 =	simm.s32 @!p2 $0x0;
	[sflag:s22] =	ssyncadd.s32 $0xFFFFF800;
	s31 =	ssub.s32 @!p2 $0x800, s31  }
0x136: {  	[tilespmem:s31], [sflag:$0x3] =	stream.linear.gather @!p2 [hbm4b:s30+s1], $0x800, $0x38;
	[tilespmem:$0x1CC00] =	vst v63  }
0x137: {  	s31 =	sshll.u32 s0, $0x7  }
0x138: {  	[tilespmem:s20], [sflag:$0x1] =	stream.indirect.gather [hbm4b:s4+s23], $0x80, s31, s23, $0xb8;
	[tilespmem:$0x1CC00] =	vst v63  }
0x139: {  	_ =	swait.ge [sflag:s24], $0x4000  }
0x13a: {  	[sflag:s24] =	ssyncset.done $0x0  }
0x13b: {  	s0 =	sadd.s32 $0x80, s31;
	[sflag:s24] =	ssyncadd.s32 $0xFFFFC000  }
0x13c: {  	[tilespmem:s25], [sflag:$0x2] =	stream.indirect.gather [hbm4b:s4+s23], $0x80, s0, s23, $0xb8;
	[tilespmem:$0x1CC00] =	vst v63  }
0x13d: {  	s0 =	sadd.s32 $0x400, s31  }
0x13e: {  	[spmem:s2] =	stream.indirect.scatter.add.f32 [tilespmem:s20], [sflag:$0x4], $0x80, s0, s23, $0xb8;
	[tilespmem:$0x1CC00] =	vst v63  }
0x13f: {  	_ =	swait.ge [sflag:s21], $0x4000  }
0x140: {  	[sflag:s21] =	ssyncset.done $0x0  }
0x141: {  	s0 =	sadd.s32 $0x100, s31;
	[sflag:s21] =	ssyncadd.s32 $0xFFFFC000  }
0x142: {  	[tilespmem:s20], [sflag:$0x1] =	stream.indirect.gather [hbm4b:s4+s23], $0x80, s0, s23, $0xb8;
	[tilespmem:$0x1CC00] =	vst v63  }
0x143: {  	_ =	swait.ge [sflag:s26], $0x4000  }
0x144: {  	[sflag:s26] =	ssyncset.done $0x0  }
0x145: {  	s0 =	sadd.s32 $0x480, s31;
	[sflag:s26] =	ssyncadd.s32 $0xFFFFC000  }
0x146: {  	[spmem:s2] =	stream.indirect.scatter.add.f32 [tilespmem:s25], [sflag:$0x4], $0x80, s0, s23, $0xb8;
	[tilespmem:$0x1CC00] =	vst v63  }
0x147: {  	_ =	swait.ge [sflag:s21], $0x4000  }
0x148: {  	[sflag:s21] =	ssyncset.done $0x0  }
0x149: {  	[sflag:s21] =	ssyncadd.s32 $0xFFFFC000  }
0x14a: {  	_ =	swait.ge [sflag:s24], $0x4000  }
0x14b: {  	[sflag:s24] =	ssyncset.done $0x0  }
0x14c: {  	s0 =	sadd.s32 $0x180, s31;
	[sflag:s24] =	ssyncadd.s32 $0xFFFFC000  }
0x14d: {  	[tilespmem:s25], [sflag:$0x2] =	stream.indirect.gather [hbm4b:s4+s23], $0x80, s0, s23, $0xb8;
	[tilespmem:$0x1CC00] =	vst v63  }
0x14e: {  	s0 =	sadd.s32 $0x500, s31  }
0x14f: {  	[spmem:s2] =	stream.indirect.scatter.add.f32 [tilespmem:s20], [sflag:$0x4], $0x80, s0, s23, $0xb8;
	[tilespmem:$0x1CC00] =	vst v63  }
0x150: {  	_ =	swait.ge [sflag:s21], $0x4000  }
0x151: {  	[sflag:s21] =	ssyncset.done $0x0  }
0x152: {  	s0 =	sadd.s32 $0x200, s31;
	[sflag:s21] =	ssyncadd.s32 $0xFFFFC000  }
0x153: {  	[tilespmem:s20], [sflag:$0x1] =	stream.indirect.gather [hbm4b:s4+s23], $0x80, s0, s23, $0xb8;
	[tilespmem:$0x1CC00] =	vst v63  }
0x154: {  	_ =	swait.ge [sflag:s26], $0x4000  }
0x155: {  	[sflag:s26] =	ssyncset.done $0x0  }
0x156: {  	s0 =	sadd.s32 $0x580, s31;
	[sflag:s26] =	ssyncadd.s32 $0xFFFFC000  }
0x157: {  	[spmem:s2] =	stream.indirect.scatter.add.f32 [tilespmem:s25], [sflag:$0x4], $0x80, s0, s23, $0xb8;
	[tilespmem:$0x1CC00] =	vst v63  }
0x158: {  	_ =	swait.ge [sflag:s21], $0x4000  }
0x159: {  	[sflag:s21] =	ssyncset.done $0x0  }
0x15a: {  	[sflag:s21] =	ssyncadd.s32 $0xFFFFC000  }
0x15b: {  	_ =	swait.ge [sflag:s24], $0x4000  }
0x15c: {  	[sflag:s24] =	ssyncset.done $0x0  }
0x15d: {  	s0 =	sadd.s32 $0x280, s31;
	[sflag:s24] =	ssyncadd.s32 $0xFFFFC000  }
0x15e: {  	[tilespmem:s25], [sflag:$0x2] =	stream.indirect.gather [hbm4b:s4+s23], $0x80, s0, s23, $0xb8;
	[tilespmem:$0x1CC00] =	vst v63  }
0x15f: {  	s0 =	sadd.s32 $0x600, s31  }
0x160: {  	[spmem:s2] =	stream.indirect.scatter.add.f32 [tilespmem:s20], [sflag:$0x4], $0x80, s0, s23, $0xb8;
	[tilespmem:$0x1CC00] =	vst v63  }
0x161: {  	_ =	swait.ge [sflag:s21], $0x4000  }
0x162: {  	[sflag:s21] =	ssyncset.done $0x0  }
0x163: {  	s0 =	sadd.s32 $0x300, s31;
	[sflag:s21] =	ssyncadd.s32 $0xFFFFC000  }
0x164: {  	[tilespmem:s20], [sflag:$0x1] =	stream.indirect.gather [hbm4b:s4+s23], $0x80, s0, s23, $0xb8;
	[tilespmem:$0x1CC00] =	vst v63  }
0x165: {  	_ =	swait.ge [sflag:s26], $0x4000  }
0x166: {  	[sflag:s26] =	ssyncset.done $0x0  }
0x167: {  	s0 =	sadd.s32 $0x680, s31;
	[sflag:s26] =	ssyncadd.s32 $0xFFFFC000  }
0x168: {  	[spmem:s2] =	stream.indirect.scatter.add.f32 [tilespmem:s25], [sflag:$0x4], $0x80, s0, s23, $0xb8;
	[tilespmem:$0x1CC00] =	vst v63  }
0x169: {  	_ =	swait.ge [sflag:s21], $0x4000  }
0x16a: {  	[sflag:s21] =	ssyncset.done $0x0  }
0x16b: {  	[sflag:s21] =	ssyncadd.s32 $0xFFFFC000  }
0x16c: {  	_ =	swait.ge [sflag:s24], $0x4000  }
0x16d: {  	[sflag:s24] =	ssyncset.done $0x0  }
0x16e: {  	s0 =	sadd.s32 $0x380, s31;
	[sflag:s24] =	ssyncadd.s32 $0xFFFFC000  }
0x16f: {  	[tilespmem:s25], [sflag:$0x2] =	stream.indirect.gather [hbm4b:s4+s23], $0x80, s0, s23, $0xb8;
	[tilespmem:$0x1CC00] =	vst v63  }
0x170: {  	s0 =	sadd.s32 $0x700, s31  }
0x171: {  	[spmem:s2] =	stream.indirect.scatter.add.f32 [tilespmem:s20], [sflag:$0x4], $0x80, s0, s23, $0xb8;
	[tilespmem:$0x1CC00] =	vst v63  }
0x172: {  	_ =	swait.ge [sflag:s21], $0x4000  }
0x173: {  	[sflag:s21] =	ssyncset.done $0x0  }
0x174: {  	[sflag:s21] =	ssyncadd.s32 $0xFFFFC000  }
0x175: {  	_ =	swait.ge [sflag:s26], $0x4000  }
.Ltmp5:
0x176: {  	[sflag:s26] =	ssyncset.done $0x0;
	(pc) =	sbr.rel @!p1 .LBB2_3-.Ltmp5, $4  }
0x177: {  	s0 =	sadd.s32 $0x780, s31;
	[sflag:s26] =	ssyncadd.s32 $0xFFFFC000  }
0x178: {  	[spmem:s2] =	stream.indirect.scatter.add.f32 [tilespmem:s25], [sflag:$0x4], $0x80, s0, s23, $0xb8;
	[tilespmem:$0x1CC00] =	vst v63  }
0x179: {  	_ =	swait.ge [sflag:s21], $0x4000  }
0x17a: {  	[sflag:s21] =	ssyncset.done $0x0  }
.Ltmp6:
0x17b: {  	(pc) =	sbr.rel .LBB2_8-.Ltmp6, $2  }
0x17c: {  	_ =	sdelay $0x2  }
0x17d: {  	[sflag:s21] =	ssyncadd.s32 $0xFFFFC000  }
.LBB2_9:
0x17e: {  	_ =	sfence.sel $0x180000  }
0x17f: {  	[bflag:$0x0] =	sbarrier.arrive $0xFFFF  }
0x180: {  	_ =	strace $0x9000004D  }
0x181: {  	s0 =	stileid.u32;
	[bflag:$0x2] =	sbarrier.arrive $0xFFFF  }
0x182: {  	p0 =	sne.s32 s0, $0x0;
	s0 =	rddreg [dreg:$0x2]  }
0x183: {  	s0 =	sadd.s32 @!p0 $0x100000, s0  }
0x184: {  	[sflag:s0] =	ssyncadd.tile.s32 @!p0 $0x1;
	_ =	shalt  }
.Lfunc_end2:
_tile_overlayer_lowered:
.L_overlay_start_2:
0x185: {  	(tag) =	ssettag $0x2  }
0x186: {  	s0 =	rddreg [dreg:$0x0];
	s2 =	stileid.u32  }
0x187: {  	s1 =	rddreg [dreg:$0x1];
	p0 =	sne.s32 s2, $0x0  }
0x188: {  	s3 =	rddreg [dreg:$0x2];
	[bflag:$0x3] =	sbarrier.arrive $0xFFFF;
	s2 =	simm.s32 @!p0 $0x1C04  }
0x189: {  	[timem:s3], [sflag:s2] =	dma.local @!p0 [hbm:s0], s1  }
0x18a: {  	s0 =	simm.s32 @!p0 $0x4  }
0x18b: {  	_ =	swait.ge @!p0 [sflag:s0], s1  }
0x18c: {  	s1 =	ssub.s32 @!p0 $0x0, s1;
	[sflag:s0] =	ssyncset.done @!p0 $0x0  }
0x18d: {  	[sflag:s0] =	ssyncadd.s32 @!p0 s1  }
0x18e: {  	[bflag:$0x3] =	sbarrier.arrive $0xFFFF  }
0x18f: {  	_ =	shalt  }

// kernel: kernel.8.cloned.1.call-start
scs
__scs_entry_jumppad:
0x0: {  	(pc) =	sbr.rel $0x88, $3  }
0x1: {  	(tag) =	ssettag $0x0;
	lr =	simm.s32 $0x1  }
0x2: {  	[smem:$0x3F98] =	sst lr;
	_ =	strace $0xD0000000  }
0x3: {  	_ = 	snop  }
0x4: {  	_ = 	snop  }
0x5: {  	_ = 	snop  }
0x6: {  	_ = 	snop  }
0x7: {  	_ = 	snop  }
__scs_overlays_trampoline_lowered:
0x8: {  	[smem:$0x3FA7] =	sst s0  }
0x9: {  	[smem:$0x3FA8] =	sst s1  }
0xa: {  	[smem:$0x3FA9] =	sst s2  }
0xb: {  	[smem:$0x3FAA] =	sst s3  }
0xc: {  	[smem:$0x3FAB] =	sst s4  }
0xd: {  	[smem:$0x3FAC] =	sst s5  }
0xe: {  	[smem:$0x3FAD] =	sst s6  }
0xf: {  	[smem:$0x3FAE] =	sst s7  }
0x10: {  	[smem:$0x3FAF] =	sst s8  }
0x11: {  	[smem:$0x3FB0] =	sst s9;
	s0 =	simm.s32 @!p0 $0x0  }
0x12: {  	s1 =	sld [smem:$0x3F96];
	s0 =	simm.s32 @p0 $0x1  }
0x13: {  	[smem:$0x3FB1] =	sst s0;
	s0 =	simm.s32 @!p1 $0x0  }
0x14: {  	s2 =	sld [smem:$0x3F95];
	s0 =	simm.s32 @p1 $0x1  }
0x15: {  	[smem:$0x3FB2] =	sst s0;
	s0 =	simm.s32 @!p2 $0x0  }
0x16: {  	s3 =	sld [smem:$0x3FDB];
	s0 =	simm.s32 @p2 $0x1  }
0x17: {  	s4 =	simm.s32 $0x1BF5;
	[smem:$0x3FB4] =	sst s0  }
0x18: {  	s0 =	sld [smem:$0x3F97];
	_ =	swait.ge [sflag:s4], $0x0  }
0x19: {  	s7 =	sld [smem:$0x3F98]  }
0x1a: {  	s8 =	sadd.s32 $0xFFFFE003, lr  }
0x1b: {  	s9 =	sadd.s32 $0xFFFFFEF7, lr;
	s5 =	simm.s32 $0xFFFFFFFF;
	p2 =	slt.u32 s8, $0xFFFFF086  }
0x1c: {  	p1 =	slt.u32 s9, $0xF7A;
	s5 =	simm.s32 @!p2 $0x0  }
0x1d: {  	s5 =	simm.s32 @p1 $0x1;
	p0 =	seq.s32 s7, s2  }
0x1e: {  	s7 =	smul.u32 @!p0 $0xF7A, s2;
	p2 =	seq.s32 @!p0 s5, $0x0  }
0x1f: {  	s9 =	smul.u32 $0xF7A, s1;
	s8 =	simm.s32 @!p0 $0x1BF5;
	p2 =	por !p2, p0  }
0x20: {  	[sflag:s8] =	ssyncset.s32 @!p0 $0xFFFFF086;
	s6 =	sadd.s32 @!p0 s3, s7;
	s7 =	simm.s32 @!p0 $0x108  }
0x21: {  	s3 =	sadd.s32 s3, s9;
	s6 =	sadd.s32 @!p0 $0x88, s6;
	s7 =	simm.s32 @p2 $0x1082  }
0x22: {  	[simem:s7], [sflag:s8] =	dma.local @!p0 [hbm:s6], $0xF7A  }
0x23: {  	s9 =	sor.u32 $0xD0000000, s2;
	s6 =	simm.s32 $0x108;
	_ =	swait.ge @!p0 [sflag:s8], $0x0  }
0x24: {  	s3 =	sadd.s32 $0x88, s3;
	s6 =	simm.s32 @!p1 $0x1082;
	[sflag:s4] =	ssyncset.s32 $0xFFFFF086  }
0x25: {  	[simem:s6], [sflag:s4] =	dma.local [hbm:s3], $0xF7A  }
0x26: {  	[smem:$0x3F98] =	sst s1;
	(tag) =	ssettag s2;
	_ =	strace s9  }
0x27: {  	s1 =	sld [smem:$0x3FA8]  }
0x28: {  	s2 =	sld [smem:$0x3FA9]  }
0x29: {  	s4 =	sld [smem:$0x3FAB]  }
0x2a: {  	p0 =	seq.s32 s5, $0x0;
	s5 =	sld [smem:$0x3FAC]  }
0x2b: {  	s6 =	sld [smem:$0x3FAD]  }
0x2c: {  	s7 =	sld [smem:$0x3FAE]  }
0x2d: {  	s3 =	simm.s32 $0x108;
	s8 =	sld [smem:$0x3FAF]  }
0x2e: {  	s3 =	simm.s32 @!p0 $0x1082;
	s9 =	sld [smem:$0x3FB0]  }
0x2f: {  	lr =	sadd.s32 s0, s3;
	s0 =	sld [smem:$0x3FA7]  }
0x30: {  	s3 =	sld [smem:$0x3FAA]  }
0x31: {  	[smem:$0x3FB3] =	sst s10  }
0x32: {  	s10 =	sld [smem:$0x3FB1];
	_ =	sdelay $0x3  }
0x33: {  	p0 =	seq.s32 s10, $0x1;
	s10 =	sld [smem:$0x3FB3];
	_ =	sdelay $0x3  }
0x34: {  	[smem:$0x3FB3] =	sst s10  }
0x35: {  	s10 =	sld [smem:$0x3FB2];
	_ =	sdelay $0x3  }
0x36: {  	p1 =	seq.s32 s10, $0x1;
	s10 =	sld [smem:$0x3FB3];
	_ =	sdelay $0x3  }
0x37: {  	[smem:$0x3FB3] =	sst s10  }
0x38: {  	s10 =	sld [smem:$0x3FB4]  }
0x39: {  	_ = 	snop;
	(pc) =	sbr.ind lr, $3  }
0x3a: {  	_ = 	snop  }
0x3b: {  	_ = 	snop  }
0x3c: {  	p2 =	seq.s32 s10, $0x1;
	s10 =	sld [smem:$0x3FB3]  }
0x3d: {  	_ =	shalt  }
0x3e: {  	_ =	shalt  }
0x3f: {  	_ =	shalt  }
0x40: {  	_ =	shalt  }
0x41: {  	_ =	shalt  }
0x42: {  	_ =	shalt  }
0x43: {  	_ =	shalt  }
0x44: {  	_ =	shalt  }
0x45: {  	_ =	shalt  }
0x46: {  	_ =	shalt  }
0x47: {  	_ =	shalt  }
0x48: {  	_ =	shalt  }
0x49: {  	_ =	shalt  }
0x4a: {  	_ =	shalt  }
0x4b: {  	_ =	shalt  }
0x4c: {  	_ =	shalt  }
0x4d: {  	_ =	shalt  }
0x4e: {  	_ =	shalt  }
0x4f: {  	_ =	shalt  }
0x50: {  	_ =	shalt  }
0x51: {  	_ =	shalt  }
0x52: {  	_ =	shalt  }
0x53: {  	_ =	shalt  }
0x54: {  	_ =	shalt  }
0x55: {  	_ =	shalt  }
0x56: {  	_ =	shalt  }
0x57: {  	_ =	shalt  }
0x58: {  	_ =	shalt  }
0x59: {  	_ =	shalt  }
0x5a: {  	_ =	shalt  }
0x5b: {  	_ =	shalt  }
0x5c: {  	_ =	shalt  }
0x5d: {  	_ =	shalt  }
0x5e: {  	_ =	shalt  }
0x5f: {  	_ =	shalt  }
0x60: {  	_ =	shalt  }
0x61: {  	_ =	shalt  }
0x62: {  	_ =	shalt  }
0x63: {  	_ =	shalt  }
0x64: {  	_ =	shalt  }
0x65: {  	_ =	shalt  }
0x66: {  	_ =	shalt  }
0x67: {  	_ =	shalt  }
0x68: {  	_ =	shalt  }
0x69: {  	_ =	shalt  }
0x6a: {  	_ =	shalt  }
0x6b: {  	_ =	shalt  }
0x6c: {  	_ =	shalt  }
0x6d: {  	_ =	shalt  }
0x6e: {  	_ =	shalt  }
0x6f: {  	_ =	shalt  }
0x70: {  	_ =	shalt  }
0x71: {  	_ =	shalt  }
0x72: {  	_ =	shalt  }
0x73: {  	_ =	shalt  }
0x74: {  	_ =	shalt  }
0x75: {  	_ =	shalt  }
0x76: {  	_ =	shalt  }
0x77: {  	_ =	shalt  }
0x78: {  	_ =	shalt  }
0x79: {  	_ =	shalt  }
0x7a: {  	_ =	shalt  }
0x7b: {  	_ =	shalt  }
0x7c: {  	_ =	shalt  }
0x7d: {  	_ =	shalt  }
0x7e: {  	_ =	shalt  }
0x7f: {  	_ =	shalt  }
0x80: {  	_ =	shalt  }
0x81: {  	_ =	shalt  }
0x82: {  	_ =	shalt  }
0x83: {  	_ =	shalt  }
0x84: {  	_ =	shalt  }
0x85: {  	_ =	shalt  }
0x86: {  	_ =	shalt  }
0x87: {  	_ =	shalt  }
.Lfunc_end0:
.L_simem_size_0:
called_computation_lowered:
.L_overlay_start_0:
0x88: {  	s2 =	sld [smem:$0x3FD9]  }
0x89: {  	s3 =	sld [smem:$0x3FFE];
	_ =	sdelay $0x1  }
0x8a: {  	s1 =	srdreg.scid  }
0x8b: {  	s0 =	sand.u32 $0x1, s1  }
0x8c: {  	s16 =	sshll.u32 s0, $0xA;
	s2 =	sadd.s32 s3, s2  }
0x8d: {  	s2 =	sadd.s32 s2, s16  }
0x8e: {  	[smem:$0x3FBF] =	sst s2  }
0x8f: {  	_ = 	snop  }
0x90: {  	(tm) =	ssettm $0x1  }
0x91: {  	s17 =	sld [smem:$0x3FFB];
	_ =	sdelay $0x3  }
0x92: {  	_ =	strace s17  }
0x93: {  	s2 =	sld [smem:$0x3FFC];
	_ =	sdelay $0x3  }
0x94: {  	_ =	strace s2  }
0x95: {  	s2 =	sld [smem:$0x3FFD];
	_ =	sdelay $0x3  }
0x96: {  	_ =	strace s2  }
0x97: {  	_ =	strace $0x8FFFFFFF  }
0x98: {  	s18 =	sld [smem:$0x3FDB];
	_ =	sdelay $0x1  }
0x99: {  	s19 =	simm.s32 $_scs_section_size  }
0x9a: {  	s4 =	simm.s32 $_size__tile_overlayer_lowered;
	s5 =	simm.s32 $_tile_overlayer_lowered  }
0x9b: {  	s22 =	simm.s32 $0x1BFF;
	s21 =	sshll.u32 s5, $0x1;
	s2 =	sadd.s32 s19, s18  }
0x9c: {  	s6 =	simm.s32 $0x0;
	s20 =	sshll.u32 s4, $0x1;
	s4 =	sadd.s32 s21, s2  }
0x9d: {  	[timem:s6], [sflag:s22] =	dma.local [hbm:s4], s20  }
0x9e: {  	_ =	swait.ge [sflag:s22], s20  }
0x9f: {  	s3 =	ssub.s32 $0x0, s20;
	[sflag:s22] =	ssyncset.done $0x0  }
0xa0: {  	[sflag:s22] =	ssyncadd.s32 s3;
	_ =	sdelay $0x1  }
0xa1: {  	s23 =	simm.s32 $0x1B8B  }
0xa2: {  	_ =	swait.ge [sflag:s23], $0x1  }
0xa3: {  	[sflag:s23] =	ssyncset.done $0x0  }
0xa4: {  	s25 =	simm.s32 $0x1B8E;
	s24 =	sld [smem:$0x3FFE];
	[sflag:s23] =	ssyncadd.s32 $0xFFFFFFFF  }
0xa5: {  	s26 =	simm.s32 $execute0_lowered;
	[smem:$0x3FD2] =	sst s25  }
0xa6: {  	s4 =	sshll.u32 s26, $0x1;
	_ =	strace $0x80000046;
	[dreg:$0x1] =	wrdreg $0xFFFFFFFF  }
0xa7: {  	s28 =	simm.s32 $_size_execute0_lowered;
	s2 =	sadd.s32 s2, s4;
	[dreg:$0x0] =	wrdreg $0x0  }
0xa8: {  	s4 =	sshll.u32 s28, $0x1;
	[dreg:$0x2] =	wrdreg s2  }
0xa9: {  	[dreg:$0x3] =	wrdreg s4  }
0xaa: {  	[dreg:$0x4] =	wrdreg $0xC0  }
0xab: {  	_ =	task [dreg:s6], $0x5FFFF  }
0xac: {  	[dreg:$0x1] =	wrdreg $0xFFFFFFFF  }
0xad: {  	[dreg:$0x0] =	wrdreg $0x60  }
0xae: {  	[dreg:$0x2] =	wrdreg s24  }
0xaf: {  	[dreg:$0x3] =	wrdreg $0x94000  }
0xb0: {  	[dreg:$0x4] =	wrdreg $0x9  }
0xb1: {  	_ =	task.clear_ibuf [dreg:s6], $0x5FFFF;
	_ =	strace $0x90000046  }
0xb2: {  	s29 =	simm.s32 $0x9;
	_ =	strace $0x80000048  }
0xb3: {  	_ =	swait.ge [sflag:s29], $0x1  }
0xb4: {  	[sflag:s29] =	ssyncadd.s32 $0xFFFFFFFF  }
0xb5: {  	_ =	strace $0x90000048  }
0xb6: {  	_ =	sfence  }
0xb7: {  	s30 =	sld [smem:$0x0];
	_ =	sdelay $0x2  }
0xb8: {  	s31 =	sshll.u32 s1, $0xD;
	s1 =	sshrl.u32 s1, $0x2  }
0xb9: {  	s3 =	sand.u32 $0x4000, s31;
	s1 =	sadd.s32 s1, s30  }
0xba: {  	s0 =	sor.u32 s3, s0;
	s1 =	sshll.u32 s1, $0x11  }
0xbb: {  	s0 =	sor.u32 s1, s0  }
0xbc: {  	s0 =	sadd.s32 $0x8F2B, s0  }
0xbd: {  	[sflag:s0] =	ssyncadd.remote.s32 $0x1  }
0xbe: {  	_ =	sfence.sel $0xFFFF  }
0xbf: {  	[dreg:$0x0] =	wrdreg $0xFFFFFFFF;
	(pc) =	sbr.abs _section_cstart, $3  }
0xc0: {  	[dreg:$0x1] =	wrdreg $0xFFFFFFFF  }
0xc1: {  	_ =	task.clear_ibuf [dreg:s6], $0x2FFFF;
	_ =	strace $0x9FFFFFFF  }
0xc2: {  	(tm) =	ssettm $0x7FFFFFFF  }
0xc3: {  	_ =	shalt  }
tec
execute0_lowered:
.L_overlay_start_1:
0x0: {  	(tag) =	ssettag $0x1  }
0x1: {  	s1 =	srdreg.scid  }
0x2: {  	s0 =	stileid.u32;
	s7 =	rddreg [dreg:$0x0]  }
0x3: {  	s2 =	rddreg [dreg:$0x1];
	s3 =	simm.s32 $0x0;
	s18 =	simm.s32 $0x1  }
0x4: {  	s19 =	simm.s32 $0x1400;
	s20 =	simm.s32 $0x5400;
	s21 =	simm.s32 $0x80  }
0x5: {  	s22 =	simm.s32 $0x0;
	s6 =	sand.u32 $0x1, s1;
	s5 =	smul.u32 $0x278, s0  }
0x6: {  	s29 =	sshll.u32 s0, $0x1;
	[smem:$0x7FF] =	sst s3;
	s10 =	smul.u32 $0x4F000, s0  }
0x7: {  	s1 =	sor.u32 s6, s29;
	s8 =	smul.u32 $0x2780, s6;
	s6 =	ssub.s32 $0x2, s6  }
0x8: {  	s4 =	smul.u32 $0x280, s1;
	s1 =	rddreg [dreg:$0x2];
	_ =	strace $0x80000047  }
0x9: {  	s30 =	sshrl.u32 s6, $0x1;
	s31 =	sshrl.u32 s10, $0x2;
	s8 =	sadd.s32 s5, s8  }
0xa: {  	s5 =	sadd.s32 $0x7C00, s7;
	s17 =	ssub.s32 s6, s30;
	s9 =	sadd.s32 s4, s7  }
0xb: {  	s4 =	sadd.s32 $0x8400, s7;
	s8 =	sshll.u32 s8, $0x4;
	s17 =	smax.u32 s17, $0x1  }
0xc: {  	s16 =	sadd.s32 s8, s7;
	s6 =	sadd.s32 $0x2C00, s9;
	s7 =	sadd.s32 s31, s2  }
0xd: {  	s8 =	sadd.s32 $0x4000, s7;
	s9 =	sadd.s32 $0x8000, s7;
	s10 =	sadd.s32 $0xC000, s7  }
0xe: {  	s11 =	sadd.s32 $0x10000, s7;
	s12 =	sadd.s32 $0x8C00, s16;
	s13 =	sadd.s32 $0x9400, s16  }
0xf: {  	s14 =	sadd.s32 $0x9C00, s16;
	s15 =	sadd.s32 $0xA400, s16;
	s16 =	sadd.s32 $0xAC00, s16  }
.LBB2_1:
0x10: {  	[tilespmem:s3], [sflag:$0x1] =	stream.linear.gather [hbm4b:s6+s3], $0x1400, $0x38;
	[tilespmem:$0x1D000] =	vst v63  }
0x11: {  	_ =	swait.ge [sflag:s18], $0x1400  }
0x12: {  	[sflag:s18] =	ssyncset.done $0x0  }
0x13: {  	[sflag:s18] =	ssyncadd.s32 $0xFFFFEC00  }
0x14: {  	[tilespmem:s19], [sflag:$0x1] =	stream.linear.gather [hbm4b:s4+s3], $0x4000, $0x38;
	[tilespmem:$0x1D000] =	vst v63  }
0x15: {  	_ =	swait.ge [sflag:s18], $0x4000  }
0x16: {  	[sflag:s18] =	ssyncset.done $0x0  }
0x17: {  	[sflag:s18] =	ssyncadd.s32 $0xFFFFC000  }
0x18: {  	[tilespmem:s20], [sflag:$0x1] =	stream.linear.gather [hbm4b:s5+s3], $0x4000, $0x38;
	[tilespmem:$0x1D000] =	vst v63  }
0x19: {  	_ =	swait.ge [sflag:s18], $0x4000  }
0x1a: {  	[sflag:s18] =	ssyncset.done $0x0  }
0x1b: {  	[sflag:s18] =	ssyncadd.s32 $0xFFFFC000  }
0x1c: {  	[spmem:s7] =	stream.linear.scatter [tilespmem:s20], [sflag:$0x1], $0x4000, $0x38;
	[tilespmem:$0x1D000] =	vst v63  }
0x1d: {  	_ =	swait.ge [sflag:s18], $0x4000  }
0x1e: {  	[sflag:s18] =	ssyncset.done $0x0  }
0x1f: {  	[sflag:s18] =	ssyncadd.s32 $0xFFFFC000  }
0x20: {  	[spmem:s8] =	stream.linear.scatter [tilespmem:s20], [sflag:$0x1], $0x4000, $0x38;
	[tilespmem:$0x1D000] =	vst v63  }
0x21: {  	_ =	swait.ge [sflag:s18], $0x4000  }
0x22: {  	[sflag:s18] =	ssyncset.done $0x0  }
0x23: {  	[sflag:s18] =	ssyncadd.s32 $0xFFFFC000  }
0x24: {  	[spmem:s9] =	stream.linear.scatter [tilespmem:s20], [sflag:$0x1], $0x4000, $0x38;
	[tilespmem:$0x1D000] =	vst v63  }
0x25: {  	_ =	swait.ge [sflag:s18], $0x4000  }
0x26: {  	[sflag:s18] =	ssyncset.done $0x0  }
0x27: {  	[sflag:s18] =	ssyncadd.s32 $0xFFFFC000  }
0x28: {  	[spmem:s10] =	stream.linear.scatter [tilespmem:s20], [sflag:$0x1], $0x4000, $0x38;
	[tilespmem:$0x1D000] =	vst v63  }
0x29: {  	_ =	swait.ge [sflag:s18], $0x4000  }
0x2a: {  	[sflag:s18] =	ssyncset.done $0x0  }
0x2b: {  	[sflag:s18] =	ssyncadd.s32 $0xFFFFC000  }
0x2c: {  	[spmem:s11] =	stream.linear.scatter [tilespmem:s20], [sflag:$0x1], $0x3C00, $0x38;
	[tilespmem:$0x1D000] =	vst v63  }
0x2d: {  	_ =	swait.ge [sflag:s18], $0x3C00  }
0x2e: {  	[sflag:s18] =	ssyncset.done $0x0  }
0x2f: {  	[sflag:s18] =	ssyncadd.s32 $0xFFFFC400  }
0x30: {  	s23 =	simm.s32 $0x0;
	[bflag:$0x0] =	sbarrier.arrive $0xFFFF  }
0x31: {  	[spmem:s2] =	stream.indirect.scatter.add.f32 [tilespmem:s19], [sflag:$0x1], $0x80, s23, s21, $0xb8;
	[tilespmem:$0x1D000] =	vst v63  }
0x32: {  	_ =	swait.ge [sflag:s18], $0x4000  }
0x33: {  	s23 =	simm.s32 $0x200;
	[sflag:s18] =	ssyncset.done $0x0  }
.LBB2_2:
0x34: {  	s24 =	sshra.s32 s23, $0x2;
	[sflag:s18] =	ssyncadd.s32 $0xFFFFC000;
	p0 =	sne.s32 s23, $0x4E00  }
0x35: {  	[spmem:s2] =	stream.indirect.scatter.add.f32 [tilespmem:s19], [sflag:$0x1], $0x80, s24, s21, $0xb8;
	[tilespmem:$0x1D000] =	vst v63  }
.Ltmp0:
0x36: {  	_ = 	snop;
	(pc) =	sbr.rel @p0 .LBB2_2-.Ltmp0, $4  }
0x37: {  	_ = 	snop  }
0x38: {  	s23 =	sadd.s32 $0x200, s23  }
0x39: {  	_ =	swait.ge [sflag:s18], $0x4000  }
0x3a: {  	[sflag:s18] =	ssyncset.done $0x0  }
0x3b: {  	[sflag:s18] =	ssyncadd.s32 $0xFFFFC000  }
0x3c: {  	[bflag:$0x0] =	sbarrier.arrive $0xFFFF  }
0x3d: {  	[tilespmem:s20], [sflag:$0x1] =	stream.linear.gather [spmem:s7], $0x4000, $0x38;
	[tilespmem:$0x1D000] =	vst v63  }
0x3e: {  	_ =	swait.ge [sflag:s18], $0x4000  }
0x3f: {  	[sflag:s18] =	ssyncset.done $0x0  }
0x40: {  	[sflag:s18] =	ssyncadd.s32 $0xFFFFC000  }
0x41: {  	[hbm4b:s12+s3] =	stream.linear.scatter [tilespmem:s20], [sflag:$0x1], $0x4000, $0x38;
	[tilespmem:$0x1D000] =	vst v63  }
0x42: {  	_ =	swait.ge [sflag:s18], $0x4000  }
0x43: {  	[sflag:s18] =	ssyncset.done $0x0  }
0x44: {  	[sflag:s18] =	ssyncadd.s32 $0xFFFFC000  }
0x45: {  	[tilespmem:s20], [sflag:$0x1] =	stream.linear.gather [spmem:s8], $0x4000, $0x38;
	[tilespmem:$0x1D000] =	vst v63  }
0x46: {  	_ =	swait.ge [sflag:s18], $0x4000  }
0x47: {  	[sflag:s18] =	ssyncset.done $0x0  }
0x48: {  	[sflag:s18] =	ssyncadd.s32 $0xFFFFC000  }
0x49: {  	[hbm4b:s13+s3] =	stream.linear.scatter [tilespmem:s20], [sflag:$0x1], $0x4000, $0x38;
	[tilespmem:$0x1D000] =	vst v63  }
0x4a: {  	_ =	swait.ge [sflag:s18], $0x4000  }
0x4b: {  	[sflag:s18] =	ssyncset.done $0x0  }
0x4c: {  	[sflag:s18] =	ssyncadd.s32 $0xFFFFC000  }
0x4d: {  	[tilespmem:s20], [sflag:$0x1] =	stream.linear.gather [spmem:s9], $0x4000, $0x38;
	[tilespmem:$0x1D000] =	vst v63  }
0x4e: {  	_ =	swait.ge [sflag:s18], $0x4000  }
0x4f: {  	[sflag:s18] =	ssyncset.done $0x0  }
0x50: {  	[sflag:s18] =	ssyncadd.s32 $0xFFFFC000  }
0x51: {  	[hbm4b:s14+s3] =	stream.linear.scatter [tilespmem:s20], [sflag:$0x1], $0x4000, $0x38;
	[tilespmem:$0x1D000] =	vst v63  }
0x52: {  	_ =	swait.ge [sflag:s18], $0x4000  }
0x53: {  	[sflag:s18] =	ssyncset.done $0x0  }
0x54: {  	[sflag:s18] =	ssyncadd.s32 $0xFFFFC000  }
0x55: {  	[tilespmem:s20], [sflag:$0x1] =	stream.linear.gather [spmem:s10], $0x4000, $0x38;
	[tilespmem:$0x1D000] =	vst v63  }
0x56: {  	_ =	swait.ge [sflag:s18], $0x4000  }
0x57: {  	[sflag:s18] =	ssyncset.done $0x0  }
0x58: {  	[sflag:s18] =	ssyncadd.s32 $0xFFFFC000  }
0x59: {  	[hbm4b:s15+s3] =	stream.linear.scatter [tilespmem:s20], [sflag:$0x1], $0x4000, $0x38;
	[tilespmem:$0x1D000] =	vst v63  }
0x5a: {  	_ =	swait.ge [sflag:s18], $0x4000  }
0x5b: {  	[sflag:s18] =	ssyncset.done $0x0  }
0x5c: {  	[sflag:s18] =	ssyncadd.s32 $0xFFFFC000  }
0x5d: {  	[tilespmem:s20], [sflag:$0x1] =	stream.linear.gather [spmem:s11], $0x3C00, $0x38;
	[tilespmem:$0x1D000] =	vst v63  }
0x5e: {  	s22 =	sadd.s32 $0x1, s22;
	_ =	swait.ge [sflag:s18], $0x3C00  }
0x5f: {  	p0 =	sne.s32 s22, s17;
	[sflag:s18] =	ssyncset.done $0x0  }
.Ltmp1:
0x60: {  	[sflag:s18] =	ssyncadd.s32 $0xFFFFC400;
	(pc) =	sbr.rel @p0 .LBB2_1-.Ltmp1, $4  }
0x61: {  	[hbm4b:s16+s3] =	stream.linear.scatter [tilespmem:s20], [sflag:$0x1], $0x3C00, $0x38;
	[tilespmem:$0x1D000] =	vst v63  }
0x62: {  	_ =	swait.ge [sflag:s18], $0x3C00  }
0x63: {  	[sflag:s18] =	ssyncset.done $0x0  }
0x64: {  	[sflag:s18] =	ssyncadd.s32 $0xFFFFC400  }
0x65: {  	_ =	sfence.sel $0x180000  }
0x66: {  	[bflag:$0x0] =	sbarrier.arrive $0xFFFF  }
0x67: {  	p0 =	sne.s32 s0, $0x0;
	_ =	strace $0x90000047  }
0x68: {  	s0 =	sadd.s32 @!p0 $0x100000, s1;
	[bflag:$0x2] =	sbarrier.arrive $0xFFFF  }
0x69: {  	[sflag:s0] =	ssyncadd.tile.s32 @!p0 $0x1;
	_ =	shalt  }
.Lfunc_end2:
_tile_overlayer_lowered:
.L_overlay_start_2:
0x6a: {  	(tag) =	ssettag $0x2  }
0x6b: {  	s0 =	rddreg [dreg:$0x0];
	s2 =	stileid.u32  }
0x6c: {  	s1 =	rddreg [dreg:$0x1];
	p0 =	sne.s32 s2, $0x0  }
0x6d: {  	s3 =	rddreg [dreg:$0x2];
	[bflag:$0x3] =	sbarrier.arrive $0xFFFF;
	s2 =	simm.s32 @!p0 $0x1C01  }
0x6e: {  	[timem:s3], [sflag:s2] =	dma.local @!p0 [hbm:s0], s1  }
0x6f: {  	s0 =	simm.s32 @!p0 $0x1  }
0x70: {  	_ =	swait.ge @!p0 [sflag:s0], s1  }
0x71: {  	s1 =	ssub.s32 @!p0 $0x0, s1;
	[sflag:s0] =	ssyncset.done @!p0 $0x0  }
0x72: {  	[sflag:s0] =	ssyncadd.s32 @!p0 s1  }
0x73: {  	[bflag:$0x3] =	sbarrier.arrive $0xFFFF  }
0x74: {  	_ =	shalt  }

</sc_bundles>
